<compile_context>
chip_gen: v7x
topology: tpu7x:2x2x1
jax: 0.10.2.dev20260603
libtpu: 0.0.44.dev20260713+nightly
codegen_flags: <defaults>
</compile_context>

<pallas_src>
import functools

import jax
import jax.numpy as jnp
from jax import lax
from jax.experimental import pallas as pl
from jax.experimental.pallas import tpu as pltpu
from jax.experimental.pallas import tpu_sc as plsc

N_ATOMS = 131072
D = 256
N_CRYSTALS = 1024
ATOMS_PER = 128

NC, NS = 2, 16
NW = NC * NS
C_PER_W = N_CRYSTALS // NW
LANES = 16
N_CHUNK = D // LANES
HALF = ATOMS_PER // 2
H_PER_W = C_PER_W * 2
N_BUF = 4
R_STEP = 8


def _sc_segment_sum_body(idx_hbm, table_hbm, out_hbm,
                         idx_v, rows_a, rows_b, rows_c, rows_d, out_v,
                         sem_a, sem_b, sem_c, sem_d):
    wid = lax.axis_index("s") * NC + lax.axis_index("c")
    base = wid * C_PER_W

    pltpu.sync_copy(idx_hbm.at[pl.ds(base * 2, H_PER_W)], idx_v)

    bufs = (rows_a, rows_b, rows_c, rows_d)
    sems = (sem_a, sem_b, sem_c, sem_d)

    def gather(h, b):
        pltpu.async_copy(table_hbm.at[idx_v.at[h]], bufs[b], sems[b])

    def wait(b):
        pltpu.make_async_copy(table_hbm.at[idx_v.at[0]], bufs[b],
                              sems[b]).wait()

    def reduce_half(b, acc0):
        buf = bufs[b]

        @plsc.parallel_loop(0, HALF, step=R_STEP, unroll=4, carry=acc0)
        def acc(r, a):
            for u in range(R_STEP):
                a = tuple(a[c] + buf[r + u, pl.ds(c * LANES, LANES)]
                          for c in range(N_CHUNK))
            return a

        return acc

    for b in range(N_BUF):
        gather(b, b)

    @pl.loop(0, H_PER_W, step=N_BUF)
    def _(h0):
        j0 = h0 // 2
        for cb in range(N_BUF // 2):
            acc = tuple(jnp.zeros((LANES,), jnp.float32)
                        for _ in range(N_CHUNK))
            for hb in range(2):
                b = cb * 2 + hb
                h = h0 + b
                wait(b)
                acc = reduce_half(b, acc)

                @pl.when(h + N_BUF < H_PER_W)
                def _():
                    gather(h + N_BUF, b)

            for c in range(N_CHUNK):
                out_v[j0 + cb, pl.ds(c * LANES, LANES)] = acc[c]

    pltpu.sync_copy(out_v, out_hbm.at[pl.ds(base, C_PER_W)])


_sc_segment_sum = functools.partial(
    pl.kernel,
    out_type=jax.ShapeDtypeStruct((N_CRYSTALS, D), jnp.float32),
    mesh=plsc.VectorSubcoreMesh(core_axis_name="c", subcore_axis_name="s"),
    scratch_types=[
        pltpu.VMEM((H_PER_W, HALF), jnp.int32),
        pltpu.VMEM((HALF, D), jnp.float32),
        pltpu.VMEM((HALF, D), jnp.float32),
        pltpu.VMEM((HALF, D), jnp.float32),
        pltpu.VMEM((HALF, D), jnp.float32),
        pltpu.VMEM((C_PER_W, D), jnp.float32),
        pltpu.SemaphoreType.DMA,
        pltpu.SemaphoreType.DMA,
        pltpu.SemaphoreType.DMA,
        pltpu.SemaphoreType.DMA,
    ],
)(_sc_segment_sum_body)


def _tc_gate_body(x_ref, w_ref, b_ref, o_ref):
    x = x_ref[...] * jnp.float32(1.0 / ATOMS_PER)
    z = lax.dot_general(x, w_ref[...], (((1,), (1,)), ((), ())),
                        preferred_element_type=jnp.float32)
    o_ref[...] = jax.nn.sigmoid(z + b_ref[...])


def _tc_gate(sums, W, b):
    return pl.pallas_call(
        _tc_gate_body,
        out_shape=jax.ShapeDtypeStruct((N_CRYSTALS, D), jnp.float32),
    )(sums, W, b.reshape(1, D))


@jax.jit
def kernel(crystal_atom_fea, crystal_atom_idx, W, b):
    idx2 = crystal_atom_idx.reshape(N_CRYSTALS * 2, HALF)
    sums = _sc_segment_sum(idx2, crystal_atom_fea)
    return _tc_gate(sums, W, b)

# --- scband reference (transcript-rebuilt; emitter-appended) ---
"""Pipeline reference for scband-global-context-module-13391708030007 (READ-ONLY COPY).

The authoritative reference and input builder live on the scoring server;
editing this copy changes nothing except your own understanding.
"""

import jax, jax.numpy as jnp
import numpy as np

N_ATOMS = 131072
D = 256
N_CRYSTALS = 1024
ATOMS_PER = 128

def setup_inputs(seed: int = 0) -> dict:
    key = jax.random.key(seed)
    k1, k2, k3, k4 = jax.random.split(key, 4)
    crystal_atom_fea = jax.random.normal(k1, (N_ATOMS, D), dtype=jnp.float32)
    crystal_atom_idx = jax.random.randint(k2, (N_CRYSTALS, ATOMS_PER), 0, N_ATOMS, dtype=jnp.int32)
    bound = 1.0 / np.sqrt(D)
    W = jax.random.uniform(k3, (D, D), minval=-bound, maxval=bound, dtype=jnp.float32)
    b = jax.random.uniform(k4, (D,), minval=-bound, maxval=bound, dtype=jnp.float32)
    return {"crystal_atom_fea": crystal_atom_fea, "crystal_atom_idx": crystal_atom_idx, "W": W, "b": b}

def reference(crystal_atom_fea, crystal_atom_idx, W, b):
    # gather atom features per crystal: [C, A, D]
    gathered = jnp.take(crystal_atom_fea, crystal_atom_idx, axis=0)
    # mean-pool over atoms within each crystal: [C, D]
    context = gathered.mean(axis=1)
    # gating MLP: sigmoid(Linear(context))
    context = jax.nn.sigmoid(context @ W.T + b)
    return context

if __name__ == "__main__":
    import jax
    _d = setup_inputs()
    print(jax.jit(kernel)(*tuple(_d.values())))

</pallas_src>

<mosaic_0001>
#map = affine_map<(d0, d1) -> (0, 0)>
module attributes {stable_mosaic.version = 14 : i64} {
  func.func @_sc_segment_sum_body(%arg0: i32, %arg1: i32, %arg2: memref<2048x64xi32, #tpu.memory_space<hbm>>, %arg3: memref<131072x256xf32, #tpu.memory_space<hbm>>, %arg4: memref<1024x256xf32, #tpu.memory_space<hbm>>, %arg5: memref<64x64xi32, #tpu.memory_space<vmem>>, %arg6: memref<64x256xf32, #tpu.memory_space<vmem>>, %arg7: memref<64x256xf32, #tpu.memory_space<vmem>>, %arg8: memref<64x256xf32, #tpu.memory_space<vmem>>, %arg9: memref<64x256xf32, #tpu.memory_space<vmem>>, %arg10: memref<32x256xf32, #tpu.memory_space<vmem>>, %arg11: memref<!tpu.dma_semaphore, #tpu.memory_space<semaphore_mem>>, %arg12: memref<!tpu.dma_semaphore, #tpu.memory_space<semaphore_mem>>, %arg13: memref<!tpu.dma_semaphore, #tpu.memory_space<semaphore_mem>>, %arg14: memref<!tpu.dma_semaphore, #tpu.memory_space<semaphore_mem>>) attributes {dimension_semantics = [#tpu.dimension_semantics<core_parallel>, #tpu.dimension_semantics<subcore_parallel>], iteration_bounds = array<i64: 2, 16>, scalar_prefetch = 0 : i64, scratch_operands = 10 : i64, tpu.core_type = #tpu.core_type<sc_vector_subcore>, window_params = [{transform_indices = #map}, {transform_indices = #map}, {transform_indices = #map}]} {
    %mul3A = arith.constant 2 : i32
    %mul3A_0 = arith.muli %arg1, %mul3A : i32
    %add3A = arith.addi %mul3A_0, %arg0 : i32
    %mul3A_1 = arith.constant 32 : i32
    %mul3A_2 = arith.muli %add3A, %mul3A_1 : i32
    %mul3A_3 = arith.constant 2 : i32
    %mul3A_4 = arith.muli %mul3A_2, %mul3A_3 : i32
    "tpu.region"() ({
      %run_scoped3A = tpu.sem_alloc : memref<!tpu.dma_semaphore, #tpu.memory_space<semaphore_mem>>
      %dma_start3A_36 = arith.constant 0 : i32
      %dma_start3A_37 = tpu.memref_slice %arg2[%mul3A_4, %dma_start3A_36] : memref<2048x64xi32, #tpu.memory_space<hbm>> -> memref<64x64xi32, #tpu.memory_space<hbm>>
      %dma_start3A_38 = arith.constant 0 : i32
      %dma_start3A_39 = tpu.memref_slice %arg2[%mul3A_4, %dma_start3A_38] : memref<2048x64xi32, #tpu.memory_space<hbm>> -> memref<64x64xi32, #tpu.memory_space<hbm>>
      tpu.enqueue_dma source(%dma_start3A_39 : memref<64x64xi32, #tpu.memory_space<hbm>>) target(%arg5 : memref<64x64xi32, #tpu.memory_space<vmem>>) target_semaphore(%run_scoped3A : memref<!tpu.dma_semaphore, #tpu.memory_space<semaphore_mem>>)
      %dma_wait3A = arith.constant 0 : i32
      %dma_wait3A_40 = tpu.memref_slice %arg2[%mul3A_4, %dma_wait3A] : memref<2048x64xi32, #tpu.memory_space<hbm>> -> memref<64x64xi32, #tpu.memory_space<hbm>>
      %dma_wait3A_41 = arith.constant 0 : i32
      %dma_wait3A_42 = tpu.memref_slice %arg2[%mul3A_4, %dma_wait3A_41] : memref<2048x64xi32, #tpu.memory_space<hbm>> -> memref<64x64xi32, #tpu.memory_space<hbm>>
      tpu.wait_dma2 semaphore(%run_scoped3A : memref<!tpu.dma_semaphore, #tpu.memory_space<semaphore_mem>>) src(%dma_wait3A_42 : memref<64x64xi32, #tpu.memory_space<hbm>>) dst(%arg5 : memref<64x64xi32, #tpu.memory_space<vmem>>)
      tpu.yield
    }) : () -> ()
    %dma_start3A = arith.constant 0 : i32
    %dma_start3A_5 = arith.constant 0 : i32
    %dma_start3A_6 = tpu.memref_slice %arg5[%dma_start3A, %dma_start3A_5] : memref<64x64xi32, #tpu.memory_space<vmem>> -> memref<1x64xi32, #tpu.memory_space<vmem>>
    %dma_start3A_7 = tpu.memref_squeeze %dma_start3A_6 : memref<1x64xi32, #tpu.memory_space<vmem>> -> memref<64xi32, #tpu.memory_space<vmem>>
    %dma_start3A_8 = arith.constant 0 : i32
    %dma_start3A_9 = arith.constant 0 : i32
    %dma_start3A_10 = tpu.memref_slice %arg3[%dma_start3A_8, %dma_start3A_9] : memref<131072x256xf32, #tpu.memory_space<hbm>> -> memref<131072x256xf32, #tpu.memory_space<hbm>>
    tpu.enqueue_indirect_dma source(%dma_start3A_10 : memref<131072x256xf32, #tpu.memory_space<hbm>>) target(%arg6 : memref<64x256xf32, #tpu.memory_space<vmem>>) offsets(%dma_start3A_7 : memref<64xi32, #tpu.memory_space<vmem>>) semaphore(%arg11 : memref<!tpu.dma_semaphore, #tpu.memory_space<semaphore_mem>>)
    %dma_start3A_11 = arith.constant 1 : i32
    %dma_start3A_12 = arith.constant 0 : i32
    %dma_start3A_13 = tpu.memref_slice %arg5[%dma_start3A_11, %dma_start3A_12] : memref<64x64xi32, #tpu.memory_space<vmem>> -> memref<1x64xi32, #tpu.memory_space<vmem>>
    %dma_start3A_14 = tpu.memref_squeeze %dma_start3A_13 : memref<1x64xi32, #tpu.memory_space<vmem>> -> memref<64xi32, #tpu.memory_space<vmem>>
    %dma_start3A_15 = arith.constant 0 : i32
    %dma_start3A_16 = arith.constant 0 : i32
    %dma_start3A_17 = tpu.memref_slice %arg3[%dma_start3A_15, %dma_start3A_16] : memref<131072x256xf32, #tpu.memory_space<hbm>> -> memref<131072x256xf32, #tpu.memory_space<hbm>>
    tpu.enqueue_indirect_dma source(%dma_start3A_17 : memref<131072x256xf32, #tpu.memory_space<hbm>>) target(%arg7 : memref<64x256xf32, #tpu.memory_space<vmem>>) offsets(%dma_start3A_14 : memref<64xi32, #tpu.memory_space<vmem>>) semaphore(%arg12 : memref<!tpu.dma_semaphore, #tpu.memory_space<semaphore_mem>>)
    %dma_start3A_18 = arith.constant 2 : i32
    %dma_start3A_19 = arith.constant 0 : i32
    %dma_start3A_20 = tpu.memref_slice %arg5[%dma_start3A_18, %dma_start3A_19] : memref<64x64xi32, #tpu.memory_space<vmem>> -> memref<1x64xi32, #tpu.memory_space<vmem>>
    %dma_start3A_21 = tpu.memref_squeeze %dma_start3A_20 : memref<1x64xi32, #tpu.memory_space<vmem>> -> memref<64xi32, #tpu.memory_space<vmem>>
    %dma_start3A_22 = arith.constant 0 : i32
    %dma_start3A_23 = arith.constant 0 : i32
    %dma_start3A_24 = tpu.memref_slice %arg3[%dma_start3A_22, %dma_start3A_23] : memref<131072x256xf32, #tpu.memory_space<hbm>> -> memref<131072x256xf32, #tpu.memory_space<hbm>>
    tpu.enqueue_indirect_dma source(%dma_start3A_24 : memref<131072x256xf32, #tpu.memory_space<hbm>>) target(%arg8 : memref<64x256xf32, #tpu.memory_space<vmem>>) offsets(%dma_start3A_21 : memref<64xi32, #tpu.memory_space<vmem>>) semaphore(%arg13 : memref<!tpu.dma_semaphore, #tpu.memory_space<semaphore_mem>>)
    %dma_start3A_25 = arith.constant 3 : i32
    %dma_start3A_26 = arith.constant 0 : i32
    %dma_start3A_27 = tpu.memref_slice %arg5[%dma_start3A_25, %dma_start3A_26] : memref<64x64xi32, #tpu.memory_space<vmem>> -> memref<1x64xi32, #tpu.memory_space<vmem>>
    %dma_start3A_28 = tpu.memref_squeeze %dma_start3A_27 : memref<1x64xi32, #tpu.memory_space<vmem>> -> memref<64xi32, #tpu.memory_space<vmem>>
    %dma_start3A_29 = arith.constant 0 : i32
    %dma_start3A_30 = arith.constant 0 : i32
    %dma_start3A_31 = tpu.memref_slice %arg3[%dma_start3A_29, %dma_start3A_30] : memref<131072x256xf32, #tpu.memory_space<hbm>> -> memref<131072x256xf32, #tpu.memory_space<hbm>>
    tpu.enqueue_indirect_dma source(%dma_start3A_31 : memref<131072x256xf32, #tpu.memory_space<hbm>>) target(%arg9 : memref<64x256xf32, #tpu.memory_space<vmem>>) offsets(%dma_start3A_28 : memref<64xi32, #tpu.memory_space<vmem>>) semaphore(%arg14 : memref<!tpu.dma_semaphore, #tpu.memory_space<semaphore_mem>>)
    %scan3A = arith.constant 0 : i32
    %scan3A_32 = arith.constant 16 : i32
    %scan3A_33 = arith.addi %scan3A, %scan3A_32 : i32
    %scan3A_34 = arith.constant 1 : i32
    scf.for %scan3A_36 = %scan3A to %scan3A_33 step %scan3A_34  : i32 {
      %mul3A_37 = arith.constant 4 : i32
      %mul3A_38 = arith.muli %scan3A_36, %mul3A_37 : i32
      %add3A_39 = arith.constant 0 : i32
      %add3A_40 = arith.addi %add3A_39, %mul3A_38 : i32
      %jit3A = arith.constant 2 : i32
      %div3A = arith.divsi %add3A_40, %jit3A : i32
      %sign3A = arith.constant 0 : i32
      %sign3A_41 = arith.cmpi sgt, %add3A_40, %sign3A : i32
      %sign3A_42 = arith.extui %sign3A_41 : i1 to i32
      %sign3A_43 = arith.constant 0 : i32
      %sign3A_44 = arith.cmpi slt, %add3A_40, %sign3A_43 : i32
      %sign3A_45 = arith.extui %sign3A_44 : i1 to i32
      %sign3A_46 = arith.subi %sign3A_42, %sign3A_45 : i32
      %sign3A_47 = arith.constant 0 : i32
      %sign3A_48 = arith.cmpi sgt, %jit3A, %sign3A_47 : i32
      %sign3A_49 = arith.extui %sign3A_48 : i1 to i32
      %sign3A_50 = arith.constant 0 : i32
      %sign3A_51 = arith.cmpi slt, %jit3A, %sign3A_50 : i32
      %sign3A_52 = arith.extui %sign3A_51 : i1 to i32
      %sign3A_53 = arith.subi %sign3A_49, %sign3A_52 : i32
      %ne3A = arith.cmpi ne, %sign3A_46, %sign3A_53 : i32
      %rem3A = arith.remsi %add3A_40, %jit3A : i32
      %ne3A_54 = arith.constant 0 : i32
      %ne3A_55 = arith.cmpi ne, %rem3A, %ne3A_54 : i32
      %and3A = arith.andi %ne3A, %ne3A_55 : i1
      %sub3A = arith.constant 1 : i32
      %sub3A_56 = arith.subi %div3A, %sub3A : i32
      %select_n3A = arith.select %and3A, %sub3A_56, %div3A : i32
      %broadcast_in_dim3A = arith.constant 0.000000e+00 : f32
      %broadcast_in_dim3A_57 = vector.broadcast %broadcast_in_dim3A : f32 to vector<16xf32>
      %broadcast_in_dim3A_58 = arith.constant 0.000000e+00 : f32
      %broadcast_in_dim3A_59 = vector.broadcast %broadcast_in_dim3A_58 : f32 to vector<16xf32>
      %broadcast_in_dim3A_60 = arith.constant 0.000000e+00 : f32
      %broadcast_in_dim3A_61 = vector.broadcast %broadcast_in_dim3A_60 : f32 to vector<16xf32>
      %broadcast_in_dim3A_62 = arith.constant 0.000000e+00 : f32
      %broadcast_in_dim3A_63 = vector.broadcast %broadcast_in_dim3A_62 : f32 to vector<16xf32>
      %broadcast_in_dim3A_64 = arith.constant 0.000000e+00 : f32
      %broadcast_in_dim3A_65 = vector.broadcast %broadcast_in_dim3A_64 : f32 to vector<16xf32>
      %broadcast_in_dim3A_66 = arith.constant 0.000000e+00 : f32
      %broadcast_in_dim3A_67 = vector.broadcast %broadcast_in_dim3A_66 : f32 to vector<16xf32>
      %broadcast_in_dim3A_68 = arith.constant 0.000000e+00 : f32
      %broadcast_in_dim3A_69 = vector.broadcast %broadcast_in_dim3A_68 : f32 to vector<16xf32>
      %broadcast_in_dim3A_70 = arith.constant 0.000000e+00 : f32
      %broadcast_in_dim3A_71 = vector.broadcast %broadcast_in_dim3A_70 : f32 to vector<16xf32>
      %broadcast_in_dim3A_72 = arith.constant 0.000000e+00 : f32
      %broadcast_in_dim3A_73 = vector.broadcast %broadcast_in_dim3A_72 : f32 to vector<16xf32>
      %broadcast_in_dim3A_74 = arith.constant 0.000000e+00 : f32
      %broadcast_in_dim3A_75 = vector.broadcast %broadcast_in_dim3A_74 : f32 to vector<16xf32>
      %broadcast_in_dim3A_76 = arith.constant 0.000000e+00 : f32
      %broadcast_in_dim3A_77 = vector.broadcast %broadcast_in_dim3A_76 : f32 to vector<16xf32>
      %broadcast_in_dim3A_78 = arith.constant 0.000000e+00 : f32
      %broadcast_in_dim3A_79 = vector.broadcast %broadcast_in_dim3A_78 : f32 to vector<16xf32>
      %broadcast_in_dim3A_80 = arith.constant 0.000000e+00 : f32
      %broadcast_in_dim3A_81 = vector.broadcast %broadcast_in_dim3A_80 : f32 to vector<16xf32>
      %broadcast_in_dim3A_82 = arith.constant 0.000000e+00 : f32
      %broadcast_in_dim3A_83 = vector.broadcast %broadcast_in_dim3A_82 : f32 to vector<16xf32>
      %broadcast_in_dim3A_84 = arith.constant 0.000000e+00 : f32
      %broadcast_in_dim3A_85 = vector.broadcast %broadcast_in_dim3A_84 : f32 to vector<16xf32>
      %broadcast_in_dim3A_86 = arith.constant 0.000000e+00 : f32
      %broadcast_in_dim3A_87 = vector.broadcast %broadcast_in_dim3A_86 : f32 to vector<16xf32>
      %add3A_88 = arith.constant 0 : i32
      %add3A_89 = arith.addi %add3A_40, %add3A_88 : i32
      %dma_wait3A = arith.constant 0 : i32
      %dma_wait3A_90 = arith.constant 0 : i32
      %dma_wait3A_91 = tpu.memref_slice %arg5[%dma_wait3A, %dma_wait3A_90] : memref<64x64xi32, #tpu.memory_space<vmem>> -> memref<1x64xi32, #tpu.memory_space<vmem>>
      %dma_wait3A_92 = tpu.memref_squeeze %dma_wait3A_91 : memref<1x64xi32, #tpu.memory_space<vmem>> -> memref<64xi32, #tpu.memory_space<vmem>>
      %dma_wait3A_93 = arith.constant 0 : i32
      %dma_wait3A_94 = arith.constant 0 : i32
      %dma_wait3A_95 = tpu.memref_slice %arg3[%dma_wait3A_93, %dma_wait3A_94] : memref<131072x256xf32, #tpu.memory_space<hbm>> -> memref<131072x256xf32, #tpu.memory_space<hbm>>
      tpu.wait_indirect_dma semaphore(%arg11 : memref<!tpu.dma_semaphore, #tpu.memory_space<semaphore_mem>>) src(%dma_wait3A_95 : memref<131072x256xf32, #tpu.memory_space<hbm>>) dst(%arg6 : memref<64x256xf32, #tpu.memory_space<vmem>>)
      %parallel_loop3A = arith.constant 0 : i32
      %parallel_loop3A_96 = arith.constant 64 : i32
      %parallel_loop3A_97 = arith.constant 8 : i32
      %parallel_loop3A_98:16 = scf.for %parallel_loop3A_418 = %parallel_loop3A to %parallel_loop3A_96 step %parallel_loop3A_97 iter_args(%parallel_loop3A_419 = %broadcast_in_dim3A_57, %parallel_loop3A_420 = %broadcast_in_dim3A_59, %parallel_loop3A_421 = %broadcast_in_dim3A_61, %parallel_loop3A_422 = %broadcast_in_dim3A_63, %parallel_loop3A_423 = %broadcast_in_dim3A_65, %parallel_loop3A_424 = %broadcast_in_dim3A_67, %parallel_loop3A_425 = %broadcast_in_dim3A_69, %parallel_loop3A_426 = %broadcast_in_dim3A_71, %parallel_loop3A_427 = %broadcast_in_dim3A_73, %parallel_loop3A_428 = %broadcast_in_dim3A_75, %parallel_loop3A_429 = %broadcast_in_dim3A_77, %parallel_loop3A_430 = %broadcast_in_dim3A_79, %parallel_loop3A_431 = %broadcast_in_dim3A_81, %parallel_loop3A_432 = %broadcast_in_dim3A_83, %parallel_loop3A_433 = %broadcast_in_dim3A_85, %parallel_loop3A_434 = %broadcast_in_dim3A_87) -> (vector<16xf32>, vector<16xf32>, vector<16xf32>, vector<16xf32>, vector<16xf32>, vector<16xf32>, vector<16xf32>, vector<16xf32>, vector<16xf32>, vector<16xf32>, vector<16xf32>, vector<16xf32>, vector<16xf32>, vector<16xf32>, vector<16xf32>, vector<16xf32>)  : i32 {
        %parallel_loop3A_435 = arith.constant 0 : i32
        %parallel_loop3A_436 = arith.addi %parallel_loop3A_418, %parallel_loop3A_435 : i32
        %parallel_loop3A_437 = arith.index_cast %parallel_loop3A_436 : i32 to index
        %parallel_loop3A_438 = arith.constant 0 : index
        %parallel_loop3A_439 = tpu.vector_load %arg6[%parallel_loop3A_437, %parallel_loop3A_438] {strides = array<i32>} : memref<64x256xf32, #tpu.memory_space<vmem>>, vector<1x16xf32>,
        %parallel_loop3A_440 = vector.shape_cast %parallel_loop3A_439 : vector<1x16xf32> to vector<16xf32>
        %parallel_loop3A_441 = arith.addf %parallel_loop3A_419, %parallel_loop3A_440 : vector<16xf32>
        %parallel_loop3A_442 = arith.constant 0 : i32
        %parallel_loop3A_443 = arith.addi %parallel_loop3A_418, %parallel_loop3A_442 : i32
        %parallel_loop3A_444 = arith.index_cast %parallel_loop3A_443 : i32 to index
        %parallel_loop3A_445 = arith.constant 16 : index
        %parallel_loop3A_446 = tpu.vector_load %arg6[%parallel_loop3A_444, %parallel_loop3A_445] {strides = array<i32>} : memref<64x256xf32, #tpu.memory_space<vmem>>, vector<1x16xf32>,
        %parallel_loop3A_447 = vector.shape_cast %parallel_loop3A_446 : vector<1x16xf32> to vector<16xf32>
        %parallel_loop3A_448 = arith.addf %parallel_loop3A_420, %parallel_loop3A_447 : vector<16xf32>
        %parallel_loop3A_449 = arith.constant 0 : i32
        %parallel_loop3A_450 = arith.addi %parallel_loop3A_418, %parallel_loop3A_449 : i32
        %parallel_loop3A_451 = arith.index_cast %parallel_loop3A_450 : i32 to index
        %parallel_loop3A_452 = arith.constant 32 : index
        %parallel_loop3A_453 = tpu.vector_load %arg6[%parallel_loop3A_451, %parallel_loop3A_452] {strides = array<i32>} : memref<64x256xf32, #tpu.memory_space<vmem>>, vector<1x16xf32>,
        %parallel_loop3A_454 = vector.shape_cast %parallel_loop3A_453 : vector<1x16xf32> to vector<16xf32>
        %parallel_loop3A_455 = arith.addf %parallel_loop3A_421, %parallel_loop3A_454 : vector<16xf32>
        %parallel_loop3A_456 = arith.constant 0 : i32
        %parallel_loop3A_457 = arith.addi %parallel_loop3A_418, %parallel_loop3A_456 : i32
        %parallel_loop3A_458 = arith.index_cast %parallel_loop3A_457 : i32 to index
        %parallel_loop3A_459 = arith.constant 48 : index
        %parallel_loop3A_460 = tpu.vector_load %arg6[%parallel_loop3A_458, %parallel_loop3A_459] {strides = array<i32>} : memref<64x256xf32, #tpu.memory_space<vmem>>, vector<1x16xf32>,
        %parallel_loop3A_461 = vector.shape_cast %parallel_loop3A_460 : vector<1x16xf32> to vector<16xf32>
        %parallel_loop3A_462 = arith.addf %parallel_loop3A_422, %parallel_loop3A_461 : vector<16xf32>
        %parallel_loop3A_463 = arith.constant 0 : i32
        %parallel_loop3A_464 = arith.addi %parallel_loop3A_418, %parallel_loop3A_463 : i32
        %parallel_loop3A_465 = arith.index_cast %parallel_loop3A_464 : i32 to index
        %parallel_loop3A_466 = arith.constant 64 : index
        %parallel_loop3A_467 = tpu.vector_load %arg6[%parallel_loop3A_465, %parallel_loop3A_466] {strides = array<i32>} : memref<64x256xf32, #tpu.memory_space<vmem>>, vector<1x16xf32>,
        %parallel_loop3A_468 = vector.shape_cast %parallel_loop3A_467 : vector<1x16xf32> to vector<16xf32>
        %parallel_loop3A_469 = arith.addf %parallel_loop3A_423, %parallel_loop3A_468 : vector<16xf32>
        %parallel_loop3A_470 = arith.constant 0 : i32
        %parallel_loop3A_471 = arith.addi %parallel_loop3A_418, %parallel_loop3A_470 : i32
        %parallel_loop3A_472 = arith.index_cast %parallel_loop3A_471 : i32 to index
        %parallel_loop3A_473 = arith.constant 80 : index
        %parallel_loop3A_474 = tpu.vector_load %arg6[%parallel_loop3A_472, %parallel_loop3A_473] {strides = array<i32>} : memref<64x256xf32, #tpu.memory_space<vmem>>, vector<1x16xf32>,
        %parallel_loop3A_475 = vector.shape_cast %parallel_loop3A_474 : vector<1x16xf32> to vector<16xf32>
        %parallel_loop3A_476 = arith.addf %parallel_loop3A_424, %parallel_loop3A_475 : vector<16xf32>
        %parallel_loop3A_477 = arith.constant 0 : i32
        %parallel_loop3A_478 = arith.addi %parallel_loop3A_418, %parallel_loop3A_477 : i32
        %parallel_loop3A_479 = arith.index_cast %parallel_loop3A_478 : i32 to index
        %parallel_loop3A_480 = arith.constant 96 : index
        %parallel_loop3A_481 = tpu.vector_load %arg6[%parallel_loop3A_479, %parallel_loop3A_480] {strides = array<i32>} : memref<64x256xf32, #tpu.memory_space<vmem>>, vector<1x16xf32>,
        %parallel_loop3A_482 = vector.shape_cast %parallel_loop3A_481 : vector<1x16xf32> to vector<16xf32>
        %parallel_loop3A_483 = arith.addf %parallel_loop3A_425, %parallel_loop3A_482 : vector<16xf32>
        %parallel_loop3A_484 = arith.constant 0 : i32
        %parallel_loop3A_485 = arith.addi %parallel_loop3A_418, %parallel_loop3A_484 : i32
        %parallel_loop3A_486 = arith.index_cast %parallel_loop3A_485 : i32 to index
        %parallel_loop3A_487 = arith.constant 112 : index
        %parallel_loop3A_488 = tpu.vector_load %arg6[%parallel_loop3A_486, %parallel_loop3A_487] {strides = array<i32>} : memref<64x256xf32, #tpu.memory_space<vmem>>, vector<1x16xf32>,
        %parallel_loop3A_489 = vector.shape_cast %parallel_loop3A_488 : vector<1x16xf32> to vector<16xf32>
        %parallel_loop3A_490 = arith.addf %parallel_loop3A_426, %parallel_loop3A_489 : vector<16xf32>
        %parallel_loop3A_491 = arith.constant 0 : i32
        %parallel_loop3A_492 = arith.addi %parallel_loop3A_418, %parallel_loop3A_491 : i32
        %parallel_loop3A_493 = arith.index_cast %parallel_loop3A_492 : i32 to index
        %parallel_loop3A_494 = arith.constant 128 : index
        %parallel_loop3A_495 = tpu.vector_load %arg6[%parallel_loop3A_493, %parallel_loop3A_494] {strides = array<i32>} : memref<64x256xf32, #tpu.memory_space<vmem>>, vector<1x16xf32>,
        %parallel_loop3A_496 = vector.shape_cast %parallel_loop3A_495 : vector<1x16xf32> to vector<16xf32>
        %parallel_loop3A_497 = arith.addf %parallel_loop3A_427, %parallel_loop3A_496 : vector<16xf32>
        %parallel_loop3A_498 = arith.constant 0 : i32
        %parallel_loop3A_499 = arith.addi %parallel_loop3A_418, %parallel_loop3A_498 : i32
        %parallel_loop3A_500 = arith.index_cast %parallel_loop3A_499 : i32 to index
        %parallel_loop3A_501 = arith.constant 144 : index
        %parallel_loop3A_502 = tpu.vector_load %arg6[%parallel_loop3A_500, %parallel_loop3A_501] {strides = array<i32>} : memref<64x256xf32, #tpu.memory_space<vmem>>, vector<1x16xf32>,
        %parallel_loop3A_503 = vector.shape_cast %parallel_loop3A_502 : vector<1x16xf32> to vector<16xf32>
        %parallel_loop3A_504 = arith.addf %parallel_loop3A_428, %parallel_loop3A_503 : vector<16xf32>
        %parallel_loop3A_505 = arith.constant 0 : i32
        %parallel_loop3A_506 = arith.addi %parallel_loop3A_418, %parallel_loop3A_505 : i32
        %parallel_loop3A_507 = arith.index_cast %parallel_loop3A_506 : i32 to index
        %parallel_loop3A_508 = arith.constant 160 : index
        %parallel_loop3A_509 = tpu.vector_load %arg6[%parallel_loop3A_507, %parallel_loop3A_508] {strides = array<i32>} : memref<64x256xf32, #tpu.memory_space<vmem>>, vector<1x16xf32>,
        %parallel_loop3A_510 = vector.shape_cast %parallel_loop3A_509 : vector<1x16xf32> to vector<16xf32>
        %parallel_loop3A_511 = arith.addf %parallel_loop3A_429, %parallel_loop3A_510 : vector<16xf32>
        %parallel_loop3A_512 = arith.constant 0 : i32
        %parallel_loop3A_513 = arith.addi %parallel_loop3A_418, %parallel_loop3A_512 : i32
        %parallel_loop3A_514 = arith.index_cast %parallel_loop3A_513 : i32 to index
        %parallel_loop3A_515 = arith.constant 176 : index
        %parallel_loop3A_516 = tpu.vector_load %arg6[%parallel_loop3A_514, %parallel_loop3A_515] {strides = array<i32>} : memref<64x256xf32, #tpu.memory_space<vmem>>, vector<1x16xf32>,
        %parallel_loop3A_517 = vector.shape_cast %parallel_loop3A_516 : vector<1x16xf32> to vector<16xf32>
        %parallel_loop3A_518 = arith.addf %parallel_loop3A_430, %parallel_loop3A_517 : vector<16xf32>
        %parallel_loop3A_519 = arith.constant 0 : i32
        %parallel_loop3A_520 = arith.addi %parallel_loop3A_418, %parallel_loop3A_519 : i32
        %parallel_loop3A_521 = arith.index_cast %parallel_loop3A_520 : i32 to index
        %parallel_loop3A_522 = arith.constant 192 : index
        %parallel_loop3A_523 = tpu.vector_load %arg6[%parallel_loop3A_521, %parallel_loop3A_522] {strides = array<i32>} : memref<64x256xf32, #tpu.memory_space<vmem>>, vector<1x16xf32>,
        %parallel_loop3A_524 = vector.shape_cast %parallel_loop3A_523 : vector<1x16xf32> to vector<16xf32>
        %parallel_loop3A_525 = arith.addf %parallel_loop3A_431, %parallel_loop3A_524 : vector<16xf32>
        %parallel_loop3A_526 = arith.constant 0 : i32
        %parallel_loop3A_527 = arith.addi %parallel_loop3A_418, %parallel_loop3A_526 : i32
        %parallel_loop3A_528 = arith.index_cast %parallel_loop3A_527 : i32 to index
        %parallel_loop3A_529 = arith.constant 208 : index
        %parallel_loop3A_530 = tpu.vector_load %arg6[%parallel_loop3A_528, %parallel_loop3A_529] {strides = array<i32>} : memref<64x256xf32, #tpu.memory_space<vmem>>, vector<1x16xf32>,
        %parallel_loop3A_531 = vector.shape_cast %parallel_loop3A_530 : vector<1x16xf32> to vector<16xf32>
        %parallel_loop3A_532 = arith.addf %parallel_loop3A_432, %parallel_loop3A_531 : vector<16xf32>
        %parallel_loop3A_533 = arith.constant 0 : i32
        %parallel_loop3A_534 = arith.addi %parallel_loop3A_418, %parallel_loop3A_533 : i32
        %parallel_loop3A_535 = arith.index_cast %parallel_loop3A_534 : i32 to index
        %parallel_loop3A_536 = arith.constant 224 : index
        %parallel_loop3A_537 = tpu.vector_load %arg6[%parallel_loop3A_535, %parallel_loop3A_536] {strides = array<i32>} : memref<64x256xf32, #tpu.memory_space<vmem>>, vector<1x16xf32>,
        %parallel_loop3A_538 = vector.shape_cast %parallel_loop3A_537 : vector<1x16xf32> to vector<16xf32>
        %parallel_loop3A_539 = arith.addf %parallel_loop3A_433, %parallel_loop3A_538 : vector<16xf32>
        %parallel_loop3A_540 = arith.constant 0 : i32
        %parallel_loop3A_541 = arith.addi %parallel_loop3A_418, %parallel_loop3A_540 : i32
        %parallel_loop3A_542 = arith.index_cast %parallel_loop3A_541 : i32 to index
        %parallel_loop3A_543 = arith.constant 240 : index
        %parallel_loop3A_544 = tpu.vector_load %arg6[%parallel_loop3A_542, %parallel_loop3A_543] {strides = array<i32>} : memref<64x256xf32, #tpu.memory_space<vmem>>, vector<1x16xf32>,
        %parallel_loop3A_545 = vector.shape_cast %parallel_loop3A_544 : vector<1x16xf32> to vector<16xf32>
        %parallel_loop3A_546 = arith.addf %parallel_loop3A_434, %parallel_loop3A_545 : vector<16xf32>
        %parallel_loop3A_547 = arith.constant 1 : i32
        %parallel_loop3A_548 = arith.addi %parallel_loop3A_418, %parallel_loop3A_547 : i32
        %parallel_loop3A_549 = arith.index_cast %parallel_loop3A_548 : i32 to index
        %parallel_loop3A_550 = arith.constant 0 : index
        %parallel_loop3A_551 = tpu.vector_load %arg6[%parallel_loop3A_549, %parallel_loop3A_550] {strides = array<i32>} : memref<64x256xf32, #tpu.memory_space<vmem>>, vector<1x16xf32>,
        %parallel_loop3A_552 = vector.shape_cast %parallel_loop3A_551 : vector<1x16xf32> to vector<16xf32>
        %parallel_loop3A_553 = arith.addf %parallel_loop3A_441, %parallel_loop3A_552 : vector<16xf32>
        %parallel_loop3A_554 = arith.constant 1 : i32
        %parallel_loop3A_555 = arith.addi %parallel_loop3A_418, %parallel_loop3A_554 : i32
        %parallel_loop3A_556 = arith.index_cast %parallel_loop3A_555 : i32 to index
        %parallel_loop3A_557 = arith.constant 16 : index
        %parallel_loop3A_558 = tpu.vector_load %arg6[%parallel_loop3A_556, %parallel_loop3A_557] {strides = array<i32>} : memref<64x256xf32, #tpu.memory_space<vmem>>, vector<1x16xf32>,
        %parallel_loop3A_559 = vector.shape_cast %parallel_loop3A_558 : vector<1x16xf32> to vector<16xf32>
        %parallel_loop3A_560 = arith.addf %parallel_loop3A_448, %parallel_loop3A_559 : vector<16xf32>
        %parallel_loop3A_561 = arith.constant 1 : i32
        %parallel_loop3A_562 = arith.addi %parallel_loop3A_418, %parallel_loop3A_561 : i32
        %parallel_loop3A_563 = arith.index_cast %parallel_loop3A_562 : i32 to index
        %parallel_loop3A_564 = arith.constant 32 : index
        %parallel_loop3A_565 = tpu.vector_load %arg6[%parallel_loop3A_563, %parallel_loop3A_564] {strides = array<i32>} : memref<64x256xf32, #tpu.memory_space<vmem>>, vector<1x16xf32>,
        %parallel_loop3A_566 = vector.shape_cast %parallel_loop3A_565 : vector<1x16xf32> to vector<16xf32>
        %parallel_loop3A_567 = arith.addf %parallel_loop3A_455, %parallel_loop3A_566 : vector<16xf32>
        %parallel_loop3A_568 = arith.constant 1 : i32
        %parallel_loop3A_569 = arith.addi %parallel_loop3A_418, %parallel_loop3A_568 : i32
        %parallel_loop3A_570 = arith.index_cast %parallel_loop3A_569 : i32 to index
        %parallel_loop3A_571 = arith.constant 48 : index
        %parallel_loop3A_572 = tpu.vector_load %arg6[%parallel_loop3A_570, %parallel_loop3A_571] {strides = array<i32>} : memref<64x256xf32, #tpu.memory_space<vmem>>, vector<1x16xf32>,
        %parallel_loop3A_573 = vector.shape_cast %parallel_loop3A_572 : vector<1x16xf32> to vector<16xf32>
        %parallel_loop3A_574 = arith.addf %parallel_loop3A_462, %parallel_loop3A_573 : vector<16xf32>
        %parallel_loop3A_575 = arith.constant 1 : i32
        %parallel_loop3A_576 = arith.addi %parallel_loop3A_418, %parallel_loop3A_575 : i32
        %parallel_loop3A_577 = arith.index_cast %parallel_loop3A_576 : i32 to index
        %parallel_loop3A_578 = arith.constant 64 : index
        %parallel_loop3A_579 = tpu.vector_load %arg6[%parallel_loop3A_577, %parallel_loop3A_578] {strides = array<i32>} : memref<64x256xf32, #tpu.memory_space<vmem>>, vector<1x16xf32>,
        %parallel_loop3A_580 = vector.shape_cast %parallel_loop3A_579 : vector<1x16xf32> to vector<16xf32>
        %parallel_loop3A_581 = arith.addf %parallel_loop3A_469, %parallel_loop3A_580 : vector<16xf32>
        %parallel_loop3A_582 = arith.constant 1 : i32
        %parallel_loop3A_583 = arith.addi %parallel_loop3A_418, %parallel_loop3A_582 : i32
        %parallel_loop3A_584 = arith.index_cast %parallel_loop3A_583 : i32 to index
        %parallel_loop3A_585 = arith.constant 80 : index
        %parallel_loop3A_586 = tpu.vector_load %arg6[%parallel_loop3A_584, %parallel_loop3A_585] {strides = array<i32>} : memref<64x256xf32, #tpu.memory_space<vmem>>, vector<1x16xf32>,
        %parallel_loop3A_587 = vector.shape_cast %parallel_loop3A_586 : vector<1x16xf32> to vector<16xf32>
        %parallel_loop3A_588 = arith.addf %parallel_loop3A_476, %parallel_loop3A_587 : vector<16xf32>
        %parallel_loop3A_589 = arith.constant 1 : i32
        %parallel_loop3A_590 = arith.addi %parallel_loop3A_418, %parallel_loop3A_589 : i32
        %parallel_loop3A_591 = arith.index_cast %parallel_loop3A_590 : i32 to index
        %parallel_loop3A_592 = arith.constant 96 : index
        %parallel_loop3A_593 = tpu.vector_load %arg6[%parallel_loop3A_591, %parallel_loop3A_592] {strides = array<i32>} : memref<64x256xf32, #tpu.memory_space<vmem>>, vector<1x16xf32>,
        %parallel_loop3A_594 = vector.shape_cast %parallel_loop3A_593 : vector<1x16xf32> to vector<16xf32>
        %parallel_loop3A_595 = arith.addf %parallel_loop3A_483, %parallel_loop3A_594 : vector<16xf32>
        %parallel_loop3A_596 = arith.constant 1 : i32
        %parallel_loop3A_597 = arith.addi %parallel_loop3A_418, %parallel_loop3A_596 : i32
        %parallel_loop3A_598 = arith.index_cast %parallel_loop3A_597 : i32 to index
        %parallel_loop3A_599 = arith.constant 112 : index
        %parallel_loop3A_600 = tpu.vector_load %arg6[%parallel_loop3A_598, %parallel_loop3A_599] {strides = array<i32>} : memref<64x256xf32, #tpu.memory_space<vmem>>, vector<1x16xf32>,
        %parallel_loop3A_601 = vector.shape_cast %parallel_loop3A_600 : vector<1x16xf32> to vector<16xf32>
        %parallel_loop3A_602 = arith.addf %parallel_loop3A_490, %parallel_loop3A_601 : vector<16xf32>
        %parallel_loop3A_603 = arith.constant 1 : i32
        %parallel_loop3A_604 = arith.addi %parallel_loop3A_418, %parallel_loop3A_603 : i32
        %parallel_loop3A_605 = arith.index_cast %parallel_loop3A_604 : i32 to index
        %parallel_loop3A_606 = arith.constant 128 : index
        %parallel_loop3A_607 = tpu.vector_load %arg6[%parallel_loop3A_605, %parallel_loop3A_606] {strides = array<i32>} : memref<64x256xf32, #tpu.memory_space<vmem>>, vector<1x16xf32>,
        %parallel_loop3A_608 = vector.shape_cast %parallel_loop3A_607 : vector<1x16xf32> to vector<16xf32>
        %parallel_loop3A_609 = arith.addf %parallel_loop3A_497, %parallel_loop3A_608 : vector<16xf32>
        %parallel_loop3A_610 = arith.constant 1 : i32
        %parallel_loop3A_611 = arith.addi %parallel_loop3A_418, %parallel_loop3A_610 : i32
        %parallel_loop3A_612 = arith.index_cast %parallel_loop3A_611 : i32 to index
        %parallel_loop3A_613 = arith.constant 144 : index
        %parallel_loop3A_614 = tpu.vector_load %arg6[%parallel_loop3A_612, %parallel_loop3A_613] {strides = array<i32>} : memref<64x256xf32, #tpu.memory_space<vmem>>, vector<1x16xf32>,
        %parallel_loop3A_615 = vector.shape_cast %parallel_loop3A_614 : vector<1x16xf32> to vector<16xf32>
        %parallel_loop3A_616 = arith.addf %parallel_loop3A_504, %parallel_loop3A_615 : vector<16xf32>
        %parallel_loop3A_617 = arith.constant 1 : i32
        %parallel_loop3A_618 = arith.addi %parallel_loop3A_418, %parallel_loop3A_617 : i32
        %parallel_loop3A_619 = arith.index_cast %parallel_loop3A_618 : i32 to index
        %parallel_loop3A_620 = arith.constant 160 : index
        %parallel_loop3A_621 = tpu.vector_load %arg6[%parallel_loop3A_619, %parallel_loop3A_620] {strides = array<i32>} : memref<64x256xf32, #tpu.memory_space<vmem>>, vector<1x16xf32>,
        %parallel_loop3A_622 = vector.shape_cast %parallel_loop3A_621 : vector<1x16xf32> to vector<16xf32>
        %parallel_loop3A_623 = arith.addf %parallel_loop3A_511, %parallel_loop3A_622 : vector<16xf32>
        %parallel_loop3A_624 = arith.constant 1 : i32
        %parallel_loop3A_625 = arith.addi %parallel_loop3A_418, %parallel_loop3A_624 : i32
        %parallel_loop3A_626 = arith.index_cast %parallel_loop3A_625 : i32 to index
        %parallel_loop3A_627 = arith.constant 176 : index
        %parallel_loop3A_628 = tpu.vector_load %arg6[%parallel_loop3A_626, %parallel_loop3A_627] {strides = array<i32>} : memref<64x256xf32, #tpu.memory_space<vmem>>, vector<1x16xf32>,
        %parallel_loop3A_629 = vector.shape_cast %parallel_loop3A_628 : vector<1x16xf32> to vector<16xf32>
        %parallel_loop3A_630 = arith.addf %parallel_loop3A_518, %parallel_loop3A_629 : vector<16xf32>
        %parallel_loop3A_631 = arith.constant 1 : i32
        %parallel_loop3A_632 = arith.addi %parallel_loop3A_418, %parallel_loop3A_631 : i32
        %parallel_loop3A_633 = arith.index_cast %parallel_loop3A_632 : i32 to index
        %parallel_loop3A_634 = arith.constant 192 : index
        %parallel_loop3A_635 = tpu.vector_load %arg6[%parallel_loop3A_633, %parallel_loop3A_634] {strides = array<i32>} : memref<64x256xf32, #tpu.memory_space<vmem>>, vector<1x16xf32>,
        %parallel_loop3A_636 = vector.shape_cast %parallel_loop3A_635 : vector<1x16xf32> to vector<16xf32>
        %parallel_loop3A_637 = arith.addf %parallel_loop3A_525, %parallel_loop3A_636 : vector<16xf32>
        %parallel_loop3A_638 = arith.constant 1 : i32
        %parallel_loop3A_639 = arith.addi %parallel_loop3A_418, %parallel_loop3A_638 : i32
        %parallel_loop3A_640 = arith.index_cast %parallel_loop3A_639 : i32 to index
        %parallel_loop3A_641 = arith.constant 208 : index
        %parallel_loop3A_642 = tpu.vector_load %arg6[%parallel_loop3A_640, %parallel_loop3A_641] {strides = array<i32>} : memref<64x256xf32, #tpu.memory_space<vmem>>, vector<1x16xf32>,
        %parallel_loop3A_643 = vector.shape_cast %parallel_loop3A_642 : vector<1x16xf32> to vector<16xf32>
        %parallel_loop3A_644 = arith.addf %parallel_loop3A_532, %parallel_loop3A_643 : vector<16xf32>
        %parallel_loop3A_645 = arith.constant 1 : i32
        %parallel_loop3A_646 = arith.addi %parallel_loop3A_418, %parallel_loop3A_645 : i32
        %parallel_loop3A_647 = arith.index_cast %parallel_loop3A_646 : i32 to index
        %parallel_loop3A_648 = arith.constant 224 : index
        %parallel_loop3A_649 = tpu.vector_load %arg6[%parallel_loop3A_647, %parallel_loop3A_648] {strides = array<i32>} : memref<64x256xf32, #tpu.memory_space<vmem>>, vector<1x16xf32>,
        %parallel_loop3A_650 = vector.shape_cast %parallel_loop3A_649 : vector<1x16xf32> to vector<16xf32>
        %parallel_loop3A_651 = arith.addf %parallel_loop3A_539, %parallel_loop3A_650 : vector<16xf32>
        %parallel_loop3A_652 = arith.constant 1 : i32
        %parallel_loop3A_653 = arith.addi %parallel_loop3A_418, %parallel_loop3A_652 : i32
        %parallel_loop3A_654 = arith.index_cast %parallel_loop3A_653 : i32 to index
        %parallel_loop3A_655 = arith.constant 240 : index
        %parallel_loop3A_656 = tpu.vector_load %arg6[%parallel_loop3A_654, %parallel_loop3A_655] {strides = array<i32>} : memref<64x256xf32, #tpu.memory_space<vmem>>, vector<1x16xf32>,
        %parallel_loop3A_657 = vector.shape_cast %parallel_loop3A_656 : vector<1x16xf32> to vector<16xf32>
        %parallel_loop3A_658 = arith.addf %parallel_loop3A_546, %parallel_loop3A_657 : vector<16xf32>
        %parallel_loop3A_659 = arith.constant 2 : i32
        %parallel_loop3A_660 = arith.addi %parallel_loop3A_418, %parallel_loop3A_659 : i32
        %parallel_loop3A_661 = arith.index_cast %parallel_loop3A_660 : i32 to index
        %parallel_loop3A_662 = arith.constant 0 : index
        %parallel_loop3A_663 = tpu.vector_load %arg6[%parallel_loop3A_661, %parallel_loop3A_662] {strides = array<i32>} : memref<64x256xf32, #tpu.memory_space<vmem>>, vector<1x16xf32>,
        %parallel_loop3A_664 = vector.shape_cast %parallel_loop3A_663 : vector<1x16xf32> to vector<16xf32>
        %parallel_loop3A_665 = arith.addf %parallel_loop3A_553, %parallel_loop3A_664 : vector<16xf32>
        %parallel_loop3A_666 = arith.constant 2 : i32
        %parallel_loop3A_667 = arith.addi %parallel_loop3A_418, %parallel_loop3A_666 : i32
        %parallel_loop3A_668 = arith.index_cast %parallel_loop3A_667 : i32 to index
        %parallel_loop3A_669 = arith.constant 16 : index
        %parallel_loop3A_670 = tpu.vector_load %arg6[%parallel_loop3A_668, %parallel_loop3A_669] {strides = array<i32>} : memref<64x256xf32, #tpu.memory_space<vmem>>, vector<1x16xf32>,
        %parallel_loop3A_671 = vector.shape_cast %parallel_loop3A_670 : vector<1x16xf32> to vector<16xf32>
        %parallel_loop3A_672 = arith.addf %parallel_loop3A_560, %parallel_loop3A_671 : vector<16xf32>
        %parallel_loop3A_673 = arith.constant 2 : i32
        %parallel_loop3A_674 = arith.addi %parallel_loop3A_418, %parallel_loop3A_673 : i32
        %parallel_loop3A_675 = arith.index_cast %parallel_loop3A_674 : i32 to index
        %parallel_loop3A_676 = arith.constant 32 : index
        %parallel_loop3A_677 = tpu.vector_load %arg6[%parallel_loop3A_675, %parallel_loop3A_676] {strides = array<i32>} : memref<64x256xf32, #tpu.memory_space<vmem>>, vector<1x16xf32>,
        %parallel_loop3A_678 = vector.shape_cast %parallel_loop3A_677 : vector<1x16xf32> to vector<16xf32>
        %parallel_loop3A_679 = arith.addf %parallel_loop3A_567, %parallel_loop3A_678 : vector<16xf32>
        %parallel_loop3A_680 = arith.constant 2 : i32
        %parallel_loop3A_681 = arith.addi %parallel_loop3A_418, %parallel_loop3A_680 : i32
        %parallel_loop3A_682 = arith.index_cast %parallel_loop3A_681 : i32 to index
        %parallel_loop3A_683 = arith.constant 48 : index
        %parallel_loop3A_684 = tpu.vector_load %arg6[%parallel_loop3A_682, %parallel_loop3A_683] {strides = array<i32>} : memref<64x256xf32, #tpu.memory_space<vmem>>, vector<1x16xf32>,
        %parallel_loop3A_685 = vector.shape_cast %parallel_loop3A_684 : vector<1x16xf32> to vector<16xf32>
        %parallel_loop3A_686 = arith.addf %parallel_loop3A_574, %parallel_loop3A_685 : vector<16xf32>
        %parallel_loop3A_687 = arith.constant 2 : i32
        %parallel_loop3A_688 = arith.addi %parallel_loop3A_418, %parallel_loop3A_687 : i32
        %parallel_loop3A_689 = arith.index_cast %parallel_loop3A_688 : i32 to index
        %parallel_loop3A_690 = arith.constant 64 : index
        %parallel_loop3A_691 = tpu.vector_load %arg6[%parallel_loop3A_689, %parallel_loop3A_690] {strides = array<i32>} : memref<64x256xf32, #tpu.memory_space<vmem>>, vector<1x16xf32>,
        %parallel_loop3A_692 = vector.shape_cast %parallel_loop3A_691 : vector<1x16xf32> to vector<16xf32>
        %parallel_loop3A_693 = arith.addf %parallel_loop3A_581, %parallel_loop3A_692 : vector<16xf32>
        %parallel_loop3A_694 = arith.constant 2 : i32
        %parallel_loop3A_695 = arith.addi %parallel_loop3A_418, %parallel_loop3A_694 : i32
        %parallel_loop3A_696 = arith.index_cast %parallel_loop3A_695 : i32 to index
        %parallel_loop3A_697 = arith.constant 80 : index
        %parallel_loop3A_698 = tpu.vector_load %arg6[%parallel_loop3A_696, %parallel_loop3A_697] {strides = array<i32>} : memref<64x256xf32, #tpu.memory_space<vmem>>, vector<1x16xf32>,
        %parallel_loop3A_699 = vector.shape_cast %parallel_loop3A_698 : vector<1x16xf32> to vector<16xf32>
        %parallel_loop3A_700 = arith.addf %parallel_loop3A_588, %parallel_loop3A_699 : vector<16xf32>
        %parallel_loop3A_701 = arith.constant 2 : i32
        %parallel_loop3A_702 = arith.addi %parallel_loop3A_418, %parallel_loop3A_701 : i32
        %parallel_loop3A_703 = arith.index_cast %parallel_loop3A_702 : i32 to index
        %parallel_loop3A_704 = arith.constant 96 : index
        %parallel_loop3A_705 = tpu.vector_load %arg6[%parallel_loop3A_703, %parallel_loop3A_704] {strides = array<i32>} : memref<64x256xf32, #tpu.memory_space<vmem>>, vector<1x16xf32>,
        %parallel_loop3A_706 = vector.shape_cast %parallel_loop3A_705 : vector<1x16xf32> to vector<16xf32>
        %parallel_loop3A_707 = arith.addf %parallel_loop3A_595, %parallel_loop3A_706 : vector<16xf32>
        %parallel_loop3A_708 = arith.constant 2 : i32
        %parallel_loop3A_709 = arith.addi %parallel_loop3A_418, %parallel_loop3A_708 : i32
        %parallel_loop3A_710 = arith.index_cast %parallel_loop3A_709 : i32 to index
        %parallel_loop3A_711 = arith.constant 112 : index
        %parallel_loop3A_712 = tpu.vector_load %arg6[%parallel_loop3A_710, %parallel_loop3A_711] {strides = array<i32>} : memref<64x256xf32, #tpu.memory_space<vmem>>, vector<1x16xf32>,
        %parallel_loop3A_713 = vector.shape_cast %parallel_loop3A_712 : vector<1x16xf32> to vector<16xf32>
        %parallel_loop3A_714 = arith.addf %parallel_loop3A_602, %parallel_loop3A_713 : vector<16xf32>
        %parallel_loop3A_715 = arith.constant 2 : i32
        %parallel_loop3A_716 = arith.addi %parallel_loop3A_418, %parallel_loop3A_715 : i32
        %parallel_loop3A_717 = arith.index_cast %parallel_loop3A_716 : i32 to index
        %parallel_loop3A_718 = arith.constant 128 : index
        %parallel_loop3A_719 = tpu.vector_load %arg6[%parallel_loop3A_717, %parallel_loop3A_718] {strides = array<i32>} : memref<64x256xf32, #tpu.memory_space<vmem>>, vector<1x16xf32>,
        %parallel_loop3A_720 = vector.shape_cast %parallel_loop3A_719 : vector<1x16xf32> to vector<16xf32>
        %parallel_loop3A_721 = arith.addf %parallel_loop3A_609, %parallel_loop3A_720 : vector<16xf32>
        %parallel_loop3A_722 = arith.constant 2 : i32
        %parallel_loop3A_723 = arith.addi %parallel_loop3A_418, %parallel_loop3A_722 : i32
        %parallel_loop3A_724 = arith.index_cast %parallel_loop3A_723 : i32 to index
        %parallel_loop3A_725 = arith.constant 144 : index
        %parallel_loop3A_726 = tpu.vector_load %arg6[%parallel_loop3A_724, %parallel_loop3A_725] {strides = array<i32>} : memref<64x256xf32, #tpu.memory_space<vmem>>, vector<1x16xf32>,
        %parallel_loop3A_727 = vector.shape_cast %parallel_loop3A_726 : vector<1x16xf32> to vector<16xf32>
        %parallel_loop3A_728 = arith.addf %parallel_loop3A_616, %parallel_loop3A_727 : vector<16xf32>
        %parallel_loop3A_729 = arith.constant 2 : i32
        %parallel_loop3A_730 = arith.addi %parallel_loop3A_418, %parallel_loop3A_729 : i32
        %parallel_loop3A_731 = arith.index_cast %parallel_loop3A_730 : i32 to index
        %parallel_loop3A_732 = arith.constant 160 : index
        %parallel_loop3A_733 = tpu.vector_load %arg6[%parallel_loop3A_731, %parallel_loop3A_732] {strides = array<i32>} : memref<64x256xf32, #tpu.memory_space<vmem>>, vector<1x16xf32>,
        %parallel_loop3A_734 = vector.shape_cast %parallel_loop3A_733 : vector<1x16xf32> to vector<16xf32>
        %parallel_loop3A_735 = arith.addf %parallel_loop3A_623, %parallel_loop3A_734 : vector<16xf32>
        %parallel_loop3A_736 = arith.constant 2 : i32
        %parallel_loop3A_737 = arith.addi %parallel_loop3A_418, %parallel_loop3A_736 : i32
        %parallel_loop3A_738 = arith.index_cast %parallel_loop3A_737 : i32 to index
        %parallel_loop3A_739 = arith.constant 176 : index
        %parallel_loop3A_740 = tpu.vector_load %arg6[%parallel_loop3A_738, %parallel_loop3A_739] {strides = array<i32>} : memref<64x256xf32, #tpu.memory_space<vmem>>, vector<1x16xf32>,
        %parallel_loop3A_741 = vector.shape_cast %parallel_loop3A_740 : vector<1x16xf32> to vector<16xf32>
        %parallel_loop3A_742 = arith.addf %parallel_loop3A_630, %parallel_loop3A_741 : vector<16xf32>
        %parallel_loop3A_743 = arith.constant 2 : i32
        %parallel_loop3A_744 = arith.addi %parallel_loop3A_418, %parallel_loop3A_743 : i32
        %parallel_loop3A_745 = arith.index_cast %parallel_loop3A_744 : i32 to index
        %parallel_loop3A_746 = arith.constant 192 : index
        %parallel_loop3A_747 = tpu.vector_load %arg6[%parallel_loop3A_745, %parallel_loop3A_746] {strides = array<i32>} : memref<64x256xf32, #tpu.memory_space<vmem>>, vector<1x16xf32>,
        %parallel_loop3A_748 = vector.shape_cast %parallel_loop3A_747 : vector<1x16xf32> to vector<16xf32>
        %parallel_loop3A_749 = arith.addf %parallel_loop3A_637, %parallel_loop3A_748 : vector<16xf32>
        %parallel_loop3A_750 = arith.constant 2 : i32
        %parallel_loop3A_751 = arith.addi %parallel_loop3A_418, %parallel_loop3A_750 : i32
        %parallel_loop3A_752 = arith.index_cast %parallel_loop3A_751 : i32 to index
        %parallel_loop3A_753 = arith.constant 208 : index
        %parallel_loop3A_754 = tpu.vector_load %arg6[%parallel_loop3A_752, %parallel_loop3A_753] {strides = array<i32>} : memref<64x256xf32, #tpu.memory_space<vmem>>, vector<1x16xf32>,
        %parallel_loop3A_755 = vector.shape_cast %parallel_loop3A_754 : vector<1x16xf32> to vector<16xf32>
        %parallel_loop3A_756 = arith.addf %parallel_loop3A_644, %parallel_loop3A_755 : vector<16xf32>
        %parallel_loop3A_757 = arith.constant 2 : i32
        %parallel_loop3A_758 = arith.addi %parallel_loop3A_418, %parallel_loop3A_757 : i32
        %parallel_loop3A_759 = arith.index_cast %parallel_loop3A_758 : i32 to index
        %parallel_loop3A_760 = arith.constant 224 : index
        %parallel_loop3A_761 = tpu.vector_load %arg6[%parallel_loop3A_759, %parallel_loop3A_760] {strides = array<i32>} : memref<64x256xf32, #tpu.memory_space<vmem>>, vector<1x16xf32>,
        %parallel_loop3A_762 = vector.shape_cast %parallel_loop3A_761 : vector<1x16xf32> to vector<16xf32>
        %parallel_loop3A_763 = arith.addf %parallel_loop3A_651, %parallel_loop3A_762 : vector<16xf32>
        %parallel_loop3A_764 = arith.constant 2 : i32
        %parallel_loop3A_765 = arith.addi %parallel_loop3A_418, %parallel_loop3A_764 : i32
        %parallel_loop3A_766 = arith.index_cast %parallel_loop3A_765 : i32 to index
        %parallel_loop3A_767 = arith.constant 240 : index
        %parallel_loop3A_768 = tpu.vector_load %arg6[%parallel_loop3A_766, %parallel_loop3A_767] {strides = array<i32>} : memref<64x256xf32, #tpu.memory_space<vmem>>, vector<1x16xf32>,
        %parallel_loop3A_769 = vector.shape_cast %parallel_loop3A_768 : vector<1x16xf32> to vector<16xf32>
        %parallel_loop3A_770 = arith.addf %parallel_loop3A_658, %parallel_loop3A_769 : vector<16xf32>
        %parallel_loop3A_771 = arith.constant 3 : i32
        %parallel_loop3A_772 = arith.addi %parallel_loop3A_418, %parallel_loop3A_771 : i32
        %parallel_loop3A_773 = arith.index_cast %parallel_loop3A_772 : i32 to index
        %parallel_loop3A_774 = arith.constant 0 : index
        %parallel_loop3A_775 = tpu.vector_load %arg6[%parallel_loop3A_773, %parallel_loop3A_774] {strides = array<i32>} : memref<64x256xf32, #tpu.memory_space<vmem>>, vector<1x16xf32>,
        %parallel_loop3A_776 = vector.shape_cast %parallel_loop3A_775 : vector<1x16xf32> to vector<16xf32>
        %parallel_loop3A_777 = arith.addf %parallel_loop3A_665, %parallel_loop3A_776 : vector<16xf32>
        %parallel_loop3A_778 = arith.constant 3 : i32
        %parallel_loop3A_779 = arith.addi %parallel_loop3A_418, %parallel_loop3A_778 : i32
        %parallel_loop3A_780 = arith.index_cast %parallel_loop3A_779 : i32 to index
        %parallel_loop3A_781 = arith.constant 16 : index
        %parallel_loop3A_782 = tpu.vector_load %arg6[%parallel_loop3A_780, %parallel_loop3A_781] {strides = array<i32>} : memref<64x256xf32, #tpu.memory_space<vmem>>, vector<1x16xf32>,
        %parallel_loop3A_783 = vector.shape_cast %parallel_loop3A_782 : vector<1x16xf32> to vector<16xf32>
        %parallel_loop3A_784 = arith.addf %parallel_loop3A_672, %parallel_loop3A_783 : vector<16xf32>
        %parallel_loop3A_785 = arith.constant 3 : i32
        %parallel_loop3A_786 = arith.addi %parallel_loop3A_418, %parallel_loop3A_785 : i32
        %parallel_loop3A_787 = arith.index_cast %parallel_loop3A_786 : i32 to index
        %parallel_loop3A_788 = arith.constant 32 : index
        %parallel_loop3A_789 = tpu.vector_load %arg6[%parallel_loop3A_787, %parallel_loop3A_788] {strides = array<i32>} : memref<64x256xf32, #tpu.memory_space<vmem>>, vector<1x16xf32>,
        %parallel_loop3A_790 = vector.shape_cast %parallel_loop3A_789 : vector<1x16xf32> to vector<16xf32>
        %parallel_loop3A_791 = arith.addf %parallel_loop3A_679, %parallel_loop3A_790 : vector<16xf32>
        %parallel_loop3A_792 = arith.constant 3 : i32
        %parallel_loop3A_793 = arith.addi %parallel_loop3A_418, %parallel_loop3A_792 : i32
        %parallel_loop3A_794 = arith.index_cast %parallel_loop3A_793 : i32 to index
        %parallel_loop3A_795 = arith.constant 48 : index
        %parallel_loop3A_796 = tpu.vector_load %arg6[%parallel_loop3A_794, %parallel_loop3A_795] {strides = array<i32>} : memref<64x256xf32, #tpu.memory_space<vmem>>, vector<1x16xf32>,
        %parallel_loop3A_797 = vector.shape_cast %parallel_loop3A_796 : vector<1x16xf32> to vector<16xf32>
        %parallel_loop3A_798 = arith.addf %parallel_loop3A_686, %parallel_loop3A_797 : vector<16xf32>
        %parallel_loop3A_799 = arith.constant 3 : i32
        %parallel_loop3A_800 = arith.addi %parallel_loop3A_418, %parallel_loop3A_799 : i32
        %parallel_loop3A_801 = arith.index_cast %parallel_loop3A_800 : i32 to index
        %parallel_loop3A_802 = arith.constant 64 : index
        %parallel_loop3A_803 = tpu.vector_load %arg6[%parallel_loop3A_801, %parallel_loop3A_802] {strides = array<i32>} : memref<64x256xf32, #tpu.memory_space<vmem>>, vector<1x16xf32>,
        %parallel_loop3A_804 = vector.shape_cast %parallel_loop3A_803 : vector<1x16xf32> to vector<16xf32>
        %parallel_loop3A_805 = arith.addf %parallel_loop3A_693, %parallel_loop3A_804 : vector<16xf32>
        %parallel_loop3A_806 = arith.constant 3 : i32
        %parallel_loop3A_807 = arith.addi %parallel_loop3A_418, %parallel_loop3A_806 : i32
        %parallel_loop3A_808 = arith.index_cast %parallel_loop3A_807 : i32 to index
        %parallel_loop3A_809 = arith.constant 80 : index
        %parallel_loop3A_810 = tpu.vector_load %arg6[%parallel_loop3A_808, %parallel_loop3A_809] {strides = array<i32>} : memref<64x256xf32, #tpu.memory_space<vmem>>, vector<1x16xf32>,
        %parallel_loop3A_811 = vector.shape_cast %parallel_loop3A_810 : vector<1x16xf32> to vector<16xf32>
        %parallel_loop3A_812 = arith.addf %parallel_loop3A_700, %parallel_loop3A_811 : vector<16xf32>
        %parallel_loop3A_813 = arith.constant 3 : i32
        %parallel_loop3A_814 = arith.addi %parallel_loop3A_418, %parallel_loop3A_813 : i32
        %parallel_loop3A_815 = arith.index_cast %parallel_loop3A_814 : i32 to index
        %parallel_loop3A_816 = arith.constant 96 : index
        %parallel_loop3A_817 = tpu.vector_load %arg6[%parallel_loop3A_815, %parallel_loop3A_816] {strides = array<i32>} : memref<64x256xf32, #tpu.memory_space<vmem>>, vector<1x16xf32>,
        %parallel_loop3A_818 = vector.shape_cast %parallel_loop3A_817 : vector<1x16xf32> to vector<16xf32>
        %parallel_loop3A_819 = arith.addf %parallel_loop3A_707, %parallel_loop3A_818 : vector<16xf32>
        %parallel_loop3A_820 = arith.constant 3 : i32
        %parallel_loop3A_821 = arith.addi %parallel_loop3A_418, %parallel_loop3A_820 : i32
        %parallel_loop3A_822 = arith.index_cast %parallel_loop3A_821 : i32 to index
        %parallel_loop3A_823 = arith.constant 112 : index
        %parallel_loop3A_824 = tpu.vector_load %arg6[%parallel_loop3A_822, %parallel_loop3A_823] {strides = array<i32>} : memref<64x256xf32, #tpu.memory_space<vmem>>, vector<1x16xf32>,
        %parallel_loop3A_825 = vector.shape_cast %parallel_loop3A_824 : vector<1x16xf32> to vector<16xf32>
        %parallel_loop3A_826 = arith.addf %parallel_loop3A_714, %parallel_loop3A_825 : vector<16xf32>
        %parallel_loop3A_827 = arith.constant 3 : i32
        %parallel_loop3A_828 = arith.addi %parallel_loop3A_418, %parallel_loop3A_827 : i32
        %parallel_loop3A_829 = arith.index_cast %parallel_loop3A_828 : i32 to index
        %parallel_loop3A_830 = arith.constant 128 : index
        %parallel_loop3A_831 = tpu.vector_load %arg6[%parallel_loop3A_829, %parallel_loop3A_830] {strides = array<i32>} : memref<64x256xf32, #tpu.memory_space<vmem>>, vector<1x16xf32>,
        %parallel_loop3A_832 = vector.shape_cast %parallel_loop3A_831 : vector<1x16xf32> to vector<16xf32>
        %parallel_loop3A_833 = arith.addf %parallel_loop3A_721, %parallel_loop3A_832 : vector<16xf32>
        %parallel_loop3A_834 = arith.constant 3 : i32
        %parallel_loop3A_835 = arith.addi %parallel_loop3A_418, %parallel_loop3A_834 : i32
        %parallel_loop3A_836 = arith.index_cast %parallel_loop3A_835 : i32 to index
        %parallel_loop3A_837 = arith.constant 144 : index
        %parallel_loop3A_838 = tpu.vector_load %arg6[%parallel_loop3A_836, %parallel_loop3A_837] {strides = array<i32>} : memref<64x256xf32, #tpu.memory_space<vmem>>, vector<1x16xf32>,
        %parallel_loop3A_839 = vector.shape_cast %parallel_loop3A_838 : vector<1x16xf32> to vector<16xf32>
        %parallel_loop3A_840 = arith.addf %parallel_loop3A_728, %parallel_loop3A_839 : vector<16xf32>
        %parallel_loop3A_841 = arith.constant 3 : i32
        %parallel_loop3A_842 = arith.addi %parallel_loop3A_418, %parallel_loop3A_841 : i32
        %parallel_loop3A_843 = arith.index_cast %parallel_loop3A_842 : i32 to index
        %parallel_loop3A_844 = arith.constant 160 : index
        %parallel_loop3A_845 = tpu.vector_load %arg6[%parallel_loop3A_843, %parallel_loop3A_844] {strides = array<i32>} : memref<64x256xf32, #tpu.memory_space<vmem>>, vector<1x16xf32>,
        %parallel_loop3A_846 = vector.shape_cast %parallel_loop3A_845 : vector<1x16xf32> to vector<16xf32>
        %parallel_loop3A_847 = arith.addf %parallel_loop3A_735, %parallel_loop3A_846 : vector<16xf32>
        %parallel_loop3A_848 = arith.constant 3 : i32
        %parallel_loop3A_849 = arith.addi %parallel_loop3A_418, %parallel_loop3A_848 : i32
        %parallel_loop3A_850 = arith.index_cast %parallel_loop3A_849 : i32 to index
        %parallel_loop3A_851 = arith.constant 176 : index
        %parallel_loop3A_852 = tpu.vector_load %arg6[%parallel_loop3A_850, %parallel_loop3A_851] {strides = array<i32>} : memref<64x256xf32, #tpu.memory_space<vmem>>, vector<1x16xf32>,
        %parallel_loop3A_853 = vector.shape_cast %parallel_loop3A_852 : vector<1x16xf32> to vector<16xf32>
        %parallel_loop3A_854 = arith.addf %parallel_loop3A_742, %parallel_loop3A_853 : vector<16xf32>
        %parallel_loop3A_855 = arith.constant 3 : i32
        %parallel_loop3A_856 = arith.addi %parallel_loop3A_418, %parallel_loop3A_855 : i32
        %parallel_loop3A_857 = arith.index_cast %parallel_loop3A_856 : i32 to index
        %parallel_loop3A_858 = arith.constant 192 : index
        %parallel_loop3A_859 = tpu.vector_load %arg6[%parallel_loop3A_857, %parallel_loop3A_858] {strides = array<i32>} : memref<64x256xf32, #tpu.memory_space<vmem>>, vector<1x16xf32>,
        %parallel_loop3A_860 = vector.shape_cast %parallel_loop3A_859 : vector<1x16xf32> to vector<16xf32>
        %parallel_loop3A_861 = arith.addf %parallel_loop3A_749, %parallel_loop3A_860 : vector<16xf32>
        %parallel_loop3A_862 = arith.constant 3 : i32
        %parallel_loop3A_863 = arith.addi %parallel_loop3A_418, %parallel_loop3A_862 : i32
        %parallel_loop3A_864 = arith.index_cast %parallel_loop3A_863 : i32 to index
        %parallel_loop3A_865 = arith.constant 208 : index
        %parallel_loop3A_866 = tpu.vector_load %arg6[%parallel_loop3A_864, %parallel_loop3A_865] {strides = array<i32>} : memref<64x256xf32, #tpu.memory_space<vmem>>, vector<1x16xf32>,
        %parallel_loop3A_867 = vector.shape_cast %parallel_loop3A_866 : vector<1x16xf32> to vector<16xf32>
        %parallel_loop3A_868 = arith.addf %parallel_loop3A_756, %parallel_loop3A_867 : vector<16xf32>
        %parallel_loop3A_869 = arith.constant 3 : i32
        %parallel_loop3A_870 = arith.addi %parallel_loop3A_418, %parallel_loop3A_869 : i32
        %parallel_loop3A_871 = arith.index_cast %parallel_loop3A_870 : i32 to index
        %parallel_loop3A_872 = arith.constant 224 : index
        %parallel_loop3A_873 = tpu.vector_load %arg6[%parallel_loop3A_871, %parallel_loop3A_872] {strides = array<i32>} : memref<64x256xf32, #tpu.memory_space<vmem>>, vector<1x16xf32>,
        %parallel_loop3A_874 = vector.shape_cast %parallel_loop3A_873 : vector<1x16xf32> to vector<16xf32>
        %parallel_loop3A_875 = arith.addf %parallel_loop3A_763, %parallel_loop3A_874 : vector<16xf32>
        %parallel_loop3A_876 = arith.constant 3 : i32
        %parallel_loop3A_877 = arith.addi %parallel_loop3A_418, %parallel_loop3A_876 : i32
        %parallel_loop3A_878 = arith.index_cast %parallel_loop3A_877 : i32 to index
        %parallel_loop3A_879 = arith.constant 240 : index
        %parallel_loop3A_880 = tpu.vector_load %arg6[%parallel_loop3A_878, %parallel_loop3A_879] {strides = array<i32>} : memref<64x256xf32, #tpu.memory_space<vmem>>, vector<1x16xf32>,
        %parallel_loop3A_881 = vector.shape_cast %parallel_loop3A_880 : vector<1x16xf32> to vector<16xf32>
        %parallel_loop3A_882 = arith.addf %parallel_loop3A_770, %parallel_loop3A_881 : vector<16xf32>
        %parallel_loop3A_883 = arith.constant 4 : i32
        %parallel_loop3A_884 = arith.addi %parallel_loop3A_418, %parallel_loop3A_883 : i32
        %parallel_loop3A_885 = arith.index_cast %parallel_loop3A_884 : i32 to index
        %parallel_loop3A_886 = arith.constant 0 : index
        %parallel_loop3A_887 = tpu.vector_load %arg6[%parallel_loop3A_885, %parallel_loop3A_886] {strides = array<i32>} : memref<64x256xf32, #tpu.memory_space<vmem>>, vector<1x16xf32>,
        %parallel_loop3A_888 = vector.shape_cast %parallel_loop3A_887 : vector<1x16xf32> to vector<16xf32>
        %parallel_loop3A_889 = arith.addf %parallel_loop3A_777, %parallel_loop3A_888 : vector<16xf32>
        %parallel_loop3A_890 = arith.constant 4 : i32
        %parallel_loop3A_891 = arith.addi %parallel_loop3A_418, %parallel_loop3A_890 : i32
        %parallel_loop3A_892 = arith.index_cast %parallel_loop3A_891 : i32 to index
        %parallel_loop3A_893 = arith.constant 16 : index
        %parallel_loop3A_894 = tpu.vector_load %arg6[%parallel_loop3A_892, %parallel_loop3A_893] {strides = array<i32>} : memref<64x256xf32, #tpu.memory_space<vmem>>, vector<1x16xf32>,
        %parallel_loop3A_895 = vector.shape_cast %parallel_loop3A_894 : vector<1x16xf32> to vector<16xf32>
        %parallel_loop3A_896 = arith.addf %parallel_loop3A_784, %parallel_loop3A_895 : vector<16xf32>
        %parallel_loop3A_897 = arith.constant 4 : i32
        %parallel_loop3A_898 = arith.addi %parallel_loop3A_418, %parallel_loop3A_897 : i32
        %parallel_loop3A_899 = arith.index_cast %parallel_loop3A_898 : i32 to index
        %parallel_loop3A_900 = arith.constant 32 : index
        %parallel_loop3A_901 = tpu.vector_load %arg6[%parallel_loop3A_899, %parallel_loop3A_900] {strides = array<i32>} : memref<64x256xf32, #tpu.memory_space<vmem>>, vector<1x16xf32>,
        %parallel_loop3A_902 = vector.shape_cast %parallel_loop3A_901 : vector<1x16xf32> to vector<16xf32>
        %parallel_loop3A_903 = arith.addf %parallel_loop3A_791, %parallel_loop3A_902 : vector<16xf32>
        %parallel_loop3A_904 = arith.constant 4 : i32
        %parallel_loop3A_905 = arith.addi %parallel_loop3A_418, %parallel_loop3A_904 : i32
        %parallel_loop3A_906 = arith.index_cast %parallel_loop3A_905 : i32 to index
        %parallel_loop3A_907 = arith.constant 48 : index
        %parallel_loop3A_908 = tpu.vector_load %arg6[%parallel_loop3A_906, %parallel_loop3A_907] {strides = array<i32>} : memref<64x256xf32, #tpu.memory_space<vmem>>, vector<1x16xf32>,
        %parallel_loop3A_909 = vector.shape_cast %parallel_loop3A_908 : vector<1x16xf32> to vector<16xf32>
        %parallel_loop3A_910 = arith.addf %parallel_loop3A_798, %parallel_loop3A_909 : vector<16xf32>
        %parallel_loop3A_911 = arith.constant 4 : i32
        %parallel_loop3A_912 = arith.addi %parallel_loop3A_418, %parallel_loop3A_911 : i32
        %parallel_loop3A_913 = arith.index_cast %parallel_loop3A_912 : i32 to index
        %parallel_loop3A_914 = arith.constant 64 : index
        %parallel_loop3A_915 = tpu.vector_load %arg6[%parallel_loop3A_913, %parallel_loop3A_914] {strides = array<i32>} : memref<64x256xf32, #tpu.memory_space<vmem>>, vector<1x16xf32>,
        %parallel_loop3A_916 = vector.shape_cast %parallel_loop3A_915 : vector<1x16xf32> to vector<16xf32>
        %parallel_loop3A_917 = arith.addf %parallel_loop3A_805, %parallel_loop3A_916 : vector<16xf32>
        %parallel_loop3A_918 = arith.constant 4 : i32
        %parallel_loop3A_919 = arith.addi %parallel_loop3A_418, %parallel_loop3A_918 : i32
        %parallel_loop3A_920 = arith.index_cast %parallel_loop3A_919 : i32 to index
        %parallel_loop3A_921 = arith.constant 80 : index
        %parallel_loop3A_922 = tpu.vector_load %arg6[%parallel_loop3A_920, %parallel_loop3A_921] {strides = array<i32>} : memref<64x256xf32, #tpu.memory_space<vmem>>, vector<1x16xf32>,
        %parallel_loop3A_923 = vector.shape_cast %parallel_loop3A_922 : vector<1x16xf32> to vector<16xf32>
        %parallel_loop3A_924 = arith.addf %parallel_loop3A_812, %parallel_loop3A_923 : vector<16xf32>
        %parallel_loop3A_925 = arith.constant 4 : i32
        %parallel_loop3A_926 = arith.addi %parallel_loop3A_418, %parallel_loop3A_925 : i32
        %parallel_loop3A_927 = arith.index_cast %parallel_loop3A_926 : i32 to index
        %parallel_loop3A_928 = arith.constant 96 : index
        %parallel_loop3A_929 = tpu.vector_load %arg6[%parallel_loop3A_927, %parallel_loop3A_928] {strides = array<i32>} : memref<64x256xf32, #tpu.memory_space<vmem>>, vector<1x16xf32>,
        %parallel_loop3A_930 = vector.shape_cast %parallel_loop3A_929 : vector<1x16xf32> to vector<16xf32>
        %parallel_loop3A_931 = arith.addf %parallel_loop3A_819, %parallel_loop3A_930 : vector<16xf32>
        %parallel_loop3A_932 = arith.constant 4 : i32
        %parallel_loop3A_933 = arith.addi %parallel_loop3A_418, %parallel_loop3A_932 : i32
        %parallel_loop3A_934 = arith.index_cast %parallel_loop3A_933 : i32 to index
        %parallel_loop3A_935 = arith.constant 112 : index
        %parallel_loop3A_936 = tpu.vector_load %arg6[%parallel_loop3A_934, %parallel_loop3A_935] {strides = array<i32>} : memref<64x256xf32, #tpu.memory_space<vmem>>, vector<1x16xf32>,
        %parallel_loop3A_937 = vector.shape_cast %parallel_loop3A_936 : vector<1x16xf32> to vector<16xf32>
        %parallel_loop3A_938 = arith.addf %parallel_loop3A_826, %parallel_loop3A_937 : vector<16xf32>
        %parallel_loop3A_939 = arith.constant 4 : i32
        %parallel_loop3A_940 = arith.addi %parallel_loop3A_418, %parallel_loop3A_939 : i32
        %parallel_loop3A_941 = arith.index_cast %parallel_loop3A_940 : i32 to index
        %parallel_loop3A_942 = arith.constant 128 : index
        %parallel_loop3A_943 = tpu.vector_load %arg6[%parallel_loop3A_941, %parallel_loop3A_942] {strides = array<i32>} : memref<64x256xf32, #tpu.memory_space<vmem>>, vector<1x16xf32>,
        %parallel_loop3A_944 = vector.shape_cast %parallel_loop3A_943 : vector<1x16xf32> to vector<16xf32>
        %parallel_loop3A_945 = arith.addf %parallel_loop3A_833, %parallel_loop3A_944 : vector<16xf32>
        %parallel_loop3A_946 = arith.constant 4 : i32
        %parallel_loop3A_947 = arith.addi %parallel_loop3A_418, %parallel_loop3A_946 : i32
        %parallel_loop3A_948 = arith.index_cast %parallel_loop3A_947 : i32 to index
        %parallel_loop3A_949 = arith.constant 144 : index
        %parallel_loop3A_950 = tpu.vector_load %arg6[%parallel_loop3A_948, %parallel_loop3A_949] {strides = array<i32>} : memref<64x256xf32, #tpu.memory_space<vmem>>, vector<1x16xf32>,
        %parallel_loop3A_951 = vector.shape_cast %parallel_loop3A_950 : vector<1x16xf32> to vector<16xf32>
        %parallel_loop3A_952 = arith.addf %parallel_loop3A_840, %parallel_loop3A_951 : vector<16xf32>
        %parallel_loop3A_953 = arith.constant 4 : i32
        %parallel_loop3A_954 = arith.addi %parallel_loop3A_418, %parallel_loop3A_953 : i32
        %parallel_loop3A_955 = arith.index_cast %parallel_loop3A_954 : i32 to index
        %parallel_loop3A_956 = arith.constant 160 : index
        %parallel_loop3A_957 = tpu.vector_load %arg6[%parallel_loop3A_955, %parallel_loop3A_956] {strides = array<i32>} : memref<64x256xf32, #tpu.memory_space<vmem>>, vector<1x16xf32>,
        %parallel_loop3A_958 = vector.shape_cast %parallel_loop3A_957 : vector<1x16xf32> to vector<16xf32>
        %parallel_loop3A_959 = arith.addf %parallel_loop3A_847, %parallel_loop3A_958 : vector<16xf32>
        %parallel_loop3A_960 = arith.constant 4 : i32
        %parallel_loop3A_961 = arith.addi %parallel_loop3A_418, %parallel_loop3A_960 : i32
        %parallel_loop3A_962 = arith.index_cast %parallel_loop3A_961 : i32 to index
        %parallel_loop3A_963 = arith.constant 176 : index
        %parallel_loop3A_964 = tpu.vector_load %arg6[%parallel_loop3A_962, %parallel_loop3A_963] {strides = array<i32>} : memref<64x256xf32, #tpu.memory_space<vmem>>, vector<1x16xf32>,
        %parallel_loop3A_965 = vector.shape_cast %parallel_loop3A_964 : vector<1x16xf32> to vector<16xf32>
        %parallel_loop3A_966 = arith.addf %parallel_loop3A_854, %parallel_loop3A_965 : vector<16xf32>
        %parallel_loop3A_967 = arith.constant 4 : i32
        %parallel_loop3A_968 = arith.addi %parallel_loop3A_418, %parallel_loop3A_967 : i32
        %parallel_loop3A_969 = arith.index_cast %parallel_loop3A_968 : i32 to index
        %parallel_loop3A_970 = arith.constant 192 : index
        %parallel_loop3A_971 = tpu.vector_load %arg6[%parallel_loop3A_969, %parallel_loop3A_970] {strides = array<i32>} : memref<64x256xf32, #tpu.memory_space<vmem>>, vector<1x16xf32>,
        %parallel_loop3A_972 = vector.shape_cast %parallel_loop3A_971 : vector<1x16xf32> to vector<16xf32>
        %parallel_loop3A_973 = arith.addf %parallel_loop3A_861, %parallel_loop3A_972 : vector<16xf32>
        %parallel_loop3A_974 = arith.constant 4 : i32
        %parallel_loop3A_975 = arith.addi %parallel_loop3A_418, %parallel_loop3A_974 : i32
        %parallel_loop3A_976 = arith.index_cast %parallel_loop3A_975 : i32 to index
        %parallel_loop3A_977 = arith.constant 208 : index
        %parallel_loop3A_978 = tpu.vector_load %arg6[%parallel_loop3A_976, %parallel_loop3A_977] {strides = array<i32>} : memref<64x256xf32, #tpu.memory_space<vmem>>, vector<1x16xf32>,
        %parallel_loop3A_979 = vector.shape_cast %parallel_loop3A_978 : vector<1x16xf32> to vector<16xf32>
        %parallel_loop3A_980 = arith.addf %parallel_loop3A_868, %parallel_loop3A_979 : vector<16xf32>
        %parallel_loop3A_981 = arith.constant 4 : i32
        %parallel_loop3A_982 = arith.addi %parallel_loop3A_418, %parallel_loop3A_981 : i32
        %parallel_loop3A_983 = arith.index_cast %parallel_loop3A_982 : i32 to index
        %parallel_loop3A_984 = arith.constant 224 : index
        %parallel_loop3A_985 = tpu.vector_load %arg6[%parallel_loop3A_983, %parallel_loop3A_984] {strides = array<i32>} : memref<64x256xf32, #tpu.memory_space<vmem>>, vector<1x16xf32>,
        %parallel_loop3A_986 = vector.shape_cast %parallel_loop3A_985 : vector<1x16xf32> to vector<16xf32>
        %parallel_loop3A_987 = arith.addf %parallel_loop3A_875, %parallel_loop3A_986 : vector<16xf32>
        %parallel_loop3A_988 = arith.constant 4 : i32
        %parallel_loop3A_989 = arith.addi %parallel_loop3A_418, %parallel_loop3A_988 : i32
        %parallel_loop3A_990 = arith.index_cast %parallel_loop3A_989 : i32 to index
        %parallel_loop3A_991 = arith.constant 240 : index
        %parallel_loop3A_992 = tpu.vector_load %arg6[%parallel_loop3A_990, %parallel_loop3A_991] {strides = array<i32>} : memref<64x256xf32, #tpu.memory_space<vmem>>, vector<1x16xf32>,
        %parallel_loop3A_993 = vector.shape_cast %parallel_loop3A_992 : vector<1x16xf32> to vector<16xf32>
        %parallel_loop3A_994 = arith.addf %parallel_loop3A_882, %parallel_loop3A_993 : vector<16xf32>
        %parallel_loop3A_995 = arith.constant 5 : i32
        %parallel_loop3A_996 = arith.addi %parallel_loop3A_418, %parallel_loop3A_995 : i32
        %parallel_loop3A_997 = arith.index_cast %parallel_loop3A_996 : i32 to index
        %parallel_loop3A_998 = arith.constant 0 : index
        %parallel_loop3A_999 = tpu.vector_load %arg6[%parallel_loop3A_997, %parallel_loop3A_998] {strides = array<i32>} : memref<64x256xf32, #tpu.memory_space<vmem>>, vector<1x16xf32>,
        %parallel_loop3A_1000 = vector.shape_cast %parallel_loop3A_999 : vector<1x16xf32> to vector<16xf32>
        %parallel_loop3A_1001 = arith.addf %parallel_loop3A_889, %parallel_loop3A_1000 : vector<16xf32>
        %parallel_loop3A_1002 = arith.constant 5 : i32
        %parallel_loop3A_1003 = arith.addi %parallel_loop3A_418, %parallel_loop3A_1002 : i32
        %parallel_loop3A_1004 = arith.index_cast %parallel_loop3A_1003 : i32 to index
        %parallel_loop3A_1005 = arith.constant 16 : index
        %parallel_loop3A_1006 = tpu.vector_load %arg6[%parallel_loop3A_1004, %parallel_loop3A_1005] {strides = array<i32>} : memref<64x256xf32, #tpu.memory_space<vmem>>, vector<1x16xf32>,
        %parallel_loop3A_1007 = vector.shape_cast %parallel_loop3A_1006 : vector<1x16xf32> to vector<16xf32>
        %parallel_loop3A_1008 = arith.addf %parallel_loop3A_896, %parallel_loop3A_1007 : vector<16xf32>
        %parallel_loop3A_1009 = arith.constant 5 : i32
        %parallel_loop3A_1010 = arith.addi %parallel_loop3A_418, %parallel_loop3A_1009 : i32
        %parallel_loop3A_1011 = arith.index_cast %parallel_loop3A_1010 : i32 to index
        %parallel_loop3A_1012 = arith.constant 32 : index
        %parallel_loop3A_1013 = tpu.vector_load %arg6[%parallel_loop3A_1011, %parallel_loop3A_1012] {strides = array<i32>} : memref<64x256xf32, #tpu.memory_space<vmem>>, vector<1x16xf32>,
        %parallel_loop3A_1014 = vector.shape_cast %parallel_loop3A_1013 : vector<1x16xf32> to vector<16xf32>
        %parallel_loop3A_1015 = arith.addf %parallel_loop3A_903, %parallel_loop3A_1014 : vector<16xf32>
        %parallel_loop3A_1016 = arith.constant 5 : i32
        %parallel_loop3A_1017 = arith.addi %parallel_loop3A_418, %parallel_loop3A_1016 : i32
        %parallel_loop3A_1018 = arith.index_cast %parallel_loop3A_1017 : i32 to index
        %parallel_loop3A_1019 = arith.constant 48 : index
        %parallel_loop3A_1020 = tpu.vector_load %arg6[%parallel_loop3A_1018, %parallel_loop3A_1019] {strides = array<i32>} : memref<64x256xf32, #tpu.memory_space<vmem>>, vector<1x16xf32>,
        %parallel_loop3A_1021 = vector.shape_cast %parallel_loop3A_1020 : vector<1x16xf32> to vector<16xf32>
        %parallel_loop3A_1022 = arith.addf %parallel_loop3A_910, %parallel_loop3A_1021 : vector<16xf32>
        %parallel_loop3A_1023 = arith.constant 5 : i32
        %parallel_loop3A_1024 = arith.addi %parallel_loop3A_418, %parallel_loop3A_1023 : i32
        %parallel_loop3A_1025 = arith.index_cast %parallel_loop3A_1024 : i32 to index
        %parallel_loop3A_1026 = arith.constant 64 : index
        %parallel_loop3A_1027 = tpu.vector_load %arg6[%parallel_loop3A_1025, %parallel_loop3A_1026] {strides = array<i32>} : memref<64x256xf32, #tpu.memory_space<vmem>>, vector<1x16xf32>,
        %parallel_loop3A_1028 = vector.shape_cast %parallel_loop3A_1027 : vector<1x16xf32> to vector<16xf32>
        %parallel_loop3A_1029 = arith.addf %parallel_loop3A_917, %parallel_loop3A_1028 : vector<16xf32>
        %parallel_loop3A_1030 = arith.constant 5 : i32
        %parallel_loop3A_1031 = arith.addi %parallel_loop3A_418, %parallel_loop3A_1030 : i32
        %parallel_loop3A_1032 = arith.index_cast %parallel_loop3A_1031 : i32 to index
        %parallel_loop3A_1033 = arith.constant 80 : index
        %parallel_loop3A_1034 = tpu.vector_load %arg6[%parallel_loop3A_1032, %parallel_loop3A_1033] {strides = array<i32>} : memref<64x256xf32, #tpu.memory_space<vmem>>, vector<1x16xf32>,
        %parallel_loop3A_1035 = vector.shape_cast %parallel_loop3A_1034 : vector<1x16xf32> to vector<16xf32>
        %parallel_loop3A_1036 = arith.addf %parallel_loop3A_924, %parallel_loop3A_1035 : vector<16xf32>
        %parallel_loop3A_1037 = arith.constant 5 : i32
        %parallel_loop3A_1038 = arith.addi %parallel_loop3A_418, %parallel_loop3A_1037 : i32
        %parallel_loop3A_1039 = arith.index_cast %parallel_loop3A_1038 : i32 to index
        %parallel_loop3A_1040 = arith.constant 96 : index
        %parallel_loop3A_1041 = tpu.vector_load %arg6[%parallel_loop3A_1039, %parallel_loop3A_1040] {strides = array<i32>} : memref<64x256xf32, #tpu.memory_space<vmem>>, vector<1x16xf32>,
        %parallel_loop3A_1042 = vector.shape_cast %parallel_loop3A_1041 : vector<1x16xf32> to vector<16xf32>
        %parallel_loop3A_1043 = arith.addf %parallel_loop3A_931, %parallel_loop3A_1042 : vector<16xf32>
        %parallel_loop3A_1044 = arith.constant 5 : i32
        %parallel_loop3A_1045 = arith.addi %parallel_loop3A_418, %parallel_loop3A_1044 : i32
        %parallel_loop3A_1046 = arith.index_cast %parallel_loop3A_1045 : i32 to index
        %parallel_loop3A_1047 = arith.constant 112 : index
        %parallel_loop3A_1048 = tpu.vector_load %arg6[%parallel_loop3A_1046, %parallel_loop3A_1047] {strides = array<i32>} : memref<64x256xf32, #tpu.memory_space<vmem>>, vector<1x16xf32>,
        %parallel_loop3A_1049 = vector.shape_cast %parallel_loop3A_1048 : vector<1x16xf32> to vector<16xf32>
        %parallel_loop3A_1050 = arith.addf %parallel_loop3A_938, %parallel_loop3A_1049 : vector<16xf32>
        %parallel_loop3A_1051 = arith.constant 5 : i32
        %parallel_loop3A_1052 = arith.addi %parallel_loop3A_418, %parallel_loop3A_1051 : i32
        %parallel_loop3A_1053 = arith.index_cast %parallel_loop3A_1052 : i32 to index
        %parallel_loop3A_1054 = arith.constant 128 : index
        %parallel_loop3A_1055 = tpu.vector_load %arg6[%parallel_loop3A_1053, %parallel_loop3A_1054] {strides = array<i32>} : memref<64x256xf32, #tpu.memory_space<vmem>>, vector<1x16xf32>,
        %parallel_loop3A_1056 = vector.shape_cast %parallel_loop3A_1055 : vector<1x16xf32> to vector<16xf32>
        %parallel_loop3A_1057 = arith.addf %parallel_loop3A_945, %parallel_loop3A_1056 : vector<16xf32>
        %parallel_loop3A_1058 = arith.constant 5 : i32
        %parallel_loop3A_1059 = arith.addi %parallel_loop3A_418, %parallel_loop3A_1058 : i32
        %parallel_loop3A_1060 = arith.index_cast %parallel_loop3A_1059 : i32 to index
        %parallel_loop3A_1061 = arith.constant 144 : index
        %parallel_loop3A_1062 = tpu.vector_load %arg6[%parallel_loop3A_1060, %parallel_loop3A_1061] {strides = array<i32>} : memref<64x256xf32, #tpu.memory_space<vmem>>, vector<1x16xf32>,
        %parallel_loop3A_1063 = vector.shape_cast %parallel_loop3A_1062 : vector<1x16xf32> to vector<16xf32>
        %parallel_loop3A_1064 = arith.addf %parallel_loop3A_952, %parallel_loop3A_1063 : vector<16xf32>
        %parallel_loop3A_1065 = arith.constant 5 : i32
        %parallel_loop3A_1066 = arith.addi %parallel_loop3A_418, %parallel_loop3A_1065 : i32
        %parallel_loop3A_1067 = arith.index_cast %parallel_loop3A_1066 : i32 to index
        %parallel_loop3A_1068 = arith.constant 160 : index
        %parallel_loop3A_1069 = tpu.vector_load %arg6[%parallel_loop3A_1067, %parallel_loop3A_1068] {strides = array<i32>} : memref<64x256xf32, #tpu.memory_space<vmem>>, vector<1x16xf32>,
        %parallel_loop3A_1070 = vector.shape_cast %parallel_loop3A_1069 : vector<1x16xf32> to vector<16xf32>
        %parallel_loop3A_1071 = arith.addf %parallel_loop3A_959, %parallel_loop3A_1070 : vector<16xf32>
        %parallel_loop3A_1072 = arith.constant 5 : i32
        %parallel_loop3A_1073 = arith.addi %parallel_loop3A_418, %parallel_loop3A_1072 : i32
        %parallel_loop3A_1074 = arith.index_cast %parallel_loop3A_1073 : i32 to index
        %parallel_loop3A_1075 = arith.constant 176 : index
        %parallel_loop3A_1076 = tpu.vector_load %arg6[%parallel_loop3A_1074, %parallel_loop3A_1075] {strides = array<i32>} : memref<64x256xf32, #tpu.memory_space<vmem>>, vector<1x16xf32>,
        %parallel_loop3A_1077 = vector.shape_cast %parallel_loop3A_1076 : vector<1x16xf32> to vector<16xf32>
        %parallel_loop3A_1078 = arith.addf %parallel_loop3A_966, %parallel_loop3A_1077 : vector<16xf32>
        %parallel_loop3A_1079 = arith.constant 5 : i32
        %parallel_loop3A_1080 = arith.addi %parallel_loop3A_418, %parallel_loop3A_1079 : i32
        %parallel_loop3A_1081 = arith.index_cast %parallel_loop3A_1080 : i32 to index
        %parallel_loop3A_1082 = arith.constant 192 : index
        %parallel_loop3A_1083 = tpu.vector_load %arg6[%parallel_loop3A_1081, %parallel_loop3A_1082] {strides = array<i32>} : memref<64x256xf32, #tpu.memory_space<vmem>>, vector<1x16xf32>,
        %parallel_loop3A_1084 = vector.shape_cast %parallel_loop3A_1083 : vector<1x16xf32> to vector<16xf32>
        %parallel_loop3A_1085 = arith.addf %parallel_loop3A_973, %parallel_loop3A_1084 : vector<16xf32>
        %parallel_loop3A_1086 = arith.constant 5 : i32
        %parallel_loop3A_1087 = arith.addi %parallel_loop3A_418, %parallel_loop3A_1086 : i32
        %parallel_loop3A_1088 = arith.index_cast %parallel_loop3A_1087 : i32 to index
        %parallel_loop3A_1089 = arith.constant 208 : index
        %parallel_loop3A_1090 = tpu.vector_load %arg6[%parallel_loop3A_1088, %parallel_loop3A_1089] {strides = array<i32>} : memref<64x256xf32, #tpu.memory_space<vmem>>, vector<1x16xf32>,
        %parallel_loop3A_1091 = vector.shape_cast %parallel_loop3A_1090 : vector<1x16xf32> to vector<16xf32>
        %parallel_loop3A_1092 = arith.addf %parallel_loop3A_980, %parallel_loop3A_1091 : vector<16xf32>
        %parallel_loop3A_1093 = arith.constant 5 : i32
        %parallel_loop3A_1094 = arith.addi %parallel_loop3A_418, %parallel_loop3A_1093 : i32
        %parallel_loop3A_1095 = arith.index_cast %parallel_loop3A_1094 : i32 to index
        %parallel_loop3A_1096 = arith.constant 224 : index
        %parallel_loop3A_1097 = tpu.vector_load %arg6[%parallel_loop3A_1095, %parallel_loop3A_1096] {strides = array<i32>} : memref<64x256xf32, #tpu.memory_space<vmem>>, vector<1x16xf32>,
        %parallel_loop3A_1098 = vector.shape_cast %parallel_loop3A_1097 : vector<1x16xf32> to vector<16xf32>
        %parallel_loop3A_1099 = arith.addf %parallel_loop3A_987, %parallel_loop3A_1098 : vector<16xf32>
        %parallel_loop3A_1100 = arith.constant 5 : i32
        %parallel_loop3A_1101 = arith.addi %parallel_loop3A_418, %parallel_loop3A_1100 : i32
        %parallel_loop3A_1102 = arith.index_cast %parallel_loop3A_1101 : i32 to index
        %parallel_loop3A_1103 = arith.constant 240 : index
        %parallel_loop3A_1104 = tpu.vector_load %arg6[%parallel_loop3A_1102, %parallel_loop3A_1103] {strides = array<i32>} : memref<64x256xf32, #tpu.memory_space<vmem>>, vector<1x16xf32>,
        %parallel_loop3A_1105 = vector.shape_cast %parallel_loop3A_1104 : vector<1x16xf32> to vector<16xf32>
        %parallel_loop3A_1106 = arith.addf %parallel_loop3A_994, %parallel_loop3A_1105 : vector<16xf32>
        %parallel_loop3A_1107 = arith.constant 6 : i32
        %parallel_loop3A_1108 = arith.addi %parallel_loop3A_418, %parallel_loop3A_1107 : i32
        %parallel_loop3A_1109 = arith.index_cast %parallel_loop3A_1108 : i32 to index
        %parallel_loop3A_1110 = arith.constant 0 : index
        %parallel_loop3A_1111 = tpu.vector_load %arg6[%parallel_loop3A_1109, %parallel_loop3A_1110] {strides = array<i32>} : memref<64x256xf32, #tpu.memory_space<vmem>>, vector<1x16xf32>,
        %parallel_loop3A_1112 = vector.shape_cast %parallel_loop3A_1111 : vector<1x16xf32> to vector<16xf32>
        %parallel_loop3A_1113 = arith.addf %parallel_loop3A_1001, %parallel_loop3A_1112 : vector<16xf32>
        %parallel_loop3A_1114 = arith.constant 6 : i32
        %parallel_loop3A_1115 = arith.addi %parallel_loop3A_418, %parallel_loop3A_1114 : i32
        %parallel_loop3A_1116 = arith.index_cast %parallel_loop3A_1115 : i32 to index
        %parallel_loop3A_1117 = arith.constant 16 : index
        %parallel_loop3A_1118 = tpu.vector_load %arg6[%parallel_loop3A_1116, %parallel_loop3A_1117] {strides = array<i32>} : memref<64x256xf32, #tpu.memory_space<vmem>>, vector<1x16xf32>,
        %parallel_loop3A_1119 = vector.shape_cast %parallel_loop3A_1118 : vector<1x16xf32> to vector<16xf32>
        %parallel_loop3A_1120 = arith.addf %parallel_loop3A_1008, %parallel_loop3A_1119 : vector<16xf32>
        %parallel_loop3A_1121 = arith.constant 6 : i32
        %parallel_loop3A_1122 = arith.addi %parallel_loop3A_418, %parallel_loop3A_1121 : i32
        %parallel_loop3A_1123 = arith.index_cast %parallel_loop3A_1122 : i32 to index
        %parallel_loop3A_1124 = arith.constant 32 : index
        %parallel_loop3A_1125 = tpu.vector_load %arg6[%parallel_loop3A_1123, %parallel_loop3A_1124] {strides = array<i32>} : memref<64x256xf32, #tpu.memory_space<vmem>>, vector<1x16xf32>,
        %parallel_loop3A_1126 = vector.shape_cast %parallel_loop3A_1125 : vector<1x16xf32> to vector<16xf32>
        %parallel_loop3A_1127 = arith.addf %parallel_loop3A_1015, %parallel_loop3A_1126 : vector<16xf32>
        %parallel_loop3A_1128 = arith.constant 6 : i32
        %parallel_loop3A_1129 = arith.addi %parallel_loop3A_418, %parallel_loop3A_1128 : i32
        %parallel_loop3A_1130 = arith.index_cast %parallel_loop3A_1129 : i32 to index
        %parallel_loop3A_1131 = arith.constant 48 : index
        %parallel_loop3A_1132 = tpu.vector_load %arg6[%parallel_loop3A_1130, %parallel_loop3A_1131] {strides = array<i32>} : memref<64x256xf32, #tpu.memory_space<vmem>>, vector<1x16xf32>,
        %parallel_loop3A_1133 = vector.shape_cast %parallel_loop3A_1132 : vector<1x16xf32> to vector<16xf32>
        %parallel_loop3A_1134 = arith.addf %parallel_loop3A_1022, %parallel_loop3A_1133 : vector<16xf32>
        %parallel_loop3A_1135 = arith.constant 6 : i32
        %parallel_loop3A_1136 = arith.addi %parallel_loop3A_418, %parallel_loop3A_1135 : i32
        %parallel_loop3A_1137 = arith.index_cast %parallel_loop3A_1136 : i32 to index
        %parallel_loop3A_1138 = arith.constant 64 : index
        %parallel_loop3A_1139 = tpu.vector_load %arg6[%parallel_loop3A_1137, %parallel_loop3A_1138] {strides = array<i32>} : memref<64x256xf32, #tpu.memory_space<vmem>>, vector<1x16xf32>,
        %parallel_loop3A_1140 = vector.shape_cast %parallel_loop3A_1139 : vector<1x16xf32> to vector<16xf32>
        %parallel_loop3A_1141 = arith.addf %parallel_loop3A_1029, %parallel_loop3A_1140 : vector<16xf32>
        %parallel_loop3A_1142 = arith.constant 6 : i32
        %parallel_loop3A_1143 = arith.addi %parallel_loop3A_418, %parallel_loop3A_1142 : i32
        %parallel_loop3A_1144 = arith.index_cast %parallel_loop3A_1143 : i32 to index
        %parallel_loop3A_1145 = arith.constant 80 : index
        %parallel_loop3A_1146 = tpu.vector_load %arg6[%parallel_loop3A_1144, %parallel_loop3A_1145] {strides = array<i32>} : memref<64x256xf32, #tpu.memory_space<vmem>>, vector<1x16xf32>,
        %parallel_loop3A_1147 = vector.shape_cast %parallel_loop3A_1146 : vector<1x16xf32> to vector<16xf32>
        %parallel_loop3A_1148 = arith.addf %parallel_loop3A_1036, %parallel_loop3A_1147 : vector<16xf32>
        %parallel_loop3A_1149 = arith.constant 6 : i32
        %parallel_loop3A_1150 = arith.addi %parallel_loop3A_418, %parallel_loop3A_1149 : i32
        %parallel_loop3A_1151 = arith.index_cast %parallel_loop3A_1150 : i32 to index
        %parallel_loop3A_1152 = arith.constant 96 : index
        %parallel_loop3A_1153 = tpu.vector_load %arg6[%parallel_loop3A_1151, %parallel_loop3A_1152] {strides = array<i32>} : memref<64x256xf32, #tpu.memory_space<vmem>>, vector<1x16xf32>,
        %parallel_loop3A_1154 = vector.shape_cast %parallel_loop3A_1153 : vector<1x16xf32> to vector<16xf32>
        %parallel_loop3A_1155 = arith.addf %parallel_loop3A_1043, %parallel_loop3A_1154 : vector<16xf32>
        %parallel_loop3A_1156 = arith.constant 6 : i32
        %parallel_loop3A_1157 = arith.addi %parallel_loop3A_418, %parallel_loop3A_1156 : i32
        %parallel_loop3A_1158 = arith.index_cast %parallel_loop3A_1157 : i32 to index
        %parallel_loop3A_1159 = arith.constant 112 : index
        %parallel_loop3A_1160 = tpu.vector_load %arg6[%parallel_loop3A_1158, %parallel_loop3A_1159] {strides = array<i32>} : memref<64x256xf32, #tpu.memory_space<vmem>>, vector<1x16xf32>,
        %parallel_loop3A_1161 = vector.shape_cast %parallel_loop3A_1160 : vector<1x16xf32> to vector<16xf32>
        %parallel_loop3A_1162 = arith.addf %parallel_loop3A_1050, %parallel_loop3A_1161 : vector<16xf32>
        %parallel_loop3A_1163 = arith.constant 6 : i32
        %parallel_loop3A_1164 = arith.addi %parallel_loop3A_418, %parallel_loop3A_1163 : i32
        %parallel_loop3A_1165 = arith.index_cast %parallel_loop3A_1164 : i32 to index
        %parallel_loop3A_1166 = arith.constant 128 : index
        %parallel_loop3A_1167 = tpu.vector_load %arg6[%parallel_loop3A_1165, %parallel_loop3A_1166] {strides = array<i32>} : memref<64x256xf32, #tpu.memory_space<vmem>>, vector<1x16xf32>,
        %parallel_loop3A_1168 = vector.shape_cast %parallel_loop3A_1167 : vector<1x16xf32> to vector<16xf32>
        %parallel_loop3A_1169 = arith.addf %parallel_loop3A_1057, %parallel_loop3A_1168 : vector<16xf32>
        %parallel_loop3A_1170 = arith.constant 6 : i32
        %parallel_loop3A_1171 = arith.addi %parallel_loop3A_418, %parallel_loop3A_1170 : i32
        %parallel_loop3A_1172 = arith.index_cast %parallel_loop3A_1171 : i32 to index
        %parallel_loop3A_1173 = arith.constant 144 : index
        %parallel_loop3A_1174 = tpu.vector_load %arg6[%parallel_loop3A_1172, %parallel_loop3A_1173] {strides = array<i32>} : memref<64x256xf32, #tpu.memory_space<vmem>>, vector<1x16xf32>,
        %parallel_loop3A_1175 = vector.shape_cast %parallel_loop3A_1174 : vector<1x16xf32> to vector<16xf32>
        %parallel_loop3A_1176 = arith.addf %parallel_loop3A_1064, %parallel_loop3A_1175 : vector<16xf32>
        %parallel_loop3A_1177 = arith.constant 6 : i32
        %parallel_loop3A_1178 = arith.addi %parallel_loop3A_418, %parallel_loop3A_1177 : i32
        %parallel_loop3A_1179 = arith.index_cast %parallel_loop3A_1178 : i32 to index
        %parallel_loop3A_1180 = arith.constant 160 : index
        %parallel_loop3A_1181 = tpu.vector_load %arg6[%parallel_loop3A_1179, %parallel_loop3A_1180] {strides = array<i32>} : memref<64x256xf32, #tpu.memory_space<vmem>>, vector<1x16xf32>,
        %parallel_loop3A_1182 = vector.shape_cast %parallel_loop3A_1181 : vector<1x16xf32> to vector<16xf32>
        %parallel_loop3A_1183 = arith.addf %parallel_loop3A_1071, %parallel_loop3A_1182 : vector<16xf32>
        %parallel_loop3A_1184 = arith.constant 6 : i32
        %parallel_loop3A_1185 = arith.addi %parallel_loop3A_418, %parallel_loop3A_1184 : i32
        %parallel_loop3A_1186 = arith.index_cast %parallel_loop3A_1185 : i32 to index
        %parallel_loop3A_1187 = arith.constant 176 : index
        %parallel_loop3A_1188 = tpu.vector_load %arg6[%parallel_loop3A_1186, %parallel_loop3A_1187] {strides = array<i32>} : memref<64x256xf32, #tpu.memory_space<vmem>>, vector<1x16xf32>,
        %parallel_loop3A_1189 = vector.shape_cast %parallel_loop3A_1188 : vector<1x16xf32> to vector<16xf32>
        %parallel_loop3A_1190 = arith.addf %parallel_loop3A_1078, %parallel_loop3A_1189 : vector<16xf32>
        %parallel_loop3A_1191 = arith.constant 6 : i32
        %parallel_loop3A_1192 = arith.addi %parallel_loop3A_418, %parallel_loop3A_1191 : i32
        %parallel_loop3A_1193 = arith.index_cast %parallel_loop3A_1192 : i32 to index
        %parallel_loop3A_1194 = arith.constant 192 : index
        %parallel_loop3A_1195 = tpu.vector_load %arg6[%parallel_loop3A_1193, %parallel_loop3A_1194] {strides = array<i32>} : memref<64x256xf32, #tpu.memory_space<vmem>>, vector<1x16xf32>,
        %parallel_loop3A_1196 = vector.shape_cast %parallel_loop3A_1195 : vector<1x16xf32> to vector<16xf32>
        %parallel_loop3A_1197 = arith.addf %parallel_loop3A_1085, %parallel_loop3A_1196 : vector<16xf32>
        %parallel_loop3A_1198 = arith.constant 6 : i32
        %parallel_loop3A_1199 = arith.addi %parallel_loop3A_418, %parallel_loop3A_1198 : i32
        %parallel_loop3A_1200 = arith.index_cast %parallel_loop3A_1199 : i32 to index
        %parallel_loop3A_1201 = arith.constant 208 : index
        %parallel_loop3A_1202 = tpu.vector_load %arg6[%parallel_loop3A_1200, %parallel_loop3A_1201] {strides = array<i32>} : memref<64x256xf32, #tpu.memory_space<vmem>>, vector<1x16xf32>,
        %parallel_loop3A_1203 = vector.shape_cast %parallel_loop3A_1202 : vector<1x16xf32> to vector<16xf32>
        %parallel_loop3A_1204 = arith.addf %parallel_loop3A_1092, %parallel_loop3A_1203 : vector<16xf32>
        %parallel_loop3A_1205 = arith.constant 6 : i32
        %parallel_loop3A_1206 = arith.addi %parallel_loop3A_418, %parallel_loop3A_1205 : i32
        %parallel_loop3A_1207 = arith.index_cast %parallel_loop3A_1206 : i32 to index
        %parallel_loop3A_1208 = arith.constant 224 : index
        %parallel_loop3A_1209 = tpu.vector_load %arg6[%parallel_loop3A_1207, %parallel_loop3A_1208] {strides = array<i32>} : memref<64x256xf32, #tpu.memory_space<vmem>>, vector<1x16xf32>,
        %parallel_loop3A_1210 = vector.shape_cast %parallel_loop3A_1209 : vector<1x16xf32> to vector<16xf32>
        %parallel_loop3A_1211 = arith.addf %parallel_loop3A_1099, %parallel_loop3A_1210 : vector<16xf32>
        %parallel_loop3A_1212 = arith.constant 6 : i32
        %parallel_loop3A_1213 = arith.addi %parallel_loop3A_418, %parallel_loop3A_1212 : i32
        %parallel_loop3A_1214 = arith.index_cast %parallel_loop3A_1213 : i32 to index
        %parallel_loop3A_1215 = arith.constant 240 : index
        %parallel_loop3A_1216 = tpu.vector_load %arg6[%parallel_loop3A_1214, %parallel_loop3A_1215] {strides = array<i32>} : memref<64x256xf32, #tpu.memory_space<vmem>>, vector<1x16xf32>,
        %parallel_loop3A_1217 = vector.shape_cast %parallel_loop3A_1216 : vector<1x16xf32> to vector<16xf32>
        %parallel_loop3A_1218 = arith.addf %parallel_loop3A_1106, %parallel_loop3A_1217 : vector<16xf32>
        %parallel_loop3A_1219 = arith.constant 7 : i32
        %parallel_loop3A_1220 = arith.addi %parallel_loop3A_418, %parallel_loop3A_1219 : i32
        %parallel_loop3A_1221 = arith.index_cast %parallel_loop3A_1220 : i32 to index
        %parallel_loop3A_1222 = arith.constant 0 : index
        %parallel_loop3A_1223 = tpu.vector_load %arg6[%parallel_loop3A_1221, %parallel_loop3A_1222] {strides = array<i32>} : memref<64x256xf32, #tpu.memory_space<vmem>>, vector<1x16xf32>,
        %parallel_loop3A_1224 = vector.shape_cast %parallel_loop3A_1223 : vector<1x16xf32> to vector<16xf32>
        %parallel_loop3A_1225 = arith.addf %parallel_loop3A_1113, %parallel_loop3A_1224 : vector<16xf32>
        %parallel_loop3A_1226 = arith.constant 7 : i32
        %parallel_loop3A_1227 = arith.addi %parallel_loop3A_418, %parallel_loop3A_1226 : i32
        %parallel_loop3A_1228 = arith.index_cast %parallel_loop3A_1227 : i32 to index
        %parallel_loop3A_1229 = arith.constant 16 : index
        %parallel_loop3A_1230 = tpu.vector_load %arg6[%parallel_loop3A_1228, %parallel_loop3A_1229] {strides = array<i32>} : memref<64x256xf32, #tpu.memory_space<vmem>>, vector<1x16xf32>,
        %parallel_loop3A_1231 = vector.shape_cast %parallel_loop3A_1230 : vector<1x16xf32> to vector<16xf32>
        %parallel_loop3A_1232 = arith.addf %parallel_loop3A_1120, %parallel_loop3A_1231 : vector<16xf32>
        %parallel_loop3A_1233 = arith.constant 7 : i32
        %parallel_loop3A_1234 = arith.addi %parallel_loop3A_418, %parallel_loop3A_1233 : i32
        %parallel_loop3A_1235 = arith.index_cast %parallel_loop3A_1234 : i32 to index
        %parallel_loop3A_1236 = arith.constant 32 : index
        %parallel_loop3A_1237 = tpu.vector_load %arg6[%parallel_loop3A_1235, %parallel_loop3A_1236] {strides = array<i32>} : memref<64x256xf32, #tpu.memory_space<vmem>>, vector<1x16xf32>,
        %parallel_loop3A_1238 = vector.shape_cast %parallel_loop3A_1237 : vector<1x16xf32> to vector<16xf32>
        %parallel_loop3A_1239 = arith.addf %parallel_loop3A_1127, %parallel_loop3A_1238 : vector<16xf32>
        %parallel_loop3A_1240 = arith.constant 7 : i32
        %parallel_loop3A_1241 = arith.addi %parallel_loop3A_418, %parallel_loop3A_1240 : i32
        %parallel_loop3A_1242 = arith.index_cast %parallel_loop3A_1241 : i32 to index
        %parallel_loop3A_1243 = arith.constant 48 : index
        %parallel_loop3A_1244 = tpu.vector_load %arg6[%parallel_loop3A_1242, %parallel_loop3A_1243] {strides = array<i32>} : memref<64x256xf32, #tpu.memory_space<vmem>>, vector<1x16xf32>,
        %parallel_loop3A_1245 = vector.shape_cast %parallel_loop3A_1244 : vector<1x16xf32> to vector<16xf32>
        %parallel_loop3A_1246 = arith.addf %parallel_loop3A_1134, %parallel_loop3A_1245 : vector<16xf32>
        %parallel_loop3A_1247 = arith.constant 7 : i32
        %parallel_loop3A_1248 = arith.addi %parallel_loop3A_418, %parallel_loop3A_1247 : i32
        %parallel_loop3A_1249 = arith.index_cast %parallel_loop3A_1248 : i32 to index
        %parallel_loop3A_1250 = arith.constant 64 : index
        %parallel_loop3A_1251 = tpu.vector_load %arg6[%parallel_loop3A_1249, %parallel_loop3A_1250] {strides = array<i32>} : memref<64x256xf32, #tpu.memory_space<vmem>>, vector<1x16xf32>,
        %parallel_loop3A_1252 = vector.shape_cast %parallel_loop3A_1251 : vector<1x16xf32> to vector<16xf32>
        %parallel_loop3A_1253 = arith.addf %parallel_loop3A_1141, %parallel_loop3A_1252 : vector<16xf32>
        %parallel_loop3A_1254 = arith.constant 7 : i32
        %parallel_loop3A_1255 = arith.addi %parallel_loop3A_418, %parallel_loop3A_1254 : i32
        %parallel_loop3A_1256 = arith.index_cast %parallel_loop3A_1255 : i32 to index
        %parallel_loop3A_1257 = arith.constant 80 : index
        %parallel_loop3A_1258 = tpu.vector_load %arg6[%parallel_loop3A_1256, %parallel_loop3A_1257] {strides = array<i32>} : memref<64x256xf32, #tpu.memory_space<vmem>>, vector<1x16xf32>,
        %parallel_loop3A_1259 = vector.shape_cast %parallel_loop3A_1258 : vector<1x16xf32> to vector<16xf32>
        %parallel_loop3A_1260 = arith.addf %parallel_loop3A_1148, %parallel_loop3A_1259 : vector<16xf32>
        %parallel_loop3A_1261 = arith.constant 7 : i32
        %parallel_loop3A_1262 = arith.addi %parallel_loop3A_418, %parallel_loop3A_1261 : i32
        %parallel_loop3A_1263 = arith.index_cast %parallel_loop3A_1262 : i32 to index
        %parallel_loop3A_1264 = arith.constant 96 : index
        %parallel_loop3A_1265 = tpu.vector_load %arg6[%parallel_loop3A_1263, %parallel_loop3A_1264] {strides = array<i32>} : memref<64x256xf32, #tpu.memory_space<vmem>>, vector<1x16xf32>,
        %parallel_loop3A_1266 = vector.shape_cast %parallel_loop3A_1265 : vector<1x16xf32> to vector<16xf32>
        %parallel_loop3A_1267 = arith.addf %parallel_loop3A_1155, %parallel_loop3A_1266 : vector<16xf32>
        %parallel_loop3A_1268 = arith.constant 7 : i32
        %parallel_loop3A_1269 = arith.addi %parallel_loop3A_418, %parallel_loop3A_1268 : i32
        %parallel_loop3A_1270 = arith.index_cast %parallel_loop3A_1269 : i32 to index
        %parallel_loop3A_1271 = arith.constant 112 : index
        %parallel_loop3A_1272 = tpu.vector_load %arg6[%parallel_loop3A_1270, %parallel_loop3A_1271] {strides = array<i32>} : memref<64x256xf32, #tpu.memory_space<vmem>>, vector<1x16xf32>,
        %parallel_loop3A_1273 = vector.shape_cast %parallel_loop3A_1272 : vector<1x16xf32> to vector<16xf32>
        %parallel_loop3A_1274 = arith.addf %parallel_loop3A_1162, %parallel_loop3A_1273 : vector<16xf32>
        %parallel_loop3A_1275 = arith.constant 7 : i32
        %parallel_loop3A_1276 = arith.addi %parallel_loop3A_418, %parallel_loop3A_1275 : i32
        %parallel_loop3A_1277 = arith.index_cast %parallel_loop3A_1276 : i32 to index
        %parallel_loop3A_1278 = arith.constant 128 : index
        %parallel_loop3A_1279 = tpu.vector_load %arg6[%parallel_loop3A_1277, %parallel_loop3A_1278] {strides = array<i32>} : memref<64x256xf32, #tpu.memory_space<vmem>>, vector<1x16xf32>,
        %parallel_loop3A_1280 = vector.shape_cast %parallel_loop3A_1279 : vector<1x16xf32> to vector<16xf32>
        %parallel_loop3A_1281 = arith.addf %parallel_loop3A_1169, %parallel_loop3A_1280 : vector<16xf32>
        %parallel_loop3A_1282 = arith.constant 7 : i32
        %parallel_loop3A_1283 = arith.addi %parallel_loop3A_418, %parallel_loop3A_1282 : i32
        %parallel_loop3A_1284 = arith.index_cast %parallel_loop3A_1283 : i32 to index
        %parallel_loop3A_1285 = arith.constant 144 : index
        %parallel_loop3A_1286 = tpu.vector_load %arg6[%parallel_loop3A_1284, %parallel_loop3A_1285] {strides = array<i32>} : memref<64x256xf32, #tpu.memory_space<vmem>>, vector<1x16xf32>,
        %parallel_loop3A_1287 = vector.shape_cast %parallel_loop3A_1286 : vector<1x16xf32> to vector<16xf32>
        %parallel_loop3A_1288 = arith.addf %parallel_loop3A_1176, %parallel_loop3A_1287 : vector<16xf32>
        %parallel_loop3A_1289 = arith.constant 7 : i32
        %parallel_loop3A_1290 = arith.addi %parallel_loop3A_418, %parallel_loop3A_1289 : i32
        %parallel_loop3A_1291 = arith.index_cast %parallel_loop3A_1290 : i32 to index
        %parallel_loop3A_1292 = arith.constant 160 : index
        %parallel_loop3A_1293 = tpu.vector_load %arg6[%parallel_loop3A_1291, %parallel_loop3A_1292] {strides = array<i32>} : memref<64x256xf32, #tpu.memory_space<vmem>>, vector<1x16xf32>,
        %parallel_loop3A_1294 = vector.shape_cast %parallel_loop3A_1293 : vector<1x16xf32> to vector<16xf32>
        %parallel_loop3A_1295 = arith.addf %parallel_loop3A_1183, %parallel_loop3A_1294 : vector<16xf32>
        %parallel_loop3A_1296 = arith.constant 7 : i32
        %parallel_loop3A_1297 = arith.addi %parallel_loop3A_418, %parallel_loop3A_1296 : i32
        %parallel_loop3A_1298 = arith.index_cast %parallel_loop3A_1297 : i32 to index
        %parallel_loop3A_1299 = arith.constant 176 : index
        %parallel_loop3A_1300 = tpu.vector_load %arg6[%parallel_loop3A_1298, %parallel_loop3A_1299] {strides = array<i32>} : memref<64x256xf32, #tpu.memory_space<vmem>>, vector<1x16xf32>,
        %parallel_loop3A_1301 = vector.shape_cast %parallel_loop3A_1300 : vector<1x16xf32> to vector<16xf32>
        %parallel_loop3A_1302 = arith.addf %parallel_loop3A_1190, %parallel_loop3A_1301 : vector<16xf32>
        %parallel_loop3A_1303 = arith.constant 7 : i32
        %parallel_loop3A_1304 = arith.addi %parallel_loop3A_418, %parallel_loop3A_1303 : i32
        %parallel_loop3A_1305 = arith.index_cast %parallel_loop3A_1304 : i32 to index
        %parallel_loop3A_1306 = arith.constant 192 : index
        %parallel_loop3A_1307 = tpu.vector_load %arg6[%parallel_loop3A_1305, %parallel_loop3A_1306] {strides = array<i32>} : memref<64x256xf32, #tpu.memory_space<vmem>>, vector<1x16xf32>,
        %parallel_loop3A_1308 = vector.shape_cast %parallel_loop3A_1307 : vector<1x16xf32> to vector<16xf32>
        %parallel_loop3A_1309 = arith.addf %parallel_loop3A_1197, %parallel_loop3A_1308 : vector<16xf32>
        %parallel_loop3A_1310 = arith.constant 7 : i32
        %parallel_loop3A_1311 = arith.addi %parallel_loop3A_418, %parallel_loop3A_1310 : i32
        %parallel_loop3A_1312 = arith.index_cast %parallel_loop3A_1311 : i32 to index
        %parallel_loop3A_1313 = arith.constant 208 : index
        %parallel_loop3A_1314 = tpu.vector_load %arg6[%parallel_loop3A_1312, %parallel_loop3A_1313] {strides = array<i32>} : memref<64x256xf32, #tpu.memory_space<vmem>>, vector<1x16xf32>,
        %parallel_loop3A_1315 = vector.shape_cast %parallel_loop3A_1314 : vector<1x16xf32> to vector<16xf32>
        %parallel_loop3A_1316 = arith.addf %parallel_loop3A_1204, %parallel_loop3A_1315 : vector<16xf32>
        %parallel_loop3A_1317 = arith.constant 7 : i32
        %parallel_loop3A_1318 = arith.addi %parallel_loop3A_418, %parallel_loop3A_1317 : i32
        %parallel_loop3A_1319 = arith.index_cast %parallel_loop3A_1318 : i32 to index
        %parallel_loop3A_1320 = arith.constant 224 : index
        %parallel_loop3A_1321 = tpu.vector_load %arg6[%parallel_loop3A_1319, %parallel_loop3A_1320] {strides = array<i32>} : memref<64x256xf32, #tpu.memory_space<vmem>>, vector<1x16xf32>,
        %parallel_loop3A_1322 = vector.shape_cast %parallel_loop3A_1321 : vector<1x16xf32> to vector<16xf32>
        %parallel_loop3A_1323 = arith.addf %parallel_loop3A_1211, %parallel_loop3A_1322 : vector<16xf32>
        %parallel_loop3A_1324 = arith.constant 7 : i32
        %parallel_loop3A_1325 = arith.addi %parallel_loop3A_418, %parallel_loop3A_1324 : i32
        %parallel_loop3A_1326 = arith.index_cast %parallel_loop3A_1325 : i32 to index
        %parallel_loop3A_1327 = arith.constant 240 : index
        %parallel_loop3A_1328 = tpu.vector_load %arg6[%parallel_loop3A_1326, %parallel_loop3A_1327] {strides = array<i32>} : memref<64x256xf32, #tpu.memory_space<vmem>>, vector<1x16xf32>,
        %parallel_loop3A_1329 = vector.shape_cast %parallel_loop3A_1328 : vector<1x16xf32> to vector<16xf32>
        %parallel_loop3A_1330 = arith.addf %parallel_loop3A_1218, %parallel_loop3A_1329 : vector<16xf32>
        scf.yield %parallel_loop3A_1225, %parallel_loop3A_1232, %parallel_loop3A_1239, %parallel_loop3A_1246, %parallel_loop3A_1253, %parallel_loop3A_1260, %parallel_loop3A_1267, %parallel_loop3A_1274, %parallel_loop3A_1281, %parallel_loop3A_1288, %parallel_loop3A_1295, %parallel_loop3A_1302, %parallel_loop3A_1309, %parallel_loop3A_1316, %parallel_loop3A_1323, %parallel_loop3A_1330 : vector<16xf32>, vector<16xf32>, vector<16xf32>, vector<16xf32>, vector<16xf32>, vector<16xf32>, vector<16xf32>, vector<16xf32>, vector<16xf32>, vector<16xf32>, vector<16xf32>, vector<16xf32>, vector<16xf32>, vector<16xf32>, vector<16xf32>, vector<16xf32>
      } {sc.loop_unroll_factor = 4 : i64, sc.parallel_access}
      %add3A_99 = arith.constant 4 : i32
      %add3A_100 = arith.addi %add3A_89, %add3A_99 : i32
      %lt3A = arith.constant 64 : i32
      %lt3A_101 = arith.cmpi slt, %add3A_100, %lt3A : i32
      %convert_element_type3A = arith.extui %lt3A_101 : i1 to i32
      %cond3A = arith.constant 0 : i32
      %cond3A_102 = arith.cmpi ne, %convert_element_type3A, %cond3A : i32
      scf.if %cond3A_102 {
        %add3A_418 = arith.constant 4 : i32
        %add3A_419 = arith.addi %add3A_89, %add3A_418 : i32
        %dma_start3A_420 = arith.constant 0 : i32
        %dma_start3A_421 = tpu.memref_slice %arg5[%add3A_419, %dma_start3A_420] : memref<64x64xi32, #tpu.memory_space<vmem>> -> memref<1x64xi32, #tpu.memory_space<vmem>>
        %dma_start3A_422 = tpu.memref_squeeze %dma_start3A_421 : memref<1x64xi32, #tpu.memory_space<vmem>> -> memref<64xi32, #tpu.memory_space<vmem>>
        %dma_start3A_423 = arith.constant 0 : i32
        %dma_start3A_424 = arith.constant 0 : i32
        %dma_start3A_425 = tpu.memref_slice %arg3[%dma_start3A_423, %dma_start3A_424] : memref<131072x256xf32, #tpu.memory_space<hbm>> -> memref<131072x256xf32, #tpu.memory_space<hbm>>
        tpu.enqueue_indirect_dma source(%dma_start3A_425 : memref<131072x256xf32, #tpu.memory_space<hbm>>) target(%arg6 : memref<64x256xf32, #tpu.memory_space<vmem>>) offsets(%dma_start3A_422 : memref<64xi32, #tpu.memory_space<vmem>>) semaphore(%arg11 : memref<!tpu.dma_semaphore, #tpu.memory_space<semaphore_mem>>)
      } else {
      }
      %add3A_103 = arith.constant 1 : i32
      %add3A_104 = arith.addi %add3A_40, %add3A_103 : i32
      %dma_wait3A_105 = arith.constant 0 : i32
      %dma_wait3A_106 = arith.constant 0 : i32
      %dma_wait3A_107 = tpu.memref_slice %arg5[%dma_wait3A_105, %dma_wait3A_106] : memref<64x64xi32, #tpu.memory_space<vmem>> -> memref<1x64xi32, #tpu.memory_space<vmem>>
      %dma_wait3A_108 = tpu.memref_squeeze %dma_wait3A_107 : memref<1x64xi32, #tpu.memory_space<vmem>> -> memref<64xi32, #tpu.memory_space<vmem>>
      %dma_wait3A_109 = arith.constant 0 : i32
      %dma_wait3A_110 = arith.constant 0 : i32
      %dma_wait3A_111 = tpu.memref_slice %arg3[%dma_wait3A_109, %dma_wait3A_110] : memref<131072x256xf32, #tpu.memory_space<hbm>> -> memref<131072x256xf32, #tpu.memory_space<hbm>>
      tpu.wait_indirect_dma semaphore(%arg12 : memref<!tpu.dma_semaphore, #tpu.memory_space<semaphore_mem>>) src(%dma_wait3A_111 : memref<131072x256xf32, #tpu.memory_space<hbm>>) dst(%arg7 : memref<64x256xf32, #tpu.memory_space<vmem>>)
      %parallel_loop3A_112 = arith.constant 0 : i32
      %parallel_loop3A_113 = arith.constant 64 : i32
      %parallel_loop3A_114 = arith.constant 8 : i32
      %parallel_loop3A_115:16 = scf.for %parallel_loop3A_418 = %parallel_loop3A_112 to %parallel_loop3A_113 step %parallel_loop3A_114 iter_args(%parallel_loop3A_419 = %parallel_loop3A_98#0, %parallel_loop3A_420 = %parallel_loop3A_98#1, %parallel_loop3A_421 = %parallel_loop3A_98#2, %parallel_loop3A_422 = %parallel_loop3A_98#3, %parallel_loop3A_423 = %parallel_loop3A_98#4, %parallel_loop3A_424 = %parallel_loop3A_98#5, %parallel_loop3A_425 = %parallel_loop3A_98#6, %parallel_loop3A_426 = %parallel_loop3A_98#7, %parallel_loop3A_427 = %parallel_loop3A_98#8, %parallel_loop3A_428 = %parallel_loop3A_98#9, %parallel_loop3A_429 = %parallel_loop3A_98#10, %parallel_loop3A_430 = %parallel_loop3A_98#11, %parallel_loop3A_431 = %parallel_loop3A_98#12, %parallel_loop3A_432 = %parallel_loop3A_98#13, %parallel_loop3A_433 = %parallel_loop3A_98#14, %parallel_loop3A_434 = %parallel_loop3A_98#15) -> (vector<16xf32>, vector<16xf32>, vector<16xf32>, vector<16xf32>, vector<16xf32>, vector<16xf32>, vector<16xf32>, vector<16xf32>, vector<16xf32>, vector<16xf32>, vector<16xf32>, vector<16xf32>, vector<16xf32>, vector<16xf32>, vector<16xf32>, vector<16xf32>)  : i32 {
        %parallel_loop3A_435 = arith.constant 0 : i32
        %parallel_loop3A_436 = arith.addi %parallel_loop3A_418, %parallel_loop3A_435 : i32
        %parallel_loop3A_437 = arith.index_cast %parallel_loop3A_436 : i32 to index
        %parallel_loop3A_438 = arith.constant 0 : index
        %parallel_loop3A_439 = tpu.vector_load %arg7[%parallel_loop3A_437, %parallel_loop3A_438] {strides = array<i32>} : memref<64x256xf32, #tpu.memory_space<vmem>>, vector<1x16xf32>,
        %parallel_loop3A_440 = vector.shape_cast %parallel_loop3A_439 : vector<1x16xf32> to vector<16xf32>
        %parallel_loop3A_441 = arith.addf %parallel_loop3A_419, %parallel_loop3A_440 : vector<16xf32>
        %parallel_loop3A_442 = arith.constant 0 : i32
        %parallel_loop3A_443 = arith.addi %parallel_loop3A_418, %parallel_loop3A_442 : i32
        %parallel_loop3A_444 = arith.index_cast %parallel_loop3A_443 : i32 to index
        %parallel_loop3A_445 = arith.constant 16 : index
        %parallel_loop3A_446 = tpu.vector_load %arg7[%parallel_loop3A_444, %parallel_loop3A_445] {strides = array<i32>} : memref<64x256xf32, #tpu.memory_space<vmem>>, vector<1x16xf32>,
        %parallel_loop3A_447 = vector.shape_cast %parallel_loop3A_446 : vector<1x16xf32> to vector<16xf32>
        %parallel_loop3A_448 = arith.addf %parallel_loop3A_420, %parallel_loop3A_447 : vector<16xf32>
        %parallel_loop3A_449 = arith.constant 0 : i32
        %parallel_loop3A_450 = arith.addi %parallel_loop3A_418, %parallel_loop3A_449 : i32
        %parallel_loop3A_451 = arith.index_cast %parallel_loop3A_450 : i32 to index
        %parallel_loop3A_452 = arith.constant 32 : index
        %parallel_loop3A_453 = tpu.vector_load %arg7[%parallel_loop3A_451, %parallel_loop3A_452] {strides = array<i32>} : memref<64x256xf32, #tpu.memory_space<vmem>>, vector<1x16xf32>,
        %parallel_loop3A_454 = vector.shape_cast %parallel_loop3A_453 : vector<1x16xf32> to vector<16xf32>
        %parallel_loop3A_455 = arith.addf %parallel_loop3A_421, %parallel_loop3A_454 : vector<16xf32>
        %parallel_loop3A_456 = arith.constant 0 : i32
        %parallel_loop3A_457 = arith.addi %parallel_loop3A_418, %parallel_loop3A_456 : i32
        %parallel_loop3A_458 = arith.index_cast %parallel_loop3A_457 : i32 to index
        %parallel_loop3A_459 = arith.constant 48 : index
        %parallel_loop3A_460 = tpu.vector_load %arg7[%parallel_loop3A_458, %parallel_loop3A_459] {strides = array<i32>} : memref<64x256xf32, #tpu.memory_space<vmem>>, vector<1x16xf32>,
        %parallel_loop3A_461 = vector.shape_cast %parallel_loop3A_460 : vector<1x16xf32> to vector<16xf32>
        %parallel_loop3A_462 = arith.addf %parallel_loop3A_422, %parallel_loop3A_461 : vector<16xf32>
        %parallel_loop3A_463 = arith.constant 0 : i32
        %parallel_loop3A_464 = arith.addi %parallel_loop3A_418, %parallel_loop3A_463 : i32
        %parallel_loop3A_465 = arith.index_cast %parallel_loop3A_464 : i32 to index
        %parallel_loop3A_466 = arith.constant 64 : index
        %parallel_loop3A_467 = tpu.vector_load %arg7[%parallel_loop3A_465, %parallel_loop3A_466] {strides = array<i32>} : memref<64x256xf32, #tpu.memory_space<vmem>>, vector<1x16xf32>,
        %parallel_loop3A_468 = vector.shape_cast %parallel_loop3A_467 : vector<1x16xf32> to vector<16xf32>
        %parallel_loop3A_469 = arith.addf %parallel_loop3A_423, %parallel_loop3A_468 : vector<16xf32>
        %parallel_loop3A_470 = arith.constant 0 : i32
        %parallel_loop3A_471 = arith.addi %parallel_loop3A_418, %parallel_loop3A_470 : i32
        %parallel_loop3A_472 = arith.index_cast %parallel_loop3A_471 : i32 to index
        %parallel_loop3A_473 = arith.constant 80 : index
        %parallel_loop3A_474 = tpu.vector_load %arg7[%parallel_loop3A_472, %parallel_loop3A_473] {strides = array<i32>} : memref<64x256xf32, #tpu.memory_space<vmem>>, vector<1x16xf32>,
        %parallel_loop3A_475 = vector.shape_cast %parallel_loop3A_474 : vector<1x16xf32> to vector<16xf32>
        %parallel_loop3A_476 = arith.addf %parallel_loop3A_424, %parallel_loop3A_475 : vector<16xf32>
        %parallel_loop3A_477 = arith.constant 0 : i32
        %parallel_loop3A_478 = arith.addi %parallel_loop3A_418, %parallel_loop3A_477 : i32
        %parallel_loop3A_479 = arith.index_cast %parallel_loop3A_478 : i32 to index
        %parallel_loop3A_480 = arith.constant 96 : index
        %parallel_loop3A_481 = tpu.vector_load %arg7[%parallel_loop3A_479, %parallel_loop3A_480] {strides = array<i32>} : memref<64x256xf32, #tpu.memory_space<vmem>>, vector<1x16xf32>,
        %parallel_loop3A_482 = vector.shape_cast %parallel_loop3A_481 : vector<1x16xf32> to vector<16xf32>
        %parallel_loop3A_483 = arith.addf %parallel_loop3A_425, %parallel_loop3A_482 : vector<16xf32>
        %parallel_loop3A_484 = arith.constant 0 : i32
        %parallel_loop3A_485 = arith.addi %parallel_loop3A_418, %parallel_loop3A_484 : i32
        %parallel_loop3A_486 = arith.index_cast %parallel_loop3A_485 : i32 to index
        %parallel_loop3A_487 = arith.constant 112 : index
        %parallel_loop3A_488 = tpu.vector_load %arg7[%parallel_loop3A_486, %parallel_loop3A_487] {strides = array<i32>} : memref<64x256xf32, #tpu.memory_space<vmem>>, vector<1x16xf32>,
        %parallel_loop3A_489 = vector.shape_cast %parallel_loop3A_488 : vector<1x16xf32> to vector<16xf32>
        %parallel_loop3A_490 = arith.addf %parallel_loop3A_426, %parallel_loop3A_489 : vector<16xf32>
        %parallel_loop3A_491 = arith.constant 0 : i32
        %parallel_loop3A_492 = arith.addi %parallel_loop3A_418, %parallel_loop3A_491 : i32
        %parallel_loop3A_493 = arith.index_cast %parallel_loop3A_492 : i32 to index
        %parallel_loop3A_494 = arith.constant 128 : index
        %parallel_loop3A_495 = tpu.vector_load %arg7[%parallel_loop3A_493, %parallel_loop3A_494] {strides = array<i32>} : memref<64x256xf32, #tpu.memory_space<vmem>>, vector<1x16xf32>,
        %parallel_loop3A_496 = vector.shape_cast %parallel_loop3A_495 : vector<1x16xf32> to vector<16xf32>
        %parallel_loop3A_497 = arith.addf %parallel_loop3A_427, %parallel_loop3A_496 : vector<16xf32>
        %parallel_loop3A_498 = arith.constant 0 : i32
        %parallel_loop3A_499 = arith.addi %parallel_loop3A_418, %parallel_loop3A_498 : i32
        %parallel_loop3A_500 = arith.index_cast %parallel_loop3A_499 : i32 to index
        %parallel_loop3A_501 = arith.constant 144 : index
        %parallel_loop3A_502 = tpu.vector_load %arg7[%parallel_loop3A_500, %parallel_loop3A_501] {strides = array<i32>} : memref<64x256xf32, #tpu.memory_space<vmem>>, vector<1x16xf32>,
        %parallel_loop3A_503 = vector.shape_cast %parallel_loop3A_502 : vector<1x16xf32> to vector<16xf32>
        %parallel_loop3A_504 = arith.addf %parallel_loop3A_428, %parallel_loop3A_503 : vector<16xf32>
        %parallel_loop3A_505 = arith.constant 0 : i32
        %parallel_loop3A_506 = arith.addi %parallel_loop3A_418, %parallel_loop3A_505 : i32
        %parallel_loop3A_507 = arith.index_cast %parallel_loop3A_506 : i32 to index
        %parallel_loop3A_508 = arith.constant 160 : index
        %parallel_loop3A_509 = tpu.vector_load %arg7[%parallel_loop3A_507, %parallel_loop3A_508] {strides = array<i32>} : memref<64x256xf32, #tpu.memory_space<vmem>>, vector<1x16xf32>,
        %parallel_loop3A_510 = vector.shape_cast %parallel_loop3A_509 : vector<1x16xf32> to vector<16xf32>
        %parallel_loop3A_511 = arith.addf %parallel_loop3A_429, %parallel_loop3A_510 : vector<16xf32>
        %parallel_loop3A_512 = arith.constant 0 : i32
        %parallel_loop3A_513 = arith.addi %parallel_loop3A_418, %parallel_loop3A_512 : i32
        %parallel_loop3A_514 = arith.index_cast %parallel_loop3A_513 : i32 to index
        %parallel_loop3A_515 = arith.constant 176 : index
        %parallel_loop3A_516 = tpu.vector_load %arg7[%parallel_loop3A_514, %parallel_loop3A_515] {strides = array<i32>} : memref<64x256xf32, #tpu.memory_space<vmem>>, vector<1x16xf32>,
        %parallel_loop3A_517 = vector.shape_cast %parallel_loop3A_516 : vector<1x16xf32> to vector<16xf32>
        %parallel_loop3A_518 = arith.addf %parallel_loop3A_430, %parallel_loop3A_517 : vector<16xf32>
        %parallel_loop3A_519 = arith.constant 0 : i32
        %parallel_loop3A_520 = arith.addi %parallel_loop3A_418, %parallel_loop3A_519 : i32
        %parallel_loop3A_521 = arith.index_cast %parallel_loop3A_520 : i32 to index
        %parallel_loop3A_522 = arith.constant 192 : index
        %parallel_loop3A_523 = tpu.vector_load %arg7[%parallel_loop3A_521, %parallel_loop3A_522] {strides = array<i32>} : memref<64x256xf32, #tpu.memory_space<vmem>>, vector<1x16xf32>,
        %parallel_loop3A_524 = vector.shape_cast %parallel_loop3A_523 : vector<1x16xf32> to vector<16xf32>
        %parallel_loop3A_525 = arith.addf %parallel_loop3A_431, %parallel_loop3A_524 : vector<16xf32>
        %parallel_loop3A_526 = arith.constant 0 : i32
        %parallel_loop3A_527 = arith.addi %parallel_loop3A_418, %parallel_loop3A_526 : i32
        %parallel_loop3A_528 = arith.index_cast %parallel_loop3A_527 : i32 to index
        %parallel_loop3A_529 = arith.constant 208 : index
        %parallel_loop3A_530 = tpu.vector_load %arg7[%parallel_loop3A_528, %parallel_loop3A_529] {strides = array<i32>} : memref<64x256xf32, #tpu.memory_space<vmem>>, vector<1x16xf32>,
        %parallel_loop3A_531 = vector.shape_cast %parallel_loop3A_530 : vector<1x16xf32> to vector<16xf32>
        %parallel_loop3A_532 = arith.addf %parallel_loop3A_432, %parallel_loop3A_531 : vector<16xf32>
        %parallel_loop3A_533 = arith.constant 0 : i32
        %parallel_loop3A_534 = arith.addi %parallel_loop3A_418, %parallel_loop3A_533 : i32
        %parallel_loop3A_535 = arith.index_cast %parallel_loop3A_534 : i32 to index
        %parallel_loop3A_536 = arith.constant 224 : index
        %parallel_loop3A_537 = tpu.vector_load %arg7[%parallel_loop3A_535, %parallel_loop3A_536] {strides = array<i32>} : memref<64x256xf32, #tpu.memory_space<vmem>>, vector<1x16xf32>,
        %parallel_loop3A_538 = vector.shape_cast %parallel_loop3A_537 : vector<1x16xf32> to vector<16xf32>
        %parallel_loop3A_539 = arith.addf %parallel_loop3A_433, %parallel_loop3A_538 : vector<16xf32>
        %parallel_loop3A_540 = arith.constant 0 : i32
        %parallel_loop3A_541 = arith.addi %parallel_loop3A_418, %parallel_loop3A_540 : i32
        %parallel_loop3A_542 = arith.index_cast %parallel_loop3A_541 : i32 to index
        %parallel_loop3A_543 = arith.constant 240 : index
        %parallel_loop3A_544 = tpu.vector_load %arg7[%parallel_loop3A_542, %parallel_loop3A_543] {strides = array<i32>} : memref<64x256xf32, #tpu.memory_space<vmem>>, vector<1x16xf32>,
        %parallel_loop3A_545 = vector.shape_cast %parallel_loop3A_544 : vector<1x16xf32> to vector<16xf32>
        %parallel_loop3A_546 = arith.addf %parallel_loop3A_434, %parallel_loop3A_545 : vector<16xf32>
        %parallel_loop3A_547 = arith.constant 1 : i32
        %parallel_loop3A_548 = arith.addi %parallel_loop3A_418, %parallel_loop3A_547 : i32
        %parallel_loop3A_549 = arith.index_cast %parallel_loop3A_548 : i32 to index
        %parallel_loop3A_550 = arith.constant 0 : index
        %parallel_loop3A_551 = tpu.vector_load %arg7[%parallel_loop3A_549, %parallel_loop3A_550] {strides = array<i32>} : memref<64x256xf32, #tpu.memory_space<vmem>>, vector<1x16xf32>,
        %parallel_loop3A_552 = vector.shape_cast %parallel_loop3A_551 : vector<1x16xf32> to vector<16xf32>
        %parallel_loop3A_553 = arith.addf %parallel_loop3A_441, %parallel_loop3A_552 : vector<16xf32>
        %parallel_loop3A_554 = arith.constant 1 : i32
        %parallel_loop3A_555 = arith.addi %parallel_loop3A_418, %parallel_loop3A_554 : i32
        %parallel_loop3A_556 = arith.index_cast %parallel_loop3A_555 : i32 to index
        %parallel_loop3A_557 = arith.constant 16 : index
        %parallel_loop3A_558 = tpu.vector_load %arg7[%parallel_loop3A_556, %parallel_loop3A_557] {strides = array<i32>} : memref<64x256xf32, #tpu.memory_space<vmem>>, vector<1x16xf32>,
        %parallel_loop3A_559 = vector.shape_cast %parallel_loop3A_558 : vector<1x16xf32> to vector<16xf32>
        %parallel_loop3A_560 = arith.addf %parallel_loop3A_448, %parallel_loop3A_559 : vector<16xf32>
        %parallel_loop3A_561 = arith.constant 1 : i32
        %parallel_loop3A_562 = arith.addi %parallel_loop3A_418, %parallel_loop3A_561 : i32
        %parallel_loop3A_563 = arith.index_cast %parallel_loop3A_562 : i32 to index
        %parallel_loop3A_564 = arith.constant 32 : index
        %parallel_loop3A_565 = tpu.vector_load %arg7[%parallel_loop3A_563, %parallel_loop3A_564] {strides = array<i32>} : memref<64x256xf32, #tpu.memory_space<vmem>>, vector<1x16xf32>,
        %parallel_loop3A_566 = vector.shape_cast %parallel_loop3A_565 : vector<1x16xf32> to vector<16xf32>
        %parallel_loop3A_567 = arith.addf %parallel_loop3A_455, %parallel_loop3A_566 : vector<16xf32>
        %parallel_loop3A_568 = arith.constant 1 : i32
        %parallel_loop3A_569 = arith.addi %parallel_loop3A_418, %parallel_loop3A_568 : i32
        %parallel_loop3A_570 = arith.index_cast %parallel_loop3A_569 : i32 to index
        %parallel_loop3A_571 = arith.constant 48 : index
        %parallel_loop3A_572 = tpu.vector_load %arg7[%parallel_loop3A_570, %parallel_loop3A_571] {strides = array<i32>} : memref<64x256xf32, #tpu.memory_space<vmem>>, vector<1x16xf32>,
        %parallel_loop3A_573 = vector.shape_cast %parallel_loop3A_572 : vector<1x16xf32> to vector<16xf32>
        %parallel_loop3A_574 = arith.addf %parallel_loop3A_462, %parallel_loop3A_573 : vector<16xf32>
        %parallel_loop3A_575 = arith.constant 1 : i32
        %parallel_loop3A_576 = arith.addi %parallel_loop3A_418, %parallel_loop3A_575 : i32
        %parallel_loop3A_577 = arith.index_cast %parallel_loop3A_576 : i32 to index
        %parallel_loop3A_578 = arith.constant 64 : index
        %parallel_loop3A_579 = tpu.vector_load %arg7[%parallel_loop3A_577, %parallel_loop3A_578] {strides = array<i32>} : memref<64x256xf32, #tpu.memory_space<vmem>>, vector<1x16xf32>,
        %parallel_loop3A_580 = vector.shape_cast %parallel_loop3A_579 : vector<1x16xf32> to vector<16xf32>
        %parallel_loop3A_581 = arith.addf %parallel_loop3A_469, %parallel_loop3A_580 : vector<16xf32>
        %parallel_loop3A_582 = arith.constant 1 : i32
        %parallel_loop3A_583 = arith.addi %parallel_loop3A_418, %parallel_loop3A_582 : i32
        %parallel_loop3A_584 = arith.index_cast %parallel_loop3A_583 : i32 to index
        %parallel_loop3A_585 = arith.constant 80 : index
        %parallel_loop3A_586 = tpu.vector_load %arg7[%parallel_loop3A_584, %parallel_loop3A_585] {strides = array<i32>} : memref<64x256xf32, #tpu.memory_space<vmem>>, vector<1x16xf32>,
        %parallel_loop3A_587 = vector.shape_cast %parallel_loop3A_586 : vector<1x16xf32> to vector<16xf32>
        %parallel_loop3A_588 = arith.addf %parallel_loop3A_476, %parallel_loop3A_587 : vector<16xf32>
        %parallel_loop3A_589 = arith.constant 1 : i32
        %parallel_loop3A_590 = arith.addi %parallel_loop3A_418, %parallel_loop3A_589 : i32
        %parallel_loop3A_591 = arith.index_cast %parallel_loop3A_590 : i32 to index
        %parallel_loop3A_592 = arith.constant 96 : index
        %parallel_loop3A_593 = tpu.vector_load %arg7[%parallel_loop3A_591, %parallel_loop3A_592] {strides = array<i32>} : memref<64x256xf32, #tpu.memory_space<vmem>>, vector<1x16xf32>,
        %parallel_loop3A_594 = vector.shape_cast %parallel_loop3A_593 : vector<1x16xf32> to vector<16xf32>
        %parallel_loop3A_595 = arith.addf %parallel_loop3A_483, %parallel_loop3A_594 : vector<16xf32>
        %parallel_loop3A_596 = arith.constant 1 : i32
        %parallel_loop3A_597 = arith.addi %parallel_loop3A_418, %parallel_loop3A_596 : i32
        %parallel_loop3A_598 = arith.index_cast %parallel_loop3A_597 : i32 to index
        %parallel_loop3A_599 = arith.constant 112 : index
        %parallel_loop3A_600 = tpu.vector_load %arg7[%parallel_loop3A_598, %parallel_loop3A_599] {strides = array<i32>} : memref<64x256xf32, #tpu.memory_space<vmem>>, vector<1x16xf32>,
        %parallel_loop3A_601 = vector.shape_cast %parallel_loop3A_600 : vector<1x16xf32> to vector<16xf32>
        %parallel_loop3A_602 = arith.addf %parallel_loop3A_490, %parallel_loop3A_601 : vector<16xf32>
        %parallel_loop3A_603 = arith.constant 1 : i32
        %parallel_loop3A_604 = arith.addi %parallel_loop3A_418, %parallel_loop3A_603 : i32
        %parallel_loop3A_605 = arith.index_cast %parallel_loop3A_604 : i32 to index
        %parallel_loop3A_606 = arith.constant 128 : index
        %parallel_loop3A_607 = tpu.vector_load %arg7[%parallel_loop3A_605, %parallel_loop3A_606] {strides = array<i32>} : memref<64x256xf32, #tpu.memory_space<vmem>>, vector<1x16xf32>,
        %parallel_loop3A_608 = vector.shape_cast %parallel_loop3A_607 : vector<1x16xf32> to vector<16xf32>
        %parallel_loop3A_609 = arith.addf %parallel_loop3A_497, %parallel_loop3A_608 : vector<16xf32>
        %parallel_loop3A_610 = arith.constant 1 : i32
        %parallel_loop3A_611 = arith.addi %parallel_loop3A_418, %parallel_loop3A_610 : i32
        %parallel_loop3A_612 = arith.index_cast %parallel_loop3A_611 : i32 to index
        %parallel_loop3A_613 = arith.constant 144 : index
        %parallel_loop3A_614 = tpu.vector_load %arg7[%parallel_loop3A_612, %parallel_loop3A_613] {strides = array<i32>} : memref<64x256xf32, #tpu.memory_space<vmem>>, vector<1x16xf32>,
        %parallel_loop3A_615 = vector.shape_cast %parallel_loop3A_614 : vector<1x16xf32> to vector<16xf32>
        %parallel_loop3A_616 = arith.addf %parallel_loop3A_504, %parallel_loop3A_615 : vector<16xf32>
        %parallel_loop3A_617 = arith.constant 1 : i32
        %parallel_loop3A_618 = arith.addi %parallel_loop3A_418, %parallel_loop3A_617 : i32
        %parallel_loop3A_619 = arith.index_cast %parallel_loop3A_618 : i32 to index
        %parallel_loop3A_620 = arith.constant 160 : index
        %parallel_loop3A_621 = tpu.vector_load %arg7[%parallel_loop3A_619, %parallel_loop3A_620] {strides = array<i32>} : memref<64x256xf32, #tpu.memory_space<vmem>>, vector<1x16xf32>,
        %parallel_loop3A_622 = vector.shape_cast %parallel_loop3A_621 : vector<1x16xf32> to vector<16xf32>
        %parallel_loop3A_623 = arith.addf %parallel_loop3A_511, %parallel_loop3A_622 : vector<16xf32>
        %parallel_loop3A_624 = arith.constant 1 : i32
        %parallel_loop3A_625 = arith.addi %parallel_loop3A_418, %parallel_loop3A_624 : i32
        %parallel_loop3A_626 = arith.index_cast %parallel_loop3A_625 : i32 to index
        %parallel_loop3A_627 = arith.constant 176 : index
        %parallel_loop3A_628 = tpu.vector_load %arg7[%parallel_loop3A_626, %parallel_loop3A_627] {strides = array<i32>} : memref<64x256xf32, #tpu.memory_space<vmem>>, vector<1x16xf32>,
        %parallel_loop3A_629 = vector.shape_cast %parallel_loop3A_628 : vector<1x16xf32> to vector<16xf32>
        %parallel_loop3A_630 = arith.addf %parallel_loop3A_518, %parallel_loop3A_629 : vector<16xf32>
        %parallel_loop3A_631 = arith.constant 1 : i32
        %parallel_loop3A_632 = arith.addi %parallel_loop3A_418, %parallel_loop3A_631 : i32
        %parallel_loop3A_633 = arith.index_cast %parallel_loop3A_632 : i32 to index
        %parallel_loop3A_634 = arith.constant 192 : index
        %parallel_loop3A_635 = tpu.vector_load %arg7[%parallel_loop3A_633, %parallel_loop3A_634] {strides = array<i32>} : memref<64x256xf32, #tpu.memory_space<vmem>>, vector<1x16xf32>,
        %parallel_loop3A_636 = vector.shape_cast %parallel_loop3A_635 : vector<1x16xf32> to vector<16xf32>
        %parallel_loop3A_637 = arith.addf %parallel_loop3A_525, %parallel_loop3A_636 : vector<16xf32>
        %parallel_loop3A_638 = arith.constant 1 : i32
        %parallel_loop3A_639 = arith.addi %parallel_loop3A_418, %parallel_loop3A_638 : i32
        %parallel_loop3A_640 = arith.index_cast %parallel_loop3A_639 : i32 to index
        %parallel_loop3A_641 = arith.constant 208 : index
        %parallel_loop3A_642 = tpu.vector_load %arg7[%parallel_loop3A_640, %parallel_loop3A_641] {strides = array<i32>} : memref<64x256xf32, #tpu.memory_space<vmem>>, vector<1x16xf32>,
        %parallel_loop3A_643 = vector.shape_cast %parallel_loop3A_642 : vector<1x16xf32> to vector<16xf32>
        %parallel_loop3A_644 = arith.addf %parallel_loop3A_532, %parallel_loop3A_643 : vector<16xf32>
        %parallel_loop3A_645 = arith.constant 1 : i32
        %parallel_loop3A_646 = arith.addi %parallel_loop3A_418, %parallel_loop3A_645 : i32
        %parallel_loop3A_647 = arith.index_cast %parallel_loop3A_646 : i32 to index
        %parallel_loop3A_648 = arith.constant 224 : index
        %parallel_loop3A_649 = tpu.vector_load %arg7[%parallel_loop3A_647, %parallel_loop3A_648] {strides = array<i32>} : memref<64x256xf32, #tpu.memory_space<vmem>>, vector<1x16xf32>,
        %parallel_loop3A_650 = vector.shape_cast %parallel_loop3A_649 : vector<1x16xf32> to vector<16xf32>
        %parallel_loop3A_651 = arith.addf %parallel_loop3A_539, %parallel_loop3A_650 : vector<16xf32>
        %parallel_loop3A_652 = arith.constant 1 : i32
        %parallel_loop3A_653 = arith.addi %parallel_loop3A_418, %parallel_loop3A_652 : i32
        %parallel_loop3A_654 = arith.index_cast %parallel_loop3A_653 : i32 to index
        %parallel_loop3A_655 = arith.constant 240 : index
        %parallel_loop3A_656 = tpu.vector_load %arg7[%parallel_loop3A_654, %parallel_loop3A_655] {strides = array<i32>} : memref<64x256xf32, #tpu.memory_space<vmem>>, vector<1x16xf32>,
        %parallel_loop3A_657 = vector.shape_cast %parallel_loop3A_656 : vector<1x16xf32> to vector<16xf32>
        %parallel_loop3A_658 = arith.addf %parallel_loop3A_546, %parallel_loop3A_657 : vector<16xf32>
        %parallel_loop3A_659 = arith.constant 2 : i32
        %parallel_loop3A_660 = arith.addi %parallel_loop3A_418, %parallel_loop3A_659 : i32
        %parallel_loop3A_661 = arith.index_cast %parallel_loop3A_660 : i32 to index
        %parallel_loop3A_662 = arith.constant 0 : index
        %parallel_loop3A_663 = tpu.vector_load %arg7[%parallel_loop3A_661, %parallel_loop3A_662] {strides = array<i32>} : memref<64x256xf32, #tpu.memory_space<vmem>>, vector<1x16xf32>,
        %parallel_loop3A_664 = vector.shape_cast %parallel_loop3A_663 : vector<1x16xf32> to vector<16xf32>
        %parallel_loop3A_665 = arith.addf %parallel_loop3A_553, %parallel_loop3A_664 : vector<16xf32>
        %parallel_loop3A_666 = arith.constant 2 : i32
        %parallel_loop3A_667 = arith.addi %parallel_loop3A_418, %parallel_loop3A_666 : i32
        %parallel_loop3A_668 = arith.index_cast %parallel_loop3A_667 : i32 to index
        %parallel_loop3A_669 = arith.constant 16 : index
        %parallel_loop3A_670 = tpu.vector_load %arg7[%parallel_loop3A_668, %parallel_loop3A_669] {strides = array<i32>} : memref<64x256xf32, #tpu.memory_space<vmem>>, vector<1x16xf32>,
        %parallel_loop3A_671 = vector.shape_cast %parallel_loop3A_670 : vector<1x16xf32> to vector<16xf32>
        %parallel_loop3A_672 = arith.addf %parallel_loop3A_560, %parallel_loop3A_671 : vector<16xf32>
        %parallel_loop3A_673 = arith.constant 2 : i32
        %parallel_loop3A_674 = arith.addi %parallel_loop3A_418, %parallel_loop3A_673 : i32
        %parallel_loop3A_675 = arith.index_cast %parallel_loop3A_674 : i32 to index
        %parallel_loop3A_676 = arith.constant 32 : index
        %parallel_loop3A_677 = tpu.vector_load %arg7[%parallel_loop3A_675, %parallel_loop3A_676] {strides = array<i32>} : memref<64x256xf32, #tpu.memory_space<vmem>>, vector<1x16xf32>,
        %parallel_loop3A_678 = vector.shape_cast %parallel_loop3A_677 : vector<1x16xf32> to vector<16xf32>
        %parallel_loop3A_679 = arith.addf %parallel_loop3A_567, %parallel_loop3A_678 : vector<16xf32>
        %parallel_loop3A_680 = arith.constant 2 : i32
        %parallel_loop3A_681 = arith.addi %parallel_loop3A_418, %parallel_loop3A_680 : i32
        %parallel_loop3A_682 = arith.index_cast %parallel_loop3A_681 : i32 to index
        %parallel_loop3A_683 = arith.constant 48 : index
        %parallel_loop3A_684 = tpu.vector_load %arg7[%parallel_loop3A_682, %parallel_loop3A_683] {strides = array<i32>} : memref<64x256xf32, #tpu.memory_space<vmem>>, vector<1x16xf32>,
        %parallel_loop3A_685 = vector.shape_cast %parallel_loop3A_684 : vector<1x16xf32> to vector<16xf32>
        %parallel_loop3A_686 = arith.addf %parallel_loop3A_574, %parallel_loop3A_685 : vector<16xf32>
        %parallel_loop3A_687 = arith.constant 2 : i32
        %parallel_loop3A_688 = arith.addi %parallel_loop3A_418, %parallel_loop3A_687 : i32
        %parallel_loop3A_689 = arith.index_cast %parallel_loop3A_688 : i32 to index
        %parallel_loop3A_690 = arith.constant 64 : index
        %parallel_loop3A_691 = tpu.vector_load %arg7[%parallel_loop3A_689, %parallel_loop3A_690] {strides = array<i32>} : memref<64x256xf32, #tpu.memory_space<vmem>>, vector<1x16xf32>,
        %parallel_loop3A_692 = vector.shape_cast %parallel_loop3A_691 : vector<1x16xf32> to vector<16xf32>
        %parallel_loop3A_693 = arith.addf %parallel_loop3A_581, %parallel_loop3A_692 : vector<16xf32>
        %parallel_loop3A_694 = arith.constant 2 : i32
        %parallel_loop3A_695 = arith.addi %parallel_loop3A_418, %parallel_loop3A_694 : i32
        %parallel_loop3A_696 = arith.index_cast %parallel_loop3A_695 : i32 to index
        %parallel_loop3A_697 = arith.constant 80 : index
        %parallel_loop3A_698 = tpu.vector_load %arg7[%parallel_loop3A_696, %parallel_loop3A_697] {strides = array<i32>} : memref<64x256xf32, #tpu.memory_space<vmem>>, vector<1x16xf32>,
        %parallel_loop3A_699 = vector.shape_cast %parallel_loop3A_698 : vector<1x16xf32> to vector<16xf32>
        %parallel_loop3A_700 = arith.addf %parallel_loop3A_588, %parallel_loop3A_699 : vector<16xf32>
        %parallel_loop3A_701 = arith.constant 2 : i32
        %parallel_loop3A_702 = arith.addi %parallel_loop3A_418, %parallel_loop3A_701 : i32
        %parallel_loop3A_703 = arith.index_cast %parallel_loop3A_702 : i32 to index
        %parallel_loop3A_704 = arith.constant 96 : index
        %parallel_loop3A_705 = tpu.vector_load %arg7[%parallel_loop3A_703, %parallel_loop3A_704] {strides = array<i32>} : memref<64x256xf32, #tpu.memory_space<vmem>>, vector<1x16xf32>,
        %parallel_loop3A_706 = vector.shape_cast %parallel_loop3A_705 : vector<1x16xf32> to vector<16xf32>
        %parallel_loop3A_707 = arith.addf %parallel_loop3A_595, %parallel_loop3A_706 : vector<16xf32>
        %parallel_loop3A_708 = arith.constant 2 : i32
        %parallel_loop3A_709 = arith.addi %parallel_loop3A_418, %parallel_loop3A_708 : i32
        %parallel_loop3A_710 = arith.index_cast %parallel_loop3A_709 : i32 to index
        %parallel_loop3A_711 = arith.constant 112 : index
        %parallel_loop3A_712 = tpu.vector_load %arg7[%parallel_loop3A_710, %parallel_loop3A_711] {strides = array<i32>} : memref<64x256xf32, #tpu.memory_space<vmem>>, vector<1x16xf32>,
        %parallel_loop3A_713 = vector.shape_cast %parallel_loop3A_712 : vector<1x16xf32> to vector<16xf32>
        %parallel_loop3A_714 = arith.addf %parallel_loop3A_602, %parallel_loop3A_713 : vector<16xf32>
        %parallel_loop3A_715 = arith.constant 2 : i32
        %parallel_loop3A_716 = arith.addi %parallel_loop3A_418, %parallel_loop3A_715 : i32
        %parallel_loop3A_717 = arith.index_cast %parallel_loop3A_716 : i32 to index
        %parallel_loop3A_718 = arith.constant 128 : index
        %parallel_loop3A_719 = tpu.vector_load %arg7[%parallel_loop3A_717, %parallel_loop3A_718] {strides = array<i32>} : memref<64x256xf32, #tpu.memory_space<vmem>>, vector<1x16xf32>,
        %parallel_loop3A_720 = vector.shape_cast %parallel_loop3A_719 : vector<1x16xf32> to vector<16xf32>
        %parallel_loop3A_721 = arith.addf %parallel_loop3A_609, %parallel_loop3A_720 : vector<16xf32>
        %parallel_loop3A_722 = arith.constant 2 : i32
        %parallel_loop3A_723 = arith.addi %parallel_loop3A_418, %parallel_loop3A_722 : i32
        %parallel_loop3A_724 = arith.index_cast %parallel_loop3A_723 : i32 to index
        %parallel_loop3A_725 = arith.constant 144 : index
        %parallel_loop3A_726 = tpu.vector_load %arg7[%parallel_loop3A_724, %parallel_loop3A_725] {strides = array<i32>} : memref<64x256xf32, #tpu.memory_space<vmem>>, vector<1x16xf32>,
        %parallel_loop3A_727 = vector.shape_cast %parallel_loop3A_726 : vector<1x16xf32> to vector<16xf32>
        %parallel_loop3A_728 = arith.addf %parallel_loop3A_616, %parallel_loop3A_727 : vector<16xf32>
        %parallel_loop3A_729 = arith.constant 2 : i32
        %parallel_loop3A_730 = arith.addi %parallel_loop3A_418, %parallel_loop3A_729 : i32
        %parallel_loop3A_731 = arith.index_cast %parallel_loop3A_730 : i32 to index
        %parallel_loop3A_732 = arith.constant 160 : index
        %parallel_loop3A_733 = tpu.vector_load %arg7[%parallel_loop3A_731, %parallel_loop3A_732] {strides = array<i32>} : memref<64x256xf32, #tpu.memory_space<vmem>>, vector<1x16xf32>,
        %parallel_loop3A_734 = vector.shape_cast %parallel_loop3A_733 : vector<1x16xf32> to vector<16xf32>
        %parallel_loop3A_735 = arith.addf %parallel_loop3A_623, %parallel_loop3A_734 : vector<16xf32>
        %parallel_loop3A_736 = arith.constant 2 : i32
        %parallel_loop3A_737 = arith.addi %parallel_loop3A_418, %parallel_loop3A_736 : i32
        %parallel_loop3A_738 = arith.index_cast %parallel_loop3A_737 : i32 to index
        %parallel_loop3A_739 = arith.constant 176 : index
        %parallel_loop3A_740 = tpu.vector_load %arg7[%parallel_loop3A_738, %parallel_loop3A_739] {strides = array<i32>} : memref<64x256xf32, #tpu.memory_space<vmem>>, vector<1x16xf32>,
        %parallel_loop3A_741 = vector.shape_cast %parallel_loop3A_740 : vector<1x16xf32> to vector<16xf32>
        %parallel_loop3A_742 = arith.addf %parallel_loop3A_630, %parallel_loop3A_741 : vector<16xf32>
        %parallel_loop3A_743 = arith.constant 2 : i32
        %parallel_loop3A_744 = arith.addi %parallel_loop3A_418, %parallel_loop3A_743 : i32
        %parallel_loop3A_745 = arith.index_cast %parallel_loop3A_744 : i32 to index
        %parallel_loop3A_746 = arith.constant 192 : index
        %parallel_loop3A_747 = tpu.vector_load %arg7[%parallel_loop3A_745, %parallel_loop3A_746] {strides = array<i32>} : memref<64x256xf32, #tpu.memory_space<vmem>>, vector<1x16xf32>,
        %parallel_loop3A_748 = vector.shape_cast %parallel_loop3A_747 : vector<1x16xf32> to vector<16xf32>
        %parallel_loop3A_749 = arith.addf %parallel_loop3A_637, %parallel_loop3A_748 : vector<16xf32>
        %parallel_loop3A_750 = arith.constant 2 : i32
        %parallel_loop3A_751 = arith.addi %parallel_loop3A_418, %parallel_loop3A_750 : i32
        %parallel_loop3A_752 = arith.index_cast %parallel_loop3A_751 : i32 to index
        %parallel_loop3A_753 = arith.constant 208 : index
        %parallel_loop3A_754 = tpu.vector_load %arg7[%parallel_loop3A_752, %parallel_loop3A_753] {strides = array<i32>} : memref<64x256xf32, #tpu.memory_space<vmem>>, vector<1x16xf32>,
        %parallel_loop3A_755 = vector.shape_cast %parallel_loop3A_754 : vector<1x16xf32> to vector<16xf32>
        %parallel_loop3A_756 = arith.addf %parallel_loop3A_644, %parallel_loop3A_755 : vector<16xf32>
        %parallel_loop3A_757 = arith.constant 2 : i32
        %parallel_loop3A_758 = arith.addi %parallel_loop3A_418, %parallel_loop3A_757 : i32
        %parallel_loop3A_759 = arith.index_cast %parallel_loop3A_758 : i32 to index
        %parallel_loop3A_760 = arith.constant 224 : index
        %parallel_loop3A_761 = tpu.vector_load %arg7[%parallel_loop3A_759, %parallel_loop3A_760] {strides = array<i32>} : memref<64x256xf32, #tpu.memory_space<vmem>>, vector<1x16xf32>,
        %parallel_loop3A_762 = vector.shape_cast %parallel_loop3A_761 : vector<1x16xf32> to vector<16xf32>
        %parallel_loop3A_763 = arith.addf %parallel_loop3A_651, %parallel_loop3A_762 : vector<16xf32>
        %parallel_loop3A_764 = arith.constant 2 : i32
        %parallel_loop3A_765 = arith.addi %parallel_loop3A_418, %parallel_loop3A_764 : i32
        %parallel_loop3A_766 = arith.index_cast %parallel_loop3A_765 : i32 to index
        %parallel_loop3A_767 = arith.constant 240 : index
        %parallel_loop3A_768 = tpu.vector_load %arg7[%parallel_loop3A_766, %parallel_loop3A_767] {strides = array<i32>} : memref<64x256xf32, #tpu.memory_space<vmem>>, vector<1x16xf32>,
        %parallel_loop3A_769 = vector.shape_cast %parallel_loop3A_768 : vector<1x16xf32> to vector<16xf32>
        %parallel_loop3A_770 = arith.addf %parallel_loop3A_658, %parallel_loop3A_769 : vector<16xf32>
        %parallel_loop3A_771 = arith.constant 3 : i32
        %parallel_loop3A_772 = arith.addi %parallel_loop3A_418, %parallel_loop3A_771 : i32
        %parallel_loop3A_773 = arith.index_cast %parallel_loop3A_772 : i32 to index
        %parallel_loop3A_774 = arith.constant 0 : index
        %parallel_loop3A_775 = tpu.vector_load %arg7[%parallel_loop3A_773, %parallel_loop3A_774] {strides = array<i32>} : memref<64x256xf32, #tpu.memory_space<vmem>>, vector<1x16xf32>,
        %parallel_loop3A_776 = vector.shape_cast %parallel_loop3A_775 : vector<1x16xf32> to vector<16xf32>
        %parallel_loop3A_777 = arith.addf %parallel_loop3A_665, %parallel_loop3A_776 : vector<16xf32>
        %parallel_loop3A_778 = arith.constant 3 : i32
        %parallel_loop3A_779 = arith.addi %parallel_loop3A_418, %parallel_loop3A_778 : i32
        %parallel_loop3A_780 = arith.index_cast %parallel_loop3A_779 : i32 to index
        %parallel_loop3A_781 = arith.constant 16 : index
        %parallel_loop3A_782 = tpu.vector_load %arg7[%parallel_loop3A_780, %parallel_loop3A_781] {strides = array<i32>} : memref<64x256xf32, #tpu.memory_space<vmem>>, vector<1x16xf32>,
        %parallel_loop3A_783 = vector.shape_cast %parallel_loop3A_782 : vector<1x16xf32> to vector<16xf32>
        %parallel_loop3A_784 = arith.addf %parallel_loop3A_672, %parallel_loop3A_783 : vector<16xf32>
        %parallel_loop3A_785 = arith.constant 3 : i32
        %parallel_loop3A_786 = arith.addi %parallel_loop3A_418, %parallel_loop3A_785 : i32
        %parallel_loop3A_787 = arith.index_cast %parallel_loop3A_786 : i32 to index
        %parallel_loop3A_788 = arith.constant 32 : index
        %parallel_loop3A_789 = tpu.vector_load %arg7[%parallel_loop3A_787, %parallel_loop3A_788] {strides = array<i32>} : memref<64x256xf32, #tpu.memory_space<vmem>>, vector<1x16xf32>,
        %parallel_loop3A_790 = vector.shape_cast %parallel_loop3A_789 : vector<1x16xf32> to vector<16xf32>
        %parallel_loop3A_791 = arith.addf %parallel_loop3A_679, %parallel_loop3A_790 : vector<16xf32>
        %parallel_loop3A_792 = arith.constant 3 : i32
        %parallel_loop3A_793 = arith.addi %parallel_loop3A_418, %parallel_loop3A_792 : i32
        %parallel_loop3A_794 = arith.index_cast %parallel_loop3A_793 : i32 to index
        %parallel_loop3A_795 = arith.constant 48 : index
        %parallel_loop3A_796 = tpu.vector_load %arg7[%parallel_loop3A_794, %parallel_loop3A_795] {strides = array<i32>} : memref<64x256xf32, #tpu.memory_space<vmem>>, vector<1x16xf32>,
        %parallel_loop3A_797 = vector.shape_cast %parallel_loop3A_796 : vector<1x16xf32> to vector<16xf32>
        %parallel_loop3A_798 = arith.addf %parallel_loop3A_686, %parallel_loop3A_797 : vector<16xf32>
        %parallel_loop3A_799 = arith.constant 3 : i32
        %parallel_loop3A_800 = arith.addi %parallel_loop3A_418, %parallel_loop3A_799 : i32
        %parallel_loop3A_801 = arith.index_cast %parallel_loop3A_800 : i32 to index
        %parallel_loop3A_802 = arith.constant 64 : index
        %parallel_loop3A_803 = tpu.vector_load %arg7[%parallel_loop3A_801, %parallel_loop3A_802] {strides = array<i32>} : memref<64x256xf32, #tpu.memory_space<vmem>>, vector<1x16xf32>,
        %parallel_loop3A_804 = vector.shape_cast %parallel_loop3A_803 : vector<1x16xf32> to vector<16xf32>
        %parallel_loop3A_805 = arith.addf %parallel_loop3A_693, %parallel_loop3A_804 : vector<16xf32>
        %parallel_loop3A_806 = arith.constant 3 : i32
        %parallel_loop3A_807 = arith.addi %parallel_loop3A_418, %parallel_loop3A_806 : i32
        %parallel_loop3A_808 = arith.index_cast %parallel_loop3A_807 : i32 to index
        %parallel_loop3A_809 = arith.constant 80 : index
        %parallel_loop3A_810 = tpu.vector_load %arg7[%parallel_loop3A_808, %parallel_loop3A_809] {strides = array<i32>} : memref<64x256xf32, #tpu.memory_space<vmem>>, vector<1x16xf32>,
        %parallel_loop3A_811 = vector.shape_cast %parallel_loop3A_810 : vector<1x16xf32> to vector<16xf32>
        %parallel_loop3A_812 = arith.addf %parallel_loop3A_700, %parallel_loop3A_811 : vector<16xf32>
        %parallel_loop3A_813 = arith.constant 3 : i32
        %parallel_loop3A_814 = arith.addi %parallel_loop3A_418, %parallel_loop3A_813 : i32
        %parallel_loop3A_815 = arith.index_cast %parallel_loop3A_814 : i32 to index
        %parallel_loop3A_816 = arith.constant 96 : index
        %parallel_loop3A_817 = tpu.vector_load %arg7[%parallel_loop3A_815, %parallel_loop3A_816] {strides = array<i32>} : memref<64x256xf32, #tpu.memory_space<vmem>>, vector<1x16xf32>,
        %parallel_loop3A_818 = vector.shape_cast %parallel_loop3A_817 : vector<1x16xf32> to vector<16xf32>
        %parallel_loop3A_819 = arith.addf %parallel_loop3A_707, %parallel_loop3A_818 : vector<16xf32>
        %parallel_loop3A_820 = arith.constant 3 : i32
        %parallel_loop3A_821 = arith.addi %parallel_loop3A_418, %parallel_loop3A_820 : i32
        %parallel_loop3A_822 = arith.index_cast %parallel_loop3A_821 : i32 to index
        %parallel_loop3A_823 = arith.constant 112 : index
        %parallel_loop3A_824 = tpu.vector_load %arg7[%parallel_loop3A_822, %parallel_loop3A_823] {strides = array<i32>} : memref<64x256xf32, #tpu.memory_space<vmem>>, vector<1x16xf32>,
        %parallel_loop3A_825 = vector.shape_cast %parallel_loop3A_824 : vector<1x16xf32> to vector<16xf32>
        %parallel_loop3A_826 = arith.addf %parallel_loop3A_714, %parallel_loop3A_825 : vector<16xf32>
        %parallel_loop3A_827 = arith.constant 3 : i32
        %parallel_loop3A_828 = arith.addi %parallel_loop3A_418, %parallel_loop3A_827 : i32
        %parallel_loop3A_829 = arith.index_cast %parallel_loop3A_828 : i32 to index
        %parallel_loop3A_830 = arith.constant 128 : index
        %parallel_loop3A_831 = tpu.vector_load %arg7[%parallel_loop3A_829, %parallel_loop3A_830] {strides = array<i32>} : memref<64x256xf32, #tpu.memory_space<vmem>>, vector<1x16xf32>,
        %parallel_loop3A_832 = vector.shape_cast %parallel_loop3A_831 : vector<1x16xf32> to vector<16xf32>
        %parallel_loop3A_833 = arith.addf %parallel_loop3A_721, %parallel_loop3A_832 : vector<16xf32>
        %parallel_loop3A_834 = arith.constant 3 : i32
        %parallel_loop3A_835 = arith.addi %parallel_loop3A_418, %parallel_loop3A_834 : i32
        %parallel_loop3A_836 = arith.index_cast %parallel_loop3A_835 : i32 to index
        %parallel_loop3A_837 = arith.constant 144 : index
        %parallel_loop3A_838 = tpu.vector_load %arg7[%parallel_loop3A_836, %parallel_loop3A_837] {strides = array<i32>} : memref<64x256xf32, #tpu.memory_space<vmem>>, vector<1x16xf32>,
        %parallel_loop3A_839 = vector.shape_cast %parallel_loop3A_838 : vector<1x16xf32> to vector<16xf32>
        %parallel_loop3A_840 = arith.addf %parallel_loop3A_728, %parallel_loop3A_839 : vector<16xf32>
        %parallel_loop3A_841 = arith.constant 3 : i32
        %parallel_loop3A_842 = arith.addi %parallel_loop3A_418, %parallel_loop3A_841 : i32
        %parallel_loop3A_843 = arith.index_cast %parallel_loop3A_842 : i32 to index
        %parallel_loop3A_844 = arith.constant 160 : index
        %parallel_loop3A_845 = tpu.vector_load %arg7[%parallel_loop3A_843, %parallel_loop3A_844] {strides = array<i32>} : memref<64x256xf32, #tpu.memory_space<vmem>>, vector<1x16xf32>,
        %parallel_loop3A_846 = vector.shape_cast %parallel_loop3A_845 : vector<1x16xf32> to vector<16xf32>
        %parallel_loop3A_847 = arith.addf %parallel_loop3A_735, %parallel_loop3A_846 : vector<16xf32>
        %parallel_loop3A_848 = arith.constant 3 : i32
        %parallel_loop3A_849 = arith.addi %parallel_loop3A_418, %parallel_loop3A_848 : i32
        %parallel_loop3A_850 = arith.index_cast %parallel_loop3A_849 : i32 to index
        %parallel_loop3A_851 = arith.constant 176 : index
        %parallel_loop3A_852 = tpu.vector_load %arg7[%parallel_loop3A_850, %parallel_loop3A_851] {strides = array<i32>} : memref<64x256xf32, #tpu.memory_space<vmem>>, vector<1x16xf32>,
        %parallel_loop3A_853 = vector.shape_cast %parallel_loop3A_852 : vector<1x16xf32> to vector<16xf32>
        %parallel_loop3A_854 = arith.addf %parallel_loop3A_742, %parallel_loop3A_853 : vector<16xf32>
        %parallel_loop3A_855 = arith.constant 3 : i32
        %parallel_loop3A_856 = arith.addi %parallel_loop3A_418, %parallel_loop3A_855 : i32
        %parallel_loop3A_857 = arith.index_cast %parallel_loop3A_856 : i32 to index
        %parallel_loop3A_858 = arith.constant 192 : index
        %parallel_loop3A_859 = tpu.vector_load %arg7[%parallel_loop3A_857, %parallel_loop3A_858] {strides = array<i32>} : memref<64x256xf32, #tpu.memory_space<vmem>>, vector<1x16xf32>,
        %parallel_loop3A_860 = vector.shape_cast %parallel_loop3A_859 : vector<1x16xf32> to vector<16xf32>
        %parallel_loop3A_861 = arith.addf %parallel_loop3A_749, %parallel_loop3A_860 : vector<16xf32>
        %parallel_loop3A_862 = arith.constant 3 : i32
        %parallel_loop3A_863 = arith.addi %parallel_loop3A_418, %parallel_loop3A_862 : i32
        %parallel_loop3A_864 = arith.index_cast %parallel_loop3A_863 : i32 to index
        %parallel_loop3A_865 = arith.constant 208 : index
        %parallel_loop3A_866 = tpu.vector_load %arg7[%parallel_loop3A_864, %parallel_loop3A_865] {strides = array<i32>} : memref<64x256xf32, #tpu.memory_space<vmem>>, vector<1x16xf32>,
        %parallel_loop3A_867 = vector.shape_cast %parallel_loop3A_866 : vector<1x16xf32> to vector<16xf32>
        %parallel_loop3A_868 = arith.addf %parallel_loop3A_756, %parallel_loop3A_867 : vector<16xf32>
        %parallel_loop3A_869 = arith.constant 3 : i32
        %parallel_loop3A_870 = arith.addi %parallel_loop3A_418, %parallel_loop3A_869 : i32
        %parallel_loop3A_871 = arith.index_cast %parallel_loop3A_870 : i32 to index
        %parallel_loop3A_872 = arith.constant 224 : index
        %parallel_loop3A_873 = tpu.vector_load %arg7[%parallel_loop3A_871, %parallel_loop3A_872] {strides = array<i32>} : memref<64x256xf32, #tpu.memory_space<vmem>>, vector<1x16xf32>,
        %parallel_loop3A_874 = vector.shape_cast %parallel_loop3A_873 : vector<1x16xf32> to vector<16xf32>
        %parallel_loop3A_875 = arith.addf %parallel_loop3A_763, %parallel_loop3A_874 : vector<16xf32>
        %parallel_loop3A_876 = arith.constant 3 : i32
        %parallel_loop3A_877 = arith.addi %parallel_loop3A_418, %parallel_loop3A_876 : i32
        %parallel_loop3A_878 = arith.index_cast %parallel_loop3A_877 : i32 to index
        %parallel_loop3A_879 = arith.constant 240 : index
        %parallel_loop3A_880 = tpu.vector_load %arg7[%parallel_loop3A_878, %parallel_loop3A_879] {strides = array<i32>} : memref<64x256xf32, #tpu.memory_space<vmem>>, vector<1x16xf32>,
        %parallel_loop3A_881 = vector.shape_cast %parallel_loop3A_880 : vector<1x16xf32> to vector<16xf32>
        %parallel_loop3A_882 = arith.addf %parallel_loop3A_770, %parallel_loop3A_881 : vector<16xf32>
        %parallel_loop3A_883 = arith.constant 4 : i32
        %parallel_loop3A_884 = arith.addi %parallel_loop3A_418, %parallel_loop3A_883 : i32
        %parallel_loop3A_885 = arith.index_cast %parallel_loop3A_884 : i32 to index
        %parallel_loop3A_886 = arith.constant 0 : index
        %parallel_loop3A_887 = tpu.vector_load %arg7[%parallel_loop3A_885, %parallel_loop3A_886] {strides = array<i32>} : memref<64x256xf32, #tpu.memory_space<vmem>>, vector<1x16xf32>,
        %parallel_loop3A_888 = vector.shape_cast %parallel_loop3A_887 : vector<1x16xf32> to vector<16xf32>
        %parallel_loop3A_889 = arith.addf %parallel_loop3A_777, %parallel_loop3A_888 : vector<16xf32>
        %parallel_loop3A_890 = arith.constant 4 : i32
        %parallel_loop3A_891 = arith.addi %parallel_loop3A_418, %parallel_loop3A_890 : i32
        %parallel_loop3A_892 = arith.index_cast %parallel_loop3A_891 : i32 to index
        %parallel_loop3A_893 = arith.constant 16 : index
        %parallel_loop3A_894 = tpu.vector_load %arg7[%parallel_loop3A_892, %parallel_loop3A_893] {strides = array<i32>} : memref<64x256xf32, #tpu.memory_space<vmem>>, vector<1x16xf32>,
        %parallel_loop3A_895 = vector.shape_cast %parallel_loop3A_894 : vector<1x16xf32> to vector<16xf32>
        %parallel_loop3A_896 = arith.addf %parallel_loop3A_784, %parallel_loop3A_895 : vector<16xf32>
        %parallel_loop3A_897 = arith.constant 4 : i32
        %parallel_loop3A_898 = arith.addi %parallel_loop3A_418, %parallel_loop3A_897 : i32
        %parallel_loop3A_899 = arith.index_cast %parallel_loop3A_898 : i32 to index
        %parallel_loop3A_900 = arith.constant 32 : index
        %parallel_loop3A_901 = tpu.vector_load %arg7[%parallel_loop3A_899, %parallel_loop3A_900] {strides = array<i32>} : memref<64x256xf32, #tpu.memory_space<vmem>>, vector<1x16xf32>,
        %parallel_loop3A_902 = vector.shape_cast %parallel_loop3A_901 : vector<1x16xf32> to vector<16xf32>
        %parallel_loop3A_903 = arith.addf %parallel_loop3A_791, %parallel_loop3A_902 : vector<16xf32>
        %parallel_loop3A_904 = arith.constant 4 : i32
        %parallel_loop3A_905 = arith.addi %parallel_loop3A_418, %parallel_loop3A_904 : i32
        %parallel_loop3A_906 = arith.index_cast %parallel_loop3A_905 : i32 to index
        %parallel_loop3A_907 = arith.constant 48 : index
        %parallel_loop3A_908 = tpu.vector_load %arg7[%parallel_loop3A_906, %parallel_loop3A_907] {strides = array<i32>} : memref<64x256xf32, #tpu.memory_space<vmem>>, vector<1x16xf32>,
        %parallel_loop3A_909 = vector.shape_cast %parallel_loop3A_908 : vector<1x16xf32> to vector<16xf32>
        %parallel_loop3A_910 = arith.addf %parallel_loop3A_798, %parallel_loop3A_909 : vector<16xf32>
        %parallel_loop3A_911 = arith.constant 4 : i32
        %parallel_loop3A_912 = arith.addi %parallel_loop3A_418, %parallel_loop3A_911 : i32
        %parallel_loop3A_913 = arith.index_cast %parallel_loop3A_912 : i32 to index
        %parallel_loop3A_914 = arith.constant 64 : index
        %parallel_loop3A_915 = tpu.vector_load %arg7[%parallel_loop3A_913, %parallel_loop3A_914] {strides = array<i32>} : memref<64x256xf32, #tpu.memory_space<vmem>>, vector<1x16xf32>,
        %parallel_loop3A_916 = vector.shape_cast %parallel_loop3A_915 : vector<1x16xf32> to vector<16xf32>
        %parallel_loop3A_917 = arith.addf %parallel_loop3A_805, %parallel_loop3A_916 : vector<16xf32>
        %parallel_loop3A_918 = arith.constant 4 : i32
        %parallel_loop3A_919 = arith.addi %parallel_loop3A_418, %parallel_loop3A_918 : i32
        %parallel_loop3A_920 = arith.index_cast %parallel_loop3A_919 : i32 to index
        %parallel_loop3A_921 = arith.constant 80 : index
        %parallel_loop3A_922 = tpu.vector_load %arg7[%parallel_loop3A_920, %parallel_loop3A_921] {strides = array<i32>} : memref<64x256xf32, #tpu.memory_space<vmem>>, vector<1x16xf32>,
        %parallel_loop3A_923 = vector.shape_cast %parallel_loop3A_922 : vector<1x16xf32> to vector<16xf32>
        %parallel_loop3A_924 = arith.addf %parallel_loop3A_812, %parallel_loop3A_923 : vector<16xf32>
        %parallel_loop3A_925 = arith.constant 4 : i32
        %parallel_loop3A_926 = arith.addi %parallel_loop3A_418, %parallel_loop3A_925 : i32
        %parallel_loop3A_927 = arith.index_cast %parallel_loop3A_926 : i32 to index
        %parallel_loop3A_928 = arith.constant 96 : index
        %parallel_loop3A_929 = tpu.vector_load %arg7[%parallel_loop3A_927, %parallel_loop3A_928] {strides = array<i32>} : memref<64x256xf32, #tpu.memory_space<vmem>>, vector<1x16xf32>,
        %parallel_loop3A_930 = vector.shape_cast %parallel_loop3A_929 : vector<1x16xf32> to vector<16xf32>
        %parallel_loop3A_931 = arith.addf %parallel_loop3A_819, %parallel_loop3A_930 : vector<16xf32>
        %parallel_loop3A_932 = arith.constant 4 : i32
        %parallel_loop3A_933 = arith.addi %parallel_loop3A_418, %parallel_loop3A_932 : i32
        %parallel_loop3A_934 = arith.index_cast %parallel_loop3A_933 : i32 to index
        %parallel_loop3A_935 = arith.constant 112 : index
        %parallel_loop3A_936 = tpu.vector_load %arg7[%parallel_loop3A_934, %parallel_loop3A_935] {strides = array<i32>} : memref<64x256xf32, #tpu.memory_space<vmem>>, vector<1x16xf32>,
        %parallel_loop3A_937 = vector.shape_cast %parallel_loop3A_936 : vector<1x16xf32> to vector<16xf32>
        %parallel_loop3A_938 = arith.addf %parallel_loop3A_826, %parallel_loop3A_937 : vector<16xf32>
        %parallel_loop3A_939 = arith.constant 4 : i32
        %parallel_loop3A_940 = arith.addi %parallel_loop3A_418, %parallel_loop3A_939 : i32
        %parallel_loop3A_941 = arith.index_cast %parallel_loop3A_940 : i32 to index
        %parallel_loop3A_942 = arith.constant 128 : index
        %parallel_loop3A_943 = tpu.vector_load %arg7[%parallel_loop3A_941, %parallel_loop3A_942] {strides = array<i32>} : memref<64x256xf32, #tpu.memory_space<vmem>>, vector<1x16xf32>,
        %parallel_loop3A_944 = vector.shape_cast %parallel_loop3A_943 : vector<1x16xf32> to vector<16xf32>
        %parallel_loop3A_945 = arith.addf %parallel_loop3A_833, %parallel_loop3A_944 : vector<16xf32>
        %parallel_loop3A_946 = arith.constant 4 : i32
        %parallel_loop3A_947 = arith.addi %parallel_loop3A_418, %parallel_loop3A_946 : i32
        %parallel_loop3A_948 = arith.index_cast %parallel_loop3A_947 : i32 to index
        %parallel_loop3A_949 = arith.constant 144 : index
        %parallel_loop3A_950 = tpu.vector_load %arg7[%parallel_loop3A_948, %parallel_loop3A_949] {strides = array<i32>} : memref<64x256xf32, #tpu.memory_space<vmem>>, vector<1x16xf32>,
        %parallel_loop3A_951 = vector.shape_cast %parallel_loop3A_950 : vector<1x16xf32> to vector<16xf32>
        %parallel_loop3A_952 = arith.addf %parallel_loop3A_840, %parallel_loop3A_951 : vector<16xf32>
        %parallel_loop3A_953 = arith.constant 4 : i32
        %parallel_loop3A_954 = arith.addi %parallel_loop3A_418, %parallel_loop3A_953 : i32
        %parallel_loop3A_955 = arith.index_cast %parallel_loop3A_954 : i32 to index
        %parallel_loop3A_956 = arith.constant 160 : index
        %parallel_loop3A_957 = tpu.vector_load %arg7[%parallel_loop3A_955, %parallel_loop3A_956] {strides = array<i32>} : memref<64x256xf32, #tpu.memory_space<vmem>>, vector<1x16xf32>,
        %parallel_loop3A_958 = vector.shape_cast %parallel_loop3A_957 : vector<1x16xf32> to vector<16xf32>
        %parallel_loop3A_959 = arith.addf %parallel_loop3A_847, %parallel_loop3A_958 : vector<16xf32>
        %parallel_loop3A_960 = arith.constant 4 : i32
        %parallel_loop3A_961 = arith.addi %parallel_loop3A_418, %parallel_loop3A_960 : i32
        %parallel_loop3A_962 = arith.index_cast %parallel_loop3A_961 : i32 to index
        %parallel_loop3A_963 = arith.constant 176 : index
        %parallel_loop3A_964 = tpu.vector_load %arg7[%parallel_loop3A_962, %parallel_loop3A_963] {strides = array<i32>} : memref<64x256xf32, #tpu.memory_space<vmem>>, vector<1x16xf32>,
        %parallel_loop3A_965 = vector.shape_cast %parallel_loop3A_964 : vector<1x16xf32> to vector<16xf32>
        %parallel_loop3A_966 = arith.addf %parallel_loop3A_854, %parallel_loop3A_965 : vector<16xf32>
        %parallel_loop3A_967 = arith.constant 4 : i32
        %parallel_loop3A_968 = arith.addi %parallel_loop3A_418, %parallel_loop3A_967 : i32
        %parallel_loop3A_969 = arith.index_cast %parallel_loop3A_968 : i32 to index
        %parallel_loop3A_970 = arith.constant 192 : index
        %parallel_loop3A_971 = tpu.vector_load %arg7[%parallel_loop3A_969, %parallel_loop3A_970] {strides = array<i32>} : memref<64x256xf32, #tpu.memory_space<vmem>>, vector<1x16xf32>,
        %parallel_loop3A_972 = vector.shape_cast %parallel_loop3A_971 : vector<1x16xf32> to vector<16xf32>
        %parallel_loop3A_973 = arith.addf %parallel_loop3A_861, %parallel_loop3A_972 : vector<16xf32>
        %parallel_loop3A_974 = arith.constant 4 : i32
        %parallel_loop3A_975 = arith.addi %parallel_loop3A_418, %parallel_loop3A_974 : i32
        %parallel_loop3A_976 = arith.index_cast %parallel_loop3A_975 : i32 to index
        %parallel_loop3A_977 = arith.constant 208 : index
        %parallel_loop3A_978 = tpu.vector_load %arg7[%parallel_loop3A_976, %parallel_loop3A_977] {strides = array<i32>} : memref<64x256xf32, #tpu.memory_space<vmem>>, vector<1x16xf32>,
        %parallel_loop3A_979 = vector.shape_cast %parallel_loop3A_978 : vector<1x16xf32> to vector<16xf32>
        %parallel_loop3A_980 = arith.addf %parallel_loop3A_868, %parallel_loop3A_979 : vector<16xf32>
        %parallel_loop3A_981 = arith.constant 4 : i32
        %parallel_loop3A_982 = arith.addi %parallel_loop3A_418, %parallel_loop3A_981 : i32
        %parallel_loop3A_983 = arith.index_cast %parallel_loop3A_982 : i32 to index
        %parallel_loop3A_984 = arith.constant 224 : index
        %parallel_loop3A_985 = tpu.vector_load %arg7[%parallel_loop3A_983, %parallel_loop3A_984] {strides = array<i32>} : memref<64x256xf32, #tpu.memory_space<vmem>>, vector<1x16xf32>,
        %parallel_loop3A_986 = vector.shape_cast %parallel_loop3A_985 : vector<1x16xf32> to vector<16xf32>
        %parallel_loop3A_987 = arith.addf %parallel_loop3A_875, %parallel_loop3A_986 : vector<16xf32>
        %parallel_loop3A_988 = arith.constant 4 : i32
        %parallel_loop3A_989 = arith.addi %parallel_loop3A_418, %parallel_loop3A_988 : i32
        %parallel_loop3A_990 = arith.index_cast %parallel_loop3A_989 : i32 to index
        %parallel_loop3A_991 = arith.constant 240 : index
        %parallel_loop3A_992 = tpu.vector_load %arg7[%parallel_loop3A_990, %parallel_loop3A_991] {strides = array<i32>} : memref<64x256xf32, #tpu.memory_space<vmem>>, vector<1x16xf32>,
        %parallel_loop3A_993 = vector.shape_cast %parallel_loop3A_992 : vector<1x16xf32> to vector<16xf32>
        %parallel_loop3A_994 = arith.addf %parallel_loop3A_882, %parallel_loop3A_993 : vector<16xf32>
        %parallel_loop3A_995 = arith.constant 5 : i32
        %parallel_loop3A_996 = arith.addi %parallel_loop3A_418, %parallel_loop3A_995 : i32
        %parallel_loop3A_997 = arith.index_cast %parallel_loop3A_996 : i32 to index
        %parallel_loop3A_998 = arith.constant 0 : index
        %parallel_loop3A_999 = tpu.vector_load %arg7[%parallel_loop3A_997, %parallel_loop3A_998] {strides = array<i32>} : memref<64x256xf32, #tpu.memory_space<vmem>>, vector<1x16xf32>,
        %parallel_loop3A_1000 = vector.shape_cast %parallel_loop3A_999 : vector<1x16xf32> to vector<16xf32>
        %parallel_loop3A_1001 = arith.addf %parallel_loop3A_889, %parallel_loop3A_1000 : vector<16xf32>
        %parallel_loop3A_1002 = arith.constant 5 : i32
        %parallel_loop3A_1003 = arith.addi %parallel_loop3A_418, %parallel_loop3A_1002 : i32
        %parallel_loop3A_1004 = arith.index_cast %parallel_loop3A_1003 : i32 to index
        %parallel_loop3A_1005 = arith.constant 16 : index
        %parallel_loop3A_1006 = tpu.vector_load %arg7[%parallel_loop3A_1004, %parallel_loop3A_1005] {strides = array<i32>} : memref<64x256xf32, #tpu.memory_space<vmem>>, vector<1x16xf32>,
        %parallel_loop3A_1007 = vector.shape_cast %parallel_loop3A_1006 : vector<1x16xf32> to vector<16xf32>
        %parallel_loop3A_1008 = arith.addf %parallel_loop3A_896, %parallel_loop3A_1007 : vector<16xf32>
        %parallel_loop3A_1009 = arith.constant 5 : i32
        %parallel_loop3A_1010 = arith.addi %parallel_loop3A_418, %parallel_loop3A_1009 : i32
        %parallel_loop3A_1011 = arith.index_cast %parallel_loop3A_1010 : i32 to index
        %parallel_loop3A_1012 = arith.constant 32 : index
        %parallel_loop3A_1013 = tpu.vector_load %arg7[%parallel_loop3A_1011, %parallel_loop3A_1012] {strides = array<i32>} : memref<64x256xf32, #tpu.memory_space<vmem>>, vector<1x16xf32>,
        %parallel_loop3A_1014 = vector.shape_cast %parallel_loop3A_1013 : vector<1x16xf32> to vector<16xf32>
        %parallel_loop3A_1015 = arith.addf %parallel_loop3A_903, %parallel_loop3A_1014 : vector<16xf32>
        %parallel_loop3A_1016 = arith.constant 5 : i32
        %parallel_loop3A_1017 = arith.addi %parallel_loop3A_418, %parallel_loop3A_1016 : i32
        %parallel_loop3A_1018 = arith.index_cast %parallel_loop3A_1017 : i32 to index
        %parallel_loop3A_1019 = arith.constant 48 : index
        %parallel_loop3A_1020 = tpu.vector_load %arg7[%parallel_loop3A_1018, %parallel_loop3A_1019] {strides = array<i32>} : memref<64x256xf32, #tpu.memory_space<vmem>>, vector<1x16xf32>,
        %parallel_loop3A_1021 = vector.shape_cast %parallel_loop3A_1020 : vector<1x16xf32> to vector<16xf32>
        %parallel_loop3A_1022 = arith.addf %parallel_loop3A_910, %parallel_loop3A_1021 : vector<16xf32>
        %parallel_loop3A_1023 = arith.constant 5 : i32
        %parallel_loop3A_1024 = arith.addi %parallel_loop3A_418, %parallel_loop3A_1023 : i32
        %parallel_loop3A_1025 = arith.index_cast %parallel_loop3A_1024 : i32 to index
        %parallel_loop3A_1026 = arith.constant 64 : index
        %parallel_loop3A_1027 = tpu.vector_load %arg7[%parallel_loop3A_1025, %parallel_loop3A_1026] {strides = array<i32>} : memref<64x256xf32, #tpu.memory_space<vmem>>, vector<1x16xf32>,
        %parallel_loop3A_1028 = vector.shape_cast %parallel_loop3A_1027 : vector<1x16xf32> to vector<16xf32>
        %parallel_loop3A_1029 = arith.addf %parallel_loop3A_917, %parallel_loop3A_1028 : vector<16xf32>
        %parallel_loop3A_1030 = arith.constant 5 : i32
        %parallel_loop3A_1031 = arith.addi %parallel_loop3A_418, %parallel_loop3A_1030 : i32
        %parallel_loop3A_1032 = arith.index_cast %parallel_loop3A_1031 : i32 to index
        %parallel_loop3A_1033 = arith.constant 80 : index
        %parallel_loop3A_1034 = tpu.vector_load %arg7[%parallel_loop3A_1032, %parallel_loop3A_1033] {strides = array<i32>} : memref<64x256xf32, #tpu.memory_space<vmem>>, vector<1x16xf32>,
        %parallel_loop3A_1035 = vector.shape_cast %parallel_loop3A_1034 : vector<1x16xf32> to vector<16xf32>
        %parallel_loop3A_1036 = arith.addf %parallel_loop3A_924, %parallel_loop3A_1035 : vector<16xf32>
        %parallel_loop3A_1037 = arith.constant 5 : i32
        %parallel_loop3A_1038 = arith.addi %parallel_loop3A_418, %parallel_loop3A_1037 : i32
        %parallel_loop3A_1039 = arith.index_cast %parallel_loop3A_1038 : i32 to index
        %parallel_loop3A_1040 = arith.constant 96 : index
        %parallel_loop3A_1041 = tpu.vector_load %arg7[%parallel_loop3A_1039, %parallel_loop3A_1040] {strides = array<i32>} : memref<64x256xf32, #tpu.memory_space<vmem>>, vector<1x16xf32>,
        %parallel_loop3A_1042 = vector.shape_cast %parallel_loop3A_1041 : vector<1x16xf32> to vector<16xf32>
        %parallel_loop3A_1043 = arith.addf %parallel_loop3A_931, %parallel_loop3A_1042 : vector<16xf32>
        %parallel_loop3A_1044 = arith.constant 5 : i32
        %parallel_loop3A_1045 = arith.addi %parallel_loop3A_418, %parallel_loop3A_1044 : i32
        %parallel_loop3A_1046 = arith.index_cast %parallel_loop3A_1045 : i32 to index
        %parallel_loop3A_1047 = arith.constant 112 : index
        %parallel_loop3A_1048 = tpu.vector_load %arg7[%parallel_loop3A_1046, %parallel_loop3A_1047] {strides = array<i32>} : memref<64x256xf32, #tpu.memory_space<vmem>>, vector<1x16xf32>,
        %parallel_loop3A_1049 = vector.shape_cast %parallel_loop3A_1048 : vector<1x16xf32> to vector<16xf32>
        %parallel_loop3A_1050 = arith.addf %parallel_loop3A_938, %parallel_loop3A_1049 : vector<16xf32>
        %parallel_loop3A_1051 = arith.constant 5 : i32
        %parallel_loop3A_1052 = arith.addi %parallel_loop3A_418, %parallel_loop3A_1051 : i32
        %parallel_loop3A_1053 = arith.index_cast %parallel_loop3A_1052 : i32 to index
        %parallel_loop3A_1054 = arith.constant 128 : index
        %parallel_loop3A_1055 = tpu.vector_load %arg7[%parallel_loop3A_1053, %parallel_loop3A_1054] {strides = array<i32>} : memref<64x256xf32, #tpu.memory_space<vmem>>, vector<1x16xf32>,
        %parallel_loop3A_1056 = vector.shape_cast %parallel_loop3A_1055 : vector<1x16xf32> to vector<16xf32>
        %parallel_loop3A_1057 = arith.addf %parallel_loop3A_945, %parallel_loop3A_1056 : vector<16xf32>
        %parallel_loop3A_1058 = arith.constant 5 : i32
        %parallel_loop3A_1059 = arith.addi %parallel_loop3A_418, %parallel_loop3A_1058 : i32
        %parallel_loop3A_1060 = arith.index_cast %parallel_loop3A_1059 : i32 to index
        %parallel_loop3A_1061 = arith.constant 144 : index
        %parallel_loop3A_1062 = tpu.vector_load %arg7[%parallel_loop3A_1060, %parallel_loop3A_1061] {strides = array<i32>} : memref<64x256xf32, #tpu.memory_space<vmem>>, vector<1x16xf32>,
        %parallel_loop3A_1063 = vector.shape_cast %parallel_loop3A_1062 : vector<1x16xf32> to vector<16xf32>
        %parallel_loop3A_1064 = arith.addf %parallel_loop3A_952, %parallel_loop3A_1063 : vector<16xf32>
        %parallel_loop3A_1065 = arith.constant 5 : i32
        %parallel_loop3A_1066 = arith.addi %parallel_loop3A_418, %parallel_loop3A_1065 : i32
        %parallel_loop3A_1067 = arith.index_cast %parallel_loop3A_1066 : i32 to index
        %parallel_loop3A_1068 = arith.constant 160 : index
        %parallel_loop3A_1069 = tpu.vector_load %arg7[%parallel_loop3A_1067, %parallel_loop3A_1068] {strides = array<i32>} : memref<64x256xf32, #tpu.memory_space<vmem>>, vector<1x16xf32>,
        %parallel_loop3A_1070 = vector.shape_cast %parallel_loop3A_1069 : vector<1x16xf32> to vector<16xf32>
        %parallel_loop3A_1071 = arith.addf %parallel_loop3A_959, %parallel_loop3A_1070 : vector<16xf32>
        %parallel_loop3A_1072 = arith.constant 5 : i32
        %parallel_loop3A_1073 = arith.addi %parallel_loop3A_418, %parallel_loop3A_1072 : i32
        %parallel_loop3A_1074 = arith.index_cast %parallel_loop3A_1073 : i32 to index
        %parallel_loop3A_1075 = arith.constant 176 : index
        %parallel_loop3A_1076 = tpu.vector_load %arg7[%parallel_loop3A_1074, %parallel_loop3A_1075] {strides = array<i32>} : memref<64x256xf32, #tpu.memory_space<vmem>>, vector<1x16xf32>,
        %parallel_loop3A_1077 = vector.shape_cast %parallel_loop3A_1076 : vector<1x16xf32> to vector<16xf32>
        %parallel_loop3A_1078 = arith.addf %parallel_loop3A_966, %parallel_loop3A_1077 : vector<16xf32>
        %parallel_loop3A_1079 = arith.constant 5 : i32
        %parallel_loop3A_1080 = arith.addi %parallel_loop3A_418, %parallel_loop3A_1079 : i32
        %parallel_loop3A_1081 = arith.index_cast %parallel_loop3A_1080 : i32 to index
        %parallel_loop3A_1082 = arith.constant 192 : index
        %parallel_loop3A_1083 = tpu.vector_load %arg7[%parallel_loop3A_1081, %parallel_loop3A_1082] {strides = array<i32>} : memref<64x256xf32, #tpu.memory_space<vmem>>, vector<1x16xf32>,
        %parallel_loop3A_1084 = vector.shape_cast %parallel_loop3A_1083 : vector<1x16xf32> to vector<16xf32>
        %parallel_loop3A_1085 = arith.addf %parallel_loop3A_973, %parallel_loop3A_1084 : vector<16xf32>
        %parallel_loop3A_1086 = arith.constant 5 : i32
        %parallel_loop3A_1087 = arith.addi %parallel_loop3A_418, %parallel_loop3A_1086 : i32
        %parallel_loop3A_1088 = arith.index_cast %parallel_loop3A_1087 : i32 to index
        %parallel_loop3A_1089 = arith.constant 208 : index
        %parallel_loop3A_1090 = tpu.vector_load %arg7[%parallel_loop3A_1088, %parallel_loop3A_1089] {strides = array<i32>} : memref<64x256xf32, #tpu.memory_space<vmem>>, vector<1x16xf32>,
        %parallel_loop3A_1091 = vector.shape_cast %parallel_loop3A_1090 : vector<1x16xf32> to vector<16xf32>
        %parallel_loop3A_1092 = arith.addf %parallel_loop3A_980, %parallel_loop3A_1091 : vector<16xf32>
        %parallel_loop3A_1093 = arith.constant 5 : i32
        %parallel_loop3A_1094 = arith.addi %parallel_loop3A_418, %parallel_loop3A_1093 : i32
        %parallel_loop3A_1095 = arith.index_cast %parallel_loop3A_1094 : i32 to index
        %parallel_loop3A_1096 = arith.constant 224 : index
        %parallel_loop3A_1097 = tpu.vector_load %arg7[%parallel_loop3A_1095, %parallel_loop3A_1096] {strides = array<i32>} : memref<64x256xf32, #tpu.memory_space<vmem>>, vector<1x16xf32>,
        %parallel_loop3A_1098 = vector.shape_cast %parallel_loop3A_1097 : vector<1x16xf32> to vector<16xf32>
        %parallel_loop3A_1099 = arith.addf %parallel_loop3A_987, %parallel_loop3A_1098 : vector<16xf32>
        %parallel_loop3A_1100 = arith.constant 5 : i32
        %parallel_loop3A_1101 = arith.addi %parallel_loop3A_418, %parallel_loop3A_1100 : i32
        %parallel_loop3A_1102 = arith.index_cast %parallel_loop3A_1101 : i32 to index
        %parallel_loop3A_1103 = arith.constant 240 : index
        %parallel_loop3A_1104 = tpu.vector_load %arg7[%parallel_loop3A_1102, %parallel_loop3A_1103] {strides = array<i32>} : memref<64x256xf32, #tpu.memory_space<vmem>>, vector<1x16xf32>,
        %parallel_loop3A_1105 = vector.shape_cast %parallel_loop3A_1104 : vector<1x16xf32> to vector<16xf32>
        %parallel_loop3A_1106 = arith.addf %parallel_loop3A_994, %parallel_loop3A_1105 : vector<16xf32>
        %parallel_loop3A_1107 = arith.constant 6 : i32
        %parallel_loop3A_1108 = arith.addi %parallel_loop3A_418, %parallel_loop3A_1107 : i32
        %parallel_loop3A_1109 = arith.index_cast %parallel_loop3A_1108 : i32 to index
        %parallel_loop3A_1110 = arith.constant 0 : index
        %parallel_loop3A_1111 = tpu.vector_load %arg7[%parallel_loop3A_1109, %parallel_loop3A_1110] {strides = array<i32>} : memref<64x256xf32, #tpu.memory_space<vmem>>, vector<1x16xf32>,
        %parallel_loop3A_1112 = vector.shape_cast %parallel_loop3A_1111 : vector<1x16xf32> to vector<16xf32>
        %parallel_loop3A_1113 = arith.addf %parallel_loop3A_1001, %parallel_loop3A_1112 : vector<16xf32>
        %parallel_loop3A_1114 = arith.constant 6 : i32
        %parallel_loop3A_1115 = arith.addi %parallel_loop3A_418, %parallel_loop3A_1114 : i32
        %parallel_loop3A_1116 = arith.index_cast %parallel_loop3A_1115 : i32 to index
        %parallel_loop3A_1117 = arith.constant 16 : index
        %parallel_loop3A_1118 = tpu.vector_load %arg7[%parallel_loop3A_1116, %parallel_loop3A_1117] {strides = array<i32>} : memref<64x256xf32, #tpu.memory_space<vmem>>, vector<1x16xf32>,
        %parallel_loop3A_1119 = vector.shape_cast %parallel_loop3A_1118 : vector<1x16xf32> to vector<16xf32>
        %parallel_loop3A_1120 = arith.addf %parallel_loop3A_1008, %parallel_loop3A_1119 : vector<16xf32>
        %parallel_loop3A_1121 = arith.constant 6 : i32
        %parallel_loop3A_1122 = arith.addi %parallel_loop3A_418, %parallel_loop3A_1121 : i32
        %parallel_loop3A_1123 = arith.index_cast %parallel_loop3A_1122 : i32 to index
        %parallel_loop3A_1124 = arith.constant 32 : index
        %parallel_loop3A_1125 = tpu.vector_load %arg7[%parallel_loop3A_1123, %parallel_loop3A_1124] {strides = array<i32>} : memref<64x256xf32, #tpu.memory_space<vmem>>, vector<1x16xf32>,
        %parallel_loop3A_1126 = vector.shape_cast %parallel_loop3A_1125 : vector<1x16xf32> to vector<16xf32>
        %parallel_loop3A_1127 = arith.addf %parallel_loop3A_1015, %parallel_loop3A_1126 : vector<16xf32>
        %parallel_loop3A_1128 = arith.constant 6 : i32
        %parallel_loop3A_1129 = arith.addi %parallel_loop3A_418, %parallel_loop3A_1128 : i32
        %parallel_loop3A_1130 = arith.index_cast %parallel_loop3A_1129 : i32 to index
        %parallel_loop3A_1131 = arith.constant 48 : index
        %parallel_loop3A_1132 = tpu.vector_load %arg7[%parallel_loop3A_1130, %parallel_loop3A_1131] {strides = array<i32>} : memref<64x256xf32, #tpu.memory_space<vmem>>, vector<1x16xf32>,
        %parallel_loop3A_1133 = vector.shape_cast %parallel_loop3A_1132 : vector<1x16xf32> to vector<16xf32>
        %parallel_loop3A_1134 = arith.addf %parallel_loop3A_1022, %parallel_loop3A_1133 : vector<16xf32>
        %parallel_loop3A_1135 = arith.constant 6 : i32
        %parallel_loop3A_1136 = arith.addi %parallel_loop3A_418, %parallel_loop3A_1135 : i32
        %parallel_loop3A_1137 = arith.index_cast %parallel_loop3A_1136 : i32 to index
        %parallel_loop3A_1138 = arith.constant 64 : index
        %parallel_loop3A_1139 = tpu.vector_load %arg7[%parallel_loop3A_1137, %parallel_loop3A_1138] {strides = array<i32>} : memref<64x256xf32, #tpu.memory_space<vmem>>, vector<1x16xf32>,
        %parallel_loop3A_1140 = vector.shape_cast %parallel_loop3A_1139 : vector<1x16xf32> to vector<16xf32>
        %parallel_loop3A_1141 = arith.addf %parallel_loop3A_1029, %parallel_loop3A_1140 : vector<16xf32>
        %parallel_loop3A_1142 = arith.constant 6 : i32
        %parallel_loop3A_1143 = arith.addi %parallel_loop3A_418, %parallel_loop3A_1142 : i32
        %parallel_loop3A_1144 = arith.index_cast %parallel_loop3A_1143 : i32 to index
        %parallel_loop3A_1145 = arith.constant 80 : index
        %parallel_loop3A_1146 = tpu.vector_load %arg7[%parallel_loop3A_1144, %parallel_loop3A_1145] {strides = array<i32>} : memref<64x256xf32, #tpu.memory_space<vmem>>, vector<1x16xf32>,
        %parallel_loop3A_1147 = vector.shape_cast %parallel_loop3A_1146 : vector<1x16xf32> to vector<16xf32>
        %parallel_loop3A_1148 = arith.addf %parallel_loop3A_1036, %parallel_loop3A_1147 : vector<16xf32>
        %parallel_loop3A_1149 = arith.constant 6 : i32
        %parallel_loop3A_1150 = arith.addi %parallel_loop3A_418, %parallel_loop3A_1149 : i32
        %parallel_loop3A_1151 = arith.index_cast %parallel_loop3A_1150 : i32 to index
        %parallel_loop3A_1152 = arith.constant 96 : index
        %parallel_loop3A_1153 = tpu.vector_load %arg7[%parallel_loop3A_1151, %parallel_loop3A_1152] {strides = array<i32>} : memref<64x256xf32, #tpu.memory_space<vmem>>, vector<1x16xf32>,
        %parallel_loop3A_1154 = vector.shape_cast %parallel_loop3A_1153 : vector<1x16xf32> to vector<16xf32>
        %parallel_loop3A_1155 = arith.addf %parallel_loop3A_1043, %parallel_loop3A_1154 : vector<16xf32>
        %parallel_loop3A_1156 = arith.constant 6 : i32
        %parallel_loop3A_1157 = arith.addi %parallel_loop3A_418, %parallel_loop3A_1156 : i32
        %parallel_loop3A_1158 = arith.index_cast %parallel_loop3A_1157 : i32 to index
        %parallel_loop3A_1159 = arith.constant 112 : index
        %parallel_loop3A_1160 = tpu.vector_load %arg7[%parallel_loop3A_1158, %parallel_loop3A_1159] {strides = array<i32>} : memref<64x256xf32, #tpu.memory_space<vmem>>, vector<1x16xf32>,
        %parallel_loop3A_1161 = vector.shape_cast %parallel_loop3A_1160 : vector<1x16xf32> to vector<16xf32>
        %parallel_loop3A_1162 = arith.addf %parallel_loop3A_1050, %parallel_loop3A_1161 : vector<16xf32>
        %parallel_loop3A_1163 = arith.constant 6 : i32
        %parallel_loop3A_1164 = arith.addi %parallel_loop3A_418, %parallel_loop3A_1163 : i32
        %parallel_loop3A_1165 = arith.index_cast %parallel_loop3A_1164 : i32 to index
        %parallel_loop3A_1166 = arith.constant 128 : index
        %parallel_loop3A_1167 = tpu.vector_load %arg7[%parallel_loop3A_1165, %parallel_loop3A_1166] {strides = array<i32>} : memref<64x256xf32, #tpu.memory_space<vmem>>, vector<1x16xf32>,
        %parallel_loop3A_1168 = vector.shape_cast %parallel_loop3A_1167 : vector<1x16xf32> to vector<16xf32>
        %parallel_loop3A_1169 = arith.addf %parallel_loop3A_1057, %parallel_loop3A_1168 : vector<16xf32>
        %parallel_loop3A_1170 = arith.constant 6 : i32
        %parallel_loop3A_1171 = arith.addi %parallel_loop3A_418, %parallel_loop3A_1170 : i32
        %parallel_loop3A_1172 = arith.index_cast %parallel_loop3A_1171 : i32 to index
        %parallel_loop3A_1173 = arith.constant 144 : index
        %parallel_loop3A_1174 = tpu.vector_load %arg7[%parallel_loop3A_1172, %parallel_loop3A_1173] {strides = array<i32>} : memref<64x256xf32, #tpu.memory_space<vmem>>, vector<1x16xf32>,
        %parallel_loop3A_1175 = vector.shape_cast %parallel_loop3A_1174 : vector<1x16xf32> to vector<16xf32>
        %parallel_loop3A_1176 = arith.addf %parallel_loop3A_1064, %parallel_loop3A_1175 : vector<16xf32>
        %parallel_loop3A_1177 = arith.constant 6 : i32
        %parallel_loop3A_1178 = arith.addi %parallel_loop3A_418, %parallel_loop3A_1177 : i32
        %parallel_loop3A_1179 = arith.index_cast %parallel_loop3A_1178 : i32 to index
        %parallel_loop3A_1180 = arith.constant 160 : index
        %parallel_loop3A_1181 = tpu.vector_load %arg7[%parallel_loop3A_1179, %parallel_loop3A_1180] {strides = array<i32>} : memref<64x256xf32, #tpu.memory_space<vmem>>, vector<1x16xf32>,
        %parallel_loop3A_1182 = vector.shape_cast %parallel_loop3A_1181 : vector<1x16xf32> to vector<16xf32>
        %parallel_loop3A_1183 = arith.addf %parallel_loop3A_1071, %parallel_loop3A_1182 : vector<16xf32>
        %parallel_loop3A_1184 = arith.constant 6 : i32
        %parallel_loop3A_1185 = arith.addi %parallel_loop3A_418, %parallel_loop3A_1184 : i32
        %parallel_loop3A_1186 = arith.index_cast %parallel_loop3A_1185 : i32 to index
        %parallel_loop3A_1187 = arith.constant 176 : index
        %parallel_loop3A_1188 = tpu.vector_load %arg7[%parallel_loop3A_1186, %parallel_loop3A_1187] {strides = array<i32>} : memref<64x256xf32, #tpu.memory_space<vmem>>, vector<1x16xf32>,
        %parallel_loop3A_1189 = vector.shape_cast %parallel_loop3A_1188 : vector<1x16xf32> to vector<16xf32>
        %parallel_loop3A_1190 = arith.addf %parallel_loop3A_1078, %parallel_loop3A_1189 : vector<16xf32>
        %parallel_loop3A_1191 = arith.constant 6 : i32
        %parallel_loop3A_1192 = arith.addi %parallel_loop3A_418, %parallel_loop3A_1191 : i32
        %parallel_loop3A_1193 = arith.index_cast %parallel_loop3A_1192 : i32 to index
        %parallel_loop3A_1194 = arith.constant 192 : index
        %parallel_loop3A_1195 = tpu.vector_load %arg7[%parallel_loop3A_1193, %parallel_loop3A_1194] {strides = array<i32>} : memref<64x256xf32, #tpu.memory_space<vmem>>, vector<1x16xf32>,
        %parallel_loop3A_1196 = vector.shape_cast %parallel_loop3A_1195 : vector<1x16xf32> to vector<16xf32>
        %parallel_loop3A_1197 = arith.addf %parallel_loop3A_1085, %parallel_loop3A_1196 : vector<16xf32>
        %parallel_loop3A_1198 = arith.constant 6 : i32
        %parallel_loop3A_1199 = arith.addi %parallel_loop3A_418, %parallel_loop3A_1198 : i32
        %parallel_loop3A_1200 = arith.index_cast %parallel_loop3A_1199 : i32 to index
        %parallel_loop3A_1201 = arith.constant 208 : index
        %parallel_loop3A_1202 = tpu.vector_load %arg7[%parallel_loop3A_1200, %parallel_loop3A_1201] {strides = array<i32>} : memref<64x256xf32, #tpu.memory_space<vmem>>, vector<1x16xf32>,
        %parallel_loop3A_1203 = vector.shape_cast %parallel_loop3A_1202 : vector<1x16xf32> to vector<16xf32>
        %parallel_loop3A_1204 = arith.addf %parallel_loop3A_1092, %parallel_loop3A_1203 : vector<16xf32>
        %parallel_loop3A_1205 = arith.constant 6 : i32
        %parallel_loop3A_1206 = arith.addi %parallel_loop3A_418, %parallel_loop3A_1205 : i32
        %parallel_loop3A_1207 = arith.index_cast %parallel_loop3A_1206 : i32 to index
        %parallel_loop3A_1208 = arith.constant 224 : index
        %parallel_loop3A_1209 = tpu.vector_load %arg7[%parallel_loop3A_1207, %parallel_loop3A_1208] {strides = array<i32>} : memref<64x256xf32, #tpu.memory_space<vmem>>, vector<1x16xf32>,
        %parallel_loop3A_1210 = vector.shape_cast %parallel_loop3A_1209 : vector<1x16xf32> to vector<16xf32>
        %parallel_loop3A_1211 = arith.addf %parallel_loop3A_1099, %parallel_loop3A_1210 : vector<16xf32>
        %parallel_loop3A_1212 = arith.constant 6 : i32
        %parallel_loop3A_1213 = arith.addi %parallel_loop3A_418, %parallel_loop3A_1212 : i32
        %parallel_loop3A_1214 = arith.index_cast %parallel_loop3A_1213 : i32 to index
        %parallel_loop3A_1215 = arith.constant 240 : index
        %parallel_loop3A_1216 = tpu.vector_load %arg7[%parallel_loop3A_1214, %parallel_loop3A_1215] {strides = array<i32>} : memref<64x256xf32, #tpu.memory_space<vmem>>, vector<1x16xf32>,
        %parallel_loop3A_1217 = vector.shape_cast %parallel_loop3A_1216 : vector<1x16xf32> to vector<16xf32>
        %parallel_loop3A_1218 = arith.addf %parallel_loop3A_1106, %parallel_loop3A_1217 : vector<16xf32>
        %parallel_loop3A_1219 = arith.constant 7 : i32
        %parallel_loop3A_1220 = arith.addi %parallel_loop3A_418, %parallel_loop3A_1219 : i32
        %parallel_loop3A_1221 = arith.index_cast %parallel_loop3A_1220 : i32 to index
        %parallel_loop3A_1222 = arith.constant 0 : index
        %parallel_loop3A_1223 = tpu.vector_load %arg7[%parallel_loop3A_1221, %parallel_loop3A_1222] {strides = array<i32>} : memref<64x256xf32, #tpu.memory_space<vmem>>, vector<1x16xf32>,
        %parallel_loop3A_1224 = vector.shape_cast %parallel_loop3A_1223 : vector<1x16xf32> to vector<16xf32>
        %parallel_loop3A_1225 = arith.addf %parallel_loop3A_1113, %parallel_loop3A_1224 : vector<16xf32>
        %parallel_loop3A_1226 = arith.constant 7 : i32
        %parallel_loop3A_1227 = arith.addi %parallel_loop3A_418, %parallel_loop3A_1226 : i32
        %parallel_loop3A_1228 = arith.index_cast %parallel_loop3A_1227 : i32 to index
        %parallel_loop3A_1229 = arith.constant 16 : index
        %parallel_loop3A_1230 = tpu.vector_load %arg7[%parallel_loop3A_1228, %parallel_loop3A_1229] {strides = array<i32>} : memref<64x256xf32, #tpu.memory_space<vmem>>, vector<1x16xf32>,
        %parallel_loop3A_1231 = vector.shape_cast %parallel_loop3A_1230 : vector<1x16xf32> to vector<16xf32>
        %parallel_loop3A_1232 = arith.addf %parallel_loop3A_1120, %parallel_loop3A_1231 : vector<16xf32>
        %parallel_loop3A_1233 = arith.constant 7 : i32
        %parallel_loop3A_1234 = arith.addi %parallel_loop3A_418, %parallel_loop3A_1233 : i32
        %parallel_loop3A_1235 = arith.index_cast %parallel_loop3A_1234 : i32 to index
        %parallel_loop3A_1236 = arith.constant 32 : index
        %parallel_loop3A_1237 = tpu.vector_load %arg7[%parallel_loop3A_1235, %parallel_loop3A_1236] {strides = array<i32>} : memref<64x256xf32, #tpu.memory_space<vmem>>, vector<1x16xf32>,
        %parallel_loop3A_1238 = vector.shape_cast %parallel_loop3A_1237 : vector<1x16xf32> to vector<16xf32>
        %parallel_loop3A_1239 = arith.addf %parallel_loop3A_1127, %parallel_loop3A_1238 : vector<16xf32>
        %parallel_loop3A_1240 = arith.constant 7 : i32
        %parallel_loop3A_1241 = arith.addi %parallel_loop3A_418, %parallel_loop3A_1240 : i32
        %parallel_loop3A_1242 = arith.index_cast %parallel_loop3A_1241 : i32 to index
        %parallel_loop3A_1243 = arith.constant 48 : index
        %parallel_loop3A_1244 = tpu.vector_load %arg7[%parallel_loop3A_1242, %parallel_loop3A_1243] {strides = array<i32>} : memref<64x256xf32, #tpu.memory_space<vmem>>, vector<1x16xf32>,
        %parallel_loop3A_1245 = vector.shape_cast %parallel_loop3A_1244 : vector<1x16xf32> to vector<16xf32>
        %parallel_loop3A_1246 = arith.addf %parallel_loop3A_1134, %parallel_loop3A_1245 : vector<16xf32>
        %parallel_loop3A_1247 = arith.constant 7 : i32
        %parallel_loop3A_1248 = arith.addi %parallel_loop3A_418, %parallel_loop3A_1247 : i32
        %parallel_loop3A_1249 = arith.index_cast %parallel_loop3A_1248 : i32 to index
        %parallel_loop3A_1250 = arith.constant 64 : index
        %parallel_loop3A_1251 = tpu.vector_load %arg7[%parallel_loop3A_1249, %parallel_loop3A_1250] {strides = array<i32>} : memref<64x256xf32, #tpu.memory_space<vmem>>, vector<1x16xf32>,
        %parallel_loop3A_1252 = vector.shape_cast %parallel_loop3A_1251 : vector<1x16xf32> to vector<16xf32>
        %parallel_loop3A_1253 = arith.addf %parallel_loop3A_1141, %parallel_loop3A_1252 : vector<16xf32>
        %parallel_loop3A_1254 = arith.constant 7 : i32
        %parallel_loop3A_1255 = arith.addi %parallel_loop3A_418, %parallel_loop3A_1254 : i32
        %parallel_loop3A_1256 = arith.index_cast %parallel_loop3A_1255 : i32 to index
        %parallel_loop3A_1257 = arith.constant 80 : index
        %parallel_loop3A_1258 = tpu.vector_load %arg7[%parallel_loop3A_1256, %parallel_loop3A_1257] {strides = array<i32>} : memref<64x256xf32, #tpu.memory_space<vmem>>, vector<1x16xf32>,
        %parallel_loop3A_1259 = vector.shape_cast %parallel_loop3A_1258 : vector<1x16xf32> to vector<16xf32>
        %parallel_loop3A_1260 = arith.addf %parallel_loop3A_1148, %parallel_loop3A_1259 : vector<16xf32>
        %parallel_loop3A_1261 = arith.constant 7 : i32
        %parallel_loop3A_1262 = arith.addi %parallel_loop3A_418, %parallel_loop3A_1261 : i32
        %parallel_loop3A_1263 = arith.index_cast %parallel_loop3A_1262 : i32 to index
        %parallel_loop3A_1264 = arith.constant 96 : index
        %parallel_loop3A_1265 = tpu.vector_load %arg7[%parallel_loop3A_1263, %parallel_loop3A_1264] {strides = array<i32>} : memref<64x256xf32, #tpu.memory_space<vmem>>, vector<1x16xf32>,
        %parallel_loop3A_1266 = vector.shape_cast %parallel_loop3A_1265 : vector<1x16xf32> to vector<16xf32>
        %parallel_loop3A_1267 = arith.addf %parallel_loop3A_1155, %parallel_loop3A_1266 : vector<16xf32>
        %parallel_loop3A_1268 = arith.constant 7 : i32
        %parallel_loop3A_1269 = arith.addi %parallel_loop3A_418, %parallel_loop3A_1268 : i32
        %parallel_loop3A_1270 = arith.index_cast %parallel_loop3A_1269 : i32 to index
        %parallel_loop3A_1271 = arith.constant 112 : index
        %parallel_loop3A_1272 = tpu.vector_load %arg7[%parallel_loop3A_1270, %parallel_loop3A_1271] {strides = array<i32>} : memref<64x256xf32, #tpu.memory_space<vmem>>, vector<1x16xf32>,
        %parallel_loop3A_1273 = vector.shape_cast %parallel_loop3A_1272 : vector<1x16xf32> to vector<16xf32>
        %parallel_loop3A_1274 = arith.addf %parallel_loop3A_1162, %parallel_loop3A_1273 : vector<16xf32>
        %parallel_loop3A_1275 = arith.constant 7 : i32
        %parallel_loop3A_1276 = arith.addi %parallel_loop3A_418, %parallel_loop3A_1275 : i32
        %parallel_loop3A_1277 = arith.index_cast %parallel_loop3A_1276 : i32 to index
        %parallel_loop3A_1278 = arith.constant 128 : index
        %parallel_loop3A_1279 = tpu.vector_load %arg7[%parallel_loop3A_1277, %parallel_loop3A_1278] {strides = array<i32>} : memref<64x256xf32, #tpu.memory_space<vmem>>, vector<1x16xf32>,
        %parallel_loop3A_1280 = vector.shape_cast %parallel_loop3A_1279 : vector<1x16xf32> to vector<16xf32>
        %parallel_loop3A_1281 = arith.addf %parallel_loop3A_1169, %parallel_loop3A_1280 : vector<16xf32>
        %parallel_loop3A_1282 = arith.constant 7 : i32
        %parallel_loop3A_1283 = arith.addi %parallel_loop3A_418, %parallel_loop3A_1282 : i32
        %parallel_loop3A_1284 = arith.index_cast %parallel_loop3A_1283 : i32 to index
        %parallel_loop3A_1285 = arith.constant 144 : index
        %parallel_loop3A_1286 = tpu.vector_load %arg7[%parallel_loop3A_1284, %parallel_loop3A_1285] {strides = array<i32>} : memref<64x256xf32, #tpu.memory_space<vmem>>, vector<1x16xf32>,
        %parallel_loop3A_1287 = vector.shape_cast %parallel_loop3A_1286 : vector<1x16xf32> to vector<16xf32>
        %parallel_loop3A_1288 = arith.addf %parallel_loop3A_1176, %parallel_loop3A_1287 : vector<16xf32>
        %parallel_loop3A_1289 = arith.constant 7 : i32
        %parallel_loop3A_1290 = arith.addi %parallel_loop3A_418, %parallel_loop3A_1289 : i32
        %parallel_loop3A_1291 = arith.index_cast %parallel_loop3A_1290 : i32 to index
        %parallel_loop3A_1292 = arith.constant 160 : index
        %parallel_loop3A_1293 = tpu.vector_load %arg7[%parallel_loop3A_1291, %parallel_loop3A_1292] {strides = array<i32>} : memref<64x256xf32, #tpu.memory_space<vmem>>, vector<1x16xf32>,
        %parallel_loop3A_1294 = vector.shape_cast %parallel_loop3A_1293 : vector<1x16xf32> to vector<16xf32>
        %parallel_loop3A_1295 = arith.addf %parallel_loop3A_1183, %parallel_loop3A_1294 : vector<16xf32>
        %parallel_loop3A_1296 = arith.constant 7 : i32
        %parallel_loop3A_1297 = arith.addi %parallel_loop3A_418, %parallel_loop3A_1296 : i32
        %parallel_loop3A_1298 = arith.index_cast %parallel_loop3A_1297 : i32 to index
        %parallel_loop3A_1299 = arith.constant 176 : index
        %parallel_loop3A_1300 = tpu.vector_load %arg7[%parallel_loop3A_1298, %parallel_loop3A_1299] {strides = array<i32>} : memref<64x256xf32, #tpu.memory_space<vmem>>, vector<1x16xf32>,
        %parallel_loop3A_1301 = vector.shape_cast %parallel_loop3A_1300 : vector<1x16xf32> to vector<16xf32>
        %parallel_loop3A_1302 = arith.addf %parallel_loop3A_1190, %parallel_loop3A_1301 : vector<16xf32>
        %parallel_loop3A_1303 = arith.constant 7 : i32
        %parallel_loop3A_1304 = arith.addi %parallel_loop3A_418, %parallel_loop3A_1303 : i32
        %parallel_loop3A_1305 = arith.index_cast %parallel_loop3A_1304 : i32 to index
        %parallel_loop3A_1306 = arith.constant 192 : index
        %parallel_loop3A_1307 = tpu.vector_load %arg7[%parallel_loop3A_1305, %parallel_loop3A_1306] {strides = array<i32>} : memref<64x256xf32, #tpu.memory_space<vmem>>, vector<1x16xf32>,
        %parallel_loop3A_1308 = vector.shape_cast %parallel_loop3A_1307 : vector<1x16xf32> to vector<16xf32>
        %parallel_loop3A_1309 = arith.addf %parallel_loop3A_1197, %parallel_loop3A_1308 : vector<16xf32>
        %parallel_loop3A_1310 = arith.constant 7 : i32
        %parallel_loop3A_1311 = arith.addi %parallel_loop3A_418, %parallel_loop3A_1310 : i32
        %parallel_loop3A_1312 = arith.index_cast %parallel_loop3A_1311 : i32 to index
        %parallel_loop3A_1313 = arith.constant 208 : index
        %parallel_loop3A_1314 = tpu.vector_load %arg7[%parallel_loop3A_1312, %parallel_loop3A_1313] {strides = array<i32>} : memref<64x256xf32, #tpu.memory_space<vmem>>, vector<1x16xf32>,
        %parallel_loop3A_1315 = vector.shape_cast %parallel_loop3A_1314 : vector<1x16xf32> to vector<16xf32>
        %parallel_loop3A_1316 = arith.addf %parallel_loop3A_1204, %parallel_loop3A_1315 : vector<16xf32>
        %parallel_loop3A_1317 = arith.constant 7 : i32
        %parallel_loop3A_1318 = arith.addi %parallel_loop3A_418, %parallel_loop3A_1317 : i32
        %parallel_loop3A_1319 = arith.index_cast %parallel_loop3A_1318 : i32 to index
        %parallel_loop3A_1320 = arith.constant 224 : index
        %parallel_loop3A_1321 = tpu.vector_load %arg7[%parallel_loop3A_1319, %parallel_loop3A_1320] {strides = array<i32>} : memref<64x256xf32, #tpu.memory_space<vmem>>, vector<1x16xf32>,
        %parallel_loop3A_1322 = vector.shape_cast %parallel_loop3A_1321 : vector<1x16xf32> to vector<16xf32>
        %parallel_loop3A_1323 = arith.addf %parallel_loop3A_1211, %parallel_loop3A_1322 : vector<16xf32>
        %parallel_loop3A_1324 = arith.constant 7 : i32
        %parallel_loop3A_1325 = arith.addi %parallel_loop3A_418, %parallel_loop3A_1324 : i32
        %parallel_loop3A_1326 = arith.index_cast %parallel_loop3A_1325 : i32 to index
        %parallel_loop3A_1327 = arith.constant 240 : index
        %parallel_loop3A_1328 = tpu.vector_load %arg7[%parallel_loop3A_1326, %parallel_loop3A_1327] {strides = array<i32>} : memref<64x256xf32, #tpu.memory_space<vmem>>, vector<1x16xf32>,
        %parallel_loop3A_1329 = vector.shape_cast %parallel_loop3A_1328 : vector<1x16xf32> to vector<16xf32>
        %parallel_loop3A_1330 = arith.addf %parallel_loop3A_1218, %parallel_loop3A_1329 : vector<16xf32>
        scf.yield %parallel_loop3A_1225, %parallel_loop3A_1232, %parallel_loop3A_1239, %parallel_loop3A_1246, %parallel_loop3A_1253, %parallel_loop3A_1260, %parallel_loop3A_1267, %parallel_loop3A_1274, %parallel_loop3A_1281, %parallel_loop3A_1288, %parallel_loop3A_1295, %parallel_loop3A_1302, %parallel_loop3A_1309, %parallel_loop3A_1316, %parallel_loop3A_1323, %parallel_loop3A_1330 : vector<16xf32>, vector<16xf32>, vector<16xf32>, vector<16xf32>, vector<16xf32>, vector<16xf32>, vector<16xf32>, vector<16xf32>, vector<16xf32>, vector<16xf32>, vector<16xf32>, vector<16xf32>, vector<16xf32>, vector<16xf32>, vector<16xf32>, vector<16xf32>
      } {sc.loop_unroll_factor = 4 : i64, sc.parallel_access}
      %add3A_116 = arith.constant 4 : i32
      %add3A_117 = arith.addi %add3A_104, %add3A_116 : i32
      %lt3A_118 = arith.constant 64 : i32
      %lt3A_119 = arith.cmpi slt, %add3A_117, %lt3A_118 : i32
      %convert_element_type3A_120 = arith.extui %lt3A_119 : i1 to i32
      %cond3A_121 = arith.constant 0 : i32
      %cond3A_122 = arith.cmpi ne, %convert_element_type3A_120, %cond3A_121 : i32
      scf.if %cond3A_122 {
        %add3A_418 = arith.constant 4 : i32
        %add3A_419 = arith.addi %add3A_104, %add3A_418 : i32
        %dma_start3A_420 = arith.constant 0 : i32
        %dma_start3A_421 = tpu.memref_slice %arg5[%add3A_419, %dma_start3A_420] : memref<64x64xi32, #tpu.memory_space<vmem>> -> memref<1x64xi32, #tpu.memory_space<vmem>>
        %dma_start3A_422 = tpu.memref_squeeze %dma_start3A_421 : memref<1x64xi32, #tpu.memory_space<vmem>> -> memref<64xi32, #tpu.memory_space<vmem>>
        %dma_start3A_423 = arith.constant 0 : i32
        %dma_start3A_424 = arith.constant 0 : i32
        %dma_start3A_425 = tpu.memref_slice %arg3[%dma_start3A_423, %dma_start3A_424] : memref<131072x256xf32, #tpu.memory_space<hbm>> -> memref<131072x256xf32, #tpu.memory_space<hbm>>
        tpu.enqueue_indirect_dma source(%dma_start3A_425 : memref<131072x256xf32, #tpu.memory_space<hbm>>) target(%arg7 : memref<64x256xf32, #tpu.memory_space<vmem>>) offsets(%dma_start3A_422 : memref<64xi32, #tpu.memory_space<vmem>>) semaphore(%arg12 : memref<!tpu.dma_semaphore, #tpu.memory_space<semaphore_mem>>)
      } else {
      }
      %add3A_123 = arith.constant 0 : i32
      %add3A_124 = arith.addi %select_n3A, %add3A_123 : i32
      %swap3A = arith.index_cast %add3A_124 : i32 to index
      %swap3A_125 = arith.constant 0 : index
      %swap3A_126 = tpu.vector_load %arg10[%swap3A, %swap3A_125] {strides = array<i32>} : memref<32x256xf32, #tpu.memory_space<vmem>>, vector<1x16xf32>,
      %swap3A_127 = vector.shape_cast %swap3A_126 : vector<1x16xf32> to vector<16xf32>
      %swap3A_128 = vector.shape_cast %parallel_loop3A_115#0 : vector<16xf32> to vector<1x16xf32>
      tpu.vector_store %arg10[%swap3A, %swap3A_125], %swap3A_128 {strides = array<i32>} : memref<32x256xf32, #tpu.memory_space<vmem>>, vector<1x16xf32>,
      %add3A_129 = arith.constant 0 : i32
      %add3A_130 = arith.addi %select_n3A, %add3A_129 : i32
      %swap3A_131 = arith.index_cast %add3A_130 : i32 to index
      %swap3A_132 = arith.constant 16 : index
      %swap3A_133 = tpu.vector_load %arg10[%swap3A_131, %swap3A_132] {strides = array<i32>} : memref<32x256xf32, #tpu.memory_space<vmem>>, vector<1x16xf32>,
      %swap3A_134 = vector.shape_cast %swap3A_133 : vector<1x16xf32> to vector<16xf32>
      %swap3A_135 = vector.shape_cast %parallel_loop3A_115#1 : vector<16xf32> to vector<1x16xf32>
      tpu.vector_store %arg10[%swap3A_131, %swap3A_132], %swap3A_135 {strides = array<i32>} : memref<32x256xf32, #tpu.memory_space<vmem>>, vector<1x16xf32>,
      %add3A_136 = arith.constant 0 : i32
      %add3A_137 = arith.addi %select_n3A, %add3A_136 : i32
      %swap3A_138 = arith.index_cast %add3A_137 : i32 to index
      %swap3A_139 = arith.constant 32 : index
      %swap3A_140 = tpu.vector_load %arg10[%swap3A_138, %swap3A_139] {strides = array<i32>} : memref<32x256xf32, #tpu.memory_space<vmem>>, vector<1x16xf32>,
      %swap3A_141 = vector.shape_cast %swap3A_140 : vector<1x16xf32> to vector<16xf32>
      %swap3A_142 = vector.shape_cast %parallel_loop3A_115#2 : vector<16xf32> to vector<1x16xf32>
      tpu.vector_store %arg10[%swap3A_138, %swap3A_139], %swap3A_142 {strides = array<i32>} : memref<32x256xf32, #tpu.memory_space<vmem>>, vector<1x16xf32>,
      %add3A_143 = arith.constant 0 : i32
      %add3A_144 = arith.addi %select_n3A, %add3A_143 : i32
      %swap3A_145 = arith.index_cast %add3A_144 : i32 to index
      %swap3A_146 = arith.constant 48 : index
      %swap3A_147 = tpu.vector_load %arg10[%swap3A_145, %swap3A_146] {strides = array<i32>} : memref<32x256xf32, #tpu.memory_space<vmem>>, vector<1x16xf32>,
      %swap3A_148 = vector.shape_cast %swap3A_147 : vector<1x16xf32> to vector<16xf32>
      %swap3A_149 = vector.shape_cast %parallel_loop3A_115#3 : vector<16xf32> to vector<1x16xf32>
      tpu.vector_store %arg10[%swap3A_145, %swap3A_146], %swap3A_149 {strides = array<i32>} : memref<32x256xf32, #tpu.memory_space<vmem>>, vector<1x16xf32>,
      %add3A_150 = arith.constant 0 : i32
      %add3A_151 = arith.addi %select_n3A, %add3A_150 : i32
      %swap3A_152 = arith.index_cast %add3A_151 : i32 to index
      %swap3A_153 = arith.constant 64 : index
      %swap3A_154 = tpu.vector_load %arg10[%swap3A_152, %swap3A_153] {strides = array<i32>} : memref<32x256xf32, #tpu.memory_space<vmem>>, vector<1x16xf32>,
      %swap3A_155 = vector.shape_cast %swap3A_154 : vector<1x16xf32> to vector<16xf32>
      %swap3A_156 = vector.shape_cast %parallel_loop3A_115#4 : vector<16xf32> to vector<1x16xf32>
      tpu.vector_store %arg10[%swap3A_152, %swap3A_153], %swap3A_156 {strides = array<i32>} : memref<32x256xf32, #tpu.memory_space<vmem>>, vector<1x16xf32>,
      %add3A_157 = arith.constant 0 : i32
      %add3A_158 = arith.addi %select_n3A, %add3A_157 : i32
      %swap3A_159 = arith.index_cast %add3A_158 : i32 to index
      %swap3A_160 = arith.constant 80 : index
      %swap3A_161 = tpu.vector_load %arg10[%swap3A_159, %swap3A_160] {strides = array<i32>} : memref<32x256xf32, #tpu.memory_space<vmem>>, vector<1x16xf32>,
      %swap3A_162 = vector.shape_cast %swap3A_161 : vector<1x16xf32> to vector<16xf32>
      %swap3A_163 = vector.shape_cast %parallel_loop3A_115#5 : vector<16xf32> to vector<1x16xf32>
      tpu.vector_store %arg10[%swap3A_159, %swap3A_160], %swap3A_163 {strides = array<i32>} : memref<32x256xf32, #tpu.memory_space<vmem>>, vector<1x16xf32>,
      %add3A_164 = arith.constant 0 : i32
      %add3A_165 = arith.addi %select_n3A, %add3A_164 : i32
      %swap3A_166 = arith.index_cast %add3A_165 : i32 to index
      %swap3A_167 = arith.constant 96 : index
      %swap3A_168 = tpu.vector_load %arg10[%swap3A_166, %swap3A_167] {strides = array<i32>} : memref<32x256xf32, #tpu.memory_space<vmem>>, vector<1x16xf32>,
      %swap3A_169 = vector.shape_cast %swap3A_168 : vector<1x16xf32> to vector<16xf32>
      %swap3A_170 = vector.shape_cast %parallel_loop3A_115#6 : vector<16xf32> to vector<1x16xf32>
      tpu.vector_store %arg10[%swap3A_166, %swap3A_167], %swap3A_170 {strides = array<i32>} : memref<32x256xf32, #tpu.memory_space<vmem>>, vector<1x16xf32>,
      %add3A_171 = arith.constant 0 : i32
      %add3A_172 = arith.addi %select_n3A, %add3A_171 : i32
      %swap3A_173 = arith.index_cast %add3A_172 : i32 to index
      %swap3A_174 = arith.constant 112 : index
      %swap3A_175 = tpu.vector_load %arg10[%swap3A_173, %swap3A_174] {strides = array<i32>} : memref<32x256xf32, #tpu.memory_space<vmem>>, vector<1x16xf32>,
      %swap3A_176 = vector.shape_cast %swap3A_175 : vector<1x16xf32> to vector<16xf32>
      %swap3A_177 = vector.shape_cast %parallel_loop3A_115#7 : vector<16xf32> to vector<1x16xf32>
      tpu.vector_store %arg10[%swap3A_173, %swap3A_174], %swap3A_177 {strides = array<i32>} : memref<32x256xf32, #tpu.memory_space<vmem>>, vector<1x16xf32>,
      %add3A_178 = arith.constant 0 : i32
      %add3A_179 = arith.addi %select_n3A, %add3A_178 : i32
      %swap3A_180 = arith.index_cast %add3A_179 : i32 to index
      %swap3A_181 = arith.constant 128 : index
      %swap3A_182 = tpu.vector_load %arg10[%swap3A_180, %swap3A_181] {strides = array<i32>} : memref<32x256xf32, #tpu.memory_space<vmem>>, vector<1x16xf32>,
      %swap3A_183 = vector.shape_cast %swap3A_182 : vector<1x16xf32> to vector<16xf32>
      %swap3A_184 = vector.shape_cast %parallel_loop3A_115#8 : vector<16xf32> to vector<1x16xf32>
      tpu.vector_store %arg10[%swap3A_180, %swap3A_181], %swap3A_184 {strides = array<i32>} : memref<32x256xf32, #tpu.memory_space<vmem>>, vector<1x16xf32>,
      %add3A_185 = arith.constant 0 : i32
      %add3A_186 = arith.addi %select_n3A, %add3A_185 : i32
      %swap3A_187 = arith.index_cast %add3A_186 : i32 to index
      %swap3A_188 = arith.constant 144 : index
      %swap3A_189 = tpu.vector_load %arg10[%swap3A_187, %swap3A_188] {strides = array<i32>} : memref<32x256xf32, #tpu.memory_space<vmem>>, vector<1x16xf32>,
      %swap3A_190 = vector.shape_cast %swap3A_189 : vector<1x16xf32> to vector<16xf32>
      %swap3A_191 = vector.shape_cast %parallel_loop3A_115#9 : vector<16xf32> to vector<1x16xf32>
      tpu.vector_store %arg10[%swap3A_187, %swap3A_188], %swap3A_191 {strides = array<i32>} : memref<32x256xf32, #tpu.memory_space<vmem>>, vector<1x16xf32>,
      %add3A_192 = arith.constant 0 : i32
      %add3A_193 = arith.addi %select_n3A, %add3A_192 : i32
      %swap3A_194 = arith.index_cast %add3A_193 : i32 to index
      %swap3A_195 = arith.constant 160 : index
      %swap3A_196 = tpu.vector_load %arg10[%swap3A_194, %swap3A_195] {strides = array<i32>} : memref<32x256xf32, #tpu.memory_space<vmem>>, vector<1x16xf32>,
      %swap3A_197 = vector.shape_cast %swap3A_196 : vector<1x16xf32> to vector<16xf32>
      %swap3A_198 = vector.shape_cast %parallel_loop3A_115#10 : vector<16xf32> to vector<1x16xf32>
      tpu.vector_store %arg10[%swap3A_194, %swap3A_195], %swap3A_198 {strides = array<i32>} : memref<32x256xf32, #tpu.memory_space<vmem>>, vector<1x16xf32>,
      %add3A_199 = arith.constant 0 : i32
      %add3A_200 = arith.addi %select_n3A, %add3A_199 : i32
      %swap3A_201 = arith.index_cast %add3A_200 : i32 to index
      %swap3A_202 = arith.constant 176 : index
      %swap3A_203 = tpu.vector_load %arg10[%swap3A_201, %swap3A_202] {strides = array<i32>} : memref<32x256xf32, #tpu.memory_space<vmem>>, vector<1x16xf32>,
      %swap3A_204 = vector.shape_cast %swap3A_203 : vector<1x16xf32> to vector<16xf32>
      %swap3A_205 = vector.shape_cast %parallel_loop3A_115#11 : vector<16xf32> to vector<1x16xf32>
      tpu.vector_store %arg10[%swap3A_201, %swap3A_202], %swap3A_205 {strides = array<i32>} : memref<32x256xf32, #tpu.memory_space<vmem>>, vector<1x16xf32>,
      %add3A_206 = arith.constant 0 : i32
      %add3A_207 = arith.addi %select_n3A, %add3A_206 : i32
      %swap3A_208 = arith.index_cast %add3A_207 : i32 to index
      %swap3A_209 = arith.constant 192 : index
      %swap3A_210 = tpu.vector_load %arg10[%swap3A_208, %swap3A_209] {strides = array<i32>} : memref<32x256xf32, #tpu.memory_space<vmem>>, vector<1x16xf32>,
      %swap3A_211 = vector.shape_cast %swap3A_210 : vector<1x16xf32> to vector<16xf32>
      %swap3A_212 = vector.shape_cast %parallel_loop3A_115#12 : vector<16xf32> to vector<1x16xf32>
      tpu.vector_store %arg10[%swap3A_208, %swap3A_209], %swap3A_212 {strides = array<i32>} : memref<32x256xf32, #tpu.memory_space<vmem>>, vector<1x16xf32>,
      %add3A_213 = arith.constant 0 : i32
      %add3A_214 = arith.addi %select_n3A, %add3A_213 : i32
      %swap3A_215 = arith.index_cast %add3A_214 : i32 to index
      %swap3A_216 = arith.constant 208 : index
      %swap3A_217 = tpu.vector_load %arg10[%swap3A_215, %swap3A_216] {strides = array<i32>} : memref<32x256xf32, #tpu.memory_space<vmem>>, vector<1x16xf32>,
      %swap3A_218 = vector.shape_cast %swap3A_217 : vector<1x16xf32> to vector<16xf32>
      %swap3A_219 = vector.shape_cast %parallel_loop3A_115#13 : vector<16xf32> to vector<1x16xf32>
      tpu.vector_store %arg10[%swap3A_215, %swap3A_216], %swap3A_219 {strides = array<i32>} : memref<32x256xf32, #tpu.memory_space<vmem>>, vector<1x16xf32>,
      %add3A_220 = arith.constant 0 : i32
      %add3A_221 = arith.addi %select_n3A, %add3A_220 : i32
      %swap3A_222 = arith.index_cast %add3A_221 : i32 to index
      %swap3A_223 = arith.constant 224 : index
      %swap3A_224 = tpu.vector_load %arg10[%swap3A_222, %swap3A_223] {strides = array<i32>} : memref<32x256xf32, #tpu.memory_space<vmem>>, vector<1x16xf32>,
      %swap3A_225 = vector.shape_cast %swap3A_224 : vector<1x16xf32> to vector<16xf32>
      %swap3A_226 = vector.shape_cast %parallel_loop3A_115#14 : vector<16xf32> to vector<1x16xf32>
      tpu.vector_store %arg10[%swap3A_222, %swap3A_223], %swap3A_226 {strides = array<i32>} : memref<32x256xf32, #tpu.memory_space<vmem>>, vector<1x16xf32>,
      %add3A_227 = arith.constant 0 : i32
      %add3A_228 = arith.addi %select_n3A, %add3A_227 : i32
      %swap3A_229 = arith.index_cast %add3A_228 : i32 to index
      %swap3A_230 = arith.constant 240 : index
      %swap3A_231 = tpu.vector_load %arg10[%swap3A_229, %swap3A_230] {strides = array<i32>} : memref<32x256xf32, #tpu.memory_space<vmem>>, vector<1x16xf32>,
      %swap3A_232 = vector.shape_cast %swap3A_231 : vector<1x16xf32> to vector<16xf32>
      %swap3A_233 = vector.shape_cast %parallel_loop3A_115#15 : vector<16xf32> to vector<1x16xf32>
      tpu.vector_store %arg10[%swap3A_229, %swap3A_230], %swap3A_233 {strides = array<i32>} : memref<32x256xf32, #tpu.memory_space<vmem>>, vector<1x16xf32>,
      %broadcast_in_dim3A_234 = arith.constant 0.000000e+00 : f32
      %broadcast_in_dim3A_235 = vector.broadcast %broadcast_in_dim3A_234 : f32 to vector<16xf32>
      %broadcast_in_dim3A_236 = arith.constant 0.000000e+00 : f32
      %broadcast_in_dim3A_237 = vector.broadcast %broadcast_in_dim3A_236 : f32 to vector<16xf32>
      %broadcast_in_dim3A_238 = arith.constant 0.000000e+00 : f32
      %broadcast_in_dim3A_239 = vector.broadcast %broadcast_in_dim3A_238 : f32 to vector<16xf32>
      %broadcast_in_dim3A_240 = arith.constant 0.000000e+00 : f32
      %broadcast_in_dim3A_241 = vector.broadcast %broadcast_in_dim3A_240 : f32 to vector<16xf32>
      %broadcast_in_dim3A_242 = arith.constant 0.000000e+00 : f32
      %broadcast_in_dim3A_243 = vector.broadcast %broadcast_in_dim3A_242 : f32 to vector<16xf32>
      %broadcast_in_dim3A_244 = arith.constant 0.000000e+00 : f32
      %broadcast_in_dim3A_245 = vector.broadcast %broadcast_in_dim3A_244 : f32 to vector<16xf32>
      %broadcast_in_dim3A_246 = arith.constant 0.000000e+00 : f32
      %broadcast_in_dim3A_247 = vector.broadcast %broadcast_in_dim3A_246 : f32 to vector<16xf32>
      %broadcast_in_dim3A_248 = arith.constant 0.000000e+00 : f32
      %broadcast_in_dim3A_249 = vector.broadcast %broadcast_in_dim3A_248 : f32 to vector<16xf32>
      %broadcast_in_dim3A_250 = arith.constant 0.000000e+00 : f32
      %broadcast_in_dim3A_251 = vector.broadcast %broadcast_in_dim3A_250 : f32 to vector<16xf32>
      %broadcast_in_dim3A_252 = arith.constant 0.000000e+00 : f32
      %broadcast_in_dim3A_253 = vector.broadcast %broadcast_in_dim3A_252 : f32 to vector<16xf32>
      %broadcast_in_dim3A_254 = arith.constant 0.000000e+00 : f32
      %broadcast_in_dim3A_255 = vector.broadcast %broadcast_in_dim3A_254 : f32 to vector<16xf32>
      %broadcast_in_dim3A_256 = arith.constant 0.000000e+00 : f32
      %broadcast_in_dim3A_257 = vector.broadcast %broadcast_in_dim3A_256 : f32 to vector<16xf32>
      %broadcast_in_dim3A_258 = arith.constant 0.000000e+00 : f32
      %broadcast_in_dim3A_259 = vector.broadcast %broadcast_in_dim3A_258 : f32 to vector<16xf32>
      %broadcast_in_dim3A_260 = arith.constant 0.000000e+00 : f32
      %broadcast_in_dim3A_261 = vector.broadcast %broadcast_in_dim3A_260 : f32 to vector<16xf32>
      %broadcast_in_dim3A_262 = arith.constant 0.000000e+00 : f32
      %broadcast_in_dim3A_263 = vector.broadcast %broadcast_in_dim3A_262 : f32 to vector<16xf32>
      %broadcast_in_dim3A_264 = arith.constant 0.000000e+00 : f32
      %broadcast_in_dim3A_265 = vector.broadcast %broadcast_in_dim3A_264 : f32 to vector<16xf32>
      %add3A_266 = arith.constant 2 : i32
      %add3A_267 = arith.addi %add3A_40, %add3A_266 : i32
      %dma_wait3A_268 = arith.constant 0 : i32
      %dma_wait3A_269 = arith.constant 0 : i32
      %dma_wait3A_270 = tpu.memref_slice %arg5[%dma_wait3A_268, %dma_wait3A_269] : memref<64x64xi32, #tpu.memory_space<vmem>> -> memref<1x64xi32, #tpu.memory_space<vmem>>
      %dma_wait3A_271 = tpu.memref_squeeze %dma_wait3A_270 : memref<1x64xi32, #tpu.memory_space<vmem>> -> memref<64xi32, #tpu.memory_space<vmem>>
      %dma_wait3A_272 = arith.constant 0 : i32
      %dma_wait3A_273 = arith.constant 0 : i32
      %dma_wait3A_274 = tpu.memref_slice %arg3[%dma_wait3A_272, %dma_wait3A_273] : memref<131072x256xf32, #tpu.memory_space<hbm>> -> memref<131072x256xf32, #tpu.memory_space<hbm>>
      tpu.wait_indirect_dma semaphore(%arg13 : memref<!tpu.dma_semaphore, #tpu.memory_space<semaphore_mem>>) src(%dma_wait3A_274 : memref<131072x256xf32, #tpu.memory_space<hbm>>) dst(%arg8 : memref<64x256xf32, #tpu.memory_space<vmem>>)
      %parallel_loop3A_275 = arith.constant 0 : i32
      %parallel_loop3A_276 = arith.constant 64 : i32
      %parallel_loop3A_277 = arith.constant 8 : i32
      %parallel_loop3A_278:16 = scf.for %parallel_loop3A_418 = %parallel_loop3A_275 to %parallel_loop3A_276 step %parallel_loop3A_277 iter_args(%parallel_loop3A_419 = %broadcast_in_dim3A_235, %parallel_loop3A_420 = %broadcast_in_dim3A_237, %parallel_loop3A_421 = %broadcast_in_dim3A_239, %parallel_loop3A_422 = %broadcast_in_dim3A_241, %parallel_loop3A_423 = %broadcast_in_dim3A_243, %parallel_loop3A_424 = %broadcast_in_dim3A_245, %parallel_loop3A_425 = %broadcast_in_dim3A_247, %parallel_loop3A_426 = %broadcast_in_dim3A_249, %parallel_loop3A_427 = %broadcast_in_dim3A_251, %parallel_loop3A_428 = %broadcast_in_dim3A_253, %parallel_loop3A_429 = %broadcast_in_dim3A_255, %parallel_loop3A_430 = %broadcast_in_dim3A_257, %parallel_loop3A_431 = %broadcast_in_dim3A_259, %parallel_loop3A_432 = %broadcast_in_dim3A_261, %parallel_loop3A_433 = %broadcast_in_dim3A_263, %parallel_loop3A_434 = %broadcast_in_dim3A_265) -> (vector<16xf32>, vector<16xf32>, vector<16xf32>, vector<16xf32>, vector<16xf32>, vector<16xf32>, vector<16xf32>, vector<16xf32>, vector<16xf32>, vector<16xf32>, vector<16xf32>, vector<16xf32>, vector<16xf32>, vector<16xf32>, vector<16xf32>, vector<16xf32>)  : i32 {
        %parallel_loop3A_435 = arith.constant 0 : i32
        %parallel_loop3A_436 = arith.addi %parallel_loop3A_418, %parallel_loop3A_435 : i32
        %parallel_loop3A_437 = arith.index_cast %parallel_loop3A_436 : i32 to index
        %parallel_loop3A_438 = arith.constant 0 : index
        %parallel_loop3A_439 = tpu.vector_load %arg8[%parallel_loop3A_437, %parallel_loop3A_438] {strides = array<i32>} : memref<64x256xf32, #tpu.memory_space<vmem>>, vector<1x16xf32>,
        %parallel_loop3A_440 = vector.shape_cast %parallel_loop3A_439 : vector<1x16xf32> to vector<16xf32>
        %parallel_loop3A_441 = arith.addf %parallel_loop3A_419, %parallel_loop3A_440 : vector<16xf32>
        %parallel_loop3A_442 = arith.constant 0 : i32
        %parallel_loop3A_443 = arith.addi %parallel_loop3A_418, %parallel_loop3A_442 : i32
        %parallel_loop3A_444 = arith.index_cast %parallel_loop3A_443 : i32 to index
        %parallel_loop3A_445 = arith.constant 16 : index
        %parallel_loop3A_446 = tpu.vector_load %arg8[%parallel_loop3A_444, %parallel_loop3A_445] {strides = array<i32>} : memref<64x256xf32, #tpu.memory_space<vmem>>, vector<1x16xf32>,
        %parallel_loop3A_447 = vector.shape_cast %parallel_loop3A_446 : vector<1x16xf32> to vector<16xf32>
        %parallel_loop3A_448 = arith.addf %parallel_loop3A_420, %parallel_loop3A_447 : vector<16xf32>
        %parallel_loop3A_449 = arith.constant 0 : i32
        %parallel_loop3A_450 = arith.addi %parallel_loop3A_418, %parallel_loop3A_449 : i32
        %parallel_loop3A_451 = arith.index_cast %parallel_loop3A_450 : i32 to index
        %parallel_loop3A_452 = arith.constant 32 : index
        %parallel_loop3A_453 = tpu.vector_load %arg8[%parallel_loop3A_451, %parallel_loop3A_452] {strides = array<i32>} : memref<64x256xf32, #tpu.memory_space<vmem>>, vector<1x16xf32>,
        %parallel_loop3A_454 = vector.shape_cast %parallel_loop3A_453 : vector<1x16xf32> to vector<16xf32>
        %parallel_loop3A_455 = arith.addf %parallel_loop3A_421, %parallel_loop3A_454 : vector<16xf32>
        %parallel_loop3A_456 = arith.constant 0 : i32
        %parallel_loop3A_457 = arith.addi %parallel_loop3A_418, %parallel_loop3A_456 : i32
        %parallel_loop3A_458 = arith.index_cast %parallel_loop3A_457 : i32 to index
        %parallel_loop3A_459 = arith.constant 48 : index
        %parallel_loop3A_460 = tpu.vector_load %arg8[%parallel_loop3A_458, %parallel_loop3A_459] {strides = array<i32>} : memref<64x256xf32, #tpu.memory_space<vmem>>, vector<1x16xf32>,
        %parallel_loop3A_461 = vector.shape_cast %parallel_loop3A_460 : vector<1x16xf32> to vector<16xf32>
        %parallel_loop3A_462 = arith.addf %parallel_loop3A_422, %parallel_loop3A_461 : vector<16xf32>
        %parallel_loop3A_463 = arith.constant 0 : i32
        %parallel_loop3A_464 = arith.addi %parallel_loop3A_418, %parallel_loop3A_463 : i32
        %parallel_loop3A_465 = arith.index_cast %parallel_loop3A_464 : i32 to index
        %parallel_loop3A_466 = arith.constant 64 : index
        %parallel_loop3A_467 = tpu.vector_load %arg8[%parallel_loop3A_465, %parallel_loop3A_466] {strides = array<i32>} : memref<64x256xf32, #tpu.memory_space<vmem>>, vector<1x16xf32>,
        %parallel_loop3A_468 = vector.shape_cast %parallel_loop3A_467 : vector<1x16xf32> to vector<16xf32>
        %parallel_loop3A_469 = arith.addf %parallel_loop3A_423, %parallel_loop3A_468 : vector<16xf32>
        %parallel_loop3A_470 = arith.constant 0 : i32
        %parallel_loop3A_471 = arith.addi %parallel_loop3A_418, %parallel_loop3A_470 : i32
        %parallel_loop3A_472 = arith.index_cast %parallel_loop3A_471 : i32 to index
        %parallel_loop3A_473 = arith.constant 80 : index
        %parallel_loop3A_474 = tpu.vector_load %arg8[%parallel_loop3A_472, %parallel_loop3A_473] {strides = array<i32>} : memref<64x256xf32, #tpu.memory_space<vmem>>, vector<1x16xf32>,
        %parallel_loop3A_475 = vector.shape_cast %parallel_loop3A_474 : vector<1x16xf32> to vector<16xf32>
        %parallel_loop3A_476 = arith.addf %parallel_loop3A_424, %parallel_loop3A_475 : vector<16xf32>
        %parallel_loop3A_477 = arith.constant 0 : i32
        %parallel_loop3A_478 = arith.addi %parallel_loop3A_418, %parallel_loop3A_477 : i32
        %parallel_loop3A_479 = arith.index_cast %parallel_loop3A_478 : i32 to index
        %parallel_loop3A_480 = arith.constant 96 : index
        %parallel_loop3A_481 = tpu.vector_load %arg8[%parallel_loop3A_479, %parallel_loop3A_480] {strides = array<i32>} : memref<64x256xf32, #tpu.memory_space<vmem>>, vector<1x16xf32>,
        %parallel_loop3A_482 = vector.shape_cast %parallel_loop3A_481 : vector<1x16xf32> to vector<16xf32>
        %parallel_loop3A_483 = arith.addf %parallel_loop3A_425, %parallel_loop3A_482 : vector<16xf32>
        %parallel_loop3A_484 = arith.constant 0 : i32
        %parallel_loop3A_485 = arith.addi %parallel_loop3A_418, %parallel_loop3A_484 : i32
        %parallel_loop3A_486 = arith.index_cast %parallel_loop3A_485 : i32 to index
        %parallel_loop3A_487 = arith.constant 112 : index
        %parallel_loop3A_488 = tpu.vector_load %arg8[%parallel_loop3A_486, %parallel_loop3A_487] {strides = array<i32>} : memref<64x256xf32, #tpu.memory_space<vmem>>, vector<1x16xf32>,
        %parallel_loop3A_489 = vector.shape_cast %parallel_loop3A_488 : vector<1x16xf32> to vector<16xf32>
        %parallel_loop3A_490 = arith.addf %parallel_loop3A_426, %parallel_loop3A_489 : vector<16xf32>
        %parallel_loop3A_491 = arith.constant 0 : i32
        %parallel_loop3A_492 = arith.addi %parallel_loop3A_418, %parallel_loop3A_491 : i32
        %parallel_loop3A_493 = arith.index_cast %parallel_loop3A_492 : i32 to index
        %parallel_loop3A_494 = arith.constant 128 : index
        %parallel_loop3A_495 = tpu.vector_load %arg8[%parallel_loop3A_493, %parallel_loop3A_494] {strides = array<i32>} : memref<64x256xf32, #tpu.memory_space<vmem>>, vector<1x16xf32>,
        %parallel_loop3A_496 = vector.shape_cast %parallel_loop3A_495 : vector<1x16xf32> to vector<16xf32>
        %parallel_loop3A_497 = arith.addf %parallel_loop3A_427, %parallel_loop3A_496 : vector<16xf32>
        %parallel_loop3A_498 = arith.constant 0 : i32
        %parallel_loop3A_499 = arith.addi %parallel_loop3A_418, %parallel_loop3A_498 : i32
        %parallel_loop3A_500 = arith.index_cast %parallel_loop3A_499 : i32 to index
        %parallel_loop3A_501 = arith.constant 144 : index
        %parallel_loop3A_502 = tpu.vector_load %arg8[%parallel_loop3A_500, %parallel_loop3A_501] {strides = array<i32>} : memref<64x256xf32, #tpu.memory_space<vmem>>, vector<1x16xf32>,
        %parallel_loop3A_503 = vector.shape_cast %parallel_loop3A_502 : vector<1x16xf32> to vector<16xf32>
        %parallel_loop3A_504 = arith.addf %parallel_loop3A_428, %parallel_loop3A_503 : vector<16xf32>
        %parallel_loop3A_505 = arith.constant 0 : i32
        %parallel_loop3A_506 = arith.addi %parallel_loop3A_418, %parallel_loop3A_505 : i32
        %parallel_loop3A_507 = arith.index_cast %parallel_loop3A_506 : i32 to index
        %parallel_loop3A_508 = arith.constant 160 : index
        %parallel_loop3A_509 = tpu.vector_load %arg8[%parallel_loop3A_507, %parallel_loop3A_508] {strides = array<i32>} : memref<64x256xf32, #tpu.memory_space<vmem>>, vector<1x16xf32>,
        %parallel_loop3A_510 = vector.shape_cast %parallel_loop3A_509 : vector<1x16xf32> to vector<16xf32>
        %parallel_loop3A_511 = arith.addf %parallel_loop3A_429, %parallel_loop3A_510 : vector<16xf32>
        %parallel_loop3A_512 = arith.constant 0 : i32
        %parallel_loop3A_513 = arith.addi %parallel_loop3A_418, %parallel_loop3A_512 : i32
        %parallel_loop3A_514 = arith.index_cast %parallel_loop3A_513 : i32 to index
        %parallel_loop3A_515 = arith.constant 176 : index
        %parallel_loop3A_516 = tpu.vector_load %arg8[%parallel_loop3A_514, %parallel_loop3A_515] {strides = array<i32>} : memref<64x256xf32, #tpu.memory_space<vmem>>, vector<1x16xf32>,
        %parallel_loop3A_517 = vector.shape_cast %parallel_loop3A_516 : vector<1x16xf32> to vector<16xf32>
        %parallel_loop3A_518 = arith.addf %parallel_loop3A_430, %parallel_loop3A_517 : vector<16xf32>
        %parallel_loop3A_519 = arith.constant 0 : i32
        %parallel_loop3A_520 = arith.addi %parallel_loop3A_418, %parallel_loop3A_519 : i32
        %parallel_loop3A_521 = arith.index_cast %parallel_loop3A_520 : i32 to index
        %parallel_loop3A_522 = arith.constant 192 : index
        %parallel_loop3A_523 = tpu.vector_load %arg8[%parallel_loop3A_521, %parallel_loop3A_522] {strides = array<i32>} : memref<64x256xf32, #tpu.memory_space<vmem>>, vector<1x16xf32>,
        %parallel_loop3A_524 = vector.shape_cast %parallel_loop3A_523 : vector<1x16xf32> to vector<16xf32>
        %parallel_loop3A_525 = arith.addf %parallel_loop3A_431, %parallel_loop3A_524 : vector<16xf32>
        %parallel_loop3A_526 = arith.constant 0 : i32
        %parallel_loop3A_527 = arith.addi %parallel_loop3A_418, %parallel_loop3A_526 : i32
        %parallel_loop3A_528 = arith.index_cast %parallel_loop3A_527 : i32 to index
        %parallel_loop3A_529 = arith.constant 208 : index
        %parallel_loop3A_530 = tpu.vector_load %arg8[%parallel_loop3A_528, %parallel_loop3A_529] {strides = array<i32>} : memref<64x256xf32, #tpu.memory_space<vmem>>, vector<1x16xf32>,
        %parallel_loop3A_531 = vector.shape_cast %parallel_loop3A_530 : vector<1x16xf32> to vector<16xf32>
        %parallel_loop3A_532 = arith.addf %parallel_loop3A_432, %parallel_loop3A_531 : vector<16xf32>
        %parallel_loop3A_533 = arith.constant 0 : i32
        %parallel_loop3A_534 = arith.addi %parallel_loop3A_418, %parallel_loop3A_533 : i32
        %parallel_loop3A_535 = arith.index_cast %parallel_loop3A_534 : i32 to index
        %parallel_loop3A_536 = arith.constant 224 : index
        %parallel_loop3A_537 = tpu.vector_load %arg8[%parallel_loop3A_535, %parallel_loop3A_536] {strides = array<i32>} : memref<64x256xf32, #tpu.memory_space<vmem>>, vector<1x16xf32>,
        %parallel_loop3A_538 = vector.shape_cast %parallel_loop3A_537 : vector<1x16xf32> to vector<16xf32>
        %parallel_loop3A_539 = arith.addf %parallel_loop3A_433, %parallel_loop3A_538 : vector<16xf32>
        %parallel_loop3A_540 = arith.constant 0 : i32
        %parallel_loop3A_541 = arith.addi %parallel_loop3A_418, %parallel_loop3A_540 : i32
        %parallel_loop3A_542 = arith.index_cast %parallel_loop3A_541 : i32 to index
        %parallel_loop3A_543 = arith.constant 240 : index
        %parallel_loop3A_544 = tpu.vector_load %arg8[%parallel_loop3A_542, %parallel_loop3A_543] {strides = array<i32>} : memref<64x256xf32, #tpu.memory_space<vmem>>, vector<1x16xf32>,
        %parallel_loop3A_545 = vector.shape_cast %parallel_loop3A_544 : vector<1x16xf32> to vector<16xf32>
        %parallel_loop3A_546 = arith.addf %parallel_loop3A_434, %parallel_loop3A_545 : vector<16xf32>
        %parallel_loop3A_547 = arith.constant 1 : i32
        %parallel_loop3A_548 = arith.addi %parallel_loop3A_418, %parallel_loop3A_547 : i32
        %parallel_loop3A_549 = arith.index_cast %parallel_loop3A_548 : i32 to index
        %parallel_loop3A_550 = arith.constant 0 : index
        %parallel_loop3A_551 = tpu.vector_load %arg8[%parallel_loop3A_549, %parallel_loop3A_550] {strides = array<i32>} : memref<64x256xf32, #tpu.memory_space<vmem>>, vector<1x16xf32>,
        %parallel_loop3A_552 = vector.shape_cast %parallel_loop3A_551 : vector<1x16xf32> to vector<16xf32>
        %parallel_loop3A_553 = arith.addf %parallel_loop3A_441, %parallel_loop3A_552 : vector<16xf32>
        %parallel_loop3A_554 = arith.constant 1 : i32
        %parallel_loop3A_555 = arith.addi %parallel_loop3A_418, %parallel_loop3A_554 : i32
        %parallel_loop3A_556 = arith.index_cast %parallel_loop3A_555 : i32 to index
        %parallel_loop3A_557 = arith.constant 16 : index
        %parallel_loop3A_558 = tpu.vector_load %arg8[%parallel_loop3A_556, %parallel_loop3A_557] {strides = array<i32>} : memref<64x256xf32, #tpu.memory_space<vmem>>, vector<1x16xf32>,
        %parallel_loop3A_559 = vector.shape_cast %parallel_loop3A_558 : vector<1x16xf32> to vector<16xf32>
        %parallel_loop3A_560 = arith.addf %parallel_loop3A_448, %parallel_loop3A_559 : vector<16xf32>
        %parallel_loop3A_561 = arith.constant 1 : i32
        %parallel_loop3A_562 = arith.addi %parallel_loop3A_418, %parallel_loop3A_561 : i32
        %parallel_loop3A_563 = arith.index_cast %parallel_loop3A_562 : i32 to index
        %parallel_loop3A_564 = arith.constant 32 : index
        %parallel_loop3A_565 = tpu.vector_load %arg8[%parallel_loop3A_563, %parallel_loop3A_564] {strides = array<i32>} : memref<64x256xf32, #tpu.memory_space<vmem>>, vector<1x16xf32>,
        %parallel_loop3A_566 = vector.shape_cast %parallel_loop3A_565 : vector<1x16xf32> to vector<16xf32>
        %parallel_loop3A_567 = arith.addf %parallel_loop3A_455, %parallel_loop3A_566 : vector<16xf32>
        %parallel_loop3A_568 = arith.constant 1 : i32
        %parallel_loop3A_569 = arith.addi %parallel_loop3A_418, %parallel_loop3A_568 : i32
        %parallel_loop3A_570 = arith.index_cast %parallel_loop3A_569 : i32 to index
        %parallel_loop3A_571 = arith.constant 48 : index
        %parallel_loop3A_572 = tpu.vector_load %arg8[%parallel_loop3A_570, %parallel_loop3A_571] {strides = array<i32>} : memref<64x256xf32, #tpu.memory_space<vmem>>, vector<1x16xf32>,
        %parallel_loop3A_573 = vector.shape_cast %parallel_loop3A_572 : vector<1x16xf32> to vector<16xf32>
        %parallel_loop3A_574 = arith.addf %parallel_loop3A_462, %parallel_loop3A_573 : vector<16xf32>
        %parallel_loop3A_575 = arith.constant 1 : i32
        %parallel_loop3A_576 = arith.addi %parallel_loop3A_418, %parallel_loop3A_575 : i32
        %parallel_loop3A_577 = arith.index_cast %parallel_loop3A_576 : i32 to index
        %parallel_loop3A_578 = arith.constant 64 : index
        %parallel_loop3A_579 = tpu.vector_load %arg8[%parallel_loop3A_577, %parallel_loop3A_578] {strides = array<i32>} : memref<64x256xf32, #tpu.memory_space<vmem>>, vector<1x16xf32>,
        %parallel_loop3A_580 = vector.shape_cast %parallel_loop3A_579 : vector<1x16xf32> to vector<16xf32>
        %parallel_loop3A_581 = arith.addf %parallel_loop3A_469, %parallel_loop3A_580 : vector<16xf32>
        %parallel_loop3A_582 = arith.constant 1 : i32
        %parallel_loop3A_583 = arith.addi %parallel_loop3A_418, %parallel_loop3A_582 : i32
        %parallel_loop3A_584 = arith.index_cast %parallel_loop3A_583 : i32 to index
        %parallel_loop3A_585 = arith.constant 80 : index
        %parallel_loop3A_586 = tpu.vector_load %arg8[%parallel_loop3A_584, %parallel_loop3A_585] {strides = array<i32>} : memref<64x256xf32, #tpu.memory_space<vmem>>, vector<1x16xf32>,
        %parallel_loop3A_587 = vector.shape_cast %parallel_loop3A_586 : vector<1x16xf32> to vector<16xf32>
        %parallel_loop3A_588 = arith.addf %parallel_loop3A_476, %parallel_loop3A_587 : vector<16xf32>
        %parallel_loop3A_589 = arith.constant 1 : i32
        %parallel_loop3A_590 = arith.addi %parallel_loop3A_418, %parallel_loop3A_589 : i32
        %parallel_loop3A_591 = arith.index_cast %parallel_loop3A_590 : i32 to index
        %parallel_loop3A_592 = arith.constant 96 : index
        %parallel_loop3A_593 = tpu.vector_load %arg8[%parallel_loop3A_591, %parallel_loop3A_592] {strides = array<i32>} : memref<64x256xf32, #tpu.memory_space<vmem>>, vector<1x16xf32>,
        %parallel_loop3A_594 = vector.shape_cast %parallel_loop3A_593 : vector<1x16xf32> to vector<16xf32>
        %parallel_loop3A_595 = arith.addf %parallel_loop3A_483, %parallel_loop3A_594 : vector<16xf32>
        %parallel_loop3A_596 = arith.constant 1 : i32
        %parallel_loop3A_597 = arith.addi %parallel_loop3A_418, %parallel_loop3A_596 : i32
        %parallel_loop3A_598 = arith.index_cast %parallel_loop3A_597 : i32 to index
        %parallel_loop3A_599 = arith.constant 112 : index
        %parallel_loop3A_600 = tpu.vector_load %arg8[%parallel_loop3A_598, %parallel_loop3A_599] {strides = array<i32>} : memref<64x256xf32, #tpu.memory_space<vmem>>, vector<1x16xf32>,
        %parallel_loop3A_601 = vector.shape_cast %parallel_loop3A_600 : vector<1x16xf32> to vector<16xf32>
        %parallel_loop3A_602 = arith.addf %parallel_loop3A_490, %parallel_loop3A_601 : vector<16xf32>
        %parallel_loop3A_603 = arith.constant 1 : i32
        %parallel_loop3A_604 = arith.addi %parallel_loop3A_418, %parallel_loop3A_603 : i32
        %parallel_loop3A_605 = arith.index_cast %parallel_loop3A_604 : i32 to index
        %parallel_loop3A_606 = arith.constant 128 : index
        %parallel_loop3A_607 = tpu.vector_load %arg8[%parallel_loop3A_605, %parallel_loop3A_606] {strides = array<i32>} : memref<64x256xf32, #tpu.memory_space<vmem>>, vector<1x16xf32>,
        %parallel_loop3A_608 = vector.shape_cast %parallel_loop3A_607 : vector<1x16xf32> to vector<16xf32>
        %parallel_loop3A_609 = arith.addf %parallel_loop3A_497, %parallel_loop3A_608 : vector<16xf32>
        %parallel_loop3A_610 = arith.constant 1 : i32
        %parallel_loop3A_611 = arith.addi %parallel_loop3A_418, %parallel_loop3A_610 : i32
        %parallel_loop3A_612 = arith.index_cast %parallel_loop3A_611 : i32 to index
        %parallel_loop3A_613 = arith.constant 144 : index
        %parallel_loop3A_614 = tpu.vector_load %arg8[%parallel_loop3A_612, %parallel_loop3A_613] {strides = array<i32>} : memref<64x256xf32, #tpu.memory_space<vmem>>, vector<1x16xf32>,
        %parallel_loop3A_615 = vector.shape_cast %parallel_loop3A_614 : vector<1x16xf32> to vector<16xf32>
        %parallel_loop3A_616 = arith.addf %parallel_loop3A_504, %parallel_loop3A_615 : vector<16xf32>
        %parallel_loop3A_617 = arith.constant 1 : i32
        %parallel_loop3A_618 = arith.addi %parallel_loop3A_418, %parallel_loop3A_617 : i32
        %parallel_loop3A_619 = arith.index_cast %parallel_loop3A_618 : i32 to index
        %parallel_loop3A_620 = arith.constant 160 : index
        %parallel_loop3A_621 = tpu.vector_load %arg8[%parallel_loop3A_619, %parallel_loop3A_620] {strides = array<i32>} : memref<64x256xf32, #tpu.memory_space<vmem>>, vector<1x16xf32>,
        %parallel_loop3A_622 = vector.shape_cast %parallel_loop3A_621 : vector<1x16xf32> to vector<16xf32>
        %parallel_loop3A_623 = arith.addf %parallel_loop3A_511, %parallel_loop3A_622 : vector<16xf32>
        %parallel_loop3A_624 = arith.constant 1 : i32
        %parallel_loop3A_625 = arith.addi %parallel_loop3A_418, %parallel_loop3A_624 : i32
        %parallel_loop3A_626 = arith.index_cast %parallel_loop3A_625 : i32 to index
        %parallel_loop3A_627 = arith.constant 176 : index
        %parallel_loop3A_628 = tpu.vector_load %arg8[%parallel_loop3A_626, %parallel_loop3A_627] {strides = array<i32>} : memref<64x256xf32, #tpu.memory_space<vmem>>, vector<1x16xf32>,
        %parallel_loop3A_629 = vector.shape_cast %parallel_loop3A_628 : vector<1x16xf32> to vector<16xf32>
        %parallel_loop3A_630 = arith.addf %parallel_loop3A_518, %parallel_loop3A_629 : vector<16xf32>
        %parallel_loop3A_631 = arith.constant 1 : i32
        %parallel_loop3A_632 = arith.addi %parallel_loop3A_418, %parallel_loop3A_631 : i32
        %parallel_loop3A_633 = arith.index_cast %parallel_loop3A_632 : i32 to index
        %parallel_loop3A_634 = arith.constant 192 : index
        %parallel_loop3A_635 = tpu.vector_load %arg8[%parallel_loop3A_633, %parallel_loop3A_634] {strides = array<i32>} : memref<64x256xf32, #tpu.memory_space<vmem>>, vector<1x16xf32>,
        %parallel_loop3A_636 = vector.shape_cast %parallel_loop3A_635 : vector<1x16xf32> to vector<16xf32>
        %parallel_loop3A_637 = arith.addf %parallel_loop3A_525, %parallel_loop3A_636 : vector<16xf32>
        %parallel_loop3A_638 = arith.constant 1 : i32
        %parallel_loop3A_639 = arith.addi %parallel_loop3A_418, %parallel_loop3A_638 : i32
        %parallel_loop3A_640 = arith.index_cast %parallel_loop3A_639 : i32 to index
        %parallel_loop3A_641 = arith.constant 208 : index
        %parallel_loop3A_642 = tpu.vector_load %arg8[%parallel_loop3A_640, %parallel_loop3A_641] {strides = array<i32>} : memref<64x256xf32, #tpu.memory_space<vmem>>, vector<1x16xf32>,
        %parallel_loop3A_643 = vector.shape_cast %parallel_loop3A_642 : vector<1x16xf32> to vector<16xf32>
        %parallel_loop3A_644 = arith.addf %parallel_loop3A_532, %parallel_loop3A_643 : vector<16xf32>
        %parallel_loop3A_645 = arith.constant 1 : i32
        %parallel_loop3A_646 = arith.addi %parallel_loop3A_418, %parallel_loop3A_645 : i32
        %parallel_loop3A_647 = arith.index_cast %parallel_loop3A_646 : i32 to index
        %parallel_loop3A_648 = arith.constant 224 : index
        %parallel_loop3A_649 = tpu.vector_load %arg8[%parallel_loop3A_647, %parallel_loop3A_648] {strides = array<i32>} : memref<64x256xf32, #tpu.memory_space<vmem>>, vector<1x16xf32>,
        %parallel_loop3A_650 = vector.shape_cast %parallel_loop3A_649 : vector<1x16xf32> to vector<16xf32>
        %parallel_loop3A_651 = arith.addf %parallel_loop3A_539, %parallel_loop3A_650 : vector<16xf32>
        %parallel_loop3A_652 = arith.constant 1 : i32
        %parallel_loop3A_653 = arith.addi %parallel_loop3A_418, %parallel_loop3A_652 : i32
        %parallel_loop3A_654 = arith.index_cast %parallel_loop3A_653 : i32 to index
        %parallel_loop3A_655 = arith.constant 240 : index
        %parallel_loop3A_656 = tpu.vector_load %arg8[%parallel_loop3A_654, %parallel_loop3A_655] {strides = array<i32>} : memref<64x256xf32, #tpu.memory_space<vmem>>, vector<1x16xf32>,
        %parallel_loop3A_657 = vector.shape_cast %parallel_loop3A_656 : vector<1x16xf32> to vector<16xf32>
        %parallel_loop3A_658 = arith.addf %parallel_loop3A_546, %parallel_loop3A_657 : vector<16xf32>
        %parallel_loop3A_659 = arith.constant 2 : i32
        %parallel_loop3A_660 = arith.addi %parallel_loop3A_418, %parallel_loop3A_659 : i32
        %parallel_loop3A_661 = arith.index_cast %parallel_loop3A_660 : i32 to index
        %parallel_loop3A_662 = arith.constant 0 : index
        %parallel_loop3A_663 = tpu.vector_load %arg8[%parallel_loop3A_661, %parallel_loop3A_662] {strides = array<i32>} : memref<64x256xf32, #tpu.memory_space<vmem>>, vector<1x16xf32>,
        %parallel_loop3A_664 = vector.shape_cast %parallel_loop3A_663 : vector<1x16xf32> to vector<16xf32>
        %parallel_loop3A_665 = arith.addf %parallel_loop3A_553, %parallel_loop3A_664 : vector<16xf32>
        %parallel_loop3A_666 = arith.constant 2 : i32
        %parallel_loop3A_667 = arith.addi %parallel_loop3A_418, %parallel_loop3A_666 : i32
        %parallel_loop3A_668 = arith.index_cast %parallel_loop3A_667 : i32 to index
        %parallel_loop3A_669 = arith.constant 16 : index
        %parallel_loop3A_670 = tpu.vector_load %arg8[%parallel_loop3A_668, %parallel_loop3A_669] {strides = array<i32>} : memref<64x256xf32, #tpu.memory_space<vmem>>, vector<1x16xf32>,
        %parallel_loop3A_671 = vector.shape_cast %parallel_loop3A_670 : vector<1x16xf32> to vector<16xf32>
        %parallel_loop3A_672 = arith.addf %parallel_loop3A_560, %parallel_loop3A_671 : vector<16xf32>
        %parallel_loop3A_673 = arith.constant 2 : i32
        %parallel_loop3A_674 = arith.addi %parallel_loop3A_418, %parallel_loop3A_673 : i32
        %parallel_loop3A_675 = arith.index_cast %parallel_loop3A_674 : i32 to index
        %parallel_loop3A_676 = arith.constant 32 : index
        %parallel_loop3A_677 = tpu.vector_load %arg8[%parallel_loop3A_675, %parallel_loop3A_676] {strides = array<i32>} : memref<64x256xf32, #tpu.memory_space<vmem>>, vector<1x16xf32>,
        %parallel_loop3A_678 = vector.shape_cast %parallel_loop3A_677 : vector<1x16xf32> to vector<16xf32>
        %parallel_loop3A_679 = arith.addf %parallel_loop3A_567, %parallel_loop3A_678 : vector<16xf32>
        %parallel_loop3A_680 = arith.constant 2 : i32
        %parallel_loop3A_681 = arith.addi %parallel_loop3A_418, %parallel_loop3A_680 : i32
        %parallel_loop3A_682 = arith.index_cast %parallel_loop3A_681 : i32 to index
        %parallel_loop3A_683 = arith.constant 48 : index
        %parallel_loop3A_684 = tpu.vector_load %arg8[%parallel_loop3A_682, %parallel_loop3A_683] {strides = array<i32>} : memref<64x256xf32, #tpu.memory_space<vmem>>, vector<1x16xf32>,
        %parallel_loop3A_685 = vector.shape_cast %parallel_loop3A_684 : vector<1x16xf32> to vector<16xf32>
        %parallel_loop3A_686 = arith.addf %parallel_loop3A_574, %parallel_loop3A_685 : vector<16xf32>
        %parallel_loop3A_687 = arith.constant 2 : i32
        %parallel_loop3A_688 = arith.addi %parallel_loop3A_418, %parallel_loop3A_687 : i32
        %parallel_loop3A_689 = arith.index_cast %parallel_loop3A_688 : i32 to index
        %parallel_loop3A_690 = arith.constant 64 : index
        %parallel_loop3A_691 = tpu.vector_load %arg8[%parallel_loop3A_689, %parallel_loop3A_690] {strides = array<i32>} : memref<64x256xf32, #tpu.memory_space<vmem>>, vector<1x16xf32>,
        %parallel_loop3A_692 = vector.shape_cast %parallel_loop3A_691 : vector<1x16xf32> to vector<16xf32>
        %parallel_loop3A_693 = arith.addf %parallel_loop3A_581, %parallel_loop3A_692 : vector<16xf32>
        %parallel_loop3A_694 = arith.constant 2 : i32
        %parallel_loop3A_695 = arith.addi %parallel_loop3A_418, %parallel_loop3A_694 : i32
        %parallel_loop3A_696 = arith.index_cast %parallel_loop3A_695 : i32 to index
        %parallel_loop3A_697 = arith.constant 80 : index
        %parallel_loop3A_698 = tpu.vector_load %arg8[%parallel_loop3A_696, %parallel_loop3A_697] {strides = array<i32>} : memref<64x256xf32, #tpu.memory_space<vmem>>, vector<1x16xf32>,
        %parallel_loop3A_699 = vector.shape_cast %parallel_loop3A_698 : vector<1x16xf32> to vector<16xf32>
        %parallel_loop3A_700 = arith.addf %parallel_loop3A_588, %parallel_loop3A_699 : vector<16xf32>
        %parallel_loop3A_701 = arith.constant 2 : i32
        %parallel_loop3A_702 = arith.addi %parallel_loop3A_418, %parallel_loop3A_701 : i32
        %parallel_loop3A_703 = arith.index_cast %parallel_loop3A_702 : i32 to index
        %parallel_loop3A_704 = arith.constant 96 : index
        %parallel_loop3A_705 = tpu.vector_load %arg8[%parallel_loop3A_703, %parallel_loop3A_704] {strides = array<i32>} : memref<64x256xf32, #tpu.memory_space<vmem>>, vector<1x16xf32>,
        %parallel_loop3A_706 = vector.shape_cast %parallel_loop3A_705 : vector<1x16xf32> to vector<16xf32>
        %parallel_loop3A_707 = arith.addf %parallel_loop3A_595, %parallel_loop3A_706 : vector<16xf32>
        %parallel_loop3A_708 = arith.constant 2 : i32
        %parallel_loop3A_709 = arith.addi %parallel_loop3A_418, %parallel_loop3A_708 : i32
        %parallel_loop3A_710 = arith.index_cast %parallel_loop3A_709 : i32 to index
        %parallel_loop3A_711 = arith.constant 112 : index
        %parallel_loop3A_712 = tpu.vector_load %arg8[%parallel_loop3A_710, %parallel_loop3A_711] {strides = array<i32>} : memref<64x256xf32, #tpu.memory_space<vmem>>, vector<1x16xf32>,
        %parallel_loop3A_713 = vector.shape_cast %parallel_loop3A_712 : vector<1x16xf32> to vector<16xf32>
        %parallel_loop3A_714 = arith.addf %parallel_loop3A_602, %parallel_loop3A_713 : vector<16xf32>
        %parallel_loop3A_715 = arith.constant 2 : i32
        %parallel_loop3A_716 = arith.addi %parallel_loop3A_418, %parallel_loop3A_715 : i32
        %parallel_loop3A_717 = arith.index_cast %parallel_loop3A_716 : i32 to index
        %parallel_loop3A_718 = arith.constant 128 : index
        %parallel_loop3A_719 = tpu.vector_load %arg8[%parallel_loop3A_717, %parallel_loop3A_718] {strides = array<i32>} : memref<64x256xf32, #tpu.memory_space<vmem>>, vector<1x16xf32>,
        %parallel_loop3A_720 = vector.shape_cast %parallel_loop3A_719 : vector<1x16xf32> to vector<16xf32>
        %parallel_loop3A_721 = arith.addf %parallel_loop3A_609, %parallel_loop3A_720 : vector<16xf32>
        %parallel_loop3A_722 = arith.constant 2 : i32
        %parallel_loop3A_723 = arith.addi %parallel_loop3A_418, %parallel_loop3A_722 : i32
        %parallel_loop3A_724 = arith.index_cast %parallel_loop3A_723 : i32 to index
        %parallel_loop3A_725 = arith.constant 144 : index
        %parallel_loop3A_726 = tpu.vector_load %arg8[%parallel_loop3A_724, %parallel_loop3A_725] {strides = array<i32>} : memref<64x256xf32, #tpu.memory_space<vmem>>, vector<1x16xf32>,
        %parallel_loop3A_727 = vector.shape_cast %parallel_loop3A_726 : vector<1x16xf32> to vector<16xf32>
        %parallel_loop3A_728 = arith.addf %parallel_loop3A_616, %parallel_loop3A_727 : vector<16xf32>
        %parallel_loop3A_729 = arith.constant 2 : i32
        %parallel_loop3A_730 = arith.addi %parallel_loop3A_418, %parallel_loop3A_729 : i32
        %parallel_loop3A_731 = arith.index_cast %parallel_loop3A_730 : i32 to index
        %parallel_loop3A_732 = arith.constant 160 : index
        %parallel_loop3A_733 = tpu.vector_load %arg8[%parallel_loop3A_731, %parallel_loop3A_732] {strides = array<i32>} : memref<64x256xf32, #tpu.memory_space<vmem>>, vector<1x16xf32>,
        %parallel_loop3A_734 = vector.shape_cast %parallel_loop3A_733 : vector<1x16xf32> to vector<16xf32>
        %parallel_loop3A_735 = arith.addf %parallel_loop3A_623, %parallel_loop3A_734 : vector<16xf32>
        %parallel_loop3A_736 = arith.constant 2 : i32
        %parallel_loop3A_737 = arith.addi %parallel_loop3A_418, %parallel_loop3A_736 : i32
        %parallel_loop3A_738 = arith.index_cast %parallel_loop3A_737 : i32 to index
        %parallel_loop3A_739 = arith.constant 176 : index
        %parallel_loop3A_740 = tpu.vector_load %arg8[%parallel_loop3A_738, %parallel_loop3A_739] {strides = array<i32>} : memref<64x256xf32, #tpu.memory_space<vmem>>, vector<1x16xf32>,
        %parallel_loop3A_741 = vector.shape_cast %parallel_loop3A_740 : vector<1x16xf32> to vector<16xf32>
        %parallel_loop3A_742 = arith.addf %parallel_loop3A_630, %parallel_loop3A_741 : vector<16xf32>
        %parallel_loop3A_743 = arith.constant 2 : i32
        %parallel_loop3A_744 = arith.addi %parallel_loop3A_418, %parallel_loop3A_743 : i32
        %parallel_loop3A_745 = arith.index_cast %parallel_loop3A_744 : i32 to index
        %parallel_loop3A_746 = arith.constant 192 : index
        %parallel_loop3A_747 = tpu.vector_load %arg8[%parallel_loop3A_745, %parallel_loop3A_746] {strides = array<i32>} : memref<64x256xf32, #tpu.memory_space<vmem>>, vector<1x16xf32>,
        %parallel_loop3A_748 = vector.shape_cast %parallel_loop3A_747 : vector<1x16xf32> to vector<16xf32>
        %parallel_loop3A_749 = arith.addf %parallel_loop3A_637, %parallel_loop3A_748 : vector<16xf32>
        %parallel_loop3A_750 = arith.constant 2 : i32
        %parallel_loop3A_751 = arith.addi %parallel_loop3A_418, %parallel_loop3A_750 : i32
        %parallel_loop3A_752 = arith.index_cast %parallel_loop3A_751 : i32 to index
        %parallel_loop3A_753 = arith.constant 208 : index
        %parallel_loop3A_754 = tpu.vector_load %arg8[%parallel_loop3A_752, %parallel_loop3A_753] {strides = array<i32>} : memref<64x256xf32, #tpu.memory_space<vmem>>, vector<1x16xf32>,
        %parallel_loop3A_755 = vector.shape_cast %parallel_loop3A_754 : vector<1x16xf32> to vector<16xf32>
        %parallel_loop3A_756 = arith.addf %parallel_loop3A_644, %parallel_loop3A_755 : vector<16xf32>
        %parallel_loop3A_757 = arith.constant 2 : i32
        %parallel_loop3A_758 = arith.addi %parallel_loop3A_418, %parallel_loop3A_757 : i32
        %parallel_loop3A_759 = arith.index_cast %parallel_loop3A_758 : i32 to index
        %parallel_loop3A_760 = arith.constant 224 : index
        %parallel_loop3A_761 = tpu.vector_load %arg8[%parallel_loop3A_759, %parallel_loop3A_760] {strides = array<i32>} : memref<64x256xf32, #tpu.memory_space<vmem>>, vector<1x16xf32>,
        %parallel_loop3A_762 = vector.shape_cast %parallel_loop3A_761 : vector<1x16xf32> to vector<16xf32>
        %parallel_loop3A_763 = arith.addf %parallel_loop3A_651, %parallel_loop3A_762 : vector<16xf32>
        %parallel_loop3A_764 = arith.constant 2 : i32
        %parallel_loop3A_765 = arith.addi %parallel_loop3A_418, %parallel_loop3A_764 : i32
        %parallel_loop3A_766 = arith.index_cast %parallel_loop3A_765 : i32 to index
        %parallel_loop3A_767 = arith.constant 240 : index
        %parallel_loop3A_768 = tpu.vector_load %arg8[%parallel_loop3A_766, %parallel_loop3A_767] {strides = array<i32>} : memref<64x256xf32, #tpu.memory_space<vmem>>, vector<1x16xf32>,
        %parallel_loop3A_769 = vector.shape_cast %parallel_loop3A_768 : vector<1x16xf32> to vector<16xf32>
        %parallel_loop3A_770 = arith.addf %parallel_loop3A_658, %parallel_loop3A_769 : vector<16xf32>
        %parallel_loop3A_771 = arith.constant 3 : i32
        %parallel_loop3A_772 = arith.addi %parallel_loop3A_418, %parallel_loop3A_771 : i32
        %parallel_loop3A_773 = arith.index_cast %parallel_loop3A_772 : i32 to index
        %parallel_loop3A_774 = arith.constant 0 : index
        %parallel_loop3A_775 = tpu.vector_load %arg8[%parallel_loop3A_773, %parallel_loop3A_774] {strides = array<i32>} : memref<64x256xf32, #tpu.memory_space<vmem>>, vector<1x16xf32>,
        %parallel_loop3A_776 = vector.shape_cast %parallel_loop3A_775 : vector<1x16xf32> to vector<16xf32>
        %parallel_loop3A_777 = arith.addf %parallel_loop3A_665, %parallel_loop3A_776 : vector<16xf32>
        %parallel_loop3A_778 = arith.constant 3 : i32
        %parallel_loop3A_779 = arith.addi %parallel_loop3A_418, %parallel_loop3A_778 : i32
        %parallel_loop3A_780 = arith.index_cast %parallel_loop3A_779 : i32 to index
        %parallel_loop3A_781 = arith.constant 16 : index
        %parallel_loop3A_782 = tpu.vector_load %arg8[%parallel_loop3A_780, %parallel_loop3A_781] {strides = array<i32>} : memref<64x256xf32, #tpu.memory_space<vmem>>, vector<1x16xf32>,
        %parallel_loop3A_783 = vector.shape_cast %parallel_loop3A_782 : vector<1x16xf32> to vector<16xf32>
        %parallel_loop3A_784 = arith.addf %parallel_loop3A_672, %parallel_loop3A_783 : vector<16xf32>
        %parallel_loop3A_785 = arith.constant 3 : i32
        %parallel_loop3A_786 = arith.addi %parallel_loop3A_418, %parallel_loop3A_785 : i32
        %parallel_loop3A_787 = arith.index_cast %parallel_loop3A_786 : i32 to index
        %parallel_loop3A_788 = arith.constant 32 : index
        %parallel_loop3A_789 = tpu.vector_load %arg8[%parallel_loop3A_787, %parallel_loop3A_788] {strides = array<i32>} : memref<64x256xf32, #tpu.memory_space<vmem>>, vector<1x16xf32>,
        %parallel_loop3A_790 = vector.shape_cast %parallel_loop3A_789 : vector<1x16xf32> to vector<16xf32>
        %parallel_loop3A_791 = arith.addf %parallel_loop3A_679, %parallel_loop3A_790 : vector<16xf32>
        %parallel_loop3A_792 = arith.constant 3 : i32
        %parallel_loop3A_793 = arith.addi %parallel_loop3A_418, %parallel_loop3A_792 : i32
        %parallel_loop3A_794 = arith.index_cast %parallel_loop3A_793 : i32 to index
        %parallel_loop3A_795 = arith.constant 48 : index
        %parallel_loop3A_796 = tpu.vector_load %arg8[%parallel_loop3A_794, %parallel_loop3A_795] {strides = array<i32>} : memref<64x256xf32, #tpu.memory_space<vmem>>, vector<1x16xf32>,
        %parallel_loop3A_797 = vector.shape_cast %parallel_loop3A_796 : vector<1x16xf32> to vector<16xf32>
        %parallel_loop3A_798 = arith.addf %parallel_loop3A_686, %parallel_loop3A_797 : vector<16xf32>
        %parallel_loop3A_799 = arith.constant 3 : i32
        %parallel_loop3A_800 = arith.addi %parallel_loop3A_418, %parallel_loop3A_799 : i32
        %parallel_loop3A_801 = arith.index_cast %parallel_loop3A_800 : i32 to index
        %parallel_loop3A_802 = arith.constant 64 : index
        %parallel_loop3A_803 = tpu.vector_load %arg8[%parallel_loop3A_801, %parallel_loop3A_802] {strides = array<i32>} : memref<64x256xf32, #tpu.memory_space<vmem>>, vector<1x16xf32>,
        %parallel_loop3A_804 = vector.shape_cast %parallel_loop3A_803 : vector<1x16xf32> to vector<16xf32>
        %parallel_loop3A_805 = arith.addf %parallel_loop3A_693, %parallel_loop3A_804 : vector<16xf32>
        %parallel_loop3A_806 = arith.constant 3 : i32
        %parallel_loop3A_807 = arith.addi %parallel_loop3A_418, %parallel_loop3A_806 : i32
        %parallel_loop3A_808 = arith.index_cast %parallel_loop3A_807 : i32 to index
        %parallel_loop3A_809 = arith.constant 80 : index
        %parallel_loop3A_810 = tpu.vector_load %arg8[%parallel_loop3A_808, %parallel_loop3A_809] {strides = array<i32>} : memref<64x256xf32, #tpu.memory_space<vmem>>, vector<1x16xf32>,
        %parallel_loop3A_811 = vector.shape_cast %parallel_loop3A_810 : vector<1x16xf32> to vector<16xf32>
        %parallel_loop3A_812 = arith.addf %parallel_loop3A_700, %parallel_loop3A_811 : vector<16xf32>
        %parallel_loop3A_813 = arith.constant 3 : i32
        %parallel_loop3A_814 = arith.addi %parallel_loop3A_418, %parallel_loop3A_813 : i32
        %parallel_loop3A_815 = arith.index_cast %parallel_loop3A_814 : i32 to index
        %parallel_loop3A_816 = arith.constant 96 : index
        %parallel_loop3A_817 = tpu.vector_load %arg8[%parallel_loop3A_815, %parallel_loop3A_816] {strides = array<i32>} : memref<64x256xf32, #tpu.memory_space<vmem>>, vector<1x16xf32>,
        %parallel_loop3A_818 = vector.shape_cast %parallel_loop3A_817 : vector<1x16xf32> to vector<16xf32>
        %parallel_loop3A_819 = arith.addf %parallel_loop3A_707, %parallel_loop3A_818 : vector<16xf32>
        %parallel_loop3A_820 = arith.constant 3 : i32
        %parallel_loop3A_821 = arith.addi %parallel_loop3A_418, %parallel_loop3A_820 : i32
        %parallel_loop3A_822 = arith.index_cast %parallel_loop3A_821 : i32 to index
        %parallel_loop3A_823 = arith.constant 112 : index
        %parallel_loop3A_824 = tpu.vector_load %arg8[%parallel_loop3A_822, %parallel_loop3A_823] {strides = array<i32>} : memref<64x256xf32, #tpu.memory_space<vmem>>, vector<1x16xf32>,
        %parallel_loop3A_825 = vector.shape_cast %parallel_loop3A_824 : vector<1x16xf32> to vector<16xf32>
        %parallel_loop3A_826 = arith.addf %parallel_loop3A_714, %parallel_loop3A_825 : vector<16xf32>
        %parallel_loop3A_827 = arith.constant 3 : i32
        %parallel_loop3A_828 = arith.addi %parallel_loop3A_418, %parallel_loop3A_827 : i32
        %parallel_loop3A_829 = arith.index_cast %parallel_loop3A_828 : i32 to index
        %parallel_loop3A_830 = arith.constant 128 : index
        %parallel_loop3A_831 = tpu.vector_load %arg8[%parallel_loop3A_829, %parallel_loop3A_830] {strides = array<i32>} : memref<64x256xf32, #tpu.memory_space<vmem>>, vector<1x16xf32>,
        %parallel_loop3A_832 = vector.shape_cast %parallel_loop3A_831 : vector<1x16xf32> to vector<16xf32>
        %parallel_loop3A_833 = arith.addf %parallel_loop3A_721, %parallel_loop3A_832 : vector<16xf32>
        %parallel_loop3A_834 = arith.constant 3 : i32
        %parallel_loop3A_835 = arith.addi %parallel_loop3A_418, %parallel_loop3A_834 : i32
        %parallel_loop3A_836 = arith.index_cast %parallel_loop3A_835 : i32 to index
        %parallel_loop3A_837 = arith.constant 144 : index
        %parallel_loop3A_838 = tpu.vector_load %arg8[%parallel_loop3A_836, %parallel_loop3A_837] {strides = array<i32>} : memref<64x256xf32, #tpu.memory_space<vmem>>, vector<1x16xf32>,
        %parallel_loop3A_839 = vector.shape_cast %parallel_loop3A_838 : vector<1x16xf32> to vector<16xf32>
        %parallel_loop3A_840 = arith.addf %parallel_loop3A_728, %parallel_loop3A_839 : vector<16xf32>
        %parallel_loop3A_841 = arith.constant 3 : i32
        %parallel_loop3A_842 = arith.addi %parallel_loop3A_418, %parallel_loop3A_841 : i32
        %parallel_loop3A_843 = arith.index_cast %parallel_loop3A_842 : i32 to index
        %parallel_loop3A_844 = arith.constant 160 : index
        %parallel_loop3A_845 = tpu.vector_load %arg8[%parallel_loop3A_843, %parallel_loop3A_844] {strides = array<i32>} : memref<64x256xf32, #tpu.memory_space<vmem>>, vector<1x16xf32>,
        %parallel_loop3A_846 = vector.shape_cast %parallel_loop3A_845 : vector<1x16xf32> to vector<16xf32>
        %parallel_loop3A_847 = arith.addf %parallel_loop3A_735, %parallel_loop3A_846 : vector<16xf32>
        %parallel_loop3A_848 = arith.constant 3 : i32
        %parallel_loop3A_849 = arith.addi %parallel_loop3A_418, %parallel_loop3A_848 : i32
        %parallel_loop3A_850 = arith.index_cast %parallel_loop3A_849 : i32 to index
        %parallel_loop3A_851 = arith.constant 176 : index
        %parallel_loop3A_852 = tpu.vector_load %arg8[%parallel_loop3A_850, %parallel_loop3A_851] {strides = array<i32>} : memref<64x256xf32, #tpu.memory_space<vmem>>, vector<1x16xf32>,
        %parallel_loop3A_853 = vector.shape_cast %parallel_loop3A_852 : vector<1x16xf32> to vector<16xf32>
        %parallel_loop3A_854 = arith.addf %parallel_loop3A_742, %parallel_loop3A_853 : vector<16xf32>
        %parallel_loop3A_855 = arith.constant 3 : i32
        %parallel_loop3A_856 = arith.addi %parallel_loop3A_418, %parallel_loop3A_855 : i32
        %parallel_loop3A_857 = arith.index_cast %parallel_loop3A_856 : i32 to index
        %parallel_loop3A_858 = arith.constant 192 : index
        %parallel_loop3A_859 = tpu.vector_load %arg8[%parallel_loop3A_857, %parallel_loop3A_858] {strides = array<i32>} : memref<64x256xf32, #tpu.memory_space<vmem>>, vector<1x16xf32>,
        %parallel_loop3A_860 = vector.shape_cast %parallel_loop3A_859 : vector<1x16xf32> to vector<16xf32>
        %parallel_loop3A_861 = arith.addf %parallel_loop3A_749, %parallel_loop3A_860 : vector<16xf32>
        %parallel_loop3A_862 = arith.constant 3 : i32
        %parallel_loop3A_863 = arith.addi %parallel_loop3A_418, %parallel_loop3A_862 : i32
        %parallel_loop3A_864 = arith.index_cast %parallel_loop3A_863 : i32 to index
        %parallel_loop3A_865 = arith.constant 208 : index
        %parallel_loop3A_866 = tpu.vector_load %arg8[%parallel_loop3A_864, %parallel_loop3A_865] {strides = array<i32>} : memref<64x256xf32, #tpu.memory_space<vmem>>, vector<1x16xf32>,
        %parallel_loop3A_867 = vector.shape_cast %parallel_loop3A_866 : vector<1x16xf32> to vector<16xf32>
        %parallel_loop3A_868 = arith.addf %parallel_loop3A_756, %parallel_loop3A_867 : vector<16xf32>
        %parallel_loop3A_869 = arith.constant 3 : i32
        %parallel_loop3A_870 = arith.addi %parallel_loop3A_418, %parallel_loop3A_869 : i32
        %parallel_loop3A_871 = arith.index_cast %parallel_loop3A_870 : i32 to index
        %parallel_loop3A_872 = arith.constant 224 : index
        %parallel_loop3A_873 = tpu.vector_load %arg8[%parallel_loop3A_871, %parallel_loop3A_872] {strides = array<i32>} : memref<64x256xf32, #tpu.memory_space<vmem>>, vector<1x16xf32>,
        %parallel_loop3A_874 = vector.shape_cast %parallel_loop3A_873 : vector<1x16xf32> to vector<16xf32>
        %parallel_loop3A_875 = arith.addf %parallel_loop3A_763, %parallel_loop3A_874 : vector<16xf32>
        %parallel_loop3A_876 = arith.constant 3 : i32
        %parallel_loop3A_877 = arith.addi %parallel_loop3A_418, %parallel_loop3A_876 : i32
        %parallel_loop3A_878 = arith.index_cast %parallel_loop3A_877 : i32 to index
        %parallel_loop3A_879 = arith.constant 240 : index
        %parallel_loop3A_880 = tpu.vector_load %arg8[%parallel_loop3A_878, %parallel_loop3A_879] {strides = array<i32>} : memref<64x256xf32, #tpu.memory_space<vmem>>, vector<1x16xf32>,
        %parallel_loop3A_881 = vector.shape_cast %parallel_loop3A_880 : vector<1x16xf32> to vector<16xf32>
        %parallel_loop3A_882 = arith.addf %parallel_loop3A_770, %parallel_loop3A_881 : vector<16xf32>
        %parallel_loop3A_883 = arith.constant 4 : i32
        %parallel_loop3A_884 = arith.addi %parallel_loop3A_418, %parallel_loop3A_883 : i32
        %parallel_loop3A_885 = arith.index_cast %parallel_loop3A_884 : i32 to index
        %parallel_loop3A_886 = arith.constant 0 : index
        %parallel_loop3A_887 = tpu.vector_load %arg8[%parallel_loop3A_885, %parallel_loop3A_886] {strides = array<i32>} : memref<64x256xf32, #tpu.memory_space<vmem>>, vector<1x16xf32>,
        %parallel_loop3A_888 = vector.shape_cast %parallel_loop3A_887 : vector<1x16xf32> to vector<16xf32>
        %parallel_loop3A_889 = arith.addf %parallel_loop3A_777, %parallel_loop3A_888 : vector<16xf32>
        %parallel_loop3A_890 = arith.constant 4 : i32
        %parallel_loop3A_891 = arith.addi %parallel_loop3A_418, %parallel_loop3A_890 : i32
        %parallel_loop3A_892 = arith.index_cast %parallel_loop3A_891 : i32 to index
        %parallel_loop3A_893 = arith.constant 16 : index
        %parallel_loop3A_894 = tpu.vector_load %arg8[%parallel_loop3A_892, %parallel_loop3A_893] {strides = array<i32>} : memref<64x256xf32, #tpu.memory_space<vmem>>, vector<1x16xf32>,
        %parallel_loop3A_895 = vector.shape_cast %parallel_loop3A_894 : vector<1x16xf32> to vector<16xf32>
        %parallel_loop3A_896 = arith.addf %parallel_loop3A_784, %parallel_loop3A_895 : vector<16xf32>
        %parallel_loop3A_897 = arith.constant 4 : i32
        %parallel_loop3A_898 = arith.addi %parallel_loop3A_418, %parallel_loop3A_897 : i32
        %parallel_loop3A_899 = arith.index_cast %parallel_loop3A_898 : i32 to index
        %parallel_loop3A_900 = arith.constant 32 : index
        %parallel_loop3A_901 = tpu.vector_load %arg8[%parallel_loop3A_899, %parallel_loop3A_900] {strides = array<i32>} : memref<64x256xf32, #tpu.memory_space<vmem>>, vector<1x16xf32>,
        %parallel_loop3A_902 = vector.shape_cast %parallel_loop3A_901 : vector<1x16xf32> to vector<16xf32>
        %parallel_loop3A_903 = arith.addf %parallel_loop3A_791, %parallel_loop3A_902 : vector<16xf32>
        %parallel_loop3A_904 = arith.constant 4 : i32
        %parallel_loop3A_905 = arith.addi %parallel_loop3A_418, %parallel_loop3A_904 : i32
        %parallel_loop3A_906 = arith.index_cast %parallel_loop3A_905 : i32 to index
        %parallel_loop3A_907 = arith.constant 48 : index
        %parallel_loop3A_908 = tpu.vector_load %arg8[%parallel_loop3A_906, %parallel_loop3A_907] {strides = array<i32>} : memref<64x256xf32, #tpu.memory_space<vmem>>, vector<1x16xf32>,
        %parallel_loop3A_909 = vector.shape_cast %parallel_loop3A_908 : vector<1x16xf32> to vector<16xf32>
        %parallel_loop3A_910 = arith.addf %parallel_loop3A_798, %parallel_loop3A_909 : vector<16xf32>
        %parallel_loop3A_911 = arith.constant 4 : i32
        %parallel_loop3A_912 = arith.addi %parallel_loop3A_418, %parallel_loop3A_911 : i32
        %parallel_loop3A_913 = arith.index_cast %parallel_loop3A_912 : i32 to index
        %parallel_loop3A_914 = arith.constant 64 : index
        %parallel_loop3A_915 = tpu.vector_load %arg8[%parallel_loop3A_913, %parallel_loop3A_914] {strides = array<i32>} : memref<64x256xf32, #tpu.memory_space<vmem>>, vector<1x16xf32>,
        %parallel_loop3A_916 = vector.shape_cast %parallel_loop3A_915 : vector<1x16xf32> to vector<16xf32>
        %parallel_loop3A_917 = arith.addf %parallel_loop3A_805, %parallel_loop3A_916 : vector<16xf32>
        %parallel_loop3A_918 = arith.constant 4 : i32
        %parallel_loop3A_919 = arith.addi %parallel_loop3A_418, %parallel_loop3A_918 : i32
        %parallel_loop3A_920 = arith.index_cast %parallel_loop3A_919 : i32 to index
        %parallel_loop3A_921 = arith.constant 80 : index
        %parallel_loop3A_922 = tpu.vector_load %arg8[%parallel_loop3A_920, %parallel_loop3A_921] {strides = array<i32>} : memref<64x256xf32, #tpu.memory_space<vmem>>, vector<1x16xf32>,
        %parallel_loop3A_923 = vector.shape_cast %parallel_loop3A_922 : vector<1x16xf32> to vector<16xf32>
        %parallel_loop3A_924 = arith.addf %parallel_loop3A_812, %parallel_loop3A_923 : vector<16xf32>
        %parallel_loop3A_925 = arith.constant 4 : i32
        %parallel_loop3A_926 = arith.addi %parallel_loop3A_418, %parallel_loop3A_925 : i32
        %parallel_loop3A_927 = arith.index_cast %parallel_loop3A_926 : i32 to index
        %parallel_loop3A_928 = arith.constant 96 : index
        %parallel_loop3A_929 = tpu.vector_load %arg8[%parallel_loop3A_927, %parallel_loop3A_928] {strides = array<i32>} : memref<64x256xf32, #tpu.memory_space<vmem>>, vector<1x16xf32>,
        %parallel_loop3A_930 = vector.shape_cast %parallel_loop3A_929 : vector<1x16xf32> to vector<16xf32>
        %parallel_loop3A_931 = arith.addf %parallel_loop3A_819, %parallel_loop3A_930 : vector<16xf32>
        %parallel_loop3A_932 = arith.constant 4 : i32
        %parallel_loop3A_933 = arith.addi %parallel_loop3A_418, %parallel_loop3A_932 : i32
        %parallel_loop3A_934 = arith.index_cast %parallel_loop3A_933 : i32 to index
        %parallel_loop3A_935 = arith.constant 112 : index
        %parallel_loop3A_936 = tpu.vector_load %arg8[%parallel_loop3A_934, %parallel_loop3A_935] {strides = array<i32>} : memref<64x256xf32, #tpu.memory_space<vmem>>, vector<1x16xf32>,
        %parallel_loop3A_937 = vector.shape_cast %parallel_loop3A_936 : vector<1x16xf32> to vector<16xf32>
        %parallel_loop3A_938 = arith.addf %parallel_loop3A_826, %parallel_loop3A_937 : vector<16xf32>
        %parallel_loop3A_939 = arith.constant 4 : i32
        %parallel_loop3A_940 = arith.addi %parallel_loop3A_418, %parallel_loop3A_939 : i32
        %parallel_loop3A_941 = arith.index_cast %parallel_loop3A_940 : i32 to index
        %parallel_loop3A_942 = arith.constant 128 : index
        %parallel_loop3A_943 = tpu.vector_load %arg8[%parallel_loop3A_941, %parallel_loop3A_942] {strides = array<i32>} : memref<64x256xf32, #tpu.memory_space<vmem>>, vector<1x16xf32>,
        %parallel_loop3A_944 = vector.shape_cast %parallel_loop3A_943 : vector<1x16xf32> to vector<16xf32>
        %parallel_loop3A_945 = arith.addf %parallel_loop3A_833, %parallel_loop3A_944 : vector<16xf32>
        %parallel_loop3A_946 = arith.constant 4 : i32
        %parallel_loop3A_947 = arith.addi %parallel_loop3A_418, %parallel_loop3A_946 : i32
        %parallel_loop3A_948 = arith.index_cast %parallel_loop3A_947 : i32 to index
        %parallel_loop3A_949 = arith.constant 144 : index
        %parallel_loop3A_950 = tpu.vector_load %arg8[%parallel_loop3A_948, %parallel_loop3A_949] {strides = array<i32>} : memref<64x256xf32, #tpu.memory_space<vmem>>, vector<1x16xf32>,
        %parallel_loop3A_951 = vector.shape_cast %parallel_loop3A_950 : vector<1x16xf32> to vector<16xf32>
        %parallel_loop3A_952 = arith.addf %parallel_loop3A_840, %parallel_loop3A_951 : vector<16xf32>
        %parallel_loop3A_953 = arith.constant 4 : i32
        %parallel_loop3A_954 = arith.addi %parallel_loop3A_418, %parallel_loop3A_953 : i32
        %parallel_loop3A_955 = arith.index_cast %parallel_loop3A_954 : i32 to index
        %parallel_loop3A_956 = arith.constant 160 : index
        %parallel_loop3A_957 = tpu.vector_load %arg8[%parallel_loop3A_955, %parallel_loop3A_956] {strides = array<i32>} : memref<64x256xf32, #tpu.memory_space<vmem>>, vector<1x16xf32>,
        %parallel_loop3A_958 = vector.shape_cast %parallel_loop3A_957 : vector<1x16xf32> to vector<16xf32>
        %parallel_loop3A_959 = arith.addf %parallel_loop3A_847, %parallel_loop3A_958 : vector<16xf32>
        %parallel_loop3A_960 = arith.constant 4 : i32
        %parallel_loop3A_961 = arith.addi %parallel_loop3A_418, %parallel_loop3A_960 : i32
        %parallel_loop3A_962 = arith.index_cast %parallel_loop3A_961 : i32 to index
        %parallel_loop3A_963 = arith.constant 176 : index
        %parallel_loop3A_964 = tpu.vector_load %arg8[%parallel_loop3A_962, %parallel_loop3A_963] {strides = array<i32>} : memref<64x256xf32, #tpu.memory_space<vmem>>, vector<1x16xf32>,
        %parallel_loop3A_965 = vector.shape_cast %parallel_loop3A_964 : vector<1x16xf32> to vector<16xf32>
        %parallel_loop3A_966 = arith.addf %parallel_loop3A_854, %parallel_loop3A_965 : vector<16xf32>
        %parallel_loop3A_967 = arith.constant 4 : i32
        %parallel_loop3A_968 = arith.addi %parallel_loop3A_418, %parallel_loop3A_967 : i32
        %parallel_loop3A_969 = arith.index_cast %parallel_loop3A_968 : i32 to index
        %parallel_loop3A_970 = arith.constant 192 : index
        %parallel_loop3A_971 = tpu.vector_load %arg8[%parallel_loop3A_969, %parallel_loop3A_970] {strides = array<i32>} : memref<64x256xf32, #tpu.memory_space<vmem>>, vector<1x16xf32>,
        %parallel_loop3A_972 = vector.shape_cast %parallel_loop3A_971 : vector<1x16xf32> to vector<16xf32>
        %parallel_loop3A_973 = arith.addf %parallel_loop3A_861, %parallel_loop3A_972 : vector<16xf32>
        %parallel_loop3A_974 = arith.constant 4 : i32
        %parallel_loop3A_975 = arith.addi %parallel_loop3A_418, %parallel_loop3A_974 : i32
        %parallel_loop3A_976 = arith.index_cast %parallel_loop3A_975 : i32 to index
        %parallel_loop3A_977 = arith.constant 208 : index
        %parallel_loop3A_978 = tpu.vector_load %arg8[%parallel_loop3A_976, %parallel_loop3A_977] {strides = array<i32>} : memref<64x256xf32, #tpu.memory_space<vmem>>, vector<1x16xf32>,
        %parallel_loop3A_979 = vector.shape_cast %parallel_loop3A_978 : vector<1x16xf32> to vector<16xf32>
        %parallel_loop3A_980 = arith.addf %parallel_loop3A_868, %parallel_loop3A_979 : vector<16xf32>
        %parallel_loop3A_981 = arith.constant 4 : i32
        %parallel_loop3A_982 = arith.addi %parallel_loop3A_418, %parallel_loop3A_981 : i32
        %parallel_loop3A_983 = arith.index_cast %parallel_loop3A_982 : i32 to index
        %parallel_loop3A_984 = arith.constant 224 : index
        %parallel_loop3A_985 = tpu.vector_load %arg8[%parallel_loop3A_983, %parallel_loop3A_984] {strides = array<i32>} : memref<64x256xf32, #tpu.memory_space<vmem>>, vector<1x16xf32>,
        %parallel_loop3A_986 = vector.shape_cast %parallel_loop3A_985 : vector<1x16xf32> to vector<16xf32>
        %parallel_loop3A_987 = arith.addf %parallel_loop3A_875, %parallel_loop3A_986 : vector<16xf32>
        %parallel_loop3A_988 = arith.constant 4 : i32
        %parallel_loop3A_989 = arith.addi %parallel_loop3A_418, %parallel_loop3A_988 : i32
        %parallel_loop3A_990 = arith.index_cast %parallel_loop3A_989 : i32 to index
        %parallel_loop3A_991 = arith.constant 240 : index
        %parallel_loop3A_992 = tpu.vector_load %arg8[%parallel_loop3A_990, %parallel_loop3A_991] {strides = array<i32>} : memref<64x256xf32, #tpu.memory_space<vmem>>, vector<1x16xf32>,
        %parallel_loop3A_993 = vector.shape_cast %parallel_loop3A_992 : vector<1x16xf32> to vector<16xf32>
        %parallel_loop3A_994 = arith.addf %parallel_loop3A_882, %parallel_loop3A_993 : vector<16xf32>
        %parallel_loop3A_995 = arith.constant 5 : i32
        %parallel_loop3A_996 = arith.addi %parallel_loop3A_418, %parallel_loop3A_995 : i32
        %parallel_loop3A_997 = arith.index_cast %parallel_loop3A_996 : i32 to index
        %parallel_loop3A_998 = arith.constant 0 : index
        %parallel_loop3A_999 = tpu.vector_load %arg8[%parallel_loop3A_997, %parallel_loop3A_998] {strides = array<i32>} : memref<64x256xf32, #tpu.memory_space<vmem>>, vector<1x16xf32>,
        %parallel_loop3A_1000 = vector.shape_cast %parallel_loop3A_999 : vector<1x16xf32> to vector<16xf32>
        %parallel_loop3A_1001 = arith.addf %parallel_loop3A_889, %parallel_loop3A_1000 : vector<16xf32>
        %parallel_loop3A_1002 = arith.constant 5 : i32
        %parallel_loop3A_1003 = arith.addi %parallel_loop3A_418, %parallel_loop3A_1002 : i32
        %parallel_loop3A_1004 = arith.index_cast %parallel_loop3A_1003 : i32 to index
        %parallel_loop3A_1005 = arith.constant 16 : index
        %parallel_loop3A_1006 = tpu.vector_load %arg8[%parallel_loop3A_1004, %parallel_loop3A_1005] {strides = array<i32>} : memref<64x256xf32, #tpu.memory_space<vmem>>, vector<1x16xf32>,
        %parallel_loop3A_1007 = vector.shape_cast %parallel_loop3A_1006 : vector<1x16xf32> to vector<16xf32>
        %parallel_loop3A_1008 = arith.addf %parallel_loop3A_896, %parallel_loop3A_1007 : vector<16xf32>
        %parallel_loop3A_1009 = arith.constant 5 : i32
        %parallel_loop3A_1010 = arith.addi %parallel_loop3A_418, %parallel_loop3A_1009 : i32
        %parallel_loop3A_1011 = arith.index_cast %parallel_loop3A_1010 : i32 to index
        %parallel_loop3A_1012 = arith.constant 32 : index
        %parallel_loop3A_1013 = tpu.vector_load %arg8[%parallel_loop3A_1011, %parallel_loop3A_1012] {strides = array<i32>} : memref<64x256xf32, #tpu.memory_space<vmem>>, vector<1x16xf32>,
        %parallel_loop3A_1014 = vector.shape_cast %parallel_loop3A_1013 : vector<1x16xf32> to vector<16xf32>
        %parallel_loop3A_1015 = arith.addf %parallel_loop3A_903, %parallel_loop3A_1014 : vector<16xf32>
        %parallel_loop3A_1016 = arith.constant 5 : i32
        %parallel_loop3A_1017 = arith.addi %parallel_loop3A_418, %parallel_loop3A_1016 : i32
        %parallel_loop3A_1018 = arith.index_cast %parallel_loop3A_1017 : i32 to index
        %parallel_loop3A_1019 = arith.constant 48 : index
        %parallel_loop3A_1020 = tpu.vector_load %arg8[%parallel_loop3A_1018, %parallel_loop3A_1019] {strides = array<i32>} : memref<64x256xf32, #tpu.memory_space<vmem>>, vector<1x16xf32>,
        %parallel_loop3A_1021 = vector.shape_cast %parallel_loop3A_1020 : vector<1x16xf32> to vector<16xf32>
        %parallel_loop3A_1022 = arith.addf %parallel_loop3A_910, %parallel_loop3A_1021 : vector<16xf32>
        %parallel_loop3A_1023 = arith.constant 5 : i32
        %parallel_loop3A_1024 = arith.addi %parallel_loop3A_418, %parallel_loop3A_1023 : i32
        %parallel_loop3A_1025 = arith.index_cast %parallel_loop3A_1024 : i32 to index
        %parallel_loop3A_1026 = arith.constant 64 : index
        %parallel_loop3A_1027 = tpu.vector_load %arg8[%parallel_loop3A_1025, %parallel_loop3A_1026] {strides = array<i32>} : memref<64x256xf32, #tpu.memory_space<vmem>>, vector<1x16xf32>,
        %parallel_loop3A_1028 = vector.shape_cast %parallel_loop3A_1027 : vector<1x16xf32> to vector<16xf32>
        %parallel_loop3A_1029 = arith.addf %parallel_loop3A_917, %parallel_loop3A_1028 : vector<16xf32>
        %parallel_loop3A_1030 = arith.constant 5 : i32
        %parallel_loop3A_1031 = arith.addi %parallel_loop3A_418, %parallel_loop3A_1030 : i32
        %parallel_loop3A_1032 = arith.index_cast %parallel_loop3A_1031 : i32 to index
        %parallel_loop3A_1033 = arith.constant 80 : index
        %parallel_loop3A_1034 = tpu.vector_load %arg8[%parallel_loop3A_1032, %parallel_loop3A_1033] {strides = array<i32>} : memref<64x256xf32, #tpu.memory_space<vmem>>, vector<1x16xf32>,
        %parallel_loop3A_1035 = vector.shape_cast %parallel_loop3A_1034 : vector<1x16xf32> to vector<16xf32>
        %parallel_loop3A_1036 = arith.addf %parallel_loop3A_924, %parallel_loop3A_1035 : vector<16xf32>
        %parallel_loop3A_1037 = arith.constant 5 : i32
        %parallel_loop3A_1038 = arith.addi %parallel_loop3A_418, %parallel_loop3A_1037 : i32
        %parallel_loop3A_1039 = arith.index_cast %parallel_loop3A_1038 : i32 to index
        %parallel_loop3A_1040 = arith.constant 96 : index
        %parallel_loop3A_1041 = tpu.vector_load %arg8[%parallel_loop3A_1039, %parallel_loop3A_1040] {strides = array<i32>} : memref<64x256xf32, #tpu.memory_space<vmem>>, vector<1x16xf32>,
        %parallel_loop3A_1042 = vector.shape_cast %parallel_loop3A_1041 : vector<1x16xf32> to vector<16xf32>
        %parallel_loop3A_1043 = arith.addf %parallel_loop3A_931, %parallel_loop3A_1042 : vector<16xf32>
        %parallel_loop3A_1044 = arith.constant 5 : i32
        %parallel_loop3A_1045 = arith.addi %parallel_loop3A_418, %parallel_loop3A_1044 : i32
        %parallel_loop3A_1046 = arith.index_cast %parallel_loop3A_1045 : i32 to index
        %parallel_loop3A_1047 = arith.constant 112 : index
        %parallel_loop3A_1048 = tpu.vector_load %arg8[%parallel_loop3A_1046, %parallel_loop3A_1047] {strides = array<i32>} : memref<64x256xf32, #tpu.memory_space<vmem>>, vector<1x16xf32>,
        %parallel_loop3A_1049 = vector.shape_cast %parallel_loop3A_1048 : vector<1x16xf32> to vector<16xf32>
        %parallel_loop3A_1050 = arith.addf %parallel_loop3A_938, %parallel_loop3A_1049 : vector<16xf32>
        %parallel_loop3A_1051 = arith.constant 5 : i32
        %parallel_loop3A_1052 = arith.addi %parallel_loop3A_418, %parallel_loop3A_1051 : i32
        %parallel_loop3A_1053 = arith.index_cast %parallel_loop3A_1052 : i32 to index
        %parallel_loop3A_1054 = arith.constant 128 : index
        %parallel_loop3A_1055 = tpu.vector_load %arg8[%parallel_loop3A_1053, %parallel_loop3A_1054] {strides = array<i32>} : memref<64x256xf32, #tpu.memory_space<vmem>>, vector<1x16xf32>,
        %parallel_loop3A_1056 = vector.shape_cast %parallel_loop3A_1055 : vector<1x16xf32> to vector<16xf32>
        %parallel_loop3A_1057 = arith.addf %parallel_loop3A_945, %parallel_loop3A_1056 : vector<16xf32>
        %parallel_loop3A_1058 = arith.constant 5 : i32
        %parallel_loop3A_1059 = arith.addi %parallel_loop3A_418, %parallel_loop3A_1058 : i32
        %parallel_loop3A_1060 = arith.index_cast %parallel_loop3A_1059 : i32 to index
        %parallel_loop3A_1061 = arith.constant 144 : index
        %parallel_loop3A_1062 = tpu.vector_load %arg8[%parallel_loop3A_1060, %parallel_loop3A_1061] {strides = array<i32>} : memref<64x256xf32, #tpu.memory_space<vmem>>, vector<1x16xf32>,
        %parallel_loop3A_1063 = vector.shape_cast %parallel_loop3A_1062 : vector<1x16xf32> to vector<16xf32>
        %parallel_loop3A_1064 = arith.addf %parallel_loop3A_952, %parallel_loop3A_1063 : vector<16xf32>
        %parallel_loop3A_1065 = arith.constant 5 : i32
        %parallel_loop3A_1066 = arith.addi %parallel_loop3A_418, %parallel_loop3A_1065 : i32
        %parallel_loop3A_1067 = arith.index_cast %parallel_loop3A_1066 : i32 to index
        %parallel_loop3A_1068 = arith.constant 160 : index
        %parallel_loop3A_1069 = tpu.vector_load %arg8[%parallel_loop3A_1067, %parallel_loop3A_1068] {strides = array<i32>} : memref<64x256xf32, #tpu.memory_space<vmem>>, vector<1x16xf32>,
        %parallel_loop3A_1070 = vector.shape_cast %parallel_loop3A_1069 : vector<1x16xf32> to vector<16xf32>
        %parallel_loop3A_1071 = arith.addf %parallel_loop3A_959, %parallel_loop3A_1070 : vector<16xf32>
        %parallel_loop3A_1072 = arith.constant 5 : i32
        %parallel_loop3A_1073 = arith.addi %parallel_loop3A_418, %parallel_loop3A_1072 : i32
        %parallel_loop3A_1074 = arith.index_cast %parallel_loop3A_1073 : i32 to index
        %parallel_loop3A_1075 = arith.constant 176 : index
        %parallel_loop3A_1076 = tpu.vector_load %arg8[%parallel_loop3A_1074, %parallel_loop3A_1075] {strides = array<i32>} : memref<64x256xf32, #tpu.memory_space<vmem>>, vector<1x16xf32>,
        %parallel_loop3A_1077 = vector.shape_cast %parallel_loop3A_1076 : vector<1x16xf32> to vector<16xf32>
        %parallel_loop3A_1078 = arith.addf %parallel_loop3A_966, %parallel_loop3A_1077 : vector<16xf32>
        %parallel_loop3A_1079 = arith.constant 5 : i32
        %parallel_loop3A_1080 = arith.addi %parallel_loop3A_418, %parallel_loop3A_1079 : i32
        %parallel_loop3A_1081 = arith.index_cast %parallel_loop3A_1080 : i32 to index
        %parallel_loop3A_1082 = arith.constant 192 : index
        %parallel_loop3A_1083 = tpu.vector_load %arg8[%parallel_loop3A_1081, %parallel_loop3A_1082] {strides = array<i32>} : memref<64x256xf32, #tpu.memory_space<vmem>>, vector<1x16xf32>,
        %parallel_loop3A_1084 = vector.shape_cast %parallel_loop3A_1083 : vector<1x16xf32> to vector<16xf32>
        %parallel_loop3A_1085 = arith.addf %parallel_loop3A_973, %parallel_loop3A_1084 : vector<16xf32>
        %parallel_loop3A_1086 = arith.constant 5 : i32
        %parallel_loop3A_1087 = arith.addi %parallel_loop3A_418, %parallel_loop3A_1086 : i32
        %parallel_loop3A_1088 = arith.index_cast %parallel_loop3A_1087 : i32 to index
        %parallel_loop3A_1089 = arith.constant 208 : index
        %parallel_loop3A_1090 = tpu.vector_load %arg8[%parallel_loop3A_1088, %parallel_loop3A_1089] {strides = array<i32>} : memref<64x256xf32, #tpu.memory_space<vmem>>, vector<1x16xf32>,
        %parallel_loop3A_1091 = vector.shape_cast %parallel_loop3A_1090 : vector<1x16xf32> to vector<16xf32>
        %parallel_loop3A_1092 = arith.addf %parallel_loop3A_980, %parallel_loop3A_1091 : vector<16xf32>
        %parallel_loop3A_1093 = arith.constant 5 : i32
        %parallel_loop3A_1094 = arith.addi %parallel_loop3A_418, %parallel_loop3A_1093 : i32
        %parallel_loop3A_1095 = arith.index_cast %parallel_loop3A_1094 : i32 to index
        %parallel_loop3A_1096 = arith.constant 224 : index
        %parallel_loop3A_1097 = tpu.vector_load %arg8[%parallel_loop3A_1095, %parallel_loop3A_1096] {strides = array<i32>} : memref<64x256xf32, #tpu.memory_space<vmem>>, vector<1x16xf32>,
        %parallel_loop3A_1098 = vector.shape_cast %parallel_loop3A_1097 : vector<1x16xf32> to vector<16xf32>
        %parallel_loop3A_1099 = arith.addf %parallel_loop3A_987, %parallel_loop3A_1098 : vector<16xf32>
        %parallel_loop3A_1100 = arith.constant 5 : i32
        %parallel_loop3A_1101 = arith.addi %parallel_loop3A_418, %parallel_loop3A_1100 : i32
        %parallel_loop3A_1102 = arith.index_cast %parallel_loop3A_1101 : i32 to index
        %parallel_loop3A_1103 = arith.constant 240 : index
        %parallel_loop3A_1104 = tpu.vector_load %arg8[%parallel_loop3A_1102, %parallel_loop3A_1103] {strides = array<i32>} : memref<64x256xf32, #tpu.memory_space<vmem>>, vector<1x16xf32>,
        %parallel_loop3A_1105 = vector.shape_cast %parallel_loop3A_1104 : vector<1x16xf32> to vector<16xf32>
        %parallel_loop3A_1106 = arith.addf %parallel_loop3A_994, %parallel_loop3A_1105 : vector<16xf32>
        %parallel_loop3A_1107 = arith.constant 6 : i32
        %parallel_loop3A_1108 = arith.addi %parallel_loop3A_418, %parallel_loop3A_1107 : i32
        %parallel_loop3A_1109 = arith.index_cast %parallel_loop3A_1108 : i32 to index
        %parallel_loop3A_1110 = arith.constant 0 : index
        %parallel_loop3A_1111 = tpu.vector_load %arg8[%parallel_loop3A_1109, %parallel_loop3A_1110] {strides = array<i32>} : memref<64x256xf32, #tpu.memory_space<vmem>>, vector<1x16xf32>,
        %parallel_loop3A_1112 = vector.shape_cast %parallel_loop3A_1111 : vector<1x16xf32> to vector<16xf32>
        %parallel_loop3A_1113 = arith.addf %parallel_loop3A_1001, %parallel_loop3A_1112 : vector<16xf32>
        %parallel_loop3A_1114 = arith.constant 6 : i32
        %parallel_loop3A_1115 = arith.addi %parallel_loop3A_418, %parallel_loop3A_1114 : i32
        %parallel_loop3A_1116 = arith.index_cast %parallel_loop3A_1115 : i32 to index
        %parallel_loop3A_1117 = arith.constant 16 : index
        %parallel_loop3A_1118 = tpu.vector_load %arg8[%parallel_loop3A_1116, %parallel_loop3A_1117] {strides = array<i32>} : memref<64x256xf32, #tpu.memory_space<vmem>>, vector<1x16xf32>,
        %parallel_loop3A_1119 = vector.shape_cast %parallel_loop3A_1118 : vector<1x16xf32> to vector<16xf32>
        %parallel_loop3A_1120 = arith.addf %parallel_loop3A_1008, %parallel_loop3A_1119 : vector<16xf32>
        %parallel_loop3A_1121 = arith.constant 6 : i32
        %parallel_loop3A_1122 = arith.addi %parallel_loop3A_418, %parallel_loop3A_1121 : i32
        %parallel_loop3A_1123 = arith.index_cast %parallel_loop3A_1122 : i32 to index
        %parallel_loop3A_1124 = arith.constant 32 : index
        %parallel_loop3A_1125 = tpu.vector_load %arg8[%parallel_loop3A_1123, %parallel_loop3A_1124] {strides = array<i32>} : memref<64x256xf32, #tpu.memory_space<vmem>>, vector<1x16xf32>,
        %parallel_loop3A_1126 = vector.shape_cast %parallel_loop3A_1125 : vector<1x16xf32> to vector<16xf32>
        %parallel_loop3A_1127 = arith.addf %parallel_loop3A_1015, %parallel_loop3A_1126 : vector<16xf32>
        %parallel_loop3A_1128 = arith.constant 6 : i32
        %parallel_loop3A_1129 = arith.addi %parallel_loop3A_418, %parallel_loop3A_1128 : i32
        %parallel_loop3A_1130 = arith.index_cast %parallel_loop3A_1129 : i32 to index
        %parallel_loop3A_1131 = arith.constant 48 : index
        %parallel_loop3A_1132 = tpu.vector_load %arg8[%parallel_loop3A_1130, %parallel_loop3A_1131] {strides = array<i32>} : memref<64x256xf32, #tpu.memory_space<vmem>>, vector<1x16xf32>,
        %parallel_loop3A_1133 = vector.shape_cast %parallel_loop3A_1132 : vector<1x16xf32> to vector<16xf32>
        %parallel_loop3A_1134 = arith.addf %parallel_loop3A_1022, %parallel_loop3A_1133 : vector<16xf32>
        %parallel_loop3A_1135 = arith.constant 6 : i32
        %parallel_loop3A_1136 = arith.addi %parallel_loop3A_418, %parallel_loop3A_1135 : i32
        %parallel_loop3A_1137 = arith.index_cast %parallel_loop3A_1136 : i32 to index
        %parallel_loop3A_1138 = arith.constant 64 : index
        %parallel_loop3A_1139 = tpu.vector_load %arg8[%parallel_loop3A_1137, %parallel_loop3A_1138] {strides = array<i32>} : memref<64x256xf32, #tpu.memory_space<vmem>>, vector<1x16xf32>,
        %parallel_loop3A_1140 = vector.shape_cast %parallel_loop3A_1139 : vector<1x16xf32> to vector<16xf32>
        %parallel_loop3A_1141 = arith.addf %parallel_loop3A_1029, %parallel_loop3A_1140 : vector<16xf32>
        %parallel_loop3A_1142 = arith.constant 6 : i32
        %parallel_loop3A_1143 = arith.addi %parallel_loop3A_418, %parallel_loop3A_1142 : i32
        %parallel_loop3A_1144 = arith.index_cast %parallel_loop3A_1143 : i32 to index
        %parallel_loop3A_1145 = arith.constant 80 : index
        %parallel_loop3A_1146 = tpu.vector_load %arg8[%parallel_loop3A_1144, %parallel_loop3A_1145] {strides = array<i32>} : memref<64x256xf32, #tpu.memory_space<vmem>>, vector<1x16xf32>,
        %parallel_loop3A_1147 = vector.shape_cast %parallel_loop3A_1146 : vector<1x16xf32> to vector<16xf32>
        %parallel_loop3A_1148 = arith.addf %parallel_loop3A_1036, %parallel_loop3A_1147 : vector<16xf32>
        %parallel_loop3A_1149 = arith.constant 6 : i32
        %parallel_loop3A_1150 = arith.addi %parallel_loop3A_418, %parallel_loop3A_1149 : i32
        %parallel_loop3A_1151 = arith.index_cast %parallel_loop3A_1150 : i32 to index
        %parallel_loop3A_1152 = arith.constant 96 : index
        %parallel_loop3A_1153 = tpu.vector_load %arg8[%parallel_loop3A_1151, %parallel_loop3A_1152] {strides = array<i32>} : memref<64x256xf32, #tpu.memory_space<vmem>>, vector<1x16xf32>,
        %parallel_loop3A_1154 = vector.shape_cast %parallel_loop3A_1153 : vector<1x16xf32> to vector<16xf32>
        %parallel_loop3A_1155 = arith.addf %parallel_loop3A_1043, %parallel_loop3A_1154 : vector<16xf32>
        %parallel_loop3A_1156 = arith.constant 6 : i32
        %parallel_loop3A_1157 = arith.addi %parallel_loop3A_418, %parallel_loop3A_1156 : i32
        %parallel_loop3A_1158 = arith.index_cast %parallel_loop3A_1157 : i32 to index
        %parallel_loop3A_1159 = arith.constant 112 : index
        %parallel_loop3A_1160 = tpu.vector_load %arg8[%parallel_loop3A_1158, %parallel_loop3A_1159] {strides = array<i32>} : memref<64x256xf32, #tpu.memory_space<vmem>>, vector<1x16xf32>,
        %parallel_loop3A_1161 = vector.shape_cast %parallel_loop3A_1160 : vector<1x16xf32> to vector<16xf32>
        %parallel_loop3A_1162 = arith.addf %parallel_loop3A_1050, %parallel_loop3A_1161 : vector<16xf32>
        %parallel_loop3A_1163 = arith.constant 6 : i32
        %parallel_loop3A_1164 = arith.addi %parallel_loop3A_418, %parallel_loop3A_1163 : i32
        %parallel_loop3A_1165 = arith.index_cast %parallel_loop3A_1164 : i32 to index
        %parallel_loop3A_1166 = arith.constant 128 : index
        %parallel_loop3A_1167 = tpu.vector_load %arg8[%parallel_loop3A_1165, %parallel_loop3A_1166] {strides = array<i32>} : memref<64x256xf32, #tpu.memory_space<vmem>>, vector<1x16xf32>,
        %parallel_loop3A_1168 = vector.shape_cast %parallel_loop3A_1167 : vector<1x16xf32> to vector<16xf32>
        %parallel_loop3A_1169 = arith.addf %parallel_loop3A_1057, %parallel_loop3A_1168 : vector<16xf32>
        %parallel_loop3A_1170 = arith.constant 6 : i32
        %parallel_loop3A_1171 = arith.addi %parallel_loop3A_418, %parallel_loop3A_1170 : i32
        %parallel_loop3A_1172 = arith.index_cast %parallel_loop3A_1171 : i32 to index
        %parallel_loop3A_1173 = arith.constant 144 : index
        %parallel_loop3A_1174 = tpu.vector_load %arg8[%parallel_loop3A_1172, %parallel_loop3A_1173] {strides = array<i32>} : memref<64x256xf32, #tpu.memory_space<vmem>>, vector<1x16xf32>,
        %parallel_loop3A_1175 = vector.shape_cast %parallel_loop3A_1174 : vector<1x16xf32> to vector<16xf32>
        %parallel_loop3A_1176 = arith.addf %parallel_loop3A_1064, %parallel_loop3A_1175 : vector<16xf32>
        %parallel_loop3A_1177 = arith.constant 6 : i32
        %parallel_loop3A_1178 = arith.addi %parallel_loop3A_418, %parallel_loop3A_1177 : i32
        %parallel_loop3A_1179 = arith.index_cast %parallel_loop3A_1178 : i32 to index
        %parallel_loop3A_1180 = arith.constant 160 : index
        %parallel_loop3A_1181 = tpu.vector_load %arg8[%parallel_loop3A_1179, %parallel_loop3A_1180] {strides = array<i32>} : memref<64x256xf32, #tpu.memory_space<vmem>>, vector<1x16xf32>,
        %parallel_loop3A_1182 = vector.shape_cast %parallel_loop3A_1181 : vector<1x16xf32> to vector<16xf32>
        %parallel_loop3A_1183 = arith.addf %parallel_loop3A_1071, %parallel_loop3A_1182 : vector<16xf32>
        %parallel_loop3A_1184 = arith.constant 6 : i32
        %parallel_loop3A_1185 = arith.addi %parallel_loop3A_418, %parallel_loop3A_1184 : i32
        %parallel_loop3A_1186 = arith.index_cast %parallel_loop3A_1185 : i32 to index
        %parallel_loop3A_1187 = arith.constant 176 : index
        %parallel_loop3A_1188 = tpu.vector_load %arg8[%parallel_loop3A_1186, %parallel_loop3A_1187] {strides = array<i32>} : memref<64x256xf32, #tpu.memory_space<vmem>>, vector<1x16xf32>,
        %parallel_loop3A_1189 = vector.shape_cast %parallel_loop3A_1188 : vector<1x16xf32> to vector<16xf32>
        %parallel_loop3A_1190 = arith.addf %parallel_loop3A_1078, %parallel_loop3A_1189 : vector<16xf32>
        %parallel_loop3A_1191 = arith.constant 6 : i32
        %parallel_loop3A_1192 = arith.addi %parallel_loop3A_418, %parallel_loop3A_1191 : i32
        %parallel_loop3A_1193 = arith.index_cast %parallel_loop3A_1192 : i32 to index
        %parallel_loop3A_1194 = arith.constant 192 : index
        %parallel_loop3A_1195 = tpu.vector_load %arg8[%parallel_loop3A_1193, %parallel_loop3A_1194] {strides = array<i32>} : memref<64x256xf32, #tpu.memory_space<vmem>>, vector<1x16xf32>,
        %parallel_loop3A_1196 = vector.shape_cast %parallel_loop3A_1195 : vector<1x16xf32> to vector<16xf32>
        %parallel_loop3A_1197 = arith.addf %parallel_loop3A_1085, %parallel_loop3A_1196 : vector<16xf32>
        %parallel_loop3A_1198 = arith.constant 6 : i32
        %parallel_loop3A_1199 = arith.addi %parallel_loop3A_418, %parallel_loop3A_1198 : i32
        %parallel_loop3A_1200 = arith.index_cast %parallel_loop3A_1199 : i32 to index
        %parallel_loop3A_1201 = arith.constant 208 : index
        %parallel_loop3A_1202 = tpu.vector_load %arg8[%parallel_loop3A_1200, %parallel_loop3A_1201] {strides = array<i32>} : memref<64x256xf32, #tpu.memory_space<vmem>>, vector<1x16xf32>,
        %parallel_loop3A_1203 = vector.shape_cast %parallel_loop3A_1202 : vector<1x16xf32> to vector<16xf32>
        %parallel_loop3A_1204 = arith.addf %parallel_loop3A_1092, %parallel_loop3A_1203 : vector<16xf32>
        %parallel_loop3A_1205 = arith.constant 6 : i32
        %parallel_loop3A_1206 = arith.addi %parallel_loop3A_418, %parallel_loop3A_1205 : i32
        %parallel_loop3A_1207 = arith.index_cast %parallel_loop3A_1206 : i32 to index
        %parallel_loop3A_1208 = arith.constant 224 : index
        %parallel_loop3A_1209 = tpu.vector_load %arg8[%parallel_loop3A_1207, %parallel_loop3A_1208] {strides = array<i32>} : memref<64x256xf32, #tpu.memory_space<vmem>>, vector<1x16xf32>,
        %parallel_loop3A_1210 = vector.shape_cast %parallel_loop3A_1209 : vector<1x16xf32> to vector<16xf32>
        %parallel_loop3A_1211 = arith.addf %parallel_loop3A_1099, %parallel_loop3A_1210 : vector<16xf32>
        %parallel_loop3A_1212 = arith.constant 6 : i32
        %parallel_loop3A_1213 = arith.addi %parallel_loop3A_418, %parallel_loop3A_1212 : i32
        %parallel_loop3A_1214 = arith.index_cast %parallel_loop3A_1213 : i32 to index
        %parallel_loop3A_1215 = arith.constant 240 : index
        %parallel_loop3A_1216 = tpu.vector_load %arg8[%parallel_loop3A_1214, %parallel_loop3A_1215] {strides = array<i32>} : memref<64x256xf32, #tpu.memory_space<vmem>>, vector<1x16xf32>,
        %parallel_loop3A_1217 = vector.shape_cast %parallel_loop3A_1216 : vector<1x16xf32> to vector<16xf32>
        %parallel_loop3A_1218 = arith.addf %parallel_loop3A_1106, %parallel_loop3A_1217 : vector<16xf32>
        %parallel_loop3A_1219 = arith.constant 7 : i32
        %parallel_loop3A_1220 = arith.addi %parallel_loop3A_418, %parallel_loop3A_1219 : i32
        %parallel_loop3A_1221 = arith.index_cast %parallel_loop3A_1220 : i32 to index
        %parallel_loop3A_1222 = arith.constant 0 : index
        %parallel_loop3A_1223 = tpu.vector_load %arg8[%parallel_loop3A_1221, %parallel_loop3A_1222] {strides = array<i32>} : memref<64x256xf32, #tpu.memory_space<vmem>>, vector<1x16xf32>,
        %parallel_loop3A_1224 = vector.shape_cast %parallel_loop3A_1223 : vector<1x16xf32> to vector<16xf32>
        %parallel_loop3A_1225 = arith.addf %parallel_loop3A_1113, %parallel_loop3A_1224 : vector<16xf32>
        %parallel_loop3A_1226 = arith.constant 7 : i32
        %parallel_loop3A_1227 = arith.addi %parallel_loop3A_418, %parallel_loop3A_1226 : i32
        %parallel_loop3A_1228 = arith.index_cast %parallel_loop3A_1227 : i32 to index
        %parallel_loop3A_1229 = arith.constant 16 : index
        %parallel_loop3A_1230 = tpu.vector_load %arg8[%parallel_loop3A_1228, %parallel_loop3A_1229] {strides = array<i32>} : memref<64x256xf32, #tpu.memory_space<vmem>>, vector<1x16xf32>,
        %parallel_loop3A_1231 = vector.shape_cast %parallel_loop3A_1230 : vector<1x16xf32> to vector<16xf32>
        %parallel_loop3A_1232 = arith.addf %parallel_loop3A_1120, %parallel_loop3A_1231 : vector<16xf32>
        %parallel_loop3A_1233 = arith.constant 7 : i32
        %parallel_loop3A_1234 = arith.addi %parallel_loop3A_418, %parallel_loop3A_1233 : i32
        %parallel_loop3A_1235 = arith.index_cast %parallel_loop3A_1234 : i32 to index
        %parallel_loop3A_1236 = arith.constant 32 : index
        %parallel_loop3A_1237 = tpu.vector_load %arg8[%parallel_loop3A_1235, %parallel_loop3A_1236] {strides = array<i32>} : memref<64x256xf32, #tpu.memory_space<vmem>>, vector<1x16xf32>,
        %parallel_loop3A_1238 = vector.shape_cast %parallel_loop3A_1237 : vector<1x16xf32> to vector<16xf32>
        %parallel_loop3A_1239 = arith.addf %parallel_loop3A_1127, %parallel_loop3A_1238 : vector<16xf32>
        %parallel_loop3A_1240 = arith.constant 7 : i32
        %parallel_loop3A_1241 = arith.addi %parallel_loop3A_418, %parallel_loop3A_1240 : i32
        %parallel_loop3A_1242 = arith.index_cast %parallel_loop3A_1241 : i32 to index
        %parallel_loop3A_1243 = arith.constant 48 : index
        %parallel_loop3A_1244 = tpu.vector_load %arg8[%parallel_loop3A_1242, %parallel_loop3A_1243] {strides = array<i32>} : memref<64x256xf32, #tpu.memory_space<vmem>>, vector<1x16xf32>,
        %parallel_loop3A_1245 = vector.shape_cast %parallel_loop3A_1244 : vector<1x16xf32> to vector<16xf32>
        %parallel_loop3A_1246 = arith.addf %parallel_loop3A_1134, %parallel_loop3A_1245 : vector<16xf32>
        %parallel_loop3A_1247 = arith.constant 7 : i32
        %parallel_loop3A_1248 = arith.addi %parallel_loop3A_418, %parallel_loop3A_1247 : i32
        %parallel_loop3A_1249 = arith.index_cast %parallel_loop3A_1248 : i32 to index
        %parallel_loop3A_1250 = arith.constant 64 : index
        %parallel_loop3A_1251 = tpu.vector_load %arg8[%parallel_loop3A_1249, %parallel_loop3A_1250] {strides = array<i32>} : memref<64x256xf32, #tpu.memory_space<vmem>>, vector<1x16xf32>,
        %parallel_loop3A_1252 = vector.shape_cast %parallel_loop3A_1251 : vector<1x16xf32> to vector<16xf32>
        %parallel_loop3A_1253 = arith.addf %parallel_loop3A_1141, %parallel_loop3A_1252 : vector<16xf32>
        %parallel_loop3A_1254 = arith.constant 7 : i32
        %parallel_loop3A_1255 = arith.addi %parallel_loop3A_418, %parallel_loop3A_1254 : i32
        %parallel_loop3A_1256 = arith.index_cast %parallel_loop3A_1255 : i32 to index
        %parallel_loop3A_1257 = arith.constant 80 : index
        %parallel_loop3A_1258 = tpu.vector_load %arg8[%parallel_loop3A_1256, %parallel_loop3A_1257] {strides = array<i32>} : memref<64x256xf32, #tpu.memory_space<vmem>>, vector<1x16xf32>,
        %parallel_loop3A_1259 = vector.shape_cast %parallel_loop3A_1258 : vector<1x16xf32> to vector<16xf32>
        %parallel_loop3A_1260 = arith.addf %parallel_loop3A_1148, %parallel_loop3A_1259 : vector<16xf32>
        %parallel_loop3A_1261 = arith.constant 7 : i32
        %parallel_loop3A_1262 = arith.addi %parallel_loop3A_418, %parallel_loop3A_1261 : i32
        %parallel_loop3A_1263 = arith.index_cast %parallel_loop3A_1262 : i32 to index
        %parallel_loop3A_1264 = arith.constant 96 : index
        %parallel_loop3A_1265 = tpu.vector_load %arg8[%parallel_loop3A_1263, %parallel_loop3A_1264] {strides = array<i32>} : memref<64x256xf32, #tpu.memory_space<vmem>>, vector<1x16xf32>,
        %parallel_loop3A_1266 = vector.shape_cast %parallel_loop3A_1265 : vector<1x16xf32> to vector<16xf32>
        %parallel_loop3A_1267 = arith.addf %parallel_loop3A_1155, %parallel_loop3A_1266 : vector<16xf32>
        %parallel_loop3A_1268 = arith.constant 7 : i32
        %parallel_loop3A_1269 = arith.addi %parallel_loop3A_418, %parallel_loop3A_1268 : i32
        %parallel_loop3A_1270 = arith.index_cast %parallel_loop3A_1269 : i32 to index
        %parallel_loop3A_1271 = arith.constant 112 : index
        %parallel_loop3A_1272 = tpu.vector_load %arg8[%parallel_loop3A_1270, %parallel_loop3A_1271] {strides = array<i32>} : memref<64x256xf32, #tpu.memory_space<vmem>>, vector<1x16xf32>,
        %parallel_loop3A_1273 = vector.shape_cast %parallel_loop3A_1272 : vector<1x16xf32> to vector<16xf32>
        %parallel_loop3A_1274 = arith.addf %parallel_loop3A_1162, %parallel_loop3A_1273 : vector<16xf32>
        %parallel_loop3A_1275 = arith.constant 7 : i32
        %parallel_loop3A_1276 = arith.addi %parallel_loop3A_418, %parallel_loop3A_1275 : i32
        %parallel_loop3A_1277 = arith.index_cast %parallel_loop3A_1276 : i32 to index
        %parallel_loop3A_1278 = arith.constant 128 : index
        %parallel_loop3A_1279 = tpu.vector_load %arg8[%parallel_loop3A_1277, %parallel_loop3A_1278] {strides = array<i32>} : memref<64x256xf32, #tpu.memory_space<vmem>>, vector<1x16xf32>,
        %parallel_loop3A_1280 = vector.shape_cast %parallel_loop3A_1279 : vector<1x16xf32> to vector<16xf32>
        %parallel_loop3A_1281 = arith.addf %parallel_loop3A_1169, %parallel_loop3A_1280 : vector<16xf32>
        %parallel_loop3A_1282 = arith.constant 7 : i32
        %parallel_loop3A_1283 = arith.addi %parallel_loop3A_418, %parallel_loop3A_1282 : i32
        %parallel_loop3A_1284 = arith.index_cast %parallel_loop3A_1283 : i32 to index
        %parallel_loop3A_1285 = arith.constant 144 : index
        %parallel_loop3A_1286 = tpu.vector_load %arg8[%parallel_loop3A_1284, %parallel_loop3A_1285] {strides = array<i32>} : memref<64x256xf32, #tpu.memory_space<vmem>>, vector<1x16xf32>,
        %parallel_loop3A_1287 = vector.shape_cast %parallel_loop3A_1286 : vector<1x16xf32> to vector<16xf32>
        %parallel_loop3A_1288 = arith.addf %parallel_loop3A_1176, %parallel_loop3A_1287 : vector<16xf32>
        %parallel_loop3A_1289 = arith.constant 7 : i32
        %parallel_loop3A_1290 = arith.addi %parallel_loop3A_418, %parallel_loop3A_1289 : i32
        %parallel_loop3A_1291 = arith.index_cast %parallel_loop3A_1290 : i32 to index
        %parallel_loop3A_1292 = arith.constant 160 : index
        %parallel_loop3A_1293 = tpu.vector_load %arg8[%parallel_loop3A_1291, %parallel_loop3A_1292] {strides = array<i32>} : memref<64x256xf32, #tpu.memory_space<vmem>>, vector<1x16xf32>,
        %parallel_loop3A_1294 = vector.shape_cast %parallel_loop3A_1293 : vector<1x16xf32> to vector<16xf32>
        %parallel_loop3A_1295 = arith.addf %parallel_loop3A_1183, %parallel_loop3A_1294 : vector<16xf32>
        %parallel_loop3A_1296 = arith.constant 7 : i32
        %parallel_loop3A_1297 = arith.addi %parallel_loop3A_418, %parallel_loop3A_1296 : i32
        %parallel_loop3A_1298 = arith.index_cast %parallel_loop3A_1297 : i32 to index
        %parallel_loop3A_1299 = arith.constant 176 : index
        %parallel_loop3A_1300 = tpu.vector_load %arg8[%parallel_loop3A_1298, %parallel_loop3A_1299] {strides = array<i32>} : memref<64x256xf32, #tpu.memory_space<vmem>>, vector<1x16xf32>,
        %parallel_loop3A_1301 = vector.shape_cast %parallel_loop3A_1300 : vector<1x16xf32> to vector<16xf32>
        %parallel_loop3A_1302 = arith.addf %parallel_loop3A_1190, %parallel_loop3A_1301 : vector<16xf32>
        %parallel_loop3A_1303 = arith.constant 7 : i32
        %parallel_loop3A_1304 = arith.addi %parallel_loop3A_418, %parallel_loop3A_1303 : i32
        %parallel_loop3A_1305 = arith.index_cast %parallel_loop3A_1304 : i32 to index
        %parallel_loop3A_1306 = arith.constant 192 : index
        %parallel_loop3A_1307 = tpu.vector_load %arg8[%parallel_loop3A_1305, %parallel_loop3A_1306] {strides = array<i32>} : memref<64x256xf32, #tpu.memory_space<vmem>>, vector<1x16xf32>,
        %parallel_loop3A_1308 = vector.shape_cast %parallel_loop3A_1307 : vector<1x16xf32> to vector<16xf32>
        %parallel_loop3A_1309 = arith.addf %parallel_loop3A_1197, %parallel_loop3A_1308 : vector<16xf32>
        %parallel_loop3A_1310 = arith.constant 7 : i32
        %parallel_loop3A_1311 = arith.addi %parallel_loop3A_418, %parallel_loop3A_1310 : i32
        %parallel_loop3A_1312 = arith.index_cast %parallel_loop3A_1311 : i32 to index
        %parallel_loop3A_1313 = arith.constant 208 : index
        %parallel_loop3A_1314 = tpu.vector_load %arg8[%parallel_loop3A_1312, %parallel_loop3A_1313] {strides = array<i32>} : memref<64x256xf32, #tpu.memory_space<vmem>>, vector<1x16xf32>,
        %parallel_loop3A_1315 = vector.shape_cast %parallel_loop3A_1314 : vector<1x16xf32> to vector<16xf32>
        %parallel_loop3A_1316 = arith.addf %parallel_loop3A_1204, %parallel_loop3A_1315 : vector<16xf32>
        %parallel_loop3A_1317 = arith.constant 7 : i32
        %parallel_loop3A_1318 = arith.addi %parallel_loop3A_418, %parallel_loop3A_1317 : i32
        %parallel_loop3A_1319 = arith.index_cast %parallel_loop3A_1318 : i32 to index
        %parallel_loop3A_1320 = arith.constant 224 : index
        %parallel_loop3A_1321 = tpu.vector_load %arg8[%parallel_loop3A_1319, %parallel_loop3A_1320] {strides = array<i32>} : memref<64x256xf32, #tpu.memory_space<vmem>>, vector<1x16xf32>,
        %parallel_loop3A_1322 = vector.shape_cast %parallel_loop3A_1321 : vector<1x16xf32> to vector<16xf32>
        %parallel_loop3A_1323 = arith.addf %parallel_loop3A_1211, %parallel_loop3A_1322 : vector<16xf32>
        %parallel_loop3A_1324 = arith.constant 7 : i32
        %parallel_loop3A_1325 = arith.addi %parallel_loop3A_418, %parallel_loop3A_1324 : i32
        %parallel_loop3A_1326 = arith.index_cast %parallel_loop3A_1325 : i32 to index
        %parallel_loop3A_1327 = arith.constant 240 : index
        %parallel_loop3A_1328 = tpu.vector_load %arg8[%parallel_loop3A_1326, %parallel_loop3A_1327] {strides = array<i32>} : memref<64x256xf32, #tpu.memory_space<vmem>>, vector<1x16xf32>,
        %parallel_loop3A_1329 = vector.shape_cast %parallel_loop3A_1328 : vector<1x16xf32> to vector<16xf32>
        %parallel_loop3A_1330 = arith.addf %parallel_loop3A_1218, %parallel_loop3A_1329 : vector<16xf32>
        scf.yield %parallel_loop3A_1225, %parallel_loop3A_1232, %parallel_loop3A_1239, %parallel_loop3A_1246, %parallel_loop3A_1253, %parallel_loop3A_1260, %parallel_loop3A_1267, %parallel_loop3A_1274, %parallel_loop3A_1281, %parallel_loop3A_1288, %parallel_loop3A_1295, %parallel_loop3A_1302, %parallel_loop3A_1309, %parallel_loop3A_1316, %parallel_loop3A_1323, %parallel_loop3A_1330 : vector<16xf32>, vector<16xf32>, vector<16xf32>, vector<16xf32>, vector<16xf32>, vector<16xf32>, vector<16xf32>, vector<16xf32>, vector<16xf32>, vector<16xf32>, vector<16xf32>, vector<16xf32>, vector<16xf32>, vector<16xf32>, vector<16xf32>, vector<16xf32>
      } {sc.loop_unroll_factor = 4 : i64, sc.parallel_access}
      %add3A_279 = arith.constant 4 : i32
      %add3A_280 = arith.addi %add3A_267, %add3A_279 : i32
      %lt3A_281 = arith.constant 64 : i32
      %lt3A_282 = arith.cmpi slt, %add3A_280, %lt3A_281 : i32
      %convert_element_type3A_283 = arith.extui %lt3A_282 : i1 to i32
      %cond3A_284 = arith.constant 0 : i32
      %cond3A_285 = arith.cmpi ne, %convert_element_type3A_283, %cond3A_284 : i32
      scf.if %cond3A_285 {
        %add3A_418 = arith.constant 4 : i32
        %add3A_419 = arith.addi %add3A_267, %add3A_418 : i32
        %dma_start3A_420 = arith.constant 0 : i32
        %dma_start3A_421 = tpu.memref_slice %arg5[%add3A_419, %dma_start3A_420] : memref<64x64xi32, #tpu.memory_space<vmem>> -> memref<1x64xi32, #tpu.memory_space<vmem>>
        %dma_start3A_422 = tpu.memref_squeeze %dma_start3A_421 : memref<1x64xi32, #tpu.memory_space<vmem>> -> memref<64xi32, #tpu.memory_space<vmem>>
        %dma_start3A_423 = arith.constant 0 : i32
        %dma_start3A_424 = arith.constant 0 : i32
        %dma_start3A_425 = tpu.memref_slice %arg3[%dma_start3A_423, %dma_start3A_424] : memref<131072x256xf32, #tpu.memory_space<hbm>> -> memref<131072x256xf32, #tpu.memory_space<hbm>>
        tpu.enqueue_indirect_dma source(%dma_start3A_425 : memref<131072x256xf32, #tpu.memory_space<hbm>>) target(%arg8 : memref<64x256xf32, #tpu.memory_space<vmem>>) offsets(%dma_start3A_422 : memref<64xi32, #tpu.memory_space<vmem>>) semaphore(%arg13 : memref<!tpu.dma_semaphore, #tpu.memory_space<semaphore_mem>>)
      } else {
      }
      %add3A_286 = arith.constant 3 : i32
      %add3A_287 = arith.addi %add3A_40, %add3A_286 : i32
      %dma_wait3A_288 = arith.constant 0 : i32
      %dma_wait3A_289 = arith.constant 0 : i32
      %dma_wait3A_290 = tpu.memref_slice %arg5[%dma_wait3A_288, %dma_wait3A_289] : memref<64x64xi32, #tpu.memory_space<vmem>> -> memref<1x64xi32, #tpu.memory_space<vmem>>
      %dma_wait3A_291 = tpu.memref_squeeze %dma_wait3A_290 : memref<1x64xi32, #tpu.memory_space<vmem>> -> memref<64xi32, #tpu.memory_space<vmem>>
      %dma_wait3A_292 = arith.constant 0 : i32
      %dma_wait3A_293 = arith.constant 0 : i32
      %dma_wait3A_294 = tpu.memref_slice %arg3[%dma_wait3A_292, %dma_wait3A_293] : memref<131072x256xf32, #tpu.memory_space<hbm>> -> memref<131072x256xf32, #tpu.memory_space<hbm>>
      tpu.wait_indirect_dma semaphore(%arg14 : memref<!tpu.dma_semaphore, #tpu.memory_space<semaphore_mem>>) src(%dma_wait3A_294 : memref<131072x256xf32, #tpu.memory_space<hbm>>) dst(%arg9 : memref<64x256xf32, #tpu.memory_space<vmem>>)
      %parallel_loop3A_295 = arith.constant 0 : i32
      %parallel_loop3A_296 = arith.constant 64 : i32
      %parallel_loop3A_297 = arith.constant 8 : i32
      %parallel_loop3A_298:16 = scf.for %parallel_loop3A_418 = %parallel_loop3A_295 to %parallel_loop3A_296 step %parallel_loop3A_297 iter_args(%parallel_loop3A_419 = %parallel_loop3A_278#0, %parallel_loop3A_420 = %parallel_loop3A_278#1, %parallel_loop3A_421 = %parallel_loop3A_278#2, %parallel_loop3A_422 = %parallel_loop3A_278#3, %parallel_loop3A_423 = %parallel_loop3A_278#4, %parallel_loop3A_424 = %parallel_loop3A_278#5, %parallel_loop3A_425 = %parallel_loop3A_278#6, %parallel_loop3A_426 = %parallel_loop3A_278#7, %parallel_loop3A_427 = %parallel_loop3A_278#8, %parallel_loop3A_428 = %parallel_loop3A_278#9, %parallel_loop3A_429 = %parallel_loop3A_278#10, %parallel_loop3A_430 = %parallel_loop3A_278#11, %parallel_loop3A_431 = %parallel_loop3A_278#12, %parallel_loop3A_432 = %parallel_loop3A_278#13, %parallel_loop3A_433 = %parallel_loop3A_278#14, %parallel_loop3A_434 = %parallel_loop3A_278#15) -> (vector<16xf32>, vector<16xf32>, vector<16xf32>, vector<16xf32>, vector<16xf32>, vector<16xf32>, vector<16xf32>, vector<16xf32>, vector<16xf32>, vector<16xf32>, vector<16xf32>, vector<16xf32>, vector<16xf32>, vector<16xf32>, vector<16xf32>, vector<16xf32>)  : i32 {
        %parallel_loop3A_435 = arith.constant 0 : i32
        %parallel_loop3A_436 = arith.addi %parallel_loop3A_418, %parallel_loop3A_435 : i32
        %parallel_loop3A_437 = arith.index_cast %parallel_loop3A_436 : i32 to index
        %parallel_loop3A_438 = arith.constant 0 : index
        %parallel_loop3A_439 = tpu.vector_load %arg9[%parallel_loop3A_437, %parallel_loop3A_438] {strides = array<i32>} : memref<64x256xf32, #tpu.memory_space<vmem>>, vector<1x16xf32>,
        %parallel_loop3A_440 = vector.shape_cast %parallel_loop3A_439 : vector<1x16xf32> to vector<16xf32>
        %parallel_loop3A_441 = arith.addf %parallel_loop3A_419, %parallel_loop3A_440 : vector<16xf32>
        %parallel_loop3A_442 = arith.constant 0 : i32
        %parallel_loop3A_443 = arith.addi %parallel_loop3A_418, %parallel_loop3A_442 : i32
        %parallel_loop3A_444 = arith.index_cast %parallel_loop3A_443 : i32 to index
        %parallel_loop3A_445 = arith.constant 16 : index
        %parallel_loop3A_446 = tpu.vector_load %arg9[%parallel_loop3A_444, %parallel_loop3A_445] {strides = array<i32>} : memref<64x256xf32, #tpu.memory_space<vmem>>, vector<1x16xf32>,
        %parallel_loop3A_447 = vector.shape_cast %parallel_loop3A_446 : vector<1x16xf32> to vector<16xf32>
        %parallel_loop3A_448 = arith.addf %parallel_loop3A_420, %parallel_loop3A_447 : vector<16xf32>
        %parallel_loop3A_449 = arith.constant 0 : i32
        %parallel_loop3A_450 = arith.addi %parallel_loop3A_418, %parallel_loop3A_449 : i32
        %parallel_loop3A_451 = arith.index_cast %parallel_loop3A_450 : i32 to index
        %parallel_loop3A_452 = arith.constant 32 : index
        %parallel_loop3A_453 = tpu.vector_load %arg9[%parallel_loop3A_451, %parallel_loop3A_452] {strides = array<i32>} : memref<64x256xf32, #tpu.memory_space<vmem>>, vector<1x16xf32>,
        %parallel_loop3A_454 = vector.shape_cast %parallel_loop3A_453 : vector<1x16xf32> to vector<16xf32>
        %parallel_loop3A_455 = arith.addf %parallel_loop3A_421, %parallel_loop3A_454 : vector<16xf32>
        %parallel_loop3A_456 = arith.constant 0 : i32
        %parallel_loop3A_457 = arith.addi %parallel_loop3A_418, %parallel_loop3A_456 : i32
        %parallel_loop3A_458 = arith.index_cast %parallel_loop3A_457 : i32 to index
        %parallel_loop3A_459 = arith.constant 48 : index
        %parallel_loop3A_460 = tpu.vector_load %arg9[%parallel_loop3A_458, %parallel_loop3A_459] {strides = array<i32>} : memref<64x256xf32, #tpu.memory_space<vmem>>, vector<1x16xf32>,
        %parallel_loop3A_461 = vector.shape_cast %parallel_loop3A_460 : vector<1x16xf32> to vector<16xf32>
        %parallel_loop3A_462 = arith.addf %parallel_loop3A_422, %parallel_loop3A_461 : vector<16xf32>
        %parallel_loop3A_463 = arith.constant 0 : i32
        %parallel_loop3A_464 = arith.addi %parallel_loop3A_418, %parallel_loop3A_463 : i32
        %parallel_loop3A_465 = arith.index_cast %parallel_loop3A_464 : i32 to index
        %parallel_loop3A_466 = arith.constant 64 : index
        %parallel_loop3A_467 = tpu.vector_load %arg9[%parallel_loop3A_465, %parallel_loop3A_466] {strides = array<i32>} : memref<64x256xf32, #tpu.memory_space<vmem>>, vector<1x16xf32>,
        %parallel_loop3A_468 = vector.shape_cast %parallel_loop3A_467 : vector<1x16xf32> to vector<16xf32>
        %parallel_loop3A_469 = arith.addf %parallel_loop3A_423, %parallel_loop3A_468 : vector<16xf32>
        %parallel_loop3A_470 = arith.constant 0 : i32
        %parallel_loop3A_471 = arith.addi %parallel_loop3A_418, %parallel_loop3A_470 : i32
        %parallel_loop3A_472 = arith.index_cast %parallel_loop3A_471 : i32 to index
        %parallel_loop3A_473 = arith.constant 80 : index
        %parallel_loop3A_474 = tpu.vector_load %arg9[%parallel_loop3A_472, %parallel_loop3A_473] {strides = array<i32>} : memref<64x256xf32, #tpu.memory_space<vmem>>, vector<1x16xf32>,
        %parallel_loop3A_475 = vector.shape_cast %parallel_loop3A_474 : vector<1x16xf32> to vector<16xf32>
        %parallel_loop3A_476 = arith.addf %parallel_loop3A_424, %parallel_loop3A_475 : vector<16xf32>
        %parallel_loop3A_477 = arith.constant 0 : i32
        %parallel_loop3A_478 = arith.addi %parallel_loop3A_418, %parallel_loop3A_477 : i32
        %parallel_loop3A_479 = arith.index_cast %parallel_loop3A_478 : i32 to index
        %parallel_loop3A_480 = arith.constant 96 : index
        %parallel_loop3A_481 = tpu.vector_load %arg9[%parallel_loop3A_479, %parallel_loop3A_480] {strides = array<i32>} : memref<64x256xf32, #tpu.memory_space<vmem>>, vector<1x16xf32>,
        %parallel_loop3A_482 = vector.shape_cast %parallel_loop3A_481 : vector<1x16xf32> to vector<16xf32>
        %parallel_loop3A_483 = arith.addf %parallel_loop3A_425, %parallel_loop3A_482 : vector<16xf32>
        %parallel_loop3A_484 = arith.constant 0 : i32
        %parallel_loop3A_485 = arith.addi %parallel_loop3A_418, %parallel_loop3A_484 : i32
        %parallel_loop3A_486 = arith.index_cast %parallel_loop3A_485 : i32 to index
        %parallel_loop3A_487 = arith.constant 112 : index
        %parallel_loop3A_488 = tpu.vector_load %arg9[%parallel_loop3A_486, %parallel_loop3A_487] {strides = array<i32>} : memref<64x256xf32, #tpu.memory_space<vmem>>, vector<1x16xf32>,
        %parallel_loop3A_489 = vector.shape_cast %parallel_loop3A_488 : vector<1x16xf32> to vector<16xf32>
        %parallel_loop3A_490 = arith.addf %parallel_loop3A_426, %parallel_loop3A_489 : vector<16xf32>
        %parallel_loop3A_491 = arith.constant 0 : i32
        %parallel_loop3A_492 = arith.addi %parallel_loop3A_418, %parallel_loop3A_491 : i32
        %parallel_loop3A_493 = arith.index_cast %parallel_loop3A_492 : i32 to index
        %parallel_loop3A_494 = arith.constant 128 : index
        %parallel_loop3A_495 = tpu.vector_load %arg9[%parallel_loop3A_493, %parallel_loop3A_494] {strides = array<i32>} : memref<64x256xf32, #tpu.memory_space<vmem>>, vector<1x16xf32>,
        %parallel_loop3A_496 = vector.shape_cast %parallel_loop3A_495 : vector<1x16xf32> to vector<16xf32>
        %parallel_loop3A_497 = arith.addf %parallel_loop3A_427, %parallel_loop3A_496 : vector<16xf32>
        %parallel_loop3A_498 = arith.constant 0 : i32
        %parallel_loop3A_499 = arith.addi %parallel_loop3A_418, %parallel_loop3A_498 : i32
        %parallel_loop3A_500 = arith.index_cast %parallel_loop3A_499 : i32 to index
        %parallel_loop3A_501 = arith.constant 144 : index
        %parallel_loop3A_502 = tpu.vector_load %arg9[%parallel_loop3A_500, %parallel_loop3A_501] {strides = array<i32>} : memref<64x256xf32, #tpu.memory_space<vmem>>, vector<1x16xf32>,
        %parallel_loop3A_503 = vector.shape_cast %parallel_loop3A_502 : vector<1x16xf32> to vector<16xf32>
        %parallel_loop3A_504 = arith.addf %parallel_loop3A_428, %parallel_loop3A_503 : vector<16xf32>
        %parallel_loop3A_505 = arith.constant 0 : i32
        %parallel_loop3A_506 = arith.addi %parallel_loop3A_418, %parallel_loop3A_505 : i32
        %parallel_loop3A_507 = arith.index_cast %parallel_loop3A_506 : i32 to index
        %parallel_loop3A_508 = arith.constant 160 : index
        %parallel_loop3A_509 = tpu.vector_load %arg9[%parallel_loop3A_507, %parallel_loop3A_508] {strides = array<i32>} : memref<64x256xf32, #tpu.memory_space<vmem>>, vector<1x16xf32>,
        %parallel_loop3A_510 = vector.shape_cast %parallel_loop3A_509 : vector<1x16xf32> to vector<16xf32>
        %parallel_loop3A_511 = arith.addf %parallel_loop3A_429, %parallel_loop3A_510 : vector<16xf32>
        %parallel_loop3A_512 = arith.constant 0 : i32
        %parallel_loop3A_513 = arith.addi %parallel_loop3A_418, %parallel_loop3A_512 : i32
        %parallel_loop3A_514 = arith.index_cast %parallel_loop3A_513 : i32 to index
        %parallel_loop3A_515 = arith.constant 176 : index
        %parallel_loop3A_516 = tpu.vector_load %arg9[%parallel_loop3A_514, %parallel_loop3A_515] {strides = array<i32>} : memref<64x256xf32, #tpu.memory_space<vmem>>, vector<1x16xf32>,
        %parallel_loop3A_517 = vector.shape_cast %parallel_loop3A_516 : vector<1x16xf32> to vector<16xf32>
        %parallel_loop3A_518 = arith.addf %parallel_loop3A_430, %parallel_loop3A_517 : vector<16xf32>
        %parallel_loop3A_519 = arith.constant 0 : i32
        %parallel_loop3A_520 = arith.addi %parallel_loop3A_418, %parallel_loop3A_519 : i32
        %parallel_loop3A_521 = arith.index_cast %parallel_loop3A_520 : i32 to index
        %parallel_loop3A_522 = arith.constant 192 : index
        %parallel_loop3A_523 = tpu.vector_load %arg9[%parallel_loop3A_521, %parallel_loop3A_522] {strides = array<i32>} : memref<64x256xf32, #tpu.memory_space<vmem>>, vector<1x16xf32>,
        %parallel_loop3A_524 = vector.shape_cast %parallel_loop3A_523 : vector<1x16xf32> to vector<16xf32>
        %parallel_loop3A_525 = arith.addf %parallel_loop3A_431, %parallel_loop3A_524 : vector<16xf32>
        %parallel_loop3A_526 = arith.constant 0 : i32
        %parallel_loop3A_527 = arith.addi %parallel_loop3A_418, %parallel_loop3A_526 : i32
        %parallel_loop3A_528 = arith.index_cast %parallel_loop3A_527 : i32 to index
        %parallel_loop3A_529 = arith.constant 208 : index
        %parallel_loop3A_530 = tpu.vector_load %arg9[%parallel_loop3A_528, %parallel_loop3A_529] {strides = array<i32>} : memref<64x256xf32, #tpu.memory_space<vmem>>, vector<1x16xf32>,
        %parallel_loop3A_531 = vector.shape_cast %parallel_loop3A_530 : vector<1x16xf32> to vector<16xf32>
        %parallel_loop3A_532 = arith.addf %parallel_loop3A_432, %parallel_loop3A_531 : vector<16xf32>
        %parallel_loop3A_533 = arith.constant 0 : i32
        %parallel_loop3A_534 = arith.addi %parallel_loop3A_418, %parallel_loop3A_533 : i32
        %parallel_loop3A_535 = arith.index_cast %parallel_loop3A_534 : i32 to index
        %parallel_loop3A_536 = arith.constant 224 : index
        %parallel_loop3A_537 = tpu.vector_load %arg9[%parallel_loop3A_535, %parallel_loop3A_536] {strides = array<i32>} : memref<64x256xf32, #tpu.memory_space<vmem>>, vector<1x16xf32>,
        %parallel_loop3A_538 = vector.shape_cast %parallel_loop3A_537 : vector<1x16xf32> to vector<16xf32>
        %parallel_loop3A_539 = arith.addf %parallel_loop3A_433, %parallel_loop3A_538 : vector<16xf32>
        %parallel_loop3A_540 = arith.constant 0 : i32
        %parallel_loop3A_541 = arith.addi %parallel_loop3A_418, %parallel_loop3A_540 : i32
        %parallel_loop3A_542 = arith.index_cast %parallel_loop3A_541 : i32 to index
        %parallel_loop3A_543 = arith.constant 240 : index
        %parallel_loop3A_544 = tpu.vector_load %arg9[%parallel_loop3A_542, %parallel_loop3A_543] {strides = array<i32>} : memref<64x256xf32, #tpu.memory_space<vmem>>, vector<1x16xf32>,
        %parallel_loop3A_545 = vector.shape_cast %parallel_loop3A_544 : vector<1x16xf32> to vector<16xf32>
        %parallel_loop3A_546 = arith.addf %parallel_loop3A_434, %parallel_loop3A_545 : vector<16xf32>
        %parallel_loop3A_547 = arith.constant 1 : i32
        %parallel_loop3A_548 = arith.addi %parallel_loop3A_418, %parallel_loop3A_547 : i32
        %parallel_loop3A_549 = arith.index_cast %parallel_loop3A_548 : i32 to index
        %parallel_loop3A_550 = arith.constant 0 : index
        %parallel_loop3A_551 = tpu.vector_load %arg9[%parallel_loop3A_549, %parallel_loop3A_550] {strides = array<i32>} : memref<64x256xf32, #tpu.memory_space<vmem>>, vector<1x16xf32>,
        %parallel_loop3A_552 = vector.shape_cast %parallel_loop3A_551 : vector<1x16xf32> to vector<16xf32>
        %parallel_loop3A_553 = arith.addf %parallel_loop3A_441, %parallel_loop3A_552 : vector<16xf32>
        %parallel_loop3A_554 = arith.constant 1 : i32
        %parallel_loop3A_555 = arith.addi %parallel_loop3A_418, %parallel_loop3A_554 : i32
        %parallel_loop3A_556 = arith.index_cast %parallel_loop3A_555 : i32 to index
        %parallel_loop3A_557 = arith.constant 16 : index
        %parallel_loop3A_558 = tpu.vector_load %arg9[%parallel_loop3A_556, %parallel_loop3A_557] {strides = array<i32>} : memref<64x256xf32, #tpu.memory_space<vmem>>, vector<1x16xf32>,
        %parallel_loop3A_559 = vector.shape_cast %parallel_loop3A_558 : vector<1x16xf32> to vector<16xf32>
        %parallel_loop3A_560 = arith.addf %parallel_loop3A_448, %parallel_loop3A_559 : vector<16xf32>
        %parallel_loop3A_561 = arith.constant 1 : i32
        %parallel_loop3A_562 = arith.addi %parallel_loop3A_418, %parallel_loop3A_561 : i32
        %parallel_loop3A_563 = arith.index_cast %parallel_loop3A_562 : i32 to index
        %parallel_loop3A_564 = arith.constant 32 : index
        %parallel_loop3A_565 = tpu.vector_load %arg9[%parallel_loop3A_563, %parallel_loop3A_564] {strides = array<i32>} : memref<64x256xf32, #tpu.memory_space<vmem>>, vector<1x16xf32>,
        %parallel_loop3A_566 = vector.shape_cast %parallel_loop3A_565 : vector<1x16xf32> to vector<16xf32>
        %parallel_loop3A_567 = arith.addf %parallel_loop3A_455, %parallel_loop3A_566 : vector<16xf32>
        %parallel_loop3A_568 = arith.constant 1 : i32
        %parallel_loop3A_569 = arith.addi %parallel_loop3A_418, %parallel_loop3A_568 : i32
        %parallel_loop3A_570 = arith.index_cast %parallel_loop3A_569 : i32 to index
        %parallel_loop3A_571 = arith.constant 48 : index
        %parallel_loop3A_572 = tpu.vector_load %arg9[%parallel_loop3A_570, %parallel_loop3A_571] {strides = array<i32>} : memref<64x256xf32, #tpu.memory_space<vmem>>, vector<1x16xf32>,
        %parallel_loop3A_573 = vector.shape_cast %parallel_loop3A_572 : vector<1x16xf32> to vector<16xf32>
        %parallel_loop3A_574 = arith.addf %parallel_loop3A_462, %parallel_loop3A_573 : vector<16xf32>
        %parallel_loop3A_575 = arith.constant 1 : i32
        %parallel_loop3A_576 = arith.addi %parallel_loop3A_418, %parallel_loop3A_575 : i32
        %parallel_loop3A_577 = arith.index_cast %parallel_loop3A_576 : i32 to index
        %parallel_loop3A_578 = arith.constant 64 : index
        %parallel_loop3A_579 = tpu.vector_load %arg9[%parallel_loop3A_577, %parallel_loop3A_578] {strides = array<i32>} : memref<64x256xf32, #tpu.memory_space<vmem>>, vector<1x16xf32>,
        %parallel_loop3A_580 = vector.shape_cast %parallel_loop3A_579 : vector<1x16xf32> to vector<16xf32>
        %parallel_loop3A_581 = arith.addf %parallel_loop3A_469, %parallel_loop3A_580 : vector<16xf32>
        %parallel_loop3A_582 = arith.constant 1 : i32
        %parallel_loop3A_583 = arith.addi %parallel_loop3A_418, %parallel_loop3A_582 : i32
        %parallel_loop3A_584 = arith.index_cast %parallel_loop3A_583 : i32 to index
        %parallel_loop3A_585 = arith.constant 80 : index
        %parallel_loop3A_586 = tpu.vector_load %arg9[%parallel_loop3A_584, %parallel_loop3A_585] {strides = array<i32>} : memref<64x256xf32, #tpu.memory_space<vmem>>, vector<1x16xf32>,
        %parallel_loop3A_587 = vector.shape_cast %parallel_loop3A_586 : vector<1x16xf32> to vector<16xf32>
        %parallel_loop3A_588 = arith.addf %parallel_loop3A_476, %parallel_loop3A_587 : vector<16xf32>
        %parallel_loop3A_589 = arith.constant 1 : i32
        %parallel_loop3A_590 = arith.addi %parallel_loop3A_418, %parallel_loop3A_589 : i32
        %parallel_loop3A_591 = arith.index_cast %parallel_loop3A_590 : i32 to index
        %parallel_loop3A_592 = arith.constant 96 : index
        %parallel_loop3A_593 = tpu.vector_load %arg9[%parallel_loop3A_591, %parallel_loop3A_592] {strides = array<i32>} : memref<64x256xf32, #tpu.memory_space<vmem>>, vector<1x16xf32>,
        %parallel_loop3A_594 = vector.shape_cast %parallel_loop3A_593 : vector<1x16xf32> to vector<16xf32>
        %parallel_loop3A_595 = arith.addf %parallel_loop3A_483, %parallel_loop3A_594 : vector<16xf32>
        %parallel_loop3A_596 = arith.constant 1 : i32
        %parallel_loop3A_597 = arith.addi %parallel_loop3A_418, %parallel_loop3A_596 : i32
        %parallel_loop3A_598 = arith.index_cast %parallel_loop3A_597 : i32 to index
        %parallel_loop3A_599 = arith.constant 112 : index
        %parallel_loop3A_600 = tpu.vector_load %arg9[%parallel_loop3A_598, %parallel_loop3A_599] {strides = array<i32>} : memref<64x256xf32, #tpu.memory_space<vmem>>, vector<1x16xf32>,
        %parallel_loop3A_601 = vector.shape_cast %parallel_loop3A_600 : vector<1x16xf32> to vector<16xf32>
        %parallel_loop3A_602 = arith.addf %parallel_loop3A_490, %parallel_loop3A_601 : vector<16xf32>
        %parallel_loop3A_603 = arith.constant 1 : i32
        %parallel_loop3A_604 = arith.addi %parallel_loop3A_418, %parallel_loop3A_603 : i32
        %parallel_loop3A_605 = arith.index_cast %parallel_loop3A_604 : i32 to index
        %parallel_loop3A_606 = arith.constant 128 : index
        %parallel_loop3A_607 = tpu.vector_load %arg9[%parallel_loop3A_605, %parallel_loop3A_606] {strides = array<i32>} : memref<64x256xf32, #tpu.memory_space<vmem>>, vector<1x16xf32>,
        %parallel_loop3A_608 = vector.shape_cast %parallel_loop3A_607 : vector<1x16xf32> to vector<16xf32>
        %parallel_loop3A_609 = arith.addf %parallel_loop3A_497, %parallel_loop3A_608 : vector<16xf32>
        %parallel_loop3A_610 = arith.constant 1 : i32
        %parallel_loop3A_611 = arith.addi %parallel_loop3A_418, %parallel_loop3A_610 : i32
        %parallel_loop3A_612 = arith.index_cast %parallel_loop3A_611 : i32 to index
        %parallel_loop3A_613 = arith.constant 144 : index
        %parallel_loop3A_614 = tpu.vector_load %arg9[%parallel_loop3A_612, %parallel_loop3A_613] {strides = array<i32>} : memref<64x256xf32, #tpu.memory_space<vmem>>, vector<1x16xf32>,
        %parallel_loop3A_615 = vector.shape_cast %parallel_loop3A_614 : vector<1x16xf32> to vector<16xf32>
        %parallel_loop3A_616 = arith.addf %parallel_loop3A_504, %parallel_loop3A_615 : vector<16xf32>
        %parallel_loop3A_617 = arith.constant 1 : i32
        %parallel_loop3A_618 = arith.addi %parallel_loop3A_418, %parallel_loop3A_617 : i32
        %parallel_loop3A_619 = arith.index_cast %parallel_loop3A_618 : i32 to index
        %parallel_loop3A_620 = arith.constant 160 : index
        %parallel_loop3A_621 = tpu.vector_load %arg9[%parallel_loop3A_619, %parallel_loop3A_620] {strides = array<i32>} : memref<64x256xf32, #tpu.memory_space<vmem>>, vector<1x16xf32>,
        %parallel_loop3A_622 = vector.shape_cast %parallel_loop3A_621 : vector<1x16xf32> to vector<16xf32>
        %parallel_loop3A_623 = arith.addf %parallel_loop3A_511, %parallel_loop3A_622 : vector<16xf32>
        %parallel_loop3A_624 = arith.constant 1 : i32
        %parallel_loop3A_625 = arith.addi %parallel_loop3A_418, %parallel_loop3A_624 : i32
        %parallel_loop3A_626 = arith.index_cast %parallel_loop3A_625 : i32 to index
        %parallel_loop3A_627 = arith.constant 176 : index
        %parallel_loop3A_628 = tpu.vector_load %arg9[%parallel_loop3A_626, %parallel_loop3A_627] {strides = array<i32>} : memref<64x256xf32, #tpu.memory_space<vmem>>, vector<1x16xf32>,
        %parallel_loop3A_629 = vector.shape_cast %parallel_loop3A_628 : vector<1x16xf32> to vector<16xf32>
        %parallel_loop3A_630 = arith.addf %parallel_loop3A_518, %parallel_loop3A_629 : vector<16xf32>
        %parallel_loop3A_631 = arith.constant 1 : i32
        %parallel_loop3A_632 = arith.addi %parallel_loop3A_418, %parallel_loop3A_631 : i32
        %parallel_loop3A_633 = arith.index_cast %parallel_loop3A_632 : i32 to index
        %parallel_loop3A_634 = arith.constant 192 : index
        %parallel_loop3A_635 = tpu.vector_load %arg9[%parallel_loop3A_633, %parallel_loop3A_634] {strides = array<i32>} : memref<64x256xf32, #tpu.memory_space<vmem>>, vector<1x16xf32>,
        %parallel_loop3A_636 = vector.shape_cast %parallel_loop3A_635 : vector<1x16xf32> to vector<16xf32>
        %parallel_loop3A_637 = arith.addf %parallel_loop3A_525, %parallel_loop3A_636 : vector<16xf32>
        %parallel_loop3A_638 = arith.constant 1 : i32
        %parallel_loop3A_639 = arith.addi %parallel_loop3A_418, %parallel_loop3A_638 : i32
        %parallel_loop3A_640 = arith.index_cast %parallel_loop3A_639 : i32 to index
        %parallel_loop3A_641 = arith.constant 208 : index
        %parallel_loop3A_642 = tpu.vector_load %arg9[%parallel_loop3A_640, %parallel_loop3A_641] {strides = array<i32>} : memref<64x256xf32, #tpu.memory_space<vmem>>, vector<1x16xf32>,
        %parallel_loop3A_643 = vector.shape_cast %parallel_loop3A_642 : vector<1x16xf32> to vector<16xf32>
        %parallel_loop3A_644 = arith.addf %parallel_loop3A_532, %parallel_loop3A_643 : vector<16xf32>
        %parallel_loop3A_645 = arith.constant 1 : i32
        %parallel_loop3A_646 = arith.addi %parallel_loop3A_418, %parallel_loop3A_645 : i32
        %parallel_loop3A_647 = arith.index_cast %parallel_loop3A_646 : i32 to index
        %parallel_loop3A_648 = arith.constant 224 : index
        %parallel_loop3A_649 = tpu.vector_load %arg9[%parallel_loop3A_647, %parallel_loop3A_648] {strides = array<i32>} : memref<64x256xf32, #tpu.memory_space<vmem>>, vector<1x16xf32>,
        %parallel_loop3A_650 = vector.shape_cast %parallel_loop3A_649 : vector<1x16xf32> to vector<16xf32>
        %parallel_loop3A_651 = arith.addf %parallel_loop3A_539, %parallel_loop3A_650 : vector<16xf32>
        %parallel_loop3A_652 = arith.constant 1 : i32
        %parallel_loop3A_653 = arith.addi %parallel_loop3A_418, %parallel_loop3A_652 : i32
        %parallel_loop3A_654 = arith.index_cast %parallel_loop3A_653 : i32 to index
        %parallel_loop3A_655 = arith.constant 240 : index
        %parallel_loop3A_656 = tpu.vector_load %arg9[%parallel_loop3A_654, %parallel_loop3A_655] {strides = array<i32>} : memref<64x256xf32, #tpu.memory_space<vmem>>, vector<1x16xf32>,
        %parallel_loop3A_657 = vector.shape_cast %parallel_loop3A_656 : vector<1x16xf32> to vector<16xf32>
        %parallel_loop3A_658 = arith.addf %parallel_loop3A_546, %parallel_loop3A_657 : vector<16xf32>
        %parallel_loop3A_659 = arith.constant 2 : i32
        %parallel_loop3A_660 = arith.addi %parallel_loop3A_418, %parallel_loop3A_659 : i32
        %parallel_loop3A_661 = arith.index_cast %parallel_loop3A_660 : i32 to index
        %parallel_loop3A_662 = arith.constant 0 : index
        %parallel_loop3A_663 = tpu.vector_load %arg9[%parallel_loop3A_661, %parallel_loop3A_662] {strides = array<i32>} : memref<64x256xf32, #tpu.memory_space<vmem>>, vector<1x16xf32>,
        %parallel_loop3A_664 = vector.shape_cast %parallel_loop3A_663 : vector<1x16xf32> to vector<16xf32>
        %parallel_loop3A_665 = arith.addf %parallel_loop3A_553, %parallel_loop3A_664 : vector<16xf32>
        %parallel_loop3A_666 = arith.constant 2 : i32
        %parallel_loop3A_667 = arith.addi %parallel_loop3A_418, %parallel_loop3A_666 : i32
        %parallel_loop3A_668 = arith.index_cast %parallel_loop3A_667 : i32 to index
        %parallel_loop3A_669 = arith.constant 16 : index
        %parallel_loop3A_670 = tpu.vector_load %arg9[%parallel_loop3A_668, %parallel_loop3A_669] {strides = array<i32>} : memref<64x256xf32, #tpu.memory_space<vmem>>, vector<1x16xf32>,
        %parallel_loop3A_671 = vector.shape_cast %parallel_loop3A_670 : vector<1x16xf32> to vector<16xf32>
        %parallel_loop3A_672 = arith.addf %parallel_loop3A_560, %parallel_loop3A_671 : vector<16xf32>
        %parallel_loop3A_673 = arith.constant 2 : i32
        %parallel_loop3A_674 = arith.addi %parallel_loop3A_418, %parallel_loop3A_673 : i32
        %parallel_loop3A_675 = arith.index_cast %parallel_loop3A_674 : i32 to index
        %parallel_loop3A_676 = arith.constant 32 : index
        %parallel_loop3A_677 = tpu.vector_load %arg9[%parallel_loop3A_675, %parallel_loop3A_676] {strides = array<i32>} : memref<64x256xf32, #tpu.memory_space<vmem>>, vector<1x16xf32>,
        %parallel_loop3A_678 = vector.shape_cast %parallel_loop3A_677 : vector<1x16xf32> to vector<16xf32>
        %parallel_loop3A_679 = arith.addf %parallel_loop3A_567, %parallel_loop3A_678 : vector<16xf32>
        %parallel_loop3A_680 = arith.constant 2 : i32
        %parallel_loop3A_681 = arith.addi %parallel_loop3A_418, %parallel_loop3A_680 : i32
        %parallel_loop3A_682 = arith.index_cast %parallel_loop3A_681 : i32 to index
        %parallel_loop3A_683 = arith.constant 48 : index
        %parallel_loop3A_684 = tpu.vector_load %arg9[%parallel_loop3A_682, %parallel_loop3A_683] {strides = array<i32>} : memref<64x256xf32, #tpu.memory_space<vmem>>, vector<1x16xf32>,
        %parallel_loop3A_685 = vector.shape_cast %parallel_loop3A_684 : vector<1x16xf32> to vector<16xf32>
        %parallel_loop3A_686 = arith.addf %parallel_loop3A_574, %parallel_loop3A_685 : vector<16xf32>
        %parallel_loop3A_687 = arith.constant 2 : i32
        %parallel_loop3A_688 = arith.addi %parallel_loop3A_418, %parallel_loop3A_687 : i32
        %parallel_loop3A_689 = arith.index_cast %parallel_loop3A_688 : i32 to index
        %parallel_loop3A_690 = arith.constant 64 : index
        %parallel_loop3A_691 = tpu.vector_load %arg9[%parallel_loop3A_689, %parallel_loop3A_690] {strides = array<i32>} : memref<64x256xf32, #tpu.memory_space<vmem>>, vector<1x16xf32>,
        %parallel_loop3A_692 = vector.shape_cast %parallel_loop3A_691 : vector<1x16xf32> to vector<16xf32>
        %parallel_loop3A_693 = arith.addf %parallel_loop3A_581, %parallel_loop3A_692 : vector<16xf32>
        %parallel_loop3A_694 = arith.constant 2 : i32
        %parallel_loop3A_695 = arith.addi %parallel_loop3A_418, %parallel_loop3A_694 : i32
        %parallel_loop3A_696 = arith.index_cast %parallel_loop3A_695 : i32 to index
        %parallel_loop3A_697 = arith.constant 80 : index
        %parallel_loop3A_698 = tpu.vector_load %arg9[%parallel_loop3A_696, %parallel_loop3A_697] {strides = array<i32>} : memref<64x256xf32, #tpu.memory_space<vmem>>, vector<1x16xf32>,
        %parallel_loop3A_699 = vector.shape_cast %parallel_loop3A_698 : vector<1x16xf32> to vector<16xf32>
        %parallel_loop3A_700 = arith.addf %parallel_loop3A_588, %parallel_loop3A_699 : vector<16xf32>
        %parallel_loop3A_701 = arith.constant 2 : i32
        %parallel_loop3A_702 = arith.addi %parallel_loop3A_418, %parallel_loop3A_701 : i32
        %parallel_loop3A_703 = arith.index_cast %parallel_loop3A_702 : i32 to index
        %parallel_loop3A_704 = arith.constant 96 : index
        %parallel_loop3A_705 = tpu.vector_load %arg9[%parallel_loop3A_703, %parallel_loop3A_704] {strides = array<i32>} : memref<64x256xf32, #tpu.memory_space<vmem>>, vector<1x16xf32>,
        %parallel_loop3A_706 = vector.shape_cast %parallel_loop3A_705 : vector<1x16xf32> to vector<16xf32>
        %parallel_loop3A_707 = arith.addf %parallel_loop3A_595, %parallel_loop3A_706 : vector<16xf32>
        %parallel_loop3A_708 = arith.constant 2 : i32
        %parallel_loop3A_709 = arith.addi %parallel_loop3A_418, %parallel_loop3A_708 : i32
        %parallel_loop3A_710 = arith.index_cast %parallel_loop3A_709 : i32 to index
        %parallel_loop3A_711 = arith.constant 112 : index
        %parallel_loop3A_712 = tpu.vector_load %arg9[%parallel_loop3A_710, %parallel_loop3A_711] {strides = array<i32>} : memref<64x256xf32, #tpu.memory_space<vmem>>, vector<1x16xf32>,
        %parallel_loop3A_713 = vector.shape_cast %parallel_loop3A_712 : vector<1x16xf32> to vector<16xf32>
        %parallel_loop3A_714 = arith.addf %parallel_loop3A_602, %parallel_loop3A_713 : vector<16xf32>
        %parallel_loop3A_715 = arith.constant 2 : i32
        %parallel_loop3A_716 = arith.addi %parallel_loop3A_418, %parallel_loop3A_715 : i32
        %parallel_loop3A_717 = arith.index_cast %parallel_loop3A_716 : i32 to index
        %parallel_loop3A_718 = arith.constant 128 : index
        %parallel_loop3A_719 = tpu.vector_load %arg9[%parallel_loop3A_717, %parallel_loop3A_718] {strides = array<i32>} : memref<64x256xf32, #tpu.memory_space<vmem>>, vector<1x16xf32>,
        %parallel_loop3A_720 = vector.shape_cast %parallel_loop3A_719 : vector<1x16xf32> to vector<16xf32>
        %parallel_loop3A_721 = arith.addf %parallel_loop3A_609, %parallel_loop3A_720 : vector<16xf32>
        %parallel_loop3A_722 = arith.constant 2 : i32
        %parallel_loop3A_723 = arith.addi %parallel_loop3A_418, %parallel_loop3A_722 : i32
        %parallel_loop3A_724 = arith.index_cast %parallel_loop3A_723 : i32 to index
        %parallel_loop3A_725 = arith.constant 144 : index
        %parallel_loop3A_726 = tpu.vector_load %arg9[%parallel_loop3A_724, %parallel_loop3A_725] {strides = array<i32>} : memref<64x256xf32, #tpu.memory_space<vmem>>, vector<1x16xf32>,
        %parallel_loop3A_727 = vector.shape_cast %parallel_loop3A_726 : vector<1x16xf32> to vector<16xf32>
        %parallel_loop3A_728 = arith.addf %parallel_loop3A_616, %parallel_loop3A_727 : vector<16xf32>
        %parallel_loop3A_729 = arith.constant 2 : i32
        %parallel_loop3A_730 = arith.addi %parallel_loop3A_418, %parallel_loop3A_729 : i32
        %parallel_loop3A_731 = arith.index_cast %parallel_loop3A_730 : i32 to index
        %parallel_loop3A_732 = arith.constant 160 : index
        %parallel_loop3A_733 = tpu.vector_load %arg9[%parallel_loop3A_731, %parallel_loop3A_732] {strides = array<i32>} : memref<64x256xf32, #tpu.memory_space<vmem>>, vector<1x16xf32>,
        %parallel_loop3A_734 = vector.shape_cast %parallel_loop3A_733 : vector<1x16xf32> to vector<16xf32>
        %parallel_loop3A_735 = arith.addf %parallel_loop3A_623, %parallel_loop3A_734 : vector<16xf32>
        %parallel_loop3A_736 = arith.constant 2 : i32
        %parallel_loop3A_737 = arith.addi %parallel_loop3A_418, %parallel_loop3A_736 : i32
        %parallel_loop3A_738 = arith.index_cast %parallel_loop3A_737 : i32 to index
        %parallel_loop3A_739 = arith.constant 176 : index
        %parallel_loop3A_740 = tpu.vector_load %arg9[%parallel_loop3A_738, %parallel_loop3A_739] {strides = array<i32>} : memref<64x256xf32, #tpu.memory_space<vmem>>, vector<1x16xf32>,
        %parallel_loop3A_741 = vector.shape_cast %parallel_loop3A_740 : vector<1x16xf32> to vector<16xf32>
        %parallel_loop3A_742 = arith.addf %parallel_loop3A_630, %parallel_loop3A_741 : vector<16xf32>
        %parallel_loop3A_743 = arith.constant 2 : i32
        %parallel_loop3A_744 = arith.addi %parallel_loop3A_418, %parallel_loop3A_743 : i32
        %parallel_loop3A_745 = arith.index_cast %parallel_loop3A_744 : i32 to index
        %parallel_loop3A_746 = arith.constant 192 : index
        %parallel_loop3A_747 = tpu.vector_load %arg9[%parallel_loop3A_745, %parallel_loop3A_746] {strides = array<i32>} : memref<64x256xf32, #tpu.memory_space<vmem>>, vector<1x16xf32>,
        %parallel_loop3A_748 = vector.shape_cast %parallel_loop3A_747 : vector<1x16xf32> to vector<16xf32>
        %parallel_loop3A_749 = arith.addf %parallel_loop3A_637, %parallel_loop3A_748 : vector<16xf32>
        %parallel_loop3A_750 = arith.constant 2 : i32
        %parallel_loop3A_751 = arith.addi %parallel_loop3A_418, %parallel_loop3A_750 : i32
        %parallel_loop3A_752 = arith.index_cast %parallel_loop3A_751 : i32 to index
        %parallel_loop3A_753 = arith.constant 208 : index
        %parallel_loop3A_754 = tpu.vector_load %arg9[%parallel_loop3A_752, %parallel_loop3A_753] {strides = array<i32>} : memref<64x256xf32, #tpu.memory_space<vmem>>, vector<1x16xf32>,
        %parallel_loop3A_755 = vector.shape_cast %parallel_loop3A_754 : vector<1x16xf32> to vector<16xf32>
        %parallel_loop3A_756 = arith.addf %parallel_loop3A_644, %parallel_loop3A_755 : vector<16xf32>
        %parallel_loop3A_757 = arith.constant 2 : i32
        %parallel_loop3A_758 = arith.addi %parallel_loop3A_418, %parallel_loop3A_757 : i32
        %parallel_loop3A_759 = arith.index_cast %parallel_loop3A_758 : i32 to index
        %parallel_loop3A_760 = arith.constant 224 : index
        %parallel_loop3A_761 = tpu.vector_load %arg9[%parallel_loop3A_759, %parallel_loop3A_760] {strides = array<i32>} : memref<64x256xf32, #tpu.memory_space<vmem>>, vector<1x16xf32>,
        %parallel_loop3A_762 = vector.shape_cast %parallel_loop3A_761 : vector<1x16xf32> to vector<16xf32>
        %parallel_loop3A_763 = arith.addf %parallel_loop3A_651, %parallel_loop3A_762 : vector<16xf32>
        %parallel_loop3A_764 = arith.constant 2 : i32
        %parallel_loop3A_765 = arith.addi %parallel_loop3A_418, %parallel_loop3A_764 : i32
        %parallel_loop3A_766 = arith.index_cast %parallel_loop3A_765 : i32 to index
        %parallel_loop3A_767 = arith.constant 240 : index
        %parallel_loop3A_768 = tpu.vector_load %arg9[%parallel_loop3A_766, %parallel_loop3A_767] {strides = array<i32>} : memref<64x256xf32, #tpu.memory_space<vmem>>, vector<1x16xf32>,
        %parallel_loop3A_769 = vector.shape_cast %parallel_loop3A_768 : vector<1x16xf32> to vector<16xf32>
        %parallel_loop3A_770 = arith.addf %parallel_loop3A_658, %parallel_loop3A_769 : vector<16xf32>
        %parallel_loop3A_771 = arith.constant 3 : i32
        %parallel_loop3A_772 = arith.addi %parallel_loop3A_418, %parallel_loop3A_771 : i32
        %parallel_loop3A_773 = arith.index_cast %parallel_loop3A_772 : i32 to index
        %parallel_loop3A_774 = arith.constant 0 : index
        %parallel_loop3A_775 = tpu.vector_load %arg9[%parallel_loop3A_773, %parallel_loop3A_774] {strides = array<i32>} : memref<64x256xf32, #tpu.memory_space<vmem>>, vector<1x16xf32>,
        %parallel_loop3A_776 = vector.shape_cast %parallel_loop3A_775 : vector<1x16xf32> to vector<16xf32>
        %parallel_loop3A_777 = arith.addf %parallel_loop3A_665, %parallel_loop3A_776 : vector<16xf32>
        %parallel_loop3A_778 = arith.constant 3 : i32
        %parallel_loop3A_779 = arith.addi %parallel_loop3A_418, %parallel_loop3A_778 : i32
        %parallel_loop3A_780 = arith.index_cast %parallel_loop3A_779 : i32 to index
        %parallel_loop3A_781 = arith.constant 16 : index
        %parallel_loop3A_782 = tpu.vector_load %arg9[%parallel_loop3A_780, %parallel_loop3A_781] {strides = array<i32>} : memref<64x256xf32, #tpu.memory_space<vmem>>, vector<1x16xf32>,
        %parallel_loop3A_783 = vector.shape_cast %parallel_loop3A_782 : vector<1x16xf32> to vector<16xf32>
        %parallel_loop3A_784 = arith.addf %parallel_loop3A_672, %parallel_loop3A_783 : vector<16xf32>
        %parallel_loop3A_785 = arith.constant 3 : i32
        %parallel_loop3A_786 = arith.addi %parallel_loop3A_418, %parallel_loop3A_785 : i32
        %parallel_loop3A_787 = arith.index_cast %parallel_loop3A_786 : i32 to index
        %parallel_loop3A_788 = arith.constant 32 : index
        %parallel_loop3A_789 = tpu.vector_load %arg9[%parallel_loop3A_787, %parallel_loop3A_788] {strides = array<i32>} : memref<64x256xf32, #tpu.memory_space<vmem>>, vector<1x16xf32>,
        %parallel_loop3A_790 = vector.shape_cast %parallel_loop3A_789 : vector<1x16xf32> to vector<16xf32>
        %parallel_loop3A_791 = arith.addf %parallel_loop3A_679, %parallel_loop3A_790 : vector<16xf32>
        %parallel_loop3A_792 = arith.constant 3 : i32
        %parallel_loop3A_793 = arith.addi %parallel_loop3A_418, %parallel_loop3A_792 : i32
        %parallel_loop3A_794 = arith.index_cast %parallel_loop3A_793 : i32 to index
        %parallel_loop3A_795 = arith.constant 48 : index
        %parallel_loop3A_796 = tpu.vector_load %arg9[%parallel_loop3A_794, %parallel_loop3A_795] {strides = array<i32>} : memref<64x256xf32, #tpu.memory_space<vmem>>, vector<1x16xf32>,
        %parallel_loop3A_797 = vector.shape_cast %parallel_loop3A_796 : vector<1x16xf32> to vector<16xf32>
        %parallel_loop3A_798 = arith.addf %parallel_loop3A_686, %parallel_loop3A_797 : vector<16xf32>
        %parallel_loop3A_799 = arith.constant 3 : i32
        %parallel_loop3A_800 = arith.addi %parallel_loop3A_418, %parallel_loop3A_799 : i32
        %parallel_loop3A_801 = arith.index_cast %parallel_loop3A_800 : i32 to index
        %parallel_loop3A_802 = arith.constant 64 : index
        %parallel_loop3A_803 = tpu.vector_load %arg9[%parallel_loop3A_801, %parallel_loop3A_802] {strides = array<i32>} : memref<64x256xf32, #tpu.memory_space<vmem>>, vector<1x16xf32>,
        %parallel_loop3A_804 = vector.shape_cast %parallel_loop3A_803 : vector<1x16xf32> to vector<16xf32>
        %parallel_loop3A_805 = arith.addf %parallel_loop3A_693, %parallel_loop3A_804 : vector<16xf32>
        %parallel_loop3A_806 = arith.constant 3 : i32
        %parallel_loop3A_807 = arith.addi %parallel_loop3A_418, %parallel_loop3A_806 : i32
        %parallel_loop3A_808 = arith.index_cast %parallel_loop3A_807 : i32 to index
        %parallel_loop3A_809 = arith.constant 80 : index
        %parallel_loop3A_810 = tpu.vector_load %arg9[%parallel_loop3A_808, %parallel_loop3A_809] {strides = array<i32>} : memref<64x256xf32, #tpu.memory_space<vmem>>, vector<1x16xf32>,
        %parallel_loop3A_811 = vector.shape_cast %parallel_loop3A_810 : vector<1x16xf32> to vector<16xf32>
        %parallel_loop3A_812 = arith.addf %parallel_loop3A_700, %parallel_loop3A_811 : vector<16xf32>
        %parallel_loop3A_813 = arith.constant 3 : i32
        %parallel_loop3A_814 = arith.addi %parallel_loop3A_418, %parallel_loop3A_813 : i32
        %parallel_loop3A_815 = arith.index_cast %parallel_loop3A_814 : i32 to index
        %parallel_loop3A_816 = arith.constant 96 : index
        %parallel_loop3A_817 = tpu.vector_load %arg9[%parallel_loop3A_815, %parallel_loop3A_816] {strides = array<i32>} : memref<64x256xf32, #tpu.memory_space<vmem>>, vector<1x16xf32>,
        %parallel_loop3A_818 = vector.shape_cast %parallel_loop3A_817 : vector<1x16xf32> to vector<16xf32>
        %parallel_loop3A_819 = arith.addf %parallel_loop3A_707, %parallel_loop3A_818 : vector<16xf32>
        %parallel_loop3A_820 = arith.constant 3 : i32
        %parallel_loop3A_821 = arith.addi %parallel_loop3A_418, %parallel_loop3A_820 : i32
        %parallel_loop3A_822 = arith.index_cast %parallel_loop3A_821 : i32 to index
        %parallel_loop3A_823 = arith.constant 112 : index
        %parallel_loop3A_824 = tpu.vector_load %arg9[%parallel_loop3A_822, %parallel_loop3A_823] {strides = array<i32>} : memref<64x256xf32, #tpu.memory_space<vmem>>, vector<1x16xf32>,
        %parallel_loop3A_825 = vector.shape_cast %parallel_loop3A_824 : vector<1x16xf32> to vector<16xf32>
        %parallel_loop3A_826 = arith.addf %parallel_loop3A_714, %parallel_loop3A_825 : vector<16xf32>
        %parallel_loop3A_827 = arith.constant 3 : i32
        %parallel_loop3A_828 = arith.addi %parallel_loop3A_418, %parallel_loop3A_827 : i32
        %parallel_loop3A_829 = arith.index_cast %parallel_loop3A_828 : i32 to index
        %parallel_loop3A_830 = arith.constant 128 : index
        %parallel_loop3A_831 = tpu.vector_load %arg9[%parallel_loop3A_829, %parallel_loop3A_830] {strides = array<i32>} : memref<64x256xf32, #tpu.memory_space<vmem>>, vector<1x16xf32>,
        %parallel_loop3A_832 = vector.shape_cast %parallel_loop3A_831 : vector<1x16xf32> to vector<16xf32>
        %parallel_loop3A_833 = arith.addf %parallel_loop3A_721, %parallel_loop3A_832 : vector<16xf32>
        %parallel_loop3A_834 = arith.constant 3 : i32
        %parallel_loop3A_835 = arith.addi %parallel_loop3A_418, %parallel_loop3A_834 : i32
        %parallel_loop3A_836 = arith.index_cast %parallel_loop3A_835 : i32 to index
        %parallel_loop3A_837 = arith.constant 144 : index
        %parallel_loop3A_838 = tpu.vector_load %arg9[%parallel_loop3A_836, %parallel_loop3A_837] {strides = array<i32>} : memref<64x256xf32, #tpu.memory_space<vmem>>, vector<1x16xf32>,
        %parallel_loop3A_839 = vector.shape_cast %parallel_loop3A_838 : vector<1x16xf32> to vector<16xf32>
        %parallel_loop3A_840 = arith.addf %parallel_loop3A_728, %parallel_loop3A_839 : vector<16xf32>
        %parallel_loop3A_841 = arith.constant 3 : i32
        %parallel_loop3A_842 = arith.addi %parallel_loop3A_418, %parallel_loop3A_841 : i32
        %parallel_loop3A_843 = arith.index_cast %parallel_loop3A_842 : i32 to index
        %parallel_loop3A_844 = arith.constant 160 : index
        %parallel_loop3A_845 = tpu.vector_load %arg9[%parallel_loop3A_843, %parallel_loop3A_844] {strides = array<i32>} : memref<64x256xf32, #tpu.memory_space<vmem>>, vector<1x16xf32>,
        %parallel_loop3A_846 = vector.shape_cast %parallel_loop3A_845 : vector<1x16xf32> to vector<16xf32>
        %parallel_loop3A_847 = arith.addf %parallel_loop3A_735, %parallel_loop3A_846 : vector<16xf32>
        %parallel_loop3A_848 = arith.constant 3 : i32
        %parallel_loop3A_849 = arith.addi %parallel_loop3A_418, %parallel_loop3A_848 : i32
        %parallel_loop3A_850 = arith.index_cast %parallel_loop3A_849 : i32 to index
        %parallel_loop3A_851 = arith.constant 176 : index
        %parallel_loop3A_852 = tpu.vector_load %arg9[%parallel_loop3A_850, %parallel_loop3A_851] {strides = array<i32>} : memref<64x256xf32, #tpu.memory_space<vmem>>, vector<1x16xf32>,
        %parallel_loop3A_853 = vector.shape_cast %parallel_loop3A_852 : vector<1x16xf32> to vector<16xf32>
        %parallel_loop3A_854 = arith.addf %parallel_loop3A_742, %parallel_loop3A_853 : vector<16xf32>
        %parallel_loop3A_855 = arith.constant 3 : i32
        %parallel_loop3A_856 = arith.addi %parallel_loop3A_418, %parallel_loop3A_855 : i32
        %parallel_loop3A_857 = arith.index_cast %parallel_loop3A_856 : i32 to index
        %parallel_loop3A_858 = arith.constant 192 : index
        %parallel_loop3A_859 = tpu.vector_load %arg9[%parallel_loop3A_857, %parallel_loop3A_858] {strides = array<i32>} : memref<64x256xf32, #tpu.memory_space<vmem>>, vector<1x16xf32>,
        %parallel_loop3A_860 = vector.shape_cast %parallel_loop3A_859 : vector<1x16xf32> to vector<16xf32>
        %parallel_loop3A_861 = arith.addf %parallel_loop3A_749, %parallel_loop3A_860 : vector<16xf32>
        %parallel_loop3A_862 = arith.constant 3 : i32
        %parallel_loop3A_863 = arith.addi %parallel_loop3A_418, %parallel_loop3A_862 : i32
        %parallel_loop3A_864 = arith.index_cast %parallel_loop3A_863 : i32 to index
        %parallel_loop3A_865 = arith.constant 208 : index
        %parallel_loop3A_866 = tpu.vector_load %arg9[%parallel_loop3A_864, %parallel_loop3A_865] {strides = array<i32>} : memref<64x256xf32, #tpu.memory_space<vmem>>, vector<1x16xf32>,
        %parallel_loop3A_867 = vector.shape_cast %parallel_loop3A_866 : vector<1x16xf32> to vector<16xf32>
        %parallel_loop3A_868 = arith.addf %parallel_loop3A_756, %parallel_loop3A_867 : vector<16xf32>
        %parallel_loop3A_869 = arith.constant 3 : i32
        %parallel_loop3A_870 = arith.addi %parallel_loop3A_418, %parallel_loop3A_869 : i32
        %parallel_loop3A_871 = arith.index_cast %parallel_loop3A_870 : i32 to index
        %parallel_loop3A_872 = arith.constant 224 : index
        %parallel_loop3A_873 = tpu.vector_load %arg9[%parallel_loop3A_871, %parallel_loop3A_872] {strides = array<i32>} : memref<64x256xf32, #tpu.memory_space<vmem>>, vector<1x16xf32>,
        %parallel_loop3A_874 = vector.shape_cast %parallel_loop3A_873 : vector<1x16xf32> to vector<16xf32>
        %parallel_loop3A_875 = arith.addf %parallel_loop3A_763, %parallel_loop3A_874 : vector<16xf32>
        %parallel_loop3A_876 = arith.constant 3 : i32
        %parallel_loop3A_877 = arith.addi %parallel_loop3A_418, %parallel_loop3A_876 : i32
        %parallel_loop3A_878 = arith.index_cast %parallel_loop3A_877 : i32 to index
        %parallel_loop3A_879 = arith.constant 240 : index
        %parallel_loop3A_880 = tpu.vector_load %arg9[%parallel_loop3A_878, %parallel_loop3A_879] {strides = array<i32>} : memref<64x256xf32, #tpu.memory_space<vmem>>, vector<1x16xf32>,
        %parallel_loop3A_881 = vector.shape_cast %parallel_loop3A_880 : vector<1x16xf32> to vector<16xf32>
        %parallel_loop3A_882 = arith.addf %parallel_loop3A_770, %parallel_loop3A_881 : vector<16xf32>
        %parallel_loop3A_883 = arith.constant 4 : i32
        %parallel_loop3A_884 = arith.addi %parallel_loop3A_418, %parallel_loop3A_883 : i32
        %parallel_loop3A_885 = arith.index_cast %parallel_loop3A_884 : i32 to index
        %parallel_loop3A_886 = arith.constant 0 : index
        %parallel_loop3A_887 = tpu.vector_load %arg9[%parallel_loop3A_885, %parallel_loop3A_886] {strides = array<i32>} : memref<64x256xf32, #tpu.memory_space<vmem>>, vector<1x16xf32>,
        %parallel_loop3A_888 = vector.shape_cast %parallel_loop3A_887 : vector<1x16xf32> to vector<16xf32>
        %parallel_loop3A_889 = arith.addf %parallel_loop3A_777, %parallel_loop3A_888 : vector<16xf32>
        %parallel_loop3A_890 = arith.constant 4 : i32
        %parallel_loop3A_891 = arith.addi %parallel_loop3A_418, %parallel_loop3A_890 : i32
        %parallel_loop3A_892 = arith.index_cast %parallel_loop3A_891 : i32 to index
        %parallel_loop3A_893 = arith.constant 16 : index
        %parallel_loop3A_894 = tpu.vector_load %arg9[%parallel_loop3A_892, %parallel_loop3A_893] {strides = array<i32>} : memref<64x256xf32, #tpu.memory_space<vmem>>, vector<1x16xf32>,
        %parallel_loop3A_895 = vector.shape_cast %parallel_loop3A_894 : vector<1x16xf32> to vector<16xf32>
        %parallel_loop3A_896 = arith.addf %parallel_loop3A_784, %parallel_loop3A_895 : vector<16xf32>
        %parallel_loop3A_897 = arith.constant 4 : i32
        %parallel_loop3A_898 = arith.addi %parallel_loop3A_418, %parallel_loop3A_897 : i32
        %parallel_loop3A_899 = arith.index_cast %parallel_loop3A_898 : i32 to index
        %parallel_loop3A_900 = arith.constant 32 : index
        %parallel_loop3A_901 = tpu.vector_load %arg9[%parallel_loop3A_899, %parallel_loop3A_900] {strides = array<i32>} : memref<64x256xf32, #tpu.memory_space<vmem>>, vector<1x16xf32>,
        %parallel_loop3A_902 = vector.shape_cast %parallel_loop3A_901 : vector<1x16xf32> to vector<16xf32>
        %parallel_loop3A_903 = arith.addf %parallel_loop3A_791, %parallel_loop3A_902 : vector<16xf32>
        %parallel_loop3A_904 = arith.constant 4 : i32
        %parallel_loop3A_905 = arith.addi %parallel_loop3A_418, %parallel_loop3A_904 : i32
        %parallel_loop3A_906 = arith.index_cast %parallel_loop3A_905 : i32 to index
        %parallel_loop3A_907 = arith.constant 48 : index
        %parallel_loop3A_908 = tpu.vector_load %arg9[%parallel_loop3A_906, %parallel_loop3A_907] {strides = array<i32>} : memref<64x256xf32, #tpu.memory_space<vmem>>, vector<1x16xf32>,
        %parallel_loop3A_909 = vector.shape_cast %parallel_loop3A_908 : vector<1x16xf32> to vector<16xf32>
        %parallel_loop3A_910 = arith.addf %parallel_loop3A_798, %parallel_loop3A_909 : vector<16xf32>
        %parallel_loop3A_911 = arith.constant 4 : i32
        %parallel_loop3A_912 = arith.addi %parallel_loop3A_418, %parallel_loop3A_911 : i32
        %parallel_loop3A_913 = arith.index_cast %parallel_loop3A_912 : i32 to index
        %parallel_loop3A_914 = arith.constant 64 : index
        %parallel_loop3A_915 = tpu.vector_load %arg9[%parallel_loop3A_913, %parallel_loop3A_914] {strides = array<i32>} : memref<64x256xf32, #tpu.memory_space<vmem>>, vector<1x16xf32>,
        %parallel_loop3A_916 = vector.shape_cast %parallel_loop3A_915 : vector<1x16xf32> to vector<16xf32>
        %parallel_loop3A_917 = arith.addf %parallel_loop3A_805, %parallel_loop3A_916 : vector<16xf32>
        %parallel_loop3A_918 = arith.constant 4 : i32
        %parallel_loop3A_919 = arith.addi %parallel_loop3A_418, %parallel_loop3A_918 : i32
        %parallel_loop3A_920 = arith.index_cast %parallel_loop3A_919 : i32 to index
        %parallel_loop3A_921 = arith.constant 80 : index
        %parallel_loop3A_922 = tpu.vector_load %arg9[%parallel_loop3A_920, %parallel_loop3A_921] {strides = array<i32>} : memref<64x256xf32, #tpu.memory_space<vmem>>, vector<1x16xf32>,
        %parallel_loop3A_923 = vector.shape_cast %parallel_loop3A_922 : vector<1x16xf32> to vector<16xf32>
        %parallel_loop3A_924 = arith.addf %parallel_loop3A_812, %parallel_loop3A_923 : vector<16xf32>
        %parallel_loop3A_925 = arith.constant 4 : i32
        %parallel_loop3A_926 = arith.addi %parallel_loop3A_418, %parallel_loop3A_925 : i32
        %parallel_loop3A_927 = arith.index_cast %parallel_loop3A_926 : i32 to index
        %parallel_loop3A_928 = arith.constant 96 : index
        %parallel_loop3A_929 = tpu.vector_load %arg9[%parallel_loop3A_927, %parallel_loop3A_928] {strides = array<i32>} : memref<64x256xf32, #tpu.memory_space<vmem>>, vector<1x16xf32>,
        %parallel_loop3A_930 = vector.shape_cast %parallel_loop3A_929 : vector<1x16xf32> to vector<16xf32>
        %parallel_loop3A_931 = arith.addf %parallel_loop3A_819, %parallel_loop3A_930 : vector<16xf32>
        %parallel_loop3A_932 = arith.constant 4 : i32
        %parallel_loop3A_933 = arith.addi %parallel_loop3A_418, %parallel_loop3A_932 : i32
        %parallel_loop3A_934 = arith.index_cast %parallel_loop3A_933 : i32 to index
        %parallel_loop3A_935 = arith.constant 112 : index
        %parallel_loop3A_936 = tpu.vector_load %arg9[%parallel_loop3A_934, %parallel_loop3A_935] {strides = array<i32>} : memref<64x256xf32, #tpu.memory_space<vmem>>, vector<1x16xf32>,
        %parallel_loop3A_937 = vector.shape_cast %parallel_loop3A_936 : vector<1x16xf32> to vector<16xf32>
        %parallel_loop3A_938 = arith.addf %parallel_loop3A_826, %parallel_loop3A_937 : vector<16xf32>
        %parallel_loop3A_939 = arith.constant 4 : i32
        %parallel_loop3A_940 = arith.addi %parallel_loop3A_418, %parallel_loop3A_939 : i32
        %parallel_loop3A_941 = arith.index_cast %parallel_loop3A_940 : i32 to index
        %parallel_loop3A_942 = arith.constant 128 : index
        %parallel_loop3A_943 = tpu.vector_load %arg9[%parallel_loop3A_941, %parallel_loop3A_942] {strides = array<i32>} : memref<64x256xf32, #tpu.memory_space<vmem>>, vector<1x16xf32>,
        %parallel_loop3A_944 = vector.shape_cast %parallel_loop3A_943 : vector<1x16xf32> to vector<16xf32>
        %parallel_loop3A_945 = arith.addf %parallel_loop3A_833, %parallel_loop3A_944 : vector<16xf32>
        %parallel_loop3A_946 = arith.constant 4 : i32
        %parallel_loop3A_947 = arith.addi %parallel_loop3A_418, %parallel_loop3A_946 : i32
        %parallel_loop3A_948 = arith.index_cast %parallel_loop3A_947 : i32 to index
        %parallel_loop3A_949 = arith.constant 144 : index
        %parallel_loop3A_950 = tpu.vector_load %arg9[%parallel_loop3A_948, %parallel_loop3A_949] {strides = array<i32>} : memref<64x256xf32, #tpu.memory_space<vmem>>, vector<1x16xf32>,
        %parallel_loop3A_951 = vector.shape_cast %parallel_loop3A_950 : vector<1x16xf32> to vector<16xf32>
        %parallel_loop3A_952 = arith.addf %parallel_loop3A_840, %parallel_loop3A_951 : vector<16xf32>
        %parallel_loop3A_953 = arith.constant 4 : i32
        %parallel_loop3A_954 = arith.addi %parallel_loop3A_418, %parallel_loop3A_953 : i32
        %parallel_loop3A_955 = arith.index_cast %parallel_loop3A_954 : i32 to index
        %parallel_loop3A_956 = arith.constant 160 : index
        %parallel_loop3A_957 = tpu.vector_load %arg9[%parallel_loop3A_955, %parallel_loop3A_956] {strides = array<i32>} : memref<64x256xf32, #tpu.memory_space<vmem>>, vector<1x16xf32>,
        %parallel_loop3A_958 = vector.shape_cast %parallel_loop3A_957 : vector<1x16xf32> to vector<16xf32>
        %parallel_loop3A_959 = arith.addf %parallel_loop3A_847, %parallel_loop3A_958 : vector<16xf32>
        %parallel_loop3A_960 = arith.constant 4 : i32
        %parallel_loop3A_961 = arith.addi %parallel_loop3A_418, %parallel_loop3A_960 : i32
        %parallel_loop3A_962 = arith.index_cast %parallel_loop3A_961 : i32 to index
        %parallel_loop3A_963 = arith.constant 176 : index
        %parallel_loop3A_964 = tpu.vector_load %arg9[%parallel_loop3A_962, %parallel_loop3A_963] {strides = array<i32>} : memref<64x256xf32, #tpu.memory_space<vmem>>, vector<1x16xf32>,
        %parallel_loop3A_965 = vector.shape_cast %parallel_loop3A_964 : vector<1x16xf32> to vector<16xf32>
        %parallel_loop3A_966 = arith.addf %parallel_loop3A_854, %parallel_loop3A_965 : vector<16xf32>
        %parallel_loop3A_967 = arith.constant 4 : i32
        %parallel_loop3A_968 = arith.addi %parallel_loop3A_418, %parallel_loop3A_967 : i32
        %parallel_loop3A_969 = arith.index_cast %parallel_loop3A_968 : i32 to index
        %parallel_loop3A_970 = arith.constant 192 : index
        %parallel_loop3A_971 = tpu.vector_load %arg9[%parallel_loop3A_969, %parallel_loop3A_970] {strides = array<i32>} : memref<64x256xf32, #tpu.memory_space<vmem>>, vector<1x16xf32>,
        %parallel_loop3A_972 = vector.shape_cast %parallel_loop3A_971 : vector<1x16xf32> to vector<16xf32>
        %parallel_loop3A_973 = arith.addf %parallel_loop3A_861, %parallel_loop3A_972 : vector<16xf32>
        %parallel_loop3A_974 = arith.constant 4 : i32
        %parallel_loop3A_975 = arith.addi %parallel_loop3A_418, %parallel_loop3A_974 : i32
        %parallel_loop3A_976 = arith.index_cast %parallel_loop3A_975 : i32 to index
        %parallel_loop3A_977 = arith.constant 208 : index
        %parallel_loop3A_978 = tpu.vector_load %arg9[%parallel_loop3A_976, %parallel_loop3A_977] {strides = array<i32>} : memref<64x256xf32, #tpu.memory_space<vmem>>, vector<1x16xf32>,
        %parallel_loop3A_979 = vector.shape_cast %parallel_loop3A_978 : vector<1x16xf32> to vector<16xf32>
        %parallel_loop3A_980 = arith.addf %parallel_loop3A_868, %parallel_loop3A_979 : vector<16xf32>
        %parallel_loop3A_981 = arith.constant 4 : i32
        %parallel_loop3A_982 = arith.addi %parallel_loop3A_418, %parallel_loop3A_981 : i32
        %parallel_loop3A_983 = arith.index_cast %parallel_loop3A_982 : i32 to index
        %parallel_loop3A_984 = arith.constant 224 : index
        %parallel_loop3A_985 = tpu.vector_load %arg9[%parallel_loop3A_983, %parallel_loop3A_984] {strides = array<i32>} : memref<64x256xf32, #tpu.memory_space<vmem>>, vector<1x16xf32>,
        %parallel_loop3A_986 = vector.shape_cast %parallel_loop3A_985 : vector<1x16xf32> to vector<16xf32>
        %parallel_loop3A_987 = arith.addf %parallel_loop3A_875, %parallel_loop3A_986 : vector<16xf32>
        %parallel_loop3A_988 = arith.constant 4 : i32
        %parallel_loop3A_989 = arith.addi %parallel_loop3A_418, %parallel_loop3A_988 : i32
        %parallel_loop3A_990 = arith.index_cast %parallel_loop3A_989 : i32 to index
        %parallel_loop3A_991 = arith.constant 240 : index
        %parallel_loop3A_992 = tpu.vector_load %arg9[%parallel_loop3A_990, %parallel_loop3A_991] {strides = array<i32>} : memref<64x256xf32, #tpu.memory_space<vmem>>, vector<1x16xf32>,
        %parallel_loop3A_993 = vector.shape_cast %parallel_loop3A_992 : vector<1x16xf32> to vector<16xf32>
        %parallel_loop3A_994 = arith.addf %parallel_loop3A_882, %parallel_loop3A_993 : vector<16xf32>
        %parallel_loop3A_995 = arith.constant 5 : i32
        %parallel_loop3A_996 = arith.addi %parallel_loop3A_418, %parallel_loop3A_995 : i32
        %parallel_loop3A_997 = arith.index_cast %parallel_loop3A_996 : i32 to index
        %parallel_loop3A_998 = arith.constant 0 : index
        %parallel_loop3A_999 = tpu.vector_load %arg9[%parallel_loop3A_997, %parallel_loop3A_998] {strides = array<i32>} : memref<64x256xf32, #tpu.memory_space<vmem>>, vector<1x16xf32>,
        %parallel_loop3A_1000 = vector.shape_cast %parallel_loop3A_999 : vector<1x16xf32> to vector<16xf32>
        %parallel_loop3A_1001 = arith.addf %parallel_loop3A_889, %parallel_loop3A_1000 : vector<16xf32>
        %parallel_loop3A_1002 = arith.constant 5 : i32
        %parallel_loop3A_1003 = arith.addi %parallel_loop3A_418, %parallel_loop3A_1002 : i32
        %parallel_loop3A_1004 = arith.index_cast %parallel_loop3A_1003 : i32 to index
        %parallel_loop3A_1005 = arith.constant 16 : index
        %parallel_loop3A_1006 = tpu.vector_load %arg9[%parallel_loop3A_1004, %parallel_loop3A_1005] {strides = array<i32>} : memref<64x256xf32, #tpu.memory_space<vmem>>, vector<1x16xf32>,
        %parallel_loop3A_1007 = vector.shape_cast %parallel_loop3A_1006 : vector<1x16xf32> to vector<16xf32>
        %parallel_loop3A_1008 = arith.addf %parallel_loop3A_896, %parallel_loop3A_1007 : vector<16xf32>
        %parallel_loop3A_1009 = arith.constant 5 : i32
        %parallel_loop3A_1010 = arith.addi %parallel_loop3A_418, %parallel_loop3A_1009 : i32
        %parallel_loop3A_1011 = arith.index_cast %parallel_loop3A_1010 : i32 to index
        %parallel_loop3A_1012 = arith.constant 32 : index
        %parallel_loop3A_1013 = tpu.vector_load %arg9[%parallel_loop3A_1011, %parallel_loop3A_1012] {strides = array<i32>} : memref<64x256xf32, #tpu.memory_space<vmem>>, vector<1x16xf32>,
        %parallel_loop3A_1014 = vector.shape_cast %parallel_loop3A_1013 : vector<1x16xf32> to vector<16xf32>
        %parallel_loop3A_1015 = arith.addf %parallel_loop3A_903, %parallel_loop3A_1014 : vector<16xf32>
        %parallel_loop3A_1016 = arith.constant 5 : i32
        %parallel_loop3A_1017 = arith.addi %parallel_loop3A_418, %parallel_loop3A_1016 : i32
        %parallel_loop3A_1018 = arith.index_cast %parallel_loop3A_1017 : i32 to index
        %parallel_loop3A_1019 = arith.constant 48 : index
        %parallel_loop3A_1020 = tpu.vector_load %arg9[%parallel_loop3A_1018, %parallel_loop3A_1019] {strides = array<i32>} : memref<64x256xf32, #tpu.memory_space<vmem>>, vector<1x16xf32>,
        %parallel_loop3A_1021 = vector.shape_cast %parallel_loop3A_1020 : vector<1x16xf32> to vector<16xf32>
        %parallel_loop3A_1022 = arith.addf %parallel_loop3A_910, %parallel_loop3A_1021 : vector<16xf32>
        %parallel_loop3A_1023 = arith.constant 5 : i32
        %parallel_loop3A_1024 = arith.addi %parallel_loop3A_418, %parallel_loop3A_1023 : i32
        %parallel_loop3A_1025 = arith.index_cast %parallel_loop3A_1024 : i32 to index
        %parallel_loop3A_1026 = arith.constant 64 : index
        %parallel_loop3A_1027 = tpu.vector_load %arg9[%parallel_loop3A_1025, %parallel_loop3A_1026] {strides = array<i32>} : memref<64x256xf32, #tpu.memory_space<vmem>>, vector<1x16xf32>,
        %parallel_loop3A_1028 = vector.shape_cast %parallel_loop3A_1027 : vector<1x16xf32> to vector<16xf32>
        %parallel_loop3A_1029 = arith.addf %parallel_loop3A_917, %parallel_loop3A_1028 : vector<16xf32>
        %parallel_loop3A_1030 = arith.constant 5 : i32
        %parallel_loop3A_1031 = arith.addi %parallel_loop3A_418, %parallel_loop3A_1030 : i32
        %parallel_loop3A_1032 = arith.index_cast %parallel_loop3A_1031 : i32 to index
        %parallel_loop3A_1033 = arith.constant 80 : index
        %parallel_loop3A_1034 = tpu.vector_load %arg9[%parallel_loop3A_1032, %parallel_loop3A_1033] {strides = array<i32>} : memref<64x256xf32, #tpu.memory_space<vmem>>, vector<1x16xf32>,
        %parallel_loop3A_1035 = vector.shape_cast %parallel_loop3A_1034 : vector<1x16xf32> to vector<16xf32>
        %parallel_loop3A_1036 = arith.addf %parallel_loop3A_924, %parallel_loop3A_1035 : vector<16xf32>
        %parallel_loop3A_1037 = arith.constant 5 : i32
        %parallel_loop3A_1038 = arith.addi %parallel_loop3A_418, %parallel_loop3A_1037 : i32
        %parallel_loop3A_1039 = arith.index_cast %parallel_loop3A_1038 : i32 to index
        %parallel_loop3A_1040 = arith.constant 96 : index
        %parallel_loop3A_1041 = tpu.vector_load %arg9[%parallel_loop3A_1039, %parallel_loop3A_1040] {strides = array<i32>} : memref<64x256xf32, #tpu.memory_space<vmem>>, vector<1x16xf32>,
        %parallel_loop3A_1042 = vector.shape_cast %parallel_loop3A_1041 : vector<1x16xf32> to vector<16xf32>
        %parallel_loop3A_1043 = arith.addf %parallel_loop3A_931, %parallel_loop3A_1042 : vector<16xf32>
        %parallel_loop3A_1044 = arith.constant 5 : i32
        %parallel_loop3A_1045 = arith.addi %parallel_loop3A_418, %parallel_loop3A_1044 : i32
        %parallel_loop3A_1046 = arith.index_cast %parallel_loop3A_1045 : i32 to index
        %parallel_loop3A_1047 = arith.constant 112 : index
        %parallel_loop3A_1048 = tpu.vector_load %arg9[%parallel_loop3A_1046, %parallel_loop3A_1047] {strides = array<i32>} : memref<64x256xf32, #tpu.memory_space<vmem>>, vector<1x16xf32>,
        %parallel_loop3A_1049 = vector.shape_cast %parallel_loop3A_1048 : vector<1x16xf32> to vector<16xf32>
        %parallel_loop3A_1050 = arith.addf %parallel_loop3A_938, %parallel_loop3A_1049 : vector<16xf32>
        %parallel_loop3A_1051 = arith.constant 5 : i32
        %parallel_loop3A_1052 = arith.addi %parallel_loop3A_418, %parallel_loop3A_1051 : i32
        %parallel_loop3A_1053 = arith.index_cast %parallel_loop3A_1052 : i32 to index
        %parallel_loop3A_1054 = arith.constant 128 : index
        %parallel_loop3A_1055 = tpu.vector_load %arg9[%parallel_loop3A_1053, %parallel_loop3A_1054] {strides = array<i32>} : memref<64x256xf32, #tpu.memory_space<vmem>>, vector<1x16xf32>,
        %parallel_loop3A_1056 = vector.shape_cast %parallel_loop3A_1055 : vector<1x16xf32> to vector<16xf32>
        %parallel_loop3A_1057 = arith.addf %parallel_loop3A_945, %parallel_loop3A_1056 : vector<16xf32>
        %parallel_loop3A_1058 = arith.constant 5 : i32
        %parallel_loop3A_1059 = arith.addi %parallel_loop3A_418, %parallel_loop3A_1058 : i32
        %parallel_loop3A_1060 = arith.index_cast %parallel_loop3A_1059 : i32 to index
        %parallel_loop3A_1061 = arith.constant 144 : index
        %parallel_loop3A_1062 = tpu.vector_load %arg9[%parallel_loop3A_1060, %parallel_loop3A_1061] {strides = array<i32>} : memref<64x256xf32, #tpu.memory_space<vmem>>, vector<1x16xf32>,
        %parallel_loop3A_1063 = vector.shape_cast %parallel_loop3A_1062 : vector<1x16xf32> to vector<16xf32>
        %parallel_loop3A_1064 = arith.addf %parallel_loop3A_952, %parallel_loop3A_1063 : vector<16xf32>
        %parallel_loop3A_1065 = arith.constant 5 : i32
        %parallel_loop3A_1066 = arith.addi %parallel_loop3A_418, %parallel_loop3A_1065 : i32
        %parallel_loop3A_1067 = arith.index_cast %parallel_loop3A_1066 : i32 to index
        %parallel_loop3A_1068 = arith.constant 160 : index
        %parallel_loop3A_1069 = tpu.vector_load %arg9[%parallel_loop3A_1067, %parallel_loop3A_1068] {strides = array<i32>} : memref<64x256xf32, #tpu.memory_space<vmem>>, vector<1x16xf32>,
        %parallel_loop3A_1070 = vector.shape_cast %parallel_loop3A_1069 : vector<1x16xf32> to vector<16xf32>
        %parallel_loop3A_1071 = arith.addf %parallel_loop3A_959, %parallel_loop3A_1070 : vector<16xf32>
        %parallel_loop3A_1072 = arith.constant 5 : i32
        %parallel_loop3A_1073 = arith.addi %parallel_loop3A_418, %parallel_loop3A_1072 : i32
        %parallel_loop3A_1074 = arith.index_cast %parallel_loop3A_1073 : i32 to index
        %parallel_loop3A_1075 = arith.constant 176 : index
        %parallel_loop3A_1076 = tpu.vector_load %arg9[%parallel_loop3A_1074, %parallel_loop3A_1075] {strides = array<i32>} : memref<64x256xf32, #tpu.memory_space<vmem>>, vector<1x16xf32>,
        %parallel_loop3A_1077 = vector.shape_cast %parallel_loop3A_1076 : vector<1x16xf32> to vector<16xf32>
        %parallel_loop3A_1078 = arith.addf %parallel_loop3A_966, %parallel_loop3A_1077 : vector<16xf32>
        %parallel_loop3A_1079 = arith.constant 5 : i32
        %parallel_loop3A_1080 = arith.addi %parallel_loop3A_418, %parallel_loop3A_1079 : i32
        %parallel_loop3A_1081 = arith.index_cast %parallel_loop3A_1080 : i32 to index
        %parallel_loop3A_1082 = arith.constant 192 : index
        %parallel_loop3A_1083 = tpu.vector_load %arg9[%parallel_loop3A_1081, %parallel_loop3A_1082] {strides = array<i32>} : memref<64x256xf32, #tpu.memory_space<vmem>>, vector<1x16xf32>,
        %parallel_loop3A_1084 = vector.shape_cast %parallel_loop3A_1083 : vector<1x16xf32> to vector<16xf32>
        %parallel_loop3A_1085 = arith.addf %parallel_loop3A_973, %parallel_loop3A_1084 : vector<16xf32>
        %parallel_loop3A_1086 = arith.constant 5 : i32
        %parallel_loop3A_1087 = arith.addi %parallel_loop3A_418, %parallel_loop3A_1086 : i32
        %parallel_loop3A_1088 = arith.index_cast %parallel_loop3A_1087 : i32 to index
        %parallel_loop3A_1089 = arith.constant 208 : index
        %parallel_loop3A_1090 = tpu.vector_load %arg9[%parallel_loop3A_1088, %parallel_loop3A_1089] {strides = array<i32>} : memref<64x256xf32, #tpu.memory_space<vmem>>, vector<1x16xf32>,
        %parallel_loop3A_1091 = vector.shape_cast %parallel_loop3A_1090 : vector<1x16xf32> to vector<16xf32>
        %parallel_loop3A_1092 = arith.addf %parallel_loop3A_980, %parallel_loop3A_1091 : vector<16xf32>
        %parallel_loop3A_1093 = arith.constant 5 : i32
        %parallel_loop3A_1094 = arith.addi %parallel_loop3A_418, %parallel_loop3A_1093 : i32
        %parallel_loop3A_1095 = arith.index_cast %parallel_loop3A_1094 : i32 to index
        %parallel_loop3A_1096 = arith.constant 224 : index
        %parallel_loop3A_1097 = tpu.vector_load %arg9[%parallel_loop3A_1095, %parallel_loop3A_1096] {strides = array<i32>} : memref<64x256xf32, #tpu.memory_space<vmem>>, vector<1x16xf32>,
        %parallel_loop3A_1098 = vector.shape_cast %parallel_loop3A_1097 : vector<1x16xf32> to vector<16xf32>
        %parallel_loop3A_1099 = arith.addf %parallel_loop3A_987, %parallel_loop3A_1098 : vector<16xf32>
        %parallel_loop3A_1100 = arith.constant 5 : i32
        %parallel_loop3A_1101 = arith.addi %parallel_loop3A_418, %parallel_loop3A_1100 : i32
        %parallel_loop3A_1102 = arith.index_cast %parallel_loop3A_1101 : i32 to index
        %parallel_loop3A_1103 = arith.constant 240 : index
        %parallel_loop3A_1104 = tpu.vector_load %arg9[%parallel_loop3A_1102, %parallel_loop3A_1103] {strides = array<i32>} : memref<64x256xf32, #tpu.memory_space<vmem>>, vector<1x16xf32>,
        %parallel_loop3A_1105 = vector.shape_cast %parallel_loop3A_1104 : vector<1x16xf32> to vector<16xf32>
        %parallel_loop3A_1106 = arith.addf %parallel_loop3A_994, %parallel_loop3A_1105 : vector<16xf32>
        %parallel_loop3A_1107 = arith.constant 6 : i32
        %parallel_loop3A_1108 = arith.addi %parallel_loop3A_418, %parallel_loop3A_1107 : i32
        %parallel_loop3A_1109 = arith.index_cast %parallel_loop3A_1108 : i32 to index
        %parallel_loop3A_1110 = arith.constant 0 : index
        %parallel_loop3A_1111 = tpu.vector_load %arg9[%parallel_loop3A_1109, %parallel_loop3A_1110] {strides = array<i32>} : memref<64x256xf32, #tpu.memory_space<vmem>>, vector<1x16xf32>,
        %parallel_loop3A_1112 = vector.shape_cast %parallel_loop3A_1111 : vector<1x16xf32> to vector<16xf32>
        %parallel_loop3A_1113 = arith.addf %parallel_loop3A_1001, %parallel_loop3A_1112 : vector<16xf32>
        %parallel_loop3A_1114 = arith.constant 6 : i32
        %parallel_loop3A_1115 = arith.addi %parallel_loop3A_418, %parallel_loop3A_1114 : i32
        %parallel_loop3A_1116 = arith.index_cast %parallel_loop3A_1115 : i32 to index
        %parallel_loop3A_1117 = arith.constant 16 : index
        %parallel_loop3A_1118 = tpu.vector_load %arg9[%parallel_loop3A_1116, %parallel_loop3A_1117] {strides = array<i32>} : memref<64x256xf32, #tpu.memory_space<vmem>>, vector<1x16xf32>,
        %parallel_loop3A_1119 = vector.shape_cast %parallel_loop3A_1118 : vector<1x16xf32> to vector<16xf32>
        %parallel_loop3A_1120 = arith.addf %parallel_loop3A_1008, %parallel_loop3A_1119 : vector<16xf32>
        %parallel_loop3A_1121 = arith.constant 6 : i32
        %parallel_loop3A_1122 = arith.addi %parallel_loop3A_418, %parallel_loop3A_1121 : i32
        %parallel_loop3A_1123 = arith.index_cast %parallel_loop3A_1122 : i32 to index
        %parallel_loop3A_1124 = arith.constant 32 : index
        %parallel_loop3A_1125 = tpu.vector_load %arg9[%parallel_loop3A_1123, %parallel_loop3A_1124] {strides = array<i32>} : memref<64x256xf32, #tpu.memory_space<vmem>>, vector<1x16xf32>,
        %parallel_loop3A_1126 = vector.shape_cast %parallel_loop3A_1125 : vector<1x16xf32> to vector<16xf32>
        %parallel_loop3A_1127 = arith.addf %parallel_loop3A_1015, %parallel_loop3A_1126 : vector<16xf32>
        %parallel_loop3A_1128 = arith.constant 6 : i32
        %parallel_loop3A_1129 = arith.addi %parallel_loop3A_418, %parallel_loop3A_1128 : i32
        %parallel_loop3A_1130 = arith.index_cast %parallel_loop3A_1129 : i32 to index
        %parallel_loop3A_1131 = arith.constant 48 : index
        %parallel_loop3A_1132 = tpu.vector_load %arg9[%parallel_loop3A_1130, %parallel_loop3A_1131] {strides = array<i32>} : memref<64x256xf32, #tpu.memory_space<vmem>>, vector<1x16xf32>,
        %parallel_loop3A_1133 = vector.shape_cast %parallel_loop3A_1132 : vector<1x16xf32> to vector<16xf32>
        %parallel_loop3A_1134 = arith.addf %parallel_loop3A_1022, %parallel_loop3A_1133 : vector<16xf32>
        %parallel_loop3A_1135 = arith.constant 6 : i32
        %parallel_loop3A_1136 = arith.addi %parallel_loop3A_418, %parallel_loop3A_1135 : i32
        %parallel_loop3A_1137 = arith.index_cast %parallel_loop3A_1136 : i32 to index
        %parallel_loop3A_1138 = arith.constant 64 : index
        %parallel_loop3A_1139 = tpu.vector_load %arg9[%parallel_loop3A_1137, %parallel_loop3A_1138] {strides = array<i32>} : memref<64x256xf32, #tpu.memory_space<vmem>>, vector<1x16xf32>,
        %parallel_loop3A_1140 = vector.shape_cast %parallel_loop3A_1139 : vector<1x16xf32> to vector<16xf32>
        %parallel_loop3A_1141 = arith.addf %parallel_loop3A_1029, %parallel_loop3A_1140 : vector<16xf32>
        %parallel_loop3A_1142 = arith.constant 6 : i32
        %parallel_loop3A_1143 = arith.addi %parallel_loop3A_418, %parallel_loop3A_1142 : i32
        %parallel_loop3A_1144 = arith.index_cast %parallel_loop3A_1143 : i32 to index
        %parallel_loop3A_1145 = arith.constant 80 : index
        %parallel_loop3A_1146 = tpu.vector_load %arg9[%parallel_loop3A_1144, %parallel_loop3A_1145] {strides = array<i32>} : memref<64x256xf32, #tpu.memory_space<vmem>>, vector<1x16xf32>,
        %parallel_loop3A_1147 = vector.shape_cast %parallel_loop3A_1146 : vector<1x16xf32> to vector<16xf32>
        %parallel_loop3A_1148 = arith.addf %parallel_loop3A_1036, %parallel_loop3A_1147 : vector<16xf32>
        %parallel_loop3A_1149 = arith.constant 6 : i32
        %parallel_loop3A_1150 = arith.addi %parallel_loop3A_418, %parallel_loop3A_1149 : i32
        %parallel_loop3A_1151 = arith.index_cast %parallel_loop3A_1150 : i32 to index
        %parallel_loop3A_1152 = arith.constant 96 : index
        %parallel_loop3A_1153 = tpu.vector_load %arg9[%parallel_loop3A_1151, %parallel_loop3A_1152] {strides = array<i32>} : memref<64x256xf32, #tpu.memory_space<vmem>>, vector<1x16xf32>,
        %parallel_loop3A_1154 = vector.shape_cast %parallel_loop3A_1153 : vector<1x16xf32> to vector<16xf32>
        %parallel_loop3A_1155 = arith.addf %parallel_loop3A_1043, %parallel_loop3A_1154 : vector<16xf32>
        %parallel_loop3A_1156 = arith.constant 6 : i32
        %parallel_loop3A_1157 = arith.addi %parallel_loop3A_418, %parallel_loop3A_1156 : i32
        %parallel_loop3A_1158 = arith.index_cast %parallel_loop3A_1157 : i32 to index
        %parallel_loop3A_1159 = arith.constant 112 : index
        %parallel_loop3A_1160 = tpu.vector_load %arg9[%parallel_loop3A_1158, %parallel_loop3A_1159] {strides = array<i32>} : memref<64x256xf32, #tpu.memory_space<vmem>>, vector<1x16xf32>,
        %parallel_loop3A_1161 = vector.shape_cast %parallel_loop3A_1160 : vector<1x16xf32> to vector<16xf32>
        %parallel_loop3A_1162 = arith.addf %parallel_loop3A_1050, %parallel_loop3A_1161 : vector<16xf32>
        %parallel_loop3A_1163 = arith.constant 6 : i32
        %parallel_loop3A_1164 = arith.addi %parallel_loop3A_418, %parallel_loop3A_1163 : i32
        %parallel_loop3A_1165 = arith.index_cast %parallel_loop3A_1164 : i32 to index
        %parallel_loop3A_1166 = arith.constant 128 : index
        %parallel_loop3A_1167 = tpu.vector_load %arg9[%parallel_loop3A_1165, %parallel_loop3A_1166] {strides = array<i32>} : memref<64x256xf32, #tpu.memory_space<vmem>>, vector<1x16xf32>,
        %parallel_loop3A_1168 = vector.shape_cast %parallel_loop3A_1167 : vector<1x16xf32> to vector<16xf32>
        %parallel_loop3A_1169 = arith.addf %parallel_loop3A_1057, %parallel_loop3A_1168 : vector<16xf32>
        %parallel_loop3A_1170 = arith.constant 6 : i32
        %parallel_loop3A_1171 = arith.addi %parallel_loop3A_418, %parallel_loop3A_1170 : i32
        %parallel_loop3A_1172 = arith.index_cast %parallel_loop3A_1171 : i32 to index
        %parallel_loop3A_1173 = arith.constant 144 : index
        %parallel_loop3A_1174 = tpu.vector_load %arg9[%parallel_loop3A_1172, %parallel_loop3A_1173] {strides = array<i32>} : memref<64x256xf32, #tpu.memory_space<vmem>>, vector<1x16xf32>,
        %parallel_loop3A_1175 = vector.shape_cast %parallel_loop3A_1174 : vector<1x16xf32> to vector<16xf32>
        %parallel_loop3A_1176 = arith.addf %parallel_loop3A_1064, %parallel_loop3A_1175 : vector<16xf32>
        %parallel_loop3A_1177 = arith.constant 6 : i32
        %parallel_loop3A_1178 = arith.addi %parallel_loop3A_418, %parallel_loop3A_1177 : i32
        %parallel_loop3A_1179 = arith.index_cast %parallel_loop3A_1178 : i32 to index
        %parallel_loop3A_1180 = arith.constant 160 : index
        %parallel_loop3A_1181 = tpu.vector_load %arg9[%parallel_loop3A_1179, %parallel_loop3A_1180] {strides = array<i32>} : memref<64x256xf32, #tpu.memory_space<vmem>>, vector<1x16xf32>,
        %parallel_loop3A_1182 = vector.shape_cast %parallel_loop3A_1181 : vector<1x16xf32> to vector<16xf32>
        %parallel_loop3A_1183 = arith.addf %parallel_loop3A_1071, %parallel_loop3A_1182 : vector<16xf32>
        %parallel_loop3A_1184 = arith.constant 6 : i32
        %parallel_loop3A_1185 = arith.addi %parallel_loop3A_418, %parallel_loop3A_1184 : i32
        %parallel_loop3A_1186 = arith.index_cast %parallel_loop3A_1185 : i32 to index
        %parallel_loop3A_1187 = arith.constant 176 : index
        %parallel_loop3A_1188 = tpu.vector_load %arg9[%parallel_loop3A_1186, %parallel_loop3A_1187] {strides = array<i32>} : memref<64x256xf32, #tpu.memory_space<vmem>>, vector<1x16xf32>,
        %parallel_loop3A_1189 = vector.shape_cast %parallel_loop3A_1188 : vector<1x16xf32> to vector<16xf32>
        %parallel_loop3A_1190 = arith.addf %parallel_loop3A_1078, %parallel_loop3A_1189 : vector<16xf32>
        %parallel_loop3A_1191 = arith.constant 6 : i32
        %parallel_loop3A_1192 = arith.addi %parallel_loop3A_418, %parallel_loop3A_1191 : i32
        %parallel_loop3A_1193 = arith.index_cast %parallel_loop3A_1192 : i32 to index
        %parallel_loop3A_1194 = arith.constant 192 : index
        %parallel_loop3A_1195 = tpu.vector_load %arg9[%parallel_loop3A_1193, %parallel_loop3A_1194] {strides = array<i32>} : memref<64x256xf32, #tpu.memory_space<vmem>>, vector<1x16xf32>,
        %parallel_loop3A_1196 = vector.shape_cast %parallel_loop3A_1195 : vector<1x16xf32> to vector<16xf32>
        %parallel_loop3A_1197 = arith.addf %parallel_loop3A_1085, %parallel_loop3A_1196 : vector<16xf32>
        %parallel_loop3A_1198 = arith.constant 6 : i32
        %parallel_loop3A_1199 = arith.addi %parallel_loop3A_418, %parallel_loop3A_1198 : i32
        %parallel_loop3A_1200 = arith.index_cast %parallel_loop3A_1199 : i32 to index
        %parallel_loop3A_1201 = arith.constant 208 : index
        %parallel_loop3A_1202 = tpu.vector_load %arg9[%parallel_loop3A_1200, %parallel_loop3A_1201] {strides = array<i32>} : memref<64x256xf32, #tpu.memory_space<vmem>>, vector<1x16xf32>,
        %parallel_loop3A_1203 = vector.shape_cast %parallel_loop3A_1202 : vector<1x16xf32> to vector<16xf32>
        %parallel_loop3A_1204 = arith.addf %parallel_loop3A_1092, %parallel_loop3A_1203 : vector<16xf32>
        %parallel_loop3A_1205 = arith.constant 6 : i32
        %parallel_loop3A_1206 = arith.addi %parallel_loop3A_418, %parallel_loop3A_1205 : i32
        %parallel_loop3A_1207 = arith.index_cast %parallel_loop3A_1206 : i32 to index
        %parallel_loop3A_1208 = arith.constant 224 : index
        %parallel_loop3A_1209 = tpu.vector_load %arg9[%parallel_loop3A_1207, %parallel_loop3A_1208] {strides = array<i32>} : memref<64x256xf32, #tpu.memory_space<vmem>>, vector<1x16xf32>,
        %parallel_loop3A_1210 = vector.shape_cast %parallel_loop3A_1209 : vector<1x16xf32> to vector<16xf32>
        %parallel_loop3A_1211 = arith.addf %parallel_loop3A_1099, %parallel_loop3A_1210 : vector<16xf32>
        %parallel_loop3A_1212 = arith.constant 6 : i32
        %parallel_loop3A_1213 = arith.addi %parallel_loop3A_418, %parallel_loop3A_1212 : i32
        %parallel_loop3A_1214 = arith.index_cast %parallel_loop3A_1213 : i32 to index
        %parallel_loop3A_1215 = arith.constant 240 : index
        %parallel_loop3A_1216 = tpu.vector_load %arg9[%parallel_loop3A_1214, %parallel_loop3A_1215] {strides = array<i32>} : memref<64x256xf32, #tpu.memory_space<vmem>>, vector<1x16xf32>,
        %parallel_loop3A_1217 = vector.shape_cast %parallel_loop3A_1216 : vector<1x16xf32> to vector<16xf32>
        %parallel_loop3A_1218 = arith.addf %parallel_loop3A_1106, %parallel_loop3A_1217 : vector<16xf32>
        %parallel_loop3A_1219 = arith.constant 7 : i32
        %parallel_loop3A_1220 = arith.addi %parallel_loop3A_418, %parallel_loop3A_1219 : i32
        %parallel_loop3A_1221 = arith.index_cast %parallel_loop3A_1220 : i32 to index
        %parallel_loop3A_1222 = arith.constant 0 : index
        %parallel_loop3A_1223 = tpu.vector_load %arg9[%parallel_loop3A_1221, %parallel_loop3A_1222] {strides = array<i32>} : memref<64x256xf32, #tpu.memory_space<vmem>>, vector<1x16xf32>,
        %parallel_loop3A_1224 = vector.shape_cast %parallel_loop3A_1223 : vector<1x16xf32> to vector<16xf32>
        %parallel_loop3A_1225 = arith.addf %parallel_loop3A_1113, %parallel_loop3A_1224 : vector<16xf32>
        %parallel_loop3A_1226 = arith.constant 7 : i32
        %parallel_loop3A_1227 = arith.addi %parallel_loop3A_418, %parallel_loop3A_1226 : i32
        %parallel_loop3A_1228 = arith.index_cast %parallel_loop3A_1227 : i32 to index
        %parallel_loop3A_1229 = arith.constant 16 : index
        %parallel_loop3A_1230 = tpu.vector_load %arg9[%parallel_loop3A_1228, %parallel_loop3A_1229] {strides = array<i32>} : memref<64x256xf32, #tpu.memory_space<vmem>>, vector<1x16xf32>,
        %parallel_loop3A_1231 = vector.shape_cast %parallel_loop3A_1230 : vector<1x16xf32> to vector<16xf32>
        %parallel_loop3A_1232 = arith.addf %parallel_loop3A_1120, %parallel_loop3A_1231 : vector<16xf32>
        %parallel_loop3A_1233 = arith.constant 7 : i32
        %parallel_loop3A_1234 = arith.addi %parallel_loop3A_418, %parallel_loop3A_1233 : i32
        %parallel_loop3A_1235 = arith.index_cast %parallel_loop3A_1234 : i32 to index
        %parallel_loop3A_1236 = arith.constant 32 : index
        %parallel_loop3A_1237 = tpu.vector_load %arg9[%parallel_loop3A_1235, %parallel_loop3A_1236] {strides = array<i32>} : memref<64x256xf32, #tpu.memory_space<vmem>>, vector<1x16xf32>,
        %parallel_loop3A_1238 = vector.shape_cast %parallel_loop3A_1237 : vector<1x16xf32> to vector<16xf32>
        %parallel_loop3A_1239 = arith.addf %parallel_loop3A_1127, %parallel_loop3A_1238 : vector<16xf32>
        %parallel_loop3A_1240 = arith.constant 7 : i32
        %parallel_loop3A_1241 = arith.addi %parallel_loop3A_418, %parallel_loop3A_1240 : i32
        %parallel_loop3A_1242 = arith.index_cast %parallel_loop3A_1241 : i32 to index
        %parallel_loop3A_1243 = arith.constant 48 : index
        %parallel_loop3A_1244 = tpu.vector_load %arg9[%parallel_loop3A_1242, %parallel_loop3A_1243] {strides = array<i32>} : memref<64x256xf32, #tpu.memory_space<vmem>>, vector<1x16xf32>,
        %parallel_loop3A_1245 = vector.shape_cast %parallel_loop3A_1244 : vector<1x16xf32> to vector<16xf32>
        %parallel_loop3A_1246 = arith.addf %parallel_loop3A_1134, %parallel_loop3A_1245 : vector<16xf32>
        %parallel_loop3A_1247 = arith.constant 7 : i32
        %parallel_loop3A_1248 = arith.addi %parallel_loop3A_418, %parallel_loop3A_1247 : i32
        %parallel_loop3A_1249 = arith.index_cast %parallel_loop3A_1248 : i32 to index
        %parallel_loop3A_1250 = arith.constant 64 : index
        %parallel_loop3A_1251 = tpu.vector_load %arg9[%parallel_loop3A_1249, %parallel_loop3A_1250] {strides = array<i32>} : memref<64x256xf32, #tpu.memory_space<vmem>>, vector<1x16xf32>,
        %parallel_loop3A_1252 = vector.shape_cast %parallel_loop3A_1251 : vector<1x16xf32> to vector<16xf32>
        %parallel_loop3A_1253 = arith.addf %parallel_loop3A_1141, %parallel_loop3A_1252 : vector<16xf32>
        %parallel_loop3A_1254 = arith.constant 7 : i32
        %parallel_loop3A_1255 = arith.addi %parallel_loop3A_418, %parallel_loop3A_1254 : i32
        %parallel_loop3A_1256 = arith.index_cast %parallel_loop3A_1255 : i32 to index
        %parallel_loop3A_1257 = arith.constant 80 : index
        %parallel_loop3A_1258 = tpu.vector_load %arg9[%parallel_loop3A_1256, %parallel_loop3A_1257] {strides = array<i32>} : memref<64x256xf32, #tpu.memory_space<vmem>>, vector<1x16xf32>,
        %parallel_loop3A_1259 = vector.shape_cast %parallel_loop3A_1258 : vector<1x16xf32> to vector<16xf32>
        %parallel_loop3A_1260 = arith.addf %parallel_loop3A_1148, %parallel_loop3A_1259 : vector<16xf32>
        %parallel_loop3A_1261 = arith.constant 7 : i32
        %parallel_loop3A_1262 = arith.addi %parallel_loop3A_418, %parallel_loop3A_1261 : i32
        %parallel_loop3A_1263 = arith.index_cast %parallel_loop3A_1262 : i32 to index
        %parallel_loop3A_1264 = arith.constant 96 : index
        %parallel_loop3A_1265 = tpu.vector_load %arg9[%parallel_loop3A_1263, %parallel_loop3A_1264] {strides = array<i32>} : memref<64x256xf32, #tpu.memory_space<vmem>>, vector<1x16xf32>,
        %parallel_loop3A_1266 = vector.shape_cast %parallel_loop3A_1265 : vector<1x16xf32> to vector<16xf32>
        %parallel_loop3A_1267 = arith.addf %parallel_loop3A_1155, %parallel_loop3A_1266 : vector<16xf32>
        %parallel_loop3A_1268 = arith.constant 7 : i32
        %parallel_loop3A_1269 = arith.addi %parallel_loop3A_418, %parallel_loop3A_1268 : i32
        %parallel_loop3A_1270 = arith.index_cast %parallel_loop3A_1269 : i32 to index
        %parallel_loop3A_1271 = arith.constant 112 : index
        %parallel_loop3A_1272 = tpu.vector_load %arg9[%parallel_loop3A_1270, %parallel_loop3A_1271] {strides = array<i32>} : memref<64x256xf32, #tpu.memory_space<vmem>>, vector<1x16xf32>,
        %parallel_loop3A_1273 = vector.shape_cast %parallel_loop3A_1272 : vector<1x16xf32> to vector<16xf32>
        %parallel_loop3A_1274 = arith.addf %parallel_loop3A_1162, %parallel_loop3A_1273 : vector<16xf32>
        %parallel_loop3A_1275 = arith.constant 7 : i32
        %parallel_loop3A_1276 = arith.addi %parallel_loop3A_418, %parallel_loop3A_1275 : i32
        %parallel_loop3A_1277 = arith.index_cast %parallel_loop3A_1276 : i32 to index
        %parallel_loop3A_1278 = arith.constant 128 : index
        %parallel_loop3A_1279 = tpu.vector_load %arg9[%parallel_loop3A_1277, %parallel_loop3A_1278] {strides = array<i32>} : memref<64x256xf32, #tpu.memory_space<vmem>>, vector<1x16xf32>,
        %parallel_loop3A_1280 = vector.shape_cast %parallel_loop3A_1279 : vector<1x16xf32> to vector<16xf32>
        %parallel_loop3A_1281 = arith.addf %parallel_loop3A_1169, %parallel_loop3A_1280 : vector<16xf32>
        %parallel_loop3A_1282 = arith.constant 7 : i32
        %parallel_loop3A_1283 = arith.addi %parallel_loop3A_418, %parallel_loop3A_1282 : i32
        %parallel_loop3A_1284 = arith.index_cast %parallel_loop3A_1283 : i32 to index
        %parallel_loop3A_1285 = arith.constant 144 : index
        %parallel_loop3A_1286 = tpu.vector_load %arg9[%parallel_loop3A_1284, %parallel_loop3A_1285] {strides = array<i32>} : memref<64x256xf32, #tpu.memory_space<vmem>>, vector<1x16xf32>,
        %parallel_loop3A_1287 = vector.shape_cast %parallel_loop3A_1286 : vector<1x16xf32> to vector<16xf32>
        %parallel_loop3A_1288 = arith.addf %parallel_loop3A_1176, %parallel_loop3A_1287 : vector<16xf32>
        %parallel_loop3A_1289 = arith.constant 7 : i32
        %parallel_loop3A_1290 = arith.addi %parallel_loop3A_418, %parallel_loop3A_1289 : i32
        %parallel_loop3A_1291 = arith.index_cast %parallel_loop3A_1290 : i32 to index
        %parallel_loop3A_1292 = arith.constant 160 : index
        %parallel_loop3A_1293 = tpu.vector_load %arg9[%parallel_loop3A_1291, %parallel_loop3A_1292] {strides = array<i32>} : memref<64x256xf32, #tpu.memory_space<vmem>>, vector<1x16xf32>,
        %parallel_loop3A_1294 = vector.shape_cast %parallel_loop3A_1293 : vector<1x16xf32> to vector<16xf32>
        %parallel_loop3A_1295 = arith.addf %parallel_loop3A_1183, %parallel_loop3A_1294 : vector<16xf32>
        %parallel_loop3A_1296 = arith.constant 7 : i32
        %parallel_loop3A_1297 = arith.addi %parallel_loop3A_418, %parallel_loop3A_1296 : i32
        %parallel_loop3A_1298 = arith.index_cast %parallel_loop3A_1297 : i32 to index
        %parallel_loop3A_1299 = arith.constant 176 : index
        %parallel_loop3A_1300 = tpu.vector_load %arg9[%parallel_loop3A_1298, %parallel_loop3A_1299] {strides = array<i32>} : memref<64x256xf32, #tpu.memory_space<vmem>>, vector<1x16xf32>,
        %parallel_loop3A_1301 = vector.shape_cast %parallel_loop3A_1300 : vector<1x16xf32> to vector<16xf32>
        %parallel_loop3A_1302 = arith.addf %parallel_loop3A_1190, %parallel_loop3A_1301 : vector<16xf32>
        %parallel_loop3A_1303 = arith.constant 7 : i32
        %parallel_loop3A_1304 = arith.addi %parallel_loop3A_418, %parallel_loop3A_1303 : i32
        %parallel_loop3A_1305 = arith.index_cast %parallel_loop3A_1304 : i32 to index
        %parallel_loop3A_1306 = arith.constant 192 : index
        %parallel_loop3A_1307 = tpu.vector_load %arg9[%parallel_loop3A_1305, %parallel_loop3A_1306] {strides = array<i32>} : memref<64x256xf32, #tpu.memory_space<vmem>>, vector<1x16xf32>,
        %parallel_loop3A_1308 = vector.shape_cast %parallel_loop3A_1307 : vector<1x16xf32> to vector<16xf32>
        %parallel_loop3A_1309 = arith.addf %parallel_loop3A_1197, %parallel_loop3A_1308 : vector<16xf32>
        %parallel_loop3A_1310 = arith.constant 7 : i32
        %parallel_loop3A_1311 = arith.addi %parallel_loop3A_418, %parallel_loop3A_1310 : i32
        %parallel_loop3A_1312 = arith.index_cast %parallel_loop3A_1311 : i32 to index
        %parallel_loop3A_1313 = arith.constant 208 : index
        %parallel_loop3A_1314 = tpu.vector_load %arg9[%parallel_loop3A_1312, %parallel_loop3A_1313] {strides = array<i32>} : memref<64x256xf32, #tpu.memory_space<vmem>>, vector<1x16xf32>,
        %parallel_loop3A_1315 = vector.shape_cast %parallel_loop3A_1314 : vector<1x16xf32> to vector<16xf32>
        %parallel_loop3A_1316 = arith.addf %parallel_loop3A_1204, %parallel_loop3A_1315 : vector<16xf32>
        %parallel_loop3A_1317 = arith.constant 7 : i32
        %parallel_loop3A_1318 = arith.addi %parallel_loop3A_418, %parallel_loop3A_1317 : i32
        %parallel_loop3A_1319 = arith.index_cast %parallel_loop3A_1318 : i32 to index
        %parallel_loop3A_1320 = arith.constant 224 : index
        %parallel_loop3A_1321 = tpu.vector_load %arg9[%parallel_loop3A_1319, %parallel_loop3A_1320] {strides = array<i32>} : memref<64x256xf32, #tpu.memory_space<vmem>>, vector<1x16xf32>,
        %parallel_loop3A_1322 = vector.shape_cast %parallel_loop3A_1321 : vector<1x16xf32> to vector<16xf32>
        %parallel_loop3A_1323 = arith.addf %parallel_loop3A_1211, %parallel_loop3A_1322 : vector<16xf32>
        %parallel_loop3A_1324 = arith.constant 7 : i32
        %parallel_loop3A_1325 = arith.addi %parallel_loop3A_418, %parallel_loop3A_1324 : i32
        %parallel_loop3A_1326 = arith.index_cast %parallel_loop3A_1325 : i32 to index
        %parallel_loop3A_1327 = arith.constant 240 : index
        %parallel_loop3A_1328 = tpu.vector_load %arg9[%parallel_loop3A_1326, %parallel_loop3A_1327] {strides = array<i32>} : memref<64x256xf32, #tpu.memory_space<vmem>>, vector<1x16xf32>,
        %parallel_loop3A_1329 = vector.shape_cast %parallel_loop3A_1328 : vector<1x16xf32> to vector<16xf32>
        %parallel_loop3A_1330 = arith.addf %parallel_loop3A_1218, %parallel_loop3A_1329 : vector<16xf32>
        scf.yield %parallel_loop3A_1225, %parallel_loop3A_1232, %parallel_loop3A_1239, %parallel_loop3A_1246, %parallel_loop3A_1253, %parallel_loop3A_1260, %parallel_loop3A_1267, %parallel_loop3A_1274, %parallel_loop3A_1281, %parallel_loop3A_1288, %parallel_loop3A_1295, %parallel_loop3A_1302, %parallel_loop3A_1309, %parallel_loop3A_1316, %parallel_loop3A_1323, %parallel_loop3A_1330 : vector<16xf32>, vector<16xf32>, vector<16xf32>, vector<16xf32>, vector<16xf32>, vector<16xf32>, vector<16xf32>, vector<16xf32>, vector<16xf32>, vector<16xf32>, vector<16xf32>, vector<16xf32>, vector<16xf32>, vector<16xf32>, vector<16xf32>, vector<16xf32>
      } {sc.loop_unroll_factor = 4 : i64, sc.parallel_access}
      %add3A_299 = arith.constant 4 : i32
      %add3A_300 = arith.addi %add3A_287, %add3A_299 : i32
      %lt3A_301 = arith.constant 64 : i32
      %lt3A_302 = arith.cmpi slt, %add3A_300, %lt3A_301 : i32
      %convert_element_type3A_303 = arith.extui %lt3A_302 : i1 to i32
      %cond3A_304 = arith.constant 0 : i32
      %cond3A_305 = arith.cmpi ne, %convert_element_type3A_303, %cond3A_304 : i32
      scf.if %cond3A_305 {
        %add3A_418 = arith.constant 4 : i32
        %add3A_419 = arith.addi %add3A_287, %add3A_418 : i32
        %dma_start3A_420 = arith.constant 0 : i32
        %dma_start3A_421 = tpu.memref_slice %arg5[%add3A_419, %dma_start3A_420] : memref<64x64xi32, #tpu.memory_space<vmem>> -> memref<1x64xi32, #tpu.memory_space<vmem>>
        %dma_start3A_422 = tpu.memref_squeeze %dma_start3A_421 : memref<1x64xi32, #tpu.memory_space<vmem>> -> memref<64xi32, #tpu.memory_space<vmem>>
        %dma_start3A_423 = arith.constant 0 : i32
        %dma_start3A_424 = arith.constant 0 : i32
        %dma_start3A_425 = tpu.memref_slice %arg3[%dma_start3A_423, %dma_start3A_424] : memref<131072x256xf32, #tpu.memory_space<hbm>> -> memref<131072x256xf32, #tpu.memory_space<hbm>>
        tpu.enqueue_indirect_dma source(%dma_start3A_425 : memref<131072x256xf32, #tpu.memory_space<hbm>>) target(%arg9 : memref<64x256xf32, #tpu.memory_space<vmem>>) offsets(%dma_start3A_422 : memref<64xi32, #tpu.memory_space<vmem>>) semaphore(%arg14 : memref<!tpu.dma_semaphore, #tpu.memory_space<semaphore_mem>>)
      } else {
      }
      %add3A_306 = arith.constant 1 : i32
      %add3A_307 = arith.addi %select_n3A, %add3A_306 : i32
      %swap3A_308 = arith.index_cast %add3A_307 : i32 to index
      %swap3A_309 = arith.constant 0 : index
      %swap3A_310 = tpu.vector_load %arg10[%swap3A_308, %swap3A_309] {strides = array<i32>} : memref<32x256xf32, #tpu.memory_space<vmem>>, vector<1x16xf32>,
      %swap3A_311 = vector.shape_cast %swap3A_310 : vector<1x16xf32> to vector<16xf32>
      %swap3A_312 = vector.shape_cast %parallel_loop3A_298#0 : vector<16xf32> to vector<1x16xf32>
      tpu.vector_store %arg10[%swap3A_308, %swap3A_309], %swap3A_312 {strides = array<i32>} : memref<32x256xf32, #tpu.memory_space<vmem>>, vector<1x16xf32>,
      %add3A_313 = arith.constant 1 : i32
      %add3A_314 = arith.addi %select_n3A, %add3A_313 : i32
      %swap3A_315 = arith.index_cast %add3A_314 : i32 to index
      %swap3A_316 = arith.constant 16 : index
      %swap3A_317 = tpu.vector_load %arg10[%swap3A_315, %swap3A_316] {strides = array<i32>} : memref<32x256xf32, #tpu.memory_space<vmem>>, vector<1x16xf32>,
      %swap3A_318 = vector.shape_cast %swap3A_317 : vector<1x16xf32> to vector<16xf32>
      %swap3A_319 = vector.shape_cast %parallel_loop3A_298#1 : vector<16xf32> to vector<1x16xf32>
      tpu.vector_store %arg10[%swap3A_315, %swap3A_316], %swap3A_319 {strides = array<i32>} : memref<32x256xf32, #tpu.memory_space<vmem>>, vector<1x16xf32>,
      %add3A_320 = arith.constant 1 : i32
      %add3A_321 = arith.addi %select_n3A, %add3A_320 : i32
      %swap3A_322 = arith.index_cast %add3A_321 : i32 to index
      %swap3A_323 = arith.constant 32 : index
      %swap3A_324 = tpu.vector_load %arg10[%swap3A_322, %swap3A_323] {strides = array<i32>} : memref<32x256xf32, #tpu.memory_space<vmem>>, vector<1x16xf32>,
      %swap3A_325 = vector.shape_cast %swap3A_324 : vector<1x16xf32> to vector<16xf32>
      %swap3A_326 = vector.shape_cast %parallel_loop3A_298#2 : vector<16xf32> to vector<1x16xf32>
      tpu.vector_store %arg10[%swap3A_322, %swap3A_323], %swap3A_326 {strides = array<i32>} : memref<32x256xf32, #tpu.memory_space<vmem>>, vector<1x16xf32>,
      %add3A_327 = arith.constant 1 : i32
      %add3A_328 = arith.addi %select_n3A, %add3A_327 : i32
      %swap3A_329 = arith.index_cast %add3A_328 : i32 to index
      %swap3A_330 = arith.constant 48 : index
      %swap3A_331 = tpu.vector_load %arg10[%swap3A_329, %swap3A_330] {strides = array<i32>} : memref<32x256xf32, #tpu.memory_space<vmem>>, vector<1x16xf32>,
      %swap3A_332 = vector.shape_cast %swap3A_331 : vector<1x16xf32> to vector<16xf32>
      %swap3A_333 = vector.shape_cast %parallel_loop3A_298#3 : vector<16xf32> to vector<1x16xf32>
      tpu.vector_store %arg10[%swap3A_329, %swap3A_330], %swap3A_333 {strides = array<i32>} : memref<32x256xf32, #tpu.memory_space<vmem>>, vector<1x16xf32>,
      %add3A_334 = arith.constant 1 : i32
      %add3A_335 = arith.addi %select_n3A, %add3A_334 : i32
      %swap3A_336 = arith.index_cast %add3A_335 : i32 to index
      %swap3A_337 = arith.constant 64 : index
      %swap3A_338 = tpu.vector_load %arg10[%swap3A_336, %swap3A_337] {strides = array<i32>} : memref<32x256xf32, #tpu.memory_space<vmem>>, vector<1x16xf32>,
      %swap3A_339 = vector.shape_cast %swap3A_338 : vector<1x16xf32> to vector<16xf32>
      %swap3A_340 = vector.shape_cast %parallel_loop3A_298#4 : vector<16xf32> to vector<1x16xf32>
      tpu.vector_store %arg10[%swap3A_336, %swap3A_337], %swap3A_340 {strides = array<i32>} : memref<32x256xf32, #tpu.memory_space<vmem>>, vector<1x16xf32>,
      %add3A_341 = arith.constant 1 : i32
      %add3A_342 = arith.addi %select_n3A, %add3A_341 : i32
      %swap3A_343 = arith.index_cast %add3A_342 : i32 to index
      %swap3A_344 = arith.constant 80 : index
      %swap3A_345 = tpu.vector_load %arg10[%swap3A_343, %swap3A_344] {strides = array<i32>} : memref<32x256xf32, #tpu.memory_space<vmem>>, vector<1x16xf32>,
      %swap3A_346 = vector.shape_cast %swap3A_345 : vector<1x16xf32> to vector<16xf32>
      %swap3A_347 = vector.shape_cast %parallel_loop3A_298#5 : vector<16xf32> to vector<1x16xf32>
      tpu.vector_store %arg10[%swap3A_343, %swap3A_344], %swap3A_347 {strides = array<i32>} : memref<32x256xf32, #tpu.memory_space<vmem>>, vector<1x16xf32>,
      %add3A_348 = arith.constant 1 : i32
      %add3A_349 = arith.addi %select_n3A, %add3A_348 : i32
      %swap3A_350 = arith.index_cast %add3A_349 : i32 to index
      %swap3A_351 = arith.constant 96 : index
      %swap3A_352 = tpu.vector_load %arg10[%swap3A_350, %swap3A_351] {strides = array<i32>} : memref<32x256xf32, #tpu.memory_space<vmem>>, vector<1x16xf32>,
      %swap3A_353 = vector.shape_cast %swap3A_352 : vector<1x16xf32> to vector<16xf32>
      %swap3A_354 = vector.shape_cast %parallel_loop3A_298#6 : vector<16xf32> to vector<1x16xf32>
      tpu.vector_store %arg10[%swap3A_350, %swap3A_351], %swap3A_354 {strides = array<i32>} : memref<32x256xf32, #tpu.memory_space<vmem>>, vector<1x16xf32>,
      %add3A_355 = arith.constant 1 : i32
      %add3A_356 = arith.addi %select_n3A, %add3A_355 : i32
      %swap3A_357 = arith.index_cast %add3A_356 : i32 to index
      %swap3A_358 = arith.constant 112 : index
      %swap3A_359 = tpu.vector_load %arg10[%swap3A_357, %swap3A_358] {strides = array<i32>} : memref<32x256xf32, #tpu.memory_space<vmem>>, vector<1x16xf32>,
      %swap3A_360 = vector.shape_cast %swap3A_359 : vector<1x16xf32> to vector<16xf32>
      %swap3A_361 = vector.shape_cast %parallel_loop3A_298#7 : vector<16xf32> to vector<1x16xf32>
      tpu.vector_store %arg10[%swap3A_357, %swap3A_358], %swap3A_361 {strides = array<i32>} : memref<32x256xf32, #tpu.memory_space<vmem>>, vector<1x16xf32>,
      %add3A_362 = arith.constant 1 : i32
      %add3A_363 = arith.addi %select_n3A, %add3A_362 : i32
      %swap3A_364 = arith.index_cast %add3A_363 : i32 to index
      %swap3A_365 = arith.constant 128 : index
      %swap3A_366 = tpu.vector_load %arg10[%swap3A_364, %swap3A_365] {strides = array<i32>} : memref<32x256xf32, #tpu.memory_space<vmem>>, vector<1x16xf32>,
      %swap3A_367 = vector.shape_cast %swap3A_366 : vector<1x16xf32> to vector<16xf32>
      %swap3A_368 = vector.shape_cast %parallel_loop3A_298#8 : vector<16xf32> to vector<1x16xf32>
      tpu.vector_store %arg10[%swap3A_364, %swap3A_365], %swap3A_368 {strides = array<i32>} : memref<32x256xf32, #tpu.memory_space<vmem>>, vector<1x16xf32>,
      %add3A_369 = arith.constant 1 : i32
      %add3A_370 = arith.addi %select_n3A, %add3A_369 : i32
      %swap3A_371 = arith.index_cast %add3A_370 : i32 to index
      %swap3A_372 = arith.constant 144 : index
      %swap3A_373 = tpu.vector_load %arg10[%swap3A_371, %swap3A_372] {strides = array<i32>} : memref<32x256xf32, #tpu.memory_space<vmem>>, vector<1x16xf32>,
      %swap3A_374 = vector.shape_cast %swap3A_373 : vector<1x16xf32> to vector<16xf32>
      %swap3A_375 = vector.shape_cast %parallel_loop3A_298#9 : vector<16xf32> to vector<1x16xf32>
      tpu.vector_store %arg10[%swap3A_371, %swap3A_372], %swap3A_375 {strides = array<i32>} : memref<32x256xf32, #tpu.memory_space<vmem>>, vector<1x16xf32>,
      %add3A_376 = arith.constant 1 : i32
      %add3A_377 = arith.addi %select_n3A, %add3A_376 : i32
      %swap3A_378 = arith.index_cast %add3A_377 : i32 to index
      %swap3A_379 = arith.constant 160 : index
      %swap3A_380 = tpu.vector_load %arg10[%swap3A_378, %swap3A_379] {strides = array<i32>} : memref<32x256xf32, #tpu.memory_space<vmem>>, vector<1x16xf32>,
      %swap3A_381 = vector.shape_cast %swap3A_380 : vector<1x16xf32> to vector<16xf32>
      %swap3A_382 = vector.shape_cast %parallel_loop3A_298#10 : vector<16xf32> to vector<1x16xf32>
      tpu.vector_store %arg10[%swap3A_378, %swap3A_379], %swap3A_382 {strides = array<i32>} : memref<32x256xf32, #tpu.memory_space<vmem>>, vector<1x16xf32>,
      %add3A_383 = arith.constant 1 : i32
      %add3A_384 = arith.addi %select_n3A, %add3A_383 : i32
      %swap3A_385 = arith.index_cast %add3A_384 : i32 to index
      %swap3A_386 = arith.constant 176 : index
      %swap3A_387 = tpu.vector_load %arg10[%swap3A_385, %swap3A_386] {strides = array<i32>} : memref<32x256xf32, #tpu.memory_space<vmem>>, vector<1x16xf32>,
      %swap3A_388 = vector.shape_cast %swap3A_387 : vector<1x16xf32> to vector<16xf32>
      %swap3A_389 = vector.shape_cast %parallel_loop3A_298#11 : vector<16xf32> to vector<1x16xf32>
      tpu.vector_store %arg10[%swap3A_385, %swap3A_386], %swap3A_389 {strides = array<i32>} : memref<32x256xf32, #tpu.memory_space<vmem>>, vector<1x16xf32>,
      %add3A_390 = arith.constant 1 : i32
      %add3A_391 = arith.addi %select_n3A, %add3A_390 : i32
      %swap3A_392 = arith.index_cast %add3A_391 : i32 to index
      %swap3A_393 = arith.constant 192 : index
      %swap3A_394 = tpu.vector_load %arg10[%swap3A_392, %swap3A_393] {strides = array<i32>} : memref<32x256xf32, #tpu.memory_space<vmem>>, vector<1x16xf32>,
      %swap3A_395 = vector.shape_cast %swap3A_394 : vector<1x16xf32> to vector<16xf32>
      %swap3A_396 = vector.shape_cast %parallel_loop3A_298#12 : vector<16xf32> to vector<1x16xf32>
      tpu.vector_store %arg10[%swap3A_392, %swap3A_393], %swap3A_396 {strides = array<i32>} : memref<32x256xf32, #tpu.memory_space<vmem>>, vector<1x16xf32>,
      %add3A_397 = arith.constant 1 : i32
      %add3A_398 = arith.addi %select_n3A, %add3A_397 : i32
      %swap3A_399 = arith.index_cast %add3A_398 : i32 to index
      %swap3A_400 = arith.constant 208 : index
      %swap3A_401 = tpu.vector_load %arg10[%swap3A_399, %swap3A_400] {strides = array<i32>} : memref<32x256xf32, #tpu.memory_space<vmem>>, vector<1x16xf32>,
      %swap3A_402 = vector.shape_cast %swap3A_401 : vector<1x16xf32> to vector<16xf32>
      %swap3A_403 = vector.shape_cast %parallel_loop3A_298#13 : vector<16xf32> to vector<1x16xf32>
      tpu.vector_store %arg10[%swap3A_399, %swap3A_400], %swap3A_403 {strides = array<i32>} : memref<32x256xf32, #tpu.memory_space<vmem>>, vector<1x16xf32>,
      %add3A_404 = arith.constant 1 : i32
      %add3A_405 = arith.addi %select_n3A, %add3A_404 : i32
      %swap3A_406 = arith.index_cast %add3A_405 : i32 to index
      %swap3A_407 = arith.constant 224 : index
      %swap3A_408 = tpu.vector_load %arg10[%swap3A_406, %swap3A_407] {strides = array<i32>} : memref<32x256xf32, #tpu.memory_space<vmem>>, vector<1x16xf32>,
      %swap3A_409 = vector.shape_cast %swap3A_408 : vector<1x16xf32> to vector<16xf32>
      %swap3A_410 = vector.shape_cast %parallel_loop3A_298#14 : vector<16xf32> to vector<1x16xf32>
      tpu.vector_store %arg10[%swap3A_406, %swap3A_407], %swap3A_410 {strides = array<i32>} : memref<32x256xf32, #tpu.memory_space<vmem>>, vector<1x16xf32>,
      %add3A_411 = arith.constant 1 : i32
      %add3A_412 = arith.addi %select_n3A, %add3A_411 : i32
      %swap3A_413 = arith.index_cast %add3A_412 : i32 to index
      %swap3A_414 = arith.constant 240 : index
      %swap3A_415 = tpu.vector_load %arg10[%swap3A_413, %swap3A_414] {strides = array<i32>} : memref<32x256xf32, #tpu.memory_space<vmem>>, vector<1x16xf32>,
      %swap3A_416 = vector.shape_cast %swap3A_415 : vector<1x16xf32> to vector<16xf32>
      %swap3A_417 = vector.shape_cast %parallel_loop3A_298#15 : vector<16xf32> to vector<1x16xf32>
      tpu.vector_store %arg10[%swap3A_413, %swap3A_414], %swap3A_417 {strides = array<i32>} : memref<32x256xf32, #tpu.memory_space<vmem>>, vector<1x16xf32>,
    }
    %scan3A_35 = arith.constant 16 : i32
    "tpu.region"() ({
      %run_scoped3A = tpu.sem_alloc : memref<!tpu.dma_semaphore, #tpu.memory_space<semaphore_mem>>
      %dma_start3A_36 = arith.constant 0 : i32
      %dma_start3A_37 = tpu.memref_slice %arg4[%mul3A_2, %dma_start3A_36] : memref<1024x256xf32, #tpu.memory_space<hbm>> -> memref<32x256xf32, #tpu.memory_space<hbm>>
      %dma_start3A_38 = arith.constant 0 : i32
      %dma_start3A_39 = tpu.memref_slice %arg4[%mul3A_2, %dma_start3A_38] : memref<1024x256xf32, #tpu.memory_space<hbm>> -> memref<32x256xf32, #tpu.memory_space<hbm>>
      tpu.enqueue_dma source(%arg10 : memref<32x256xf32, #tpu.memory_space<vmem>>) target(%dma_start3A_39 : memref<32x256xf32, #tpu.memory_space<hbm>>) target_semaphore(%run_scoped3A : memref<!tpu.dma_semaphore, #tpu.memory_space<semaphore_mem>>)
      %dma_wait3A = arith.constant 0 : i32
      %dma_wait3A_40 = tpu.memref_slice %arg4[%mul3A_2, %dma_wait3A] : memref<1024x256xf32, #tpu.memory_space<hbm>> -> memref<32x256xf32, #tpu.memory_space<hbm>>
      %dma_wait3A_41 = arith.constant 0 : i32
      %dma_wait3A_42 = tpu.memref_slice %arg4[%mul3A_2, %dma_wait3A_41] : memref<1024x256xf32, #tpu.memory_space<hbm>> -> memref<32x256xf32, #tpu.memory_space<hbm>>
      tpu.wait_dma2 semaphore(%run_scoped3A : memref<!tpu.dma_semaphore, #tpu.memory_space<semaphore_mem>>) src(%arg10 : memref<32x256xf32, #tpu.memory_space<vmem>>) dst(%dma_wait3A_42 : memref<32x256xf32, #tpu.memory_space<hbm>>)
      tpu.yield
    }) : () -> ()
    return
  }
}

module attributes {stable_mosaic.version = 14 : i64} {
  func.func @_tc_gate_body(%arg0: memref<1024x256xf32, #tpu.memory_space<vmem>>, %arg1: memref<256x256xf32, #tpu.memory_space<vmem>>, %arg2: memref<1x256xf32, #tpu.memory_space<vmem>>, %arg3: memref<1024x256xf32, #tpu.memory_space<vmem>>) attributes {dimension_semantics = [], scalar_prefetch = 0 : i64, scratch_operands = 0 : i64, tpu.core_type = #tpu.core_type<tc>} {
    %get3A = arith.constant 0 : index
    %get3A_0 = arith.constant 0 : index
    %get3A_1 = vector.load %arg0[%get3A, %get3A_0] : memref<1024x256xf32, #tpu.memory_space<vmem>>, vector<1024x256xf32>
    %mul3A = arith.constant 7.812500e-03 : f32
    %mul3A_2 = vector.broadcast %mul3A : f32 to vector<1024x256xf32>
    %mul3A_3 = arith.mulf %get3A_1, %mul3A_2 : vector<1024x256xf32>
    %get3A_4 = arith.constant 0 : index
    %get3A_5 = arith.constant 0 : index
    %get3A_6 = vector.load %arg1[%get3A_4, %get3A_5] : memref<256x256xf32, #tpu.memory_space<vmem>>, vector<256x256xf32>
    %dot_general3A = arith.constant dense<0.000000e+00> : vector<1024x256xf32>
    %dot_general3A_7 = tpu.matmul %mul3A_3, %get3A_6, %dot_general3A {dimension_numbers = #tpu.dot_dimension_numbers<[1], [1], [0], [0], [0, 0, 1, 0], [], []>, transpose_lhs_hint = false} : vector<1024x256xf32>, vector<256x256xf32>, vector<1024x256xf32> -> vector<1024x256xf32>
    %get3A_8 = arith.constant 0 : index
    %get3A_9 = arith.constant 0 : index
    %get3A_10 = vector.load %arg2[%get3A_8, %get3A_9] : memref<1x256xf32, #tpu.memory_space<vmem>>, vector<1x256xf32>
    %add3A = vector.broadcast %get3A_10 : vector<1x256xf32> to vector<1024x256xf32>
    %add3A_11 = arith.addf %dot_general3A_7, %add3A : vector<1024x256xf32>
    %logistic3A = arith.negf %add3A_11 : vector<1024x256xf32>
    %logistic3A_12 = math.exp %logistic3A : vector<1024x256xf32>
    %logistic3A_13 = arith.constant 1.000000e+00 : f32
    %logistic3A_14 = vector.broadcast %logistic3A_13 : f32 to vector<1024x256xf32>
    %logistic3A_15 = arith.addf %logistic3A_14, %logistic3A_12 : vector<1024x256xf32>
    %logistic3A_16 = arith.divf %logistic3A_14, %logistic3A_15 : vector<1024x256xf32>
    %swap3A = arith.constant 0 : index
    %swap3A_17 = arith.constant 0 : index
    %swap3A_18 = vector.load %arg3[%swap3A, %swap3A_17] : memref<1024x256xf32, #tpu.memory_space<vmem>>, vector<1024x256xf32>
    tpu.vector_store %arg3[%swap3A, %swap3A_17], %logistic3A_16 {strides = array<i32>} : memref<1024x256xf32, #tpu.memory_space<vmem>>, vector<1024x256xf32>,
    return
  }
}

</mosaic_0001>

<sc_bundles>
// kernel: kernel.4.cloned.1.call-start
scs
__scs_entry_jumppad:
0x0: {  	(pc) =	sbr.rel $0x88, $3  }
0x1: {  	(tag) =	ssettag $0x0;
	lr =	simm.s32 $0x1  }
0x2: {  	[smem:$0x3F9D] =	sst lr;
	_ =	strace $0xD0000000  }
0x3: {  	_ = 	snop  }
0x4: {  	_ = 	snop  }
0x5: {  	_ = 	snop  }
0x6: {  	_ = 	snop  }
0x7: {  	_ = 	snop  }
__scs_overlays_trampoline_lowered:
0x8: {  	[smem:$0x3FAC] =	sst s0  }
0x9: {  	[smem:$0x3FAD] =	sst s1  }
0xa: {  	[smem:$0x3FAE] =	sst s2  }
0xb: {  	[smem:$0x3FAF] =	sst s3  }
0xc: {  	[smem:$0x3FB0] =	sst s4  }
0xd: {  	[smem:$0x3FB1] =	sst s5  }
0xe: {  	[smem:$0x3FB2] =	sst s6  }
0xf: {  	[smem:$0x3FB3] =	sst s7  }
0x10: {  	[smem:$0x3FB4] =	sst s8  }
0x11: {  	[smem:$0x3FB5] =	sst s9;
	s0 =	simm.s32 @!p0 $0x0  }
0x12: {  	s1 =	sld [smem:$0x3F9B];
	s0 =	simm.s32 @p0 $0x1  }
0x13: {  	[smem:$0x3FB6] =	sst s0;
	s0 =	simm.s32 @!p1 $0x0  }
0x14: {  	s2 =	sld [smem:$0x3F9A];
	s0 =	simm.s32 @p1 $0x1  }
0x15: {  	[smem:$0x3FB7] =	sst s0;
	s0 =	simm.s32 @!p2 $0x0  }
0x16: {  	s3 =	sld [smem:$0x3FDB];
	s0 =	simm.s32 @p2 $0x1  }
0x17: {  	s4 =	simm.s32 $0x1BF5;
	[smem:$0x3FB9] =	sst s0  }
0x18: {  	s0 =	sld [smem:$0x3F9C];
	_ =	swait.ge [sflag:s4], $0x0  }
0x19: {  	s7 =	sld [smem:$0x3F9D]  }
0x1a: {  	s8 =	sadd.s32 $0xFFFFE003, lr  }
0x1b: {  	s9 =	sadd.s32 $0xFFFFFEF7, lr;
	s5 =	simm.s32 $0xFFFFFFFF;
	p2 =	slt.u32 s8, $0xFFFFF086  }
0x1c: {  	p1 =	slt.u32 s9, $0xF7A;
	s5 =	simm.s32 @!p2 $0x0  }
0x1d: {  	s5 =	simm.s32 @p1 $0x1;
	p0 =	seq.s32 s7, s2  }
0x1e: {  	s7 =	smul.u32 @!p0 $0xF7A, s2;
	p2 =	seq.s32 @!p0 s5, $0x0  }
0x1f: {  	s9 =	smul.u32 $0xF7A, s1;
	s8 =	simm.s32 @!p0 $0x1BF5;
	p2 =	por !p2, p0  }
0x20: {  	[sflag:s8] =	ssyncset.s32 @!p0 $0xFFFFF086;
	s6 =	sadd.s32 @!p0 s3, s7;
	s7 =	simm.s32 @!p0 $0x108  }
0x21: {  	s3 =	sadd.s32 s3, s9;
	s6 =	sadd.s32 @!p0 $0x88, s6;
	s7 =	simm.s32 @p2 $0x1082  }
0x22: {  	[simem:s7], [sflag:s8] =	dma.local @!p0 [hbm:s6], $0xF7A  }
0x23: {  	s9 =	sor.u32 $0xD0000000, s2;
	s6 =	simm.s32 $0x108;
	_ =	swait.ge @!p0 [sflag:s8], $0x0  }
0x24: {  	s3 =	sadd.s32 $0x88, s3;
	s6 =	simm.s32 @!p1 $0x1082;
	[sflag:s4] =	ssyncset.s32 $0xFFFFF086  }
0x25: {  	[simem:s6], [sflag:s4] =	dma.local [hbm:s3], $0xF7A  }
0x26: {  	[smem:$0x3F9D] =	sst s1;
	(tag) =	ssettag s2;
	_ =	strace s9  }
0x27: {  	s1 =	sld [smem:$0x3FAD]  }
0x28: {  	s2 =	sld [smem:$0x3FAE]  }
0x29: {  	s4 =	sld [smem:$0x3FB0]  }
0x2a: {  	p0 =	seq.s32 s5, $0x0;
	s5 =	sld [smem:$0x3FB1]  }
0x2b: {  	s6 =	sld [smem:$0x3FB2]  }
0x2c: {  	s7 =	sld [smem:$0x3FB3]  }
0x2d: {  	s3 =	simm.s32 $0x108;
	s8 =	sld [smem:$0x3FB4]  }
0x2e: {  	s3 =	simm.s32 @!p0 $0x1082;
	s9 =	sld [smem:$0x3FB5]  }
0x2f: {  	lr =	sadd.s32 s0, s3;
	s0 =	sld [smem:$0x3FAC]  }
0x30: {  	s3 =	sld [smem:$0x3FAF]  }
0x31: {  	[smem:$0x3FB8] =	sst s10  }
0x32: {  	s10 =	sld [smem:$0x3FB6];
	_ =	sdelay $0x3  }
0x33: {  	p0 =	seq.s32 s10, $0x1;
	s10 =	sld [smem:$0x3FB8];
	_ =	sdelay $0x3  }
0x34: {  	[smem:$0x3FB8] =	sst s10  }
0x35: {  	s10 =	sld [smem:$0x3FB7];
	_ =	sdelay $0x3  }
0x36: {  	p1 =	seq.s32 s10, $0x1;
	s10 =	sld [smem:$0x3FB8];
	_ =	sdelay $0x3  }
0x37: {  	[smem:$0x3FB8] =	sst s10  }
0x38: {  	s10 =	sld [smem:$0x3FB9]  }
0x39: {  	_ = 	snop;
	(pc) =	sbr.ind lr, $3  }
0x3a: {  	_ = 	snop  }
0x3b: {  	_ = 	snop  }
0x3c: {  	p2 =	seq.s32 s10, $0x1;
	s10 =	sld [smem:$0x3FB8]  }
0x3d: {  	_ =	shalt  }
0x3e: {  	_ =	shalt  }
0x3f: {  	_ =	shalt  }
0x40: {  	_ =	shalt  }
0x41: {  	_ =	shalt  }
0x42: {  	_ =	shalt  }
0x43: {  	_ =	shalt  }
0x44: {  	_ =	shalt  }
0x45: {  	_ =	shalt  }
0x46: {  	_ =	shalt  }
0x47: {  	_ =	shalt  }
0x48: {  	_ =	shalt  }
0x49: {  	_ =	shalt  }
0x4a: {  	_ =	shalt  }
0x4b: {  	_ =	shalt  }
0x4c: {  	_ =	shalt  }
0x4d: {  	_ =	shalt  }
0x4e: {  	_ =	shalt  }
0x4f: {  	_ =	shalt  }
0x50: {  	_ =	shalt  }
0x51: {  	_ =	shalt  }
0x52: {  	_ =	shalt  }
0x53: {  	_ =	shalt  }
0x54: {  	_ =	shalt  }
0x55: {  	_ =	shalt  }
0x56: {  	_ =	shalt  }
0x57: {  	_ =	shalt  }
0x58: {  	_ =	shalt  }
0x59: {  	_ =	shalt  }
0x5a: {  	_ =	shalt  }
0x5b: {  	_ =	shalt  }
0x5c: {  	_ =	shalt  }
0x5d: {  	_ =	shalt  }
0x5e: {  	_ =	shalt  }
0x5f: {  	_ =	shalt  }
0x60: {  	_ =	shalt  }
0x61: {  	_ =	shalt  }
0x62: {  	_ =	shalt  }
0x63: {  	_ =	shalt  }
0x64: {  	_ =	shalt  }
0x65: {  	_ =	shalt  }
0x66: {  	_ =	shalt  }
0x67: {  	_ =	shalt  }
0x68: {  	_ =	shalt  }
0x69: {  	_ =	shalt  }
0x6a: {  	_ =	shalt  }
0x6b: {  	_ =	shalt  }
0x6c: {  	_ =	shalt  }
0x6d: {  	_ =	shalt  }
0x6e: {  	_ =	shalt  }
0x6f: {  	_ =	shalt  }
0x70: {  	_ =	shalt  }
0x71: {  	_ =	shalt  }
0x72: {  	_ =	shalt  }
0x73: {  	_ =	shalt  }
0x74: {  	_ =	shalt  }
0x75: {  	_ =	shalt  }
0x76: {  	_ =	shalt  }
0x77: {  	_ =	shalt  }
0x78: {  	_ =	shalt  }
0x79: {  	_ =	shalt  }
0x7a: {  	_ =	shalt  }
0x7b: {  	_ =	shalt  }
0x7c: {  	_ =	shalt  }
0x7d: {  	_ =	shalt  }
0x7e: {  	_ =	shalt  }
0x7f: {  	_ =	shalt  }
0x80: {  	_ =	shalt  }
0x81: {  	_ =	shalt  }
0x82: {  	_ =	shalt  }
0x83: {  	_ =	shalt  }
0x84: {  	_ =	shalt  }
0x85: {  	_ =	shalt  }
0x86: {  	_ =	shalt  }
0x87: {  	_ =	shalt  }
.Lfunc_end0:
.L_simem_size_0:
called_computation_lowered:
.L_overlay_start_0:
0x88: {  	s2 =	sld [smem:$0x3FD9]  }
0x89: {  	s3 =	sld [smem:$0x3FFE];
	_ =	sdelay $0x1  }
0x8a: {  	s1 =	srdreg.scid  }
0x8b: {  	s0 =	sand.u32 $0x1, s1  }
0x8c: {  	s17 =	sshll.u32 s0, $0xA;
	s2 =	sadd.s32 s3, s2  }
0x8d: {  	s2 =	sadd.s32 s2, s17  }
0x8e: {  	[smem:$0x3FC4] =	sst s2  }
0x8f: {  	_ = 	snop  }
0x90: {  	s2 =	sld [smem:$0x3FC9]  }
0x91: {  	s18 =	sld [smem:$0x3FD0];
	(tm) =	ssettm $0x1  }
0x92: {  	s4 =	sld [smem:$0x3FFB];
	_ =	sdelay $0x3  }
0x93: {  	_ =	strace s4  }
0x94: {  	s4 =	sld [smem:$0x3FFC];
	_ =	sdelay $0x3  }
0x95: {  	_ =	strace s4  }
0x96: {  	s4 =	sld [smem:$0x3FFD];
	_ =	sdelay $0x3  }
0x97: {  	_ =	strace s4  }
0x98: {  	_ =	strace $0x8FFFFFFF  }
0x99: {  	s19 =	sld [smem:$0x3FDB];
	_ =	sdelay $0x1  }
0x9a: {  	s5 =	simm.s32 $_scs_section_size  }
0x9b: {  	s6 =	simm.s32 $_size__tile_overlayer_lowered;
	s7 =	simm.s32 $_tile_overlayer_lowered  }
0x9c: {  	s22 =	simm.s32 $0x1BFF;
	s21 =	sshll.u32 s7, $0x1;
	s4 =	sadd.s32 s5, s19  }
0x9d: {  	s8 =	simm.s32 $0x0;
	s20 =	sshll.u32 s6, $0x1;
	s6 =	sadd.s32 s21, s4  }
0x9e: {  	[timem:s8], [sflag:s22] =	dma.local [hbm:s6], s20  }
0x9f: {  	_ =	swait.ge [sflag:s22], s20  }
0xa0: {  	s5 =	ssub.s32 $0x0, s20;
	[sflag:s22] =	ssyncset.done $0x0  }
0xa1: {  	[sflag:s22] =	ssyncadd.s32 s5;
	_ =	sdelay $0x1  }
0xa2: {  	s23 =	simm.s32 $0x1B8B  }
0xa3: {  	_ =	swait.ge [sflag:s23], $0x1  }
0xa4: {  	[sflag:s23] =	ssyncset.done $0x0  }
0xa5: {  	s25 =	simm.s32 $0x1B8E;
	s24 =	sld [smem:$0x3FFE];
	[sflag:s23] =	ssyncadd.s32 $0xFFFFFFFF  }
0xa6: {  	s26 =	simm.s32 $execute0_lowered;
	[smem:$0x3FD2] =	sst s25  }
0xa7: {  	s6 =	sshll.u32 s26, $0x1;
	_ =	strace $0x80000046;
	[dreg:$0x1] =	wrdreg $0xFFFFFFFF  }
0xa8: {  	s28 =	simm.s32 $_size_execute0_lowered;
	s4 =	sadd.s32 s4, s6;
	[dreg:$0x0] =	wrdreg $0x0  }
0xa9: {  	s6 =	sshll.u32 s28, $0x1;
	[dreg:$0x2] =	wrdreg s4  }
0xaa: {  	[dreg:$0x3] =	wrdreg s6  }
0xab: {  	[dreg:$0x4] =	wrdreg $0xC0  }
0xac: {  	_ =	task [dreg:s8], $0x5FFFF  }
0xad: {  	[dreg:$0x1] =	wrdreg $0xFFFFFFFF  }
0xae: {  	[dreg:$0x0] =	wrdreg $0x60  }
0xaf: {  	[dreg:$0x2] =	wrdreg s18  }
0xb0: {  	[dreg:$0x3] =	wrdreg s2  }
0xb1: {  	[dreg:$0x4] =	wrdreg s24  }
0xb2: {  	[dreg:$0x5] =	wrdreg $0x9  }
0xb3: {  	_ =	task.clear_ibuf [dreg:s8], $0x6FFFF;
	_ =	strace $0x90000046  }
0xb4: {  	s29 =	simm.s32 $0x9;
	_ =	strace $0x80000048  }
0xb5: {  	_ =	swait.ge [sflag:s29], $0x1  }
0xb6: {  	[sflag:s29] =	ssyncadd.s32 $0xFFFFFFFF  }
0xb7: {  	_ =	strace $0x90000048  }
0xb8: {  	_ =	sfence  }
0xb9: {  	s30 =	sld [smem:$0x0];
	_ =	sdelay $0x2  }
0xba: {  	s31 =	sshll.u32 s1, $0xD;
	s1 =	sshrl.u32 s1, $0x2  }
0xbb: {  	s3 =	sand.u32 $0x4000, s31;
	s1 =	sadd.s32 s1, s30  }
0xbc: {  	s0 =	sor.u32 s3, s0;
	s1 =	sshll.u32 s1, $0x11  }
0xbd: {  	s0 =	sor.u32 s1, s0  }
0xbe: {  	s0 =	sadd.s32 $0x8F2B, s0  }
0xbf: {  	[sflag:s0] =	ssyncadd.remote.s32 $0x1  }
0xc0: {  	_ =	sfence.sel $0xFFFF  }
0xc1: {  	[dreg:$0x0] =	wrdreg $0xFFFFFFFF;
	(pc) =	sbr.abs _section_cstart, $3  }
0xc2: {  	[dreg:$0x1] =	wrdreg $0xFFFFFFFF  }
0xc3: {  	_ =	task.clear_ibuf [dreg:s8], $0x2FFFF;
	_ =	strace $0x9FFFFFFF  }
0xc4: {  	(tm) =	ssettm $0x7FFFFFFF  }
0xc5: {  	_ =	shalt  }
tec
execute0_lowered:
.L_overlay_start_1:
0x0: {  	(tag) =	ssettag $0x1  }
0x1: {  	s0 =	rddreg [dreg:$0x0]  }
0x2: {  	s1 =	rddreg [dreg:$0x1]  }
0x3: {  	s2 =	rddreg [dreg:$0x2];
	s4 =	srdreg.scid  }
0x4: {  	s3 =	simm.s32 $0x0;
	s5 =	stileid.u32;
	s7 =	simm.s32 $0x5  }
0x5: {  	s28 =	simm.s32 $0xB800;
	s29 =	simm.s32 $0xC000;
	s30 =	simm.s32 $0xC800  }
0x6: {  	s31 =	simm.s32 $0xD000;
	s8 =	simm.s32 $0xE800;
	s9 =	simm.s32 $0xF000  }
0x7: {  	s10 =	simm.s32 $0xF800;
	s11 =	simm.s32 $0x10000;
	s12 =	simm.s32 $0x10800  }
0x8: {  	s13 =	simm.s32 $0x11000;
	s14 =	simm.s32 $0x11800;
	s15 =	simm.s32 $0x1  }
0x9: {  	s16 =	simm.s32 $0x2;
	s17 =	simm.s32 $0x3;
	s18 =	simm.s32 $0x4  }
0xa: {  	s19 =	simm.s32 $0x12000;
	s20 =	simm.s32 $0x0;
	s4 =	sand.u32 $0x1, s4  }
0xb: {  	v0 =	vlaneseq.u32;
	s5 =	sshll.u32 s5, $0xB;
	s6 =	sshll.u32 s4, $0xA;
	s4 =	ssub.s32 $0x2, s4  }
0xc: {  	[smem:$0x7FF] =	sst s3;
	v1 =	vand.u32 $0x7, v0;
	v63 =	vshrl.u32 v0, $0x3;
	s5 =	sor.u32 s6, s5;
	s26 =	sshrl.u32 s4, $0x1  }
0xd: {  	v0 =	vor.u32 $0x8, v0;
	_ =	strace $0x80000047;
	[tilespmem:$0x1FFD0] =	vst v1;
	v1 =	vmul.u32 $0x8, v63;
	s2 =	sadd.s32 s5, s2;
	s6 =	ssub.s32 s4, s26  }
0xe: {  	[tilespmem:$0x1FFF0] =	vst v0;
	s4 =	sadd.s32 s0, s5;
	s26 =	simm.s32 $0xB000;
	s0 =	simm.s32 $0xD800  }
0xf: {  	vm0 =	vmmov $0xffff;
	[tilespmem:$0x1FFE0] =	vst v1;
	s5 =	sadd.s32 $0xA00, s2;
	s6 =	smax.u32 s6, $0x1;
	s2 =	simm.s32 $0xE000  }
.LBB2_1:
0x10: {  	[tilespmem:s3], [sflag:$0x5] =	stream.linear.gather [hbm4b:s4+s3], $0x2000, $0x38;
	[tilespmem:$0x14000] =	vst v63  }
0x11: {  	_ =	swait.ge [sflag:s7], $0x2000  }
0x12: {  	[sflag:s7] =	ssyncset.done $0x0  }
0x13: {  	[sflag:s7] =	ssyncadd.s32 $0xFFFFE000  }
0x14: {  	v0 =	vld [tilespmem:$0x0];
	_ =	sdelay $0x2  }
0x15: {  	v2 =	vld [tilespmem:$0x1FFD0]  }
0x16: {  	v3 =	vld [tilespmem:$0x1FFE0]  }
0x17: {  	v4 =	vld [tilespmem:$0x1FFF0];
	v1 =	vshll.u32 v0, $0x1  }
0x18: {  	v0 =	vand.u32 $0x7, v0;
	v1 =	vand.u32 $0xFFFFFFF0, v1  }
0x19: {  	v0 =	vor.u32 v0, v1  }
0x1a: {  	v1 =	vperm.xlane v0, v2;
	_ =	sdelay $0x1  }
0x1b: {  	v0 =	vperm.xlane v0, v4;
	v1 =	vadd.s32 v3, v1;
	_ =	sdelay $0x1  }
0x1c: {  	v0 =	vadd.s32 v3, v0;
	_ =	sdelay $0x1  }
0x1d: {  	s21 =	simm.s32 $0x2000  }
0x1e: {  	[tilespmem:s21], [sflag:$0x1] =	stream.indirect_vreg.gather [hbm4b:s1+s3], $0x80, v1, vm0, $0xb8;
	[tilespmem:$0x14000] =	vst v63  }
0x1f: {  	s25 =	simm.s32 $0x2800  }
0x20: {  	[tilespmem:s25], [sflag:$0x1] =	stream.indirect_vreg.gather [hbm4b:s1+s3], $0x80, v0, vm0, $0xb8;
	[tilespmem:$0x14000] =	vst v63  }
0x21: {  	v0 =	vld [tilespmem:$0x10];
	_ =	sdelay $0x4  }
0x22: {  	v49 =	vshll.u32 v0, $0x1  }
0x23: {  	v0 =	vand.u32 $0x7, v0;
	v1 =	vand.u32 $0xFFFFFFF0, v49  }
0x24: {  	v0 =	vor.u32 v0, v1  }
0x25: {  	v1 =	vperm.xlane v0, v2;
	_ =	sdelay $0x1  }
0x26: {  	v0 =	vperm.xlane v0, v4;
	v1 =	vadd.s32 v3, v1;
	_ =	sdelay $0x1  }
0x27: {  	v0 =	vadd.s32 v3, v0;
	_ =	sdelay $0x1  }
0x28: {  	s22 =	simm.s32 $0x3000  }
0x29: {  	[tilespmem:s22], [sflag:$0x1] =	stream.indirect_vreg.gather [hbm4b:s1+s3], $0x80, v1, vm0, $0xb8;
	[tilespmem:$0x14000] =	vst v63  }
0x2a: {  	s23 =	simm.s32 $0x3800  }
0x2b: {  	[tilespmem:s23], [sflag:$0x1] =	stream.indirect_vreg.gather [hbm4b:s1+s3], $0x80, v0, vm0, $0xb8;
	[tilespmem:$0x14000] =	vst v63  }
0x2c: {  	v0 =	vld [tilespmem:$0x20];
	_ =	sdelay $0x4  }
0x2d: {  	v50 =	vshll.u32 v0, $0x1  }
0x2e: {  	v0 =	vand.u32 $0x7, v0;
	v1 =	vand.u32 $0xFFFFFFF0, v50  }
0x2f: {  	v0 =	vor.u32 v0, v1  }
0x30: {  	v1 =	vperm.xlane v0, v2;
	_ =	sdelay $0x1  }
0x31: {  	v0 =	vperm.xlane v0, v4;
	v1 =	vadd.s32 v3, v1;
	_ =	sdelay $0x1  }
0x32: {  	v0 =	vadd.s32 v3, v0;
	_ =	sdelay $0x1  }
0x33: {  	s24 =	simm.s32 $0x4000  }
0x34: {  	[tilespmem:s24], [sflag:$0x1] =	stream.indirect_vreg.gather [hbm4b:s1+s3], $0x80, v1, vm0, $0xb8;
	[tilespmem:$0x14000] =	vst v63  }
0x35: {  	s25 =	simm.s32 $0x4800  }
0x36: {  	[tilespmem:s25], [sflag:$0x1] =	stream.indirect_vreg.gather [hbm4b:s1+s3], $0x80, v0, vm0, $0xb8;
	[tilespmem:$0x14000] =	vst v63  }
0x37: {  	v0 =	vld [tilespmem:$0x30];
	_ =	sdelay $0x4  }
0x38: {  	v51 =	vshll.u32 v0, $0x1  }
0x39: {  	v0 =	vand.u32 $0x7, v0;
	v1 =	vand.u32 $0xFFFFFFF0, v51  }
0x3a: {  	v0 =	vor.u32 v0, v1  }
0x3b: {  	v1 =	vperm.xlane v0, v2;
	_ =	sdelay $0x1  }
0x3c: {  	v0 =	vperm.xlane v0, v4;
	v1 =	vadd.s32 v3, v1;
	_ =	sdelay $0x1  }
0x3d: {  	v0 =	vadd.s32 v3, v0;
	_ =	sdelay $0x1  }
0x3e: {  	s22 =	simm.s32 $0x5000  }
0x3f: {  	[tilespmem:s22], [sflag:$0x1] =	stream.indirect_vreg.gather [hbm4b:s1+s3], $0x80, v1, vm0, $0xb8;
	[tilespmem:$0x14000] =	vst v63  }
0x40: {  	s23 =	simm.s32 $0x5800  }
0x41: {  	[tilespmem:s23], [sflag:$0x1] =	stream.indirect_vreg.gather [hbm4b:s1+s3], $0x80, v0, vm0, $0xb8;
	[tilespmem:$0x14000] =	vst v63  }
0x42: {  	v0 =	vld [tilespmem:$0x80];
	_ =	sdelay $0x4  }
0x43: {  	v52 =	vshll.u32 v0, $0x1  }
0x44: {  	v0 =	vand.u32 $0x7, v0;
	v1 =	vand.u32 $0xFFFFFFF0, v52  }
0x45: {  	v0 =	vor.u32 v0, v1  }
0x46: {  	v1 =	vperm.xlane v0, v2;
	_ =	sdelay $0x1  }
0x47: {  	v0 =	vperm.xlane v0, v4;
	v1 =	vadd.s32 v3, v1;
	_ =	sdelay $0x1  }
0x48: {  	v0 =	vadd.s32 v3, v0;
	_ =	sdelay $0x1  }
0x49: {  	s24 =	simm.s32 $0x6000  }
0x4a: {  	[tilespmem:s24], [sflag:$0x2] =	stream.indirect_vreg.gather [hbm4b:s1+s3], $0x80, v1, vm0, $0xb8;
	[tilespmem:$0x14000] =	vst v63  }
0x4b: {  	s25 =	simm.s32 $0x6800  }
0x4c: {  	[tilespmem:s25], [sflag:$0x2] =	stream.indirect_vreg.gather [hbm4b:s1+s3], $0x80, v0, vm0, $0xb8;
	[tilespmem:$0x14000] =	vst v63  }
0x4d: {  	v0 =	vld [tilespmem:$0x90];
	_ =	sdelay $0x4  }
0x4e: {  	v53 =	vshll.u32 v0, $0x1  }
0x4f: {  	v0 =	vand.u32 $0x7, v0;
	v1 =	vand.u32 $0xFFFFFFF0, v53  }
0x50: {  	v0 =	vor.u32 v0, v1  }
0x51: {  	v1 =	vperm.xlane v0, v2;
	_ =	sdelay $0x1  }
0x52: {  	v0 =	vperm.xlane v0, v4;
	v1 =	vadd.s32 v3, v1;
	_ =	sdelay $0x1  }
0x53: {  	v0 =	vadd.s32 v3, v0;
	_ =	sdelay $0x1  }
0x54: {  	s22 =	simm.s32 $0x7000  }
0x55: {  	[tilespmem:s22], [sflag:$0x2] =	stream.indirect_vreg.gather [hbm4b:s1+s3], $0x80, v1, vm0, $0xb8;
	[tilespmem:$0x14000] =	vst v63  }
0x56: {  	s23 =	simm.s32 $0x7800  }
0x57: {  	[tilespmem:s23], [sflag:$0x2] =	stream.indirect_vreg.gather [hbm4b:s1+s3], $0x80, v0, vm0, $0xb8;
	[tilespmem:$0x14000] =	vst v63  }
0x58: {  	v0 =	vld [tilespmem:$0xA0];
	_ =	sdelay $0x4  }
0x59: {  	v54 =	vshll.u32 v0, $0x1  }
0x5a: {  	v0 =	vand.u32 $0x7, v0;
	v1 =	vand.u32 $0xFFFFFFF0, v54  }
0x5b: {  	v0 =	vor.u32 v0, v1  }
0x5c: {  	v1 =	vperm.xlane v0, v2;
	_ =	sdelay $0x1  }
0x5d: {  	v0 =	vperm.xlane v0, v4;
	v1 =	vadd.s32 v3, v1;
	_ =	sdelay $0x1  }
0x5e: {  	v0 =	vadd.s32 v3, v0;
	_ =	sdelay $0x1  }
0x5f: {  	s24 =	simm.s32 $0x8000  }
0x60: {  	[tilespmem:s24], [sflag:$0x2] =	stream.indirect_vreg.gather [hbm4b:s1+s3], $0x80, v1, vm0, $0xb8;
	[tilespmem:$0x14000] =	vst v63  }
0x61: {  	s25 =	simm.s32 $0x8800  }
0x62: {  	[tilespmem:s25], [sflag:$0x2] =	stream.indirect_vreg.gather [hbm4b:s1+s3], $0x80, v0, vm0, $0xb8;
	[tilespmem:$0x14000] =	vst v63  }
0x63: {  	v0 =	vld [tilespmem:$0xB0];
	_ =	sdelay $0x4  }
0x64: {  	v55 =	vshll.u32 v0, $0x1  }
0x65: {  	v0 =	vand.u32 $0x7, v0;
	v1 =	vand.u32 $0xFFFFFFF0, v55  }
0x66: {  	v0 =	vor.u32 v0, v1  }
0x67: {  	v1 =	vperm.xlane v0, v2;
	_ =	sdelay $0x1  }
0x68: {  	v0 =	vperm.xlane v0, v4;
	v1 =	vadd.s32 v3, v1;
	_ =	sdelay $0x1  }
0x69: {  	v0 =	vadd.s32 v3, v0;
	_ =	sdelay $0x1  }
0x6a: {  	s22 =	simm.s32 $0x9000  }
0x6b: {  	[tilespmem:s22], [sflag:$0x2] =	stream.indirect_vreg.gather [hbm4b:s1+s3], $0x80, v1, vm0, $0xb8;
	[tilespmem:$0x14000] =	vst v63  }
0x6c: {  	s23 =	simm.s32 $0x9800  }
0x6d: {  	[tilespmem:s23], [sflag:$0x2] =	stream.indirect_vreg.gather [hbm4b:s1+s3], $0x80, v0, vm0, $0xb8;
	[tilespmem:$0x14000] =	vst v63  }
0x6e: {  	v0 =	vld [tilespmem:$0x100];
	_ =	sdelay $0x4  }
0x6f: {  	v56 =	vshll.u32 v0, $0x1  }
0x70: {  	v0 =	vand.u32 $0x7, v0;
	v1 =	vand.u32 $0xFFFFFFF0, v56  }
0x71: {  	v0 =	vor.u32 v0, v1  }
0x72: {  	v1 =	vperm.xlane v0, v2;
	_ =	sdelay $0x1  }
0x73: {  	v0 =	vperm.xlane v0, v4;
	v1 =	vadd.s32 v3, v1;
	_ =	sdelay $0x1  }
0x74: {  	v0 =	vadd.s32 v3, v0;
	_ =	sdelay $0x1  }
0x75: {  	s24 =	simm.s32 $0xA000  }
0x76: {  	[tilespmem:s24], [sflag:$0x3] =	stream.indirect_vreg.gather [hbm4b:s1+s3], $0x80, v1, vm0, $0xb8;
	[tilespmem:$0x14000] =	vst v63  }
0x77: {  	s25 =	simm.s32 $0xA800  }
0x78: {  	[tilespmem:s25], [sflag:$0x3] =	stream.indirect_vreg.gather [hbm4b:s1+s3], $0x80, v0, vm0, $0xb8;
	[tilespmem:$0x14000] =	vst v63  }
0x79: {  	v0 =	vld [tilespmem:$0x110];
	_ =	sdelay $0x4  }
0x7a: {  	v57 =	vshll.u32 v0, $0x1  }
0x7b: {  	v0 =	vand.u32 $0x7, v0;
	v1 =	vand.u32 $0xFFFFFFF0, v57  }
0x7c: {  	v0 =	vor.u32 v0, v1  }
0x7d: {  	v1 =	vperm.xlane v0, v2;
	_ =	sdelay $0x1  }
0x7e: {  	v0 =	vperm.xlane v0, v4;
	v1 =	vadd.s32 v3, v1;
	_ =	sdelay $0x1  }
0x7f: {  	v0 =	vadd.s32 v3, v0;
	_ =	sdelay $0x2  }
0x80: {  	[tilespmem:s26], [sflag:$0x3] =	stream.indirect_vreg.gather [hbm4b:s1+s3], $0x80, v1, vm0, $0xb8;
	[tilespmem:$0x14000] =	vst v63  }
0x81: {  	_ = 	snop  }
0x82: {  	[tilespmem:s28], [sflag:$0x3] =	stream.indirect_vreg.gather [hbm4b:s1+s3], $0x80, v0, vm0, $0xb8;
	[tilespmem:$0x14000] =	vst v63  }
0x83: {  	v0 =	vld [tilespmem:$0x120];
	_ =	sdelay $0x4  }
0x84: {  	v58 =	vshll.u32 v0, $0x1  }
0x85: {  	v0 =	vand.u32 $0x7, v0;
	v1 =	vand.u32 $0xFFFFFFF0, v58  }
0x86: {  	v0 =	vor.u32 v0, v1  }
0x87: {  	v1 =	vperm.xlane v0, v2;
	_ =	sdelay $0x1  }
0x88: {  	v0 =	vperm.xlane v0, v4;
	v1 =	vadd.s32 v3, v1;
	_ =	sdelay $0x1  }
0x89: {  	v0 =	vadd.s32 v3, v0;
	_ =	sdelay $0x2  }
0x8a: {  	[tilespmem:s29], [sflag:$0x3] =	stream.indirect_vreg.gather [hbm4b:s1+s3], $0x80, v1, vm0, $0xb8;
	[tilespmem:$0x14000] =	vst v63  }
0x8b: {  	_ = 	snop  }
0x8c: {  	[tilespmem:s30], [sflag:$0x3] =	stream.indirect_vreg.gather [hbm4b:s1+s3], $0x80, v0, vm0, $0xb8;
	[tilespmem:$0x14000] =	vst v63  }
0x8d: {  	v0 =	vld [tilespmem:$0x130];
	_ =	sdelay $0x4  }
0x8e: {  	v59 =	vshll.u32 v0, $0x1  }
0x8f: {  	v0 =	vand.u32 $0x7, v0;
	v1 =	vand.u32 $0xFFFFFFF0, v59  }
0x90: {  	v0 =	vor.u32 v0, v1  }
0x91: {  	v1 =	vperm.xlane v0, v2;
	_ =	sdelay $0x1  }
0x92: {  	v0 =	vperm.xlane v0, v4;
	v1 =	vadd.s32 v3, v1;
	_ =	sdelay $0x1  }
0x93: {  	v0 =	vadd.s32 v3, v0;
	_ =	sdelay $0x2  }
0x94: {  	[tilespmem:s31], [sflag:$0x3] =	stream.indirect_vreg.gather [hbm4b:s1+s3], $0x80, v1, vm0, $0xb8;
	[tilespmem:$0x14000] =	vst v63  }
0x95: {  	_ = 	snop  }
0x96: {  	[tilespmem:s0], [sflag:$0x3] =	stream.indirect_vreg.gather [hbm4b:s1+s3], $0x80, v0, vm0, $0xb8;
	[tilespmem:$0x14000] =	vst v63  }
0x97: {  	v0 =	vld [tilespmem:$0x180];
	_ =	sdelay $0x4  }
0x98: {  	v60 =	vshll.u32 v0, $0x1  }
0x99: {  	v0 =	vand.u32 $0x7, v0;
	v1 =	vand.u32 $0xFFFFFFF0, v60  }
0x9a: {  	v0 =	vor.u32 v0, v1  }
0x9b: {  	v1 =	vperm.xlane v0, v2;
	_ =	sdelay $0x1  }
0x9c: {  	v0 =	vperm.xlane v0, v4;
	v1 =	vadd.s32 v3, v1;
	_ =	sdelay $0x1  }
0x9d: {  	v0 =	vadd.s32 v3, v0;
	_ =	sdelay $0x2  }
0x9e: {  	[tilespmem:s2], [sflag:$0x4] =	stream.indirect_vreg.gather [hbm4b:s1+s3], $0x80, v1, vm0, $0xb8;
	[tilespmem:$0x14000] =	vst v63  }
0x9f: {  	_ = 	snop  }
0xa0: {  	[tilespmem:s8], [sflag:$0x4] =	stream.indirect_vreg.gather [hbm4b:s1+s3], $0x80, v0, vm0, $0xb8;
	[tilespmem:$0x14000] =	vst v63  }
0xa1: {  	v0 =	vld [tilespmem:$0x190];
	_ =	sdelay $0x4  }
0xa2: {  	v61 =	vshll.u32 v0, $0x1  }
0xa3: {  	v0 =	vand.u32 $0x7, v0;
	v1 =	vand.u32 $0xFFFFFFF0, v61  }
0xa4: {  	v0 =	vor.u32 v0, v1  }
0xa5: {  	v1 =	vperm.xlane v0, v2;
	_ =	sdelay $0x1  }
0xa6: {  	v0 =	vperm.xlane v0, v4;
	v1 =	vadd.s32 v3, v1;
	_ =	sdelay $0x1  }
0xa7: {  	v0 =	vadd.s32 v3, v0;
	_ =	sdelay $0x2  }
0xa8: {  	[tilespmem:s9], [sflag:$0x4] =	stream.indirect_vreg.gather [hbm4b:s1+s3], $0x80, v1, vm0, $0xb8;
	[tilespmem:$0x14000] =	vst v63  }
0xa9: {  	_ = 	snop  }
0xaa: {  	[tilespmem:s10], [sflag:$0x4] =	stream.indirect_vreg.gather [hbm4b:s1+s3], $0x80, v0, vm0, $0xb8;
	[tilespmem:$0x14000] =	vst v63  }
0xab: {  	v0 =	vld [tilespmem:$0x1A0];
	_ =	sdelay $0x4  }
0xac: {  	v62 =	vshll.u32 v0, $0x1  }
0xad: {  	v0 =	vand.u32 $0x7, v0;
	v1 =	vand.u32 $0xFFFFFFF0, v62  }
0xae: {  	v0 =	vor.u32 v0, v1  }
0xaf: {  	v1 =	vperm.xlane v0, v2;
	_ =	sdelay $0x1  }
0xb0: {  	v0 =	vperm.xlane v0, v4;
	v1 =	vadd.s32 v3, v1;
	_ =	sdelay $0x1  }
0xb1: {  	v0 =	vadd.s32 v3, v0;
	_ =	sdelay $0x2  }
0xb2: {  	[tilespmem:s11], [sflag:$0x4] =	stream.indirect_vreg.gather [hbm4b:s1+s3], $0x80, v1, vm0, $0xb8;
	[tilespmem:$0x14000] =	vst v63  }
0xb3: {  	_ = 	snop  }
0xb4: {  	[tilespmem:s12], [sflag:$0x4] =	stream.indirect_vreg.gather [hbm4b:s1+s3], $0x80, v0, vm0, $0xb8;
	[tilespmem:$0x14000] =	vst v63  }
0xb5: {  	v0 =	vld [tilespmem:$0x1B0];
	_ =	sdelay $0x4  }
0xb6: {  	v63 =	vshll.u32 v0, $0x1  }
0xb7: {  	v0 =	vand.u32 $0x7, v0;
	v1 =	vand.u32 $0xFFFFFFF0, v63  }
0xb8: {  	v0 =	vor.u32 v0, v1  }
0xb9: {  	v1 =	vperm.xlane v0, v2;
	_ =	sdelay $0x1  }
0xba: {  	v0 =	vperm.xlane v0, v4;
	v1 =	vadd.s32 v3, v1;
	_ =	sdelay $0x1  }
0xbb: {  	v0 =	vadd.s32 v3, v0;
	_ =	sdelay $0x2  }
0xbc: {  	[tilespmem:s13], [sflag:$0x4] =	stream.indirect_vreg.gather [hbm4b:s1+s3], $0x80, v1, vm0, $0xb8;
	[tilespmem:$0x14000] =	vst v63  }
0xbd: {  	s21 =	simm.s32 $0x0  }
0xbe: {  	[tilespmem:s14], [sflag:$0x4] =	stream.indirect_vreg.gather [hbm4b:s1+s3], $0x80, v0, vm0, $0xb8;
	[tilespmem:$0x14000] =	vst v63  }
.LBB2_2:
0xbf: {  	_ =	swait.ge [sflag:s15], $0x4000  }
0xc0: {  	[sflag:s15] =	ssyncset.done $0x0  }
0xc1: {  	s23 =	simm.s32 $0x2400;
	[sflag:s15] =	ssyncadd.s32 $0xFFFFC000  }
0xc2: {  	v12 =	vld [tilespmem:s23+$0xFFFFFF80]  }
0xc3: {  	v13 =	vld [tilespmem:s23+$0xFFFFFF90]  }
0xc4: {  	v14 =	vld [tilespmem:s23+$0xFFFFFFA0]  }
0xc5: {  	v15 =	vld [tilespmem:s23+$0xFFFFFFB0]  }
0xc6: {  	v16 =	vld [tilespmem:s23+$0xFFFFFFC0]  }
0xc7: {  	v17 =	vld [tilespmem:s23+$0xFFFFFFD0]  }
0xc8: {  	v22 =	vld [tilespmem:s23+$0xFFFFFFE0]  }
0xc9: {  	v18 =	vld [tilespmem:s23+$0xFFFFFFF0]  }
0xca: {  	v0 =	vld [tilespmem:s23+$0x380]  }
0xcb: {  	v53 =	vld [tilespmem:s23+$0x390]  }
0xcc: {  	v54 =	vld [tilespmem:s23+$0x3A0]  }
0xcd: {  	v26 =	vld [tilespmem:s23+$0x3B0]  }
0xce: {  	v55 =	vld [tilespmem:s23+$0x3C0]  }
0xcf: {  	v56 =	vld [tilespmem:s23+$0x3D0]  }
0xd0: {  	v37 =	vld [tilespmem:s23+$0xFFFFFF00]  }
0xd1: {  	v38 =	vld [tilespmem:s23+$0xFFFFFF10]  }
0xd2: {  	v39 =	vld [tilespmem:s23+$0xFFFFFF20]  }
0xd3: {  	v40 =	vld [tilespmem:s23+$0xFFFFFF30]  }
0xd4: {  	v35 =	vld [tilespmem:s23+$0xFFFFFF40]  }
0xd5: {  	v36 =	vld [tilespmem:s23+$0xFFFFFF50]  }
0xd6: {  	v33 =	vld [tilespmem:s23+$0xFFFFFF60]  }
0xd7: {  	v34 =	vld [tilespmem:s23+$0xFFFFFF70]  }
0xd8: {  	v7 =	vld [tilespmem:s23+$0x300]  }
0xd9: {  	v8 =	vld [tilespmem:s23+$0x310]  }
0xda: {  	v3 =	vld [tilespmem:s23+$0x320]  }
0xdb: {  	v4 =	vld [tilespmem:s23+$0x330]  }
0xdc: {  	v57 =	vld [tilespmem:s23+$0x340]  }
0xdd: {  	v58 =	vld [tilespmem:s23+$0x350]  }
0xde: {  	v41 =	vld [tilespmem:s23+$0xFFFFFE80]  }
0xdf: {  	v42 =	vld [tilespmem:s23+$0xFFFFFE90]  }
0xe0: {  	v43 =	vld [tilespmem:s23+$0xFFFFFEA0]  }
0xe1: {  	v44 =	vld [tilespmem:s23+$0xFFFFFEB0]  }
0xe2: {  	v45 =	vld [tilespmem:s23+$0xFFFFFEC0]  }
0xe3: {  	v46 =	vld [tilespmem:s23+$0xFFFFFED0]  }
0xe4: {  	v47 =	vld [tilespmem:s23+$0xFFFFFEE0]  }
0xe5: {  	v48 =	vld [tilespmem:s23+$0xFFFFFEF0]  }
0xe6: {  	v29 =	vld [tilespmem:s23+$0x280]  }
0xe7: {  	v30 =	vld [tilespmem:s23+$0x290]  }
0xe8: {  	v27 =	vld [tilespmem:s23+$0x2A0]  }
0xe9: {  	v28 =	vld [tilespmem:s23+$0x2B0]  }
0xea: {  	v25 =	vld [tilespmem:s23+$0x2C0]  }
0xeb: {  	v24 =	vld [tilespmem:s23+$0x2D0]  }
0xec: {  	v49 =	vld [tilespmem:s23+$0xFFFFFE00]  }
0xed: {  	v50 =	vld [tilespmem:s23+$0xFFFFFE10]  }
0xee: {  	v51 =	vld [tilespmem:s23+$0xFFFFFE20]  }
0xef: {  	v52 =	vld [tilespmem:s23+$0xFFFFFE30]  }
0xf0: {  	v19 =	vld [tilespmem:s23+$0x200]  }
0xf1: {  	v32 =	vld [tilespmem:s23+$0x210]  }
0xf2: {  	v21 =	vld [tilespmem:s23+$0x220]  }
0xf3: {  	v20 =	vld [tilespmem:s23+$0x230]  }
0xf4: {  	v59 =	vld [tilespmem:s23+$0x240]  }
0xf5: {  	v60 =	vld [tilespmem:s23+$0x250]  }
0xf6: {  	v61 =	vld [tilespmem:s23+$0xFFFFFC80]  }
0xf7: {  	v62 =	vld [tilespmem:s23+$0xFFFFFC90]  }
0xf8: {  	v63 =	vld [tilespmem:s23+$0xFFFFFC00]  }
0xf9: {  	v1 =	vld [tilespmem:s23+$0xFFFFFC20]  }
0xfa: {  	v2 =	vld [tilespmem:s23+$0xFFFFFC30]  }
0xfb: {  	v5 =	vld [tilespmem:s23+$0xFFFFFCA0]  }
0xfc: {  	v6 =	vld [tilespmem:s23+$0xFFFFFCB0]  }
0xfd: {  	v10 =	vld [tilespmem:s23+$0xFFFFFD20]  }
0xfe: {  	v9 =	vld [tilespmem:s23+$0xFFFFFD30]  }
0xff: {  	v11 =	vld [tilespmem:s23+$0xFFFFFDA0]  }
0x100: {  	v23 =	vld [tilespmem:s23+$0xFFFFFD40]  }
0x101: {  	[tilespmem:$0x1FF60] =	vst v53;
	v53 =	vld [tilespmem:s23+$0xFFFFFE40]  }
0x102: {  	[tilespmem:$0x1FF80] =	vst v54;
	v54 =	vld [tilespmem:s23+$0xFFFFFE50]  }
0x103: {  	[tilespmem:$0x1FEA0] =	vst v55;
	v55 =	vld [tilespmem:s23+$0xFFFFFE60]  }
0x104: {  	[tilespmem:$0x1FEB0] =	vst v56;
	v56 =	vld [tilespmem:s23+$0xFFFFFE70]  }
0x105: {  	[tilespmem:$0x1FEC0] =	vst v57;
	v57 =	vld [tilespmem:s23+$0xFFFFFD80]  }
0x106: {  	v31 =	vimm.f32 $0.0e+00;
	[tilespmem:$0x1FED0] =	vst v58;
	v58 =	vld [tilespmem:s23+$0xFFFFFD90]  }
0x107: {  	[tilespmem:$0x1FF40] =	vst v0;
	v0 =	vld [tilespmem:s23+$0xFFFFFC10];
	v1 =	vadd.f32 v1, v31  }
0x108: {  	[tilespmem:$0x1FFB0] =	vst v59;
	v59 =	vld [tilespmem:s23+$0xFFFFFD00];
	v2 =	vadd.f32 v2, v31  }
0x109: {  	[tilespmem:$0x1FFC0] =	vst v60;
	v60 =	vld [tilespmem:s23+$0xFFFFFD10];
	v63 =	vadd.f32 v63, v31;
	v1 =	vadd.f32 v5, v1  }
0x10a: {  	v2 =	vadd.f32 v6, v2;
	v5 =	vld [tilespmem:s23+$0xFFFFFDC0]  }
0x10b: {  	v61 =	vadd.f32 v61, v63;
	v63 =	vld [tilespmem:s23+$0xFFFFFC50];
	v1 =	vadd.f32 v10, v1  }
0x10c: {  	v2 =	vadd.f32 v9, v2;
	v9 =	vld [tilespmem:s23+$0xFFFFFD50];
	v0 =	vadd.f32 v0, v31  }
0x10d: {  	v61 =	vadd.f32 v59, v61;
	v59 =	vld [tilespmem:s23+$0xFFFFFDD0]  }
0x10e: {  	v1 =	vadd.f32 v11, v1;
	v0 =	vadd.f32 v62, v0;
	v62 =	vld [tilespmem:s23+$0xFFFFFDB0]  }
0x10f: {  	v6 =	vadd.f32 v57, v61;
	v57 =	vld [tilespmem:s23+$0xFFFFFCC0]  }
0x110: {  	v1 =	vadd.f32 v51, v1;
	v51 =	vld [tilespmem:s23+$0xFFFFFCE0]  }
0x111: {  	v0 =	vadd.f32 v60, v0;
	v6 =	vadd.f32 v49, v6;
	v49 =	vld [tilespmem:s23+$0xFFFFFCD0]  }
0x112: {  	v1 =	vadd.f32 v43, v1;
	v43 =	vld [tilespmem:s23+$0x50]  }
0x113: {  	v0 =	vadd.f32 v58, v0;
	v58 =	vld [tilespmem:s23+$0xFFFFFD60]  }
0x114: {  	v6 =	vadd.f32 v41, v6;
	v41 =	vld [tilespmem:s23+$0xD0]  }
0x115: {  	v2 =	vadd.f32 v62, v2;
	v62 =	vld [tilespmem:s23+$0xFFFFFC40]  }
0x116: {  	v1 =	vadd.f32 v39, v1;
	v39 =	vld [tilespmem:s23+$0x150];
	v0 =	vadd.f32 v50, v0  }
0x117: {  	v6 =	vadd.f32 v37, v6;
	v50 =	vld [tilespmem:s23+$0x100];
	v2 =	vadd.f32 v52, v2  }
0x118: {  	v1 =	vadd.f32 v14, v1;
	v0 =	vadd.f32 v42, v0;
	v42 =	vld [tilespmem:s23+$0xFFFFFC60]  }
0x119: {  	v10 =	vadd.f32 v12, v6;
	v2 =	vadd.f32 v44, v2;
	v44 =	vld [tilespmem:s23+$0xFFFFFC70]  }
0x11a: {  	v52 =	vld [tilespmem:s23+$0xFFFFFCF0];
	v0 =	vadd.f32 v38, v0;
	v61 =	vadd.f32 v62, v31  }
0x11b: {  	v62 =	vadd.f32 v63, v31;
	v63 =	vld [tilespmem:s23+$0xFFFFFD70];
	v2 =	vadd.f32 v40, v2  }
0x11c: {  	[tilespmem:$0x1FEE0] =	vst v1;
	v40 =	vld [tilespmem:s23+$0xC0];
	v13 =	vadd.f32 v13, v0;
	v1 =	vadd.f32 v57, v61  }
0x11d: {  	v57 =	vld [tilespmem:s23+$0x30];
	v60 =	vadd.f32 v15, v2;
	v14 =	vadd.f32 v42, v31  }
0x11e: {  	v15 =	vld [tilespmem:s23+$0xFFFFFDE0];
	v2 =	vadd.f32 v49, v62;
	v37 =	vadd.f32 v44, v31  }
0x11f: {  	v44 =	vld [tilespmem:s23+$0xFFFFFDF0];
	v1 =	vadd.f32 v23, v1;
	v38 =	vadd.f32 v51, v14  }
0x120: {  	v49 =	vld [tilespmem:s23+$0x190];
	v2 =	vadd.f32 v9, v2;
	v6 =	vadd.f32 v52, v37  }
0x121: {  	v42 =	vld [tilespmem:s23+$0x40];
	v1 =	vadd.f32 v5, v1;
	v0 =	vadd.f32 v58, v38  }
0x122: {  	v51 =	vld [tilespmem:s23+$0x110];
	v2 =	vadd.f32 v59, v2;
	v6 =	vadd.f32 v63, v6  }
0x123: {  	[tilespmem:$0x1FEF0] =	vst v60;
	v60 =	vld [tilespmem:s23+$0x120];
	v1 =	vadd.f32 v53, v1;
	v0 =	vadd.f32 v15, v0  }
0x124: {  	v52 =	vld [tilespmem:s23+$0x80];
	v2 =	vadd.f32 v54, v2;
	v6 =	vadd.f32 v44, v6  }
0x125: {  	v54 =	vld [tilespmem:s23+$0x0];
	v1 =	vadd.f32 v45, v1;
	v0 =	vadd.f32 v55, v0  }
0x126: {  	v59 =	vld [tilespmem:s23+$0xB0];
	v2 =	vadd.f32 v46, v2;
	v6 =	vadd.f32 v56, v6  }
0x127: {  	v55 =	vld [tilespmem:s23+$0x10];
	v1 =	vadd.f32 v35, v1;
	v35 =	vadd.f32 v57, v31  }
0x128: {  	v44 =	vld [tilespmem:s23+$0x60];
	v0 =	vadd.f32 v47, v0;
	v2 =	vadd.f32 v36, v2  }
0x129: {  	v56 =	vld [tilespmem:s23+$0x20];
	v6 =	vadd.f32 v48, v6;
	v1 =	vadd.f32 v16, v1  }
0x12a: {  	v53 =	vld [tilespmem:s23+$0x90];
	v62 =	vadd.f32 v54, v31;
	v0 =	vadd.f32 v33, v0  }
0x12b: {  	v58 =	vld [tilespmem:s23+$0xA0];
	v2 =	vadd.f32 v17, v2;
	v6 =	vadd.f32 v34, v6  }
0x12c: {  	v14 =	vld [tilespmem:s23+$0x1A0];
	[tilespmem:$0x1FF00] =	vst v1;
	v63 =	vadd.f32 v55, v31;
	v1 =	vadd.f32 v59, v35  }
0x12d: {  	v55 =	vadd.f32 v44, v31;
	v0 =	vadd.f32 v22, v0;
	v22 =	vld [tilespmem:s23+$0x130]  }
0x12e: {  	v37 =	vld [tilespmem:s23+$0x180];
	v12 =	vadd.f32 v56, v31;
	v61 =	vadd.f32 v18, v6  }
0x12f: {  	v15 =	vld [tilespmem:s23+$0x1B0];
	v6 =	vadd.f32 v53, v63;
	[tilespmem:$0x1FF20] =	vst v0;
	v0 =	vadd.f32 v52, v62  }
0x130: {  	v38 =	vld [tilespmem:s23+$0x2F0];
	v53 =	vadd.f32 v43, v31;
	v33 =	vadd.f32 v58, v12  }
0x131: {  	v45 =	vld [tilespmem:s23+$0x70];
	v52 =	vadd.f32 v42, v31;
	v0 =	vadd.f32 v50, v0  }
0x132: {  	v46 =	vld [tilespmem:s23+$0xE0];
	v5 =	vadd.f32 v51, v6;
	v1 =	vadd.f32 v22, v1  }
0x133: {  	v57 =	vld [tilespmem:s23+$0x1F0];
	[tilespmem:$0x1FF10] =	vst v2;
	v2 =	vadd.f32 v60, v33;
	v0 =	vadd.f32 v37, v0  }
0x134: {  	v47 =	vld [tilespmem:$0x1FF40];
	v5 =	vadd.f32 v49, v5;
	v1 =	vadd.f32 v15, v1  }
0x135: {  	v16 =	vld [tilespmem:s23+$0x1C0];
	v2 =	vadd.f32 v14, v2;
	v0 =	vadd.f32 v19, v0  }
0x136: {  	v48 =	vld [tilespmem:$0x1FF60];
	v5 =	vadd.f32 v32, v5;
	v1 =	vadd.f32 v20, v1  }
0x137: {  	v54 =	vld [tilespmem:s23+$0x170];
	v2 =	vadd.f32 v21, v2;
	v0 =	vadd.f32 v29, v0  }
0x138: {  	v17 =	vld [tilespmem:s23+$0x1D0];
	v21 =	vmov v10;
	v10 =	vadd.f32 v41, v53;
	v1 =	vadd.f32 v28, v1  }
0x139: {  	v18 =	vld [tilespmem:s23+$0x140];
	v5 =	vadd.f32 v30, v5;
	v0 =	vadd.f32 v7, v0  }
0x13a: {  	v50 =	vld [tilespmem:$0x1FF80];
	v2 =	vadd.f32 v27, v2;
	v1 =	vadd.f32 v4, v1  }
0x13b: {  	v49 =	vld [tilespmem:s23+$0xF0];
	v59 =	vadd.f32 v39, v10;
	v0 =	vadd.f32 v47, v0  }
0x13c: {  	v51 =	vld [tilespmem:s23+$0x160];
	v8 =	vadd.f32 v8, v5;
	v1 =	vadd.f32 v26, v1  }
0x13d: {  	v56 =	vld [tilespmem:s23+$0x1E0];
	v2 =	vadd.f32 v3, v2;
	v7 =	vadd.f32 v45, v31;
	[tilespmem:$0x1FF50] =	vst v0  }
0x13e: {  	v63 =	vld [tilespmem:$0x1FFC0];
	v0 =	vadd.f32 v48, v8;
	[tilespmem:$0x1FFA0] =	vst v1;
	v1 =	vadd.f32 v40, v52  }
0x13f: {  	v62 =	vld [tilespmem:$0x1FFB0];
	[tilespmem:$0x1FF30] =	vst v61;
	v3 =	vadd.f32 v46, v55;
	v2 =	vadd.f32 v50, v2  }
0x140: {  	v58 =	vld [tilespmem:s23+$0x260];
	[tilespmem:$0x1FF70] =	vst v0;
	v0 =	vadd.f32 v49, v7;
	v1 =	vadd.f32 v18, v1  }
0x141: {  	v60 =	vld [tilespmem:s23+$0x270];
	v61 =	vadd.f32 v17, v59;
	[tilespmem:$0x1FF90] =	vst v2;
	v2 =	vadd.f32 v51, v3  }
0x142: {  	v36 =	vld [tilespmem:s23+$0x360];
	v0 =	vadd.f32 v54, v0;
	v1 =	vadd.f32 v16, v1  }
0x143: {  	v35 =	vld [tilespmem:s23+$0x2E0];
	v3 =	vadd.f32 v63, v61;
	v2 =	vadd.f32 v56, v2  }
0x144: {  	v42 =	vld [tilespmem:s23+$0x3F0];
	v0 =	vadd.f32 v57, v0;
	v1 =	vadd.f32 v62, v1  }
0x145: {  	v37 =	vld [tilespmem:s23+$0x3E0];
	v52 =	vadd.f32 v24, v3;
	v49 =	vadd.f32 v58, v2  }
0x146: {  	s22 =	simm.s32 $0x0;
	v22 =	vmov v13;
	v39 =	vld [tilespmem:s23+$0x370];
	s23 =	simm.s32 $0x2C00;
	v50 =	vadd.f32 v60, v0;
	v51 =	vadd.f32 v25, v1  }
.LBB2_3:
0x147: {  	v47 =	vld [tilespmem:s23+$0xFFFFFF80]  }
0x148: {  	v48 =	vld [tilespmem:s23+$0xFFFFFF90]  }
0x149: {  	v2 =	vld [tilespmem:$0x1FEC0]  }
0x14a: {  	v3 =	vld [tilespmem:$0x1FED0]  }
0x14b: {  	v54 =	vld [tilespmem:s23+$0xFFFFFFB0]  }
0x14c: {  	v12 =	vld [tilespmem:$0x1FEA0]  }
0x14d: {  	v13 =	vld [tilespmem:$0x1FEB0]  }
0x14e: {  	v15 =	vld [tilespmem:s23+$0x380]  }
0x14f: {  	v16 =	vld [tilespmem:s23+$0x390]  }
0x150: {  	v17 =	vld [tilespmem:s23+$0x3A0]  }
0x151: {  	v18 =	vld [tilespmem:s23+$0x3C0]  }
0x152: {  	v19 =	vld [tilespmem:s23+$0x3D0]  }
0x153: {  	v59 =	vld [tilespmem:s23+$0xFFFFFF00]  }
0x154: {  	v61 =	vld [tilespmem:s23+$0xFFFFFF10]  }
0x155: {  	v60 =	vld [tilespmem:s23+$0xFFFFFF20]  }
0x156: {  	v62 =	vld [tilespmem:s23+$0xFFFFFF30]  }
0x157: {  	v43 =	vld [tilespmem:s23+$0xFFFFFF40]  }
0x158: {  	v45 =	vld [tilespmem:s23+$0xFFFFFF50]  }
0x159: {  	v44 =	vld [tilespmem:s23+$0xFFFFFF60]  }
0x15a: {  	v46 =	vld [tilespmem:s23+$0xFFFFFF70]  }
0x15b: {  	v30 =	vld [tilespmem:s23+$0x300]  }
0x15c: {  	v32 =	vld [tilespmem:s23+$0x310]  }
0x15d: {  	v29 =	vld [tilespmem:s23+$0x320]  }
0x15e: {  	v31 =	vld [tilespmem:s23+$0x330]  }
0x15f: {  	v24 =	vld [tilespmem:s23+$0x340]  }
0x160: {  	v25 =	vld [tilespmem:s23+$0x350]  }
0x161: {  	v4 =	vld [tilespmem:s23+$0xFFFFFE90]  }
0x162: {  	v7 =	vld [tilespmem:s23+$0xFFFFFEA0]  }
0x163: {  	v8 =	vld [tilespmem:s23+$0xFFFFFEB0]  }
0x164: {  	v55 =	vld [tilespmem:s23+$0xFFFFFEC0]  }
0x165: {  	v57 =	vld [tilespmem:s23+$0xFFFFFED0]  }
0x166: {  	v56 =	vld [tilespmem:s23+$0xFFFFFEE0]  }
0x167: {  	v58 =	vld [tilespmem:s23+$0xFFFFFEF0]  }
0x168: {  	v41 =	vld [tilespmem:s23+$0x290]  }
0x169: {  	v40 =	vld [tilespmem:s23+$0x2A0]  }
0x16a: {  	v27 =	vld [tilespmem:s23+$0x2C0]  }
0x16b: {  	v28 =	vld [tilespmem:s23+$0x2D0]  }
0x16c: {  	v11 =	vld [tilespmem:s23+$0xFFFFFE00]  }
0x16d: {  	v23 =	vld [tilespmem:s23+$0xFFFFFE20]  }
0x16e: {  	v63 =	vld [tilespmem:s23+$0xFFFFFE40]  }
0x16f: {  	v53 =	vld [tilespmem:s23+$0x230]  }
0x170: {  	v33 =	vld [tilespmem:s23+$0x240]  }
0x171: {  	v34 =	vld [tilespmem:s23+$0x250]  }
0x172: {  	v9 =	vld [tilespmem:s23+$0xFFFFFD90]  }
0x173: {  	v10 =	vld [tilespmem:s23+$0xFFFFFD00]  }
0x174: {  	v26 =	vld [tilespmem:s23+$0xFFFFFD10]  }
0x175: {  	v5 =	vld [tilespmem:s23+$0xFFFFFCB0]  }
0x176: {  	v20 =	vld [tilespmem:s23+$0xFFFFFD20]  }
0x177: {  	v0 =	vadd.f32 v35, v49;
	v49 =	vld [tilespmem:s23+$0xFFFFFFA0]  }
0x178: {  	v35 =	vld [tilespmem:s23+$0xFFFFFFC0]  }
0x179: {  	v1 =	vadd.f32 v38, v50;
	v38 =	vld [tilespmem:s23+$0xFFFFFFF0]  }
0x17a: {  	v50 =	vld [tilespmem:s23+$0x200]  }
0x17b: {  	v6 =	vadd.f32 v3, v52;
	v3 =	vld [tilespmem:s23+$0xFFFFFE80]  }
0x17c: {  	[tilespmem:$0x1FEC0] =	vst v24;
	v24 =	vld [tilespmem:s23+$0xFFFFFE30]  }
0x17d: {  	v52 =	vld [tilespmem:s23+$0x210]  }
0x17e: {  	v2 =	vadd.f32 v2, v51;
	v51 =	vld [tilespmem:s23+$0x220]  }
0x17f: {  	[tilespmem:$0x1FED0] =	vst v25;
	v25 =	vld [tilespmem:s23+$0xFFFFFD80]  }
0x180: {  	[tilespmem:$0x1FE30] =	vst v15;
	v15 =	vld [tilespmem:s23+$0xFFFFFC00]  }
0x181: {  	[tilespmem:$0x1FE40] =	vst v16;
	v16 =	vld [tilespmem:s23+$0xFFFFFC10]  }
0x182: {  	[tilespmem:$0x1FE50] =	vst v17;
	v17 =	vld [tilespmem:s23+$0xFFFFFC20]  }
0x183: {  	[tilespmem:$0x1FEA0] =	vst v18;
	v18 =	vld [tilespmem:s23+$0xFFFFFC30]  }
0x184: {  	[tilespmem:$0x1FEB0] =	vst v19;
	v19 =	vld [tilespmem:s23+$0xFFFFFCA0]  }
0x185: {  	v0 =	vadd.f32 v36, v0;
	v36 =	vld [tilespmem:s23+$0xFFFFFFE0]  }
0x186: {  	v1 =	vadd.f32 v39, v1;
	v39 =	vld [tilespmem:s23+$0x280]  }
0x187: {  	v2 =	vadd.f32 v12, v2;
	v12 =	vld [tilespmem:s23+$0xFFFFFE10]  }
0x188: {  	v0 =	vadd.f32 v37, v0;
	v37 =	vld [tilespmem:s23+$0xFFFFFFD0]  }
0x189: {  	v14 =	vadd.f32 v42, v1;
	v42 =	vld [tilespmem:s23+$0x2B0]  }
0x18a: {  	v1 =	vld [tilespmem:s23+$0xFFFFFE70]  }
0x18b: {  	[tilespmem:$0x1FE60] =	vst v2;
	v2 =	vadd.f32 v13, v6;
	v6 =	vld [tilespmem:s23+$0x3B0]  }
0x18c: {  	v13 =	vld [tilespmem:s23+$0xFFFFFC80]  }
0x18d: {  	[tilespmem:$0x1FE80] =	vst v0;
	v0 =	vld [tilespmem:s23+$0xFFFFFE60]  }
0x18e: {  	v16 =	vadd.f32 v16, v22;
	v22 =	vld [tilespmem:$0x1FEE0]  }
0x18f: {  	[tilespmem:$0x1FE90] =	vst v14;
	v14 =	vld [tilespmem:s23+$0xFFFFFC90]  }
0x190: {  	v15 =	vadd.f32 v15, v21;
	v21 =	vld [tilespmem:s23+$0xFFFFFD30]  }
0x191: {  	[tilespmem:$0x1FE70] =	vst v2;
	v2 =	vld [tilespmem:s23+$0xFFFFFE50]  }
0x192: {  	v13 =	vadd.f32 v13, v15;
	v15 =	vld [tilespmem:s23+$0xFFFFFDB0]  }
0x193: {  	v17 =	vadd.f32 v17, v22;
	v22 =	vld [tilespmem:$0x1FEF0]  }
0x194: {  	v14 =	vadd.f32 v14, v16;
	v10 =	vadd.f32 v10, v13;
	v13 =	vld [tilespmem:s23+$0xFFFFFCC0]  }
0x195: {  	v16 =	vadd.f32 v19, v17;
	v17 =	vld [tilespmem:s23+$0xFFFFFDC0]  }
0x196: {  	v26 =	vadd.f32 v26, v14;
	v14 =	vld [tilespmem:s23+$0xFFFFFDD0]  }
0x197: {  	v19 =	vld [tilespmem:s23+$0xFFFFFD50]  }
0x198: {  	v10 =	vadd.f32 v25, v10;
	v25 =	vld [tilespmem:s23+$0xFFFFFC70]  }
0x199: {  	v9 =	vadd.f32 v9, v26;
	v18 =	vadd.f32 v18, v22;
	v22 =	vld [tilespmem:s23+$0xFFFFFDA0]  }
0x19a: {  	v10 =	vadd.f32 v11, v10;
	v11 =	vld [tilespmem:s23+$0xFFFFFC40]  }
0x19b: {  	v9 =	vadd.f32 v12, v9;
	v12 =	vld [tilespmem:s23+$0x190]  }
0x19c: {  	v5 =	vadd.f32 v5, v18;
	v18 =	vld [tilespmem:s23+$0xFFFFFD40];
	v3 =	vadd.f32 v3, v10  }
0x19d: {  	v16 =	vadd.f32 v20, v16;
	v10 =	vld [tilespmem:s23+$0xFFFFFCE0];
	v4 =	vadd.f32 v4, v9  }
0x19e: {  	v5 =	vadd.f32 v21, v5;
	v3 =	vadd.f32 v59, v3;
	v59 =	vld [tilespmem:$0x1FF00]  }
0x19f: {  	v4 =	vadd.f32 v61, v4;
	v61 =	vld [tilespmem:s23+$0xFFFFFD70]  }
0x1a0: {  	v16 =	vadd.f32 v22, v16;
	v5 =	vadd.f32 v15, v5;
	v15 =	vld [tilespmem:s23+$0xFFFFFCD0]  }
0x1a1: {  	v21 =	vadd.f32 v47, v3;
	v47 =	vld [tilespmem:s23+$0x80]  }
0x1a2: {  	v26 =	vadd.f32 v23, v16;
	v16 =	vld [tilespmem:s23+$0xFFFFFC50]  }
0x1a3: {  	v22 =	vadd.f32 v48, v4;
	v48 =	vld [tilespmem:s23+$0xFFFFFD60]  }
0x1a4: {  	v5 =	vadd.f32 v24, v5;
	v24 =	vld [tilespmem:s23+$0xFFFFFC60];
	v7 =	vadd.f32 v7, v26  }
0x1a5: {  	v26 =	vld [tilespmem:s23+$0xFFFFFCF0];
	v4 =	vadd.f32 v11, v59  }
0x1a6: {  	v59 =	vld [tilespmem:s23+$0x120];
	v5 =	vadd.f32 v8, v5;
	v7 =	vadd.f32 v60, v7  }
0x1a7: {  	v60 =	vld [tilespmem:$0x1FF10];
	v4 =	vadd.f32 v13, v4  }
0x1a8: {  	v5 =	vadd.f32 v62, v5;
	v62 =	vld [tilespmem:$0x1FF20];
	v49 =	vadd.f32 v49, v7  }
0x1a9: {  	v4 =	vadd.f32 v18, v4;
	v18 =	vld [tilespmem:$0x1FFA0]  }
0x1aa: {  	[tilespmem:$0x1FEE0] =	vst v49;
	v49 =	vld [tilespmem:s23+$0x0]  }
0x1ab: {  	v54 =	vadd.f32 v54, v5;
	v4 =	vadd.f32 v17, v4;
	v17 =	vld [tilespmem:$0x1FF90]  }
0x1ac: {  	v5 =	vadd.f32 v16, v60;
	v16 =	vld [tilespmem:$0x1FF30]  }
0x1ad: {  	[tilespmem:$0x1FEF0] =	vst v54;
	v54 =	vld [tilespmem:s23+$0x10]  }
0x1ae: {  	v9 =	vadd.f32 v24, v62;
	v24 =	vld [tilespmem:s23+$0xFFFFFDE0]  }
0x1af: {  	v62 =	vld [tilespmem:$0x1FF70]  }
0x1b0: {  	v4 =	vadd.f32 v63, v4;
	v63 =	vld [tilespmem:s23+$0x130]  }
0x1b1: {  	v5 =	vadd.f32 v15, v5;
	v9 =	vadd.f32 v10, v9;
	v10 =	vld [tilespmem:s23+$0x180]  }
0x1b2: {  	v4 =	vadd.f32 v55, v4;
	v55 =	vld [tilespmem:s23+$0x20];
	v8 =	vadd.f32 v25, v16  }
0x1b3: {  	v25 =	vld [tilespmem:s23+$0xFFFFFDF0];
	v3 =	vadd.f32 v48, v9  }
0x1b4: {  	v5 =	vadd.f32 v19, v5;
	v19 =	vld [tilespmem:s23+$0x1A0];
	v8 =	vadd.f32 v26, v8  }
0x1b5: {  	v48 =	vld [tilespmem:s23+$0x90];
	v3 =	vadd.f32 v24, v3  }
0x1b6: {  	v4 =	vadd.f32 v43, v4;
	v43 =	vld [tilespmem:s23+$0x40];
	v7 =	vadd.f32 v61, v8  }
0x1b7: {  	v26 =	vld [tilespmem:s23+$0x110];
	v0 =	vadd.f32 v0, v3  }
0x1b8: {  	v5 =	vadd.f32 v14, v5;
	v24 =	vld [tilespmem:s23+$0x1B0];
	v7 =	vadd.f32 v25, v7  }
0x1b9: {  	v4 =	vadd.f32 v35, v4;
	v35 =	vld [tilespmem:s23+$0x140];
	v0 =	vadd.f32 v56, v0  }
0x1ba: {  	v61 =	vld [tilespmem:$0x1FF50];
	v1 =	vadd.f32 v1, v7  }
0x1bb: {  	v2 =	vadd.f32 v2, v5;
	v8 =	vld [tilespmem:s23+$0x100];
	v0 =	vadd.f32 v44, v0  }
0x1bc: {  	[tilespmem:$0x1FF00] =	vst v4;
	v4 =	vadd.f32 v55, v17;
	v55 =	vld [tilespmem:$0x1FE70];
	v1 =	vadd.f32 v58, v1  }
0x1bd: {  	v2 =	vadd.f32 v57, v2;
	v57 =	vld [tilespmem:s23+$0xA0];
	v0 =	vadd.f32 v36, v0  }
0x1be: {  	v56 =	vld [tilespmem:s23+$0x30];
	v1 =	vadd.f32 v46, v1  }
0x1bf: {  	v25 =	vld [tilespmem:s23+$0x1C0];
	[tilespmem:$0x1FF20] =	vst v0;
	v0 =	vadd.f32 v49, v61  }
0x1c0: {  	v2 =	vadd.f32 v45, v2;
	v45 =	vld [tilespmem:s23+$0x60];
	v60 =	vadd.f32 v38, v1  }
0x1c1: {  	v58 =	vld [tilespmem:s23+$0xB0];
	v1 =	vadd.f32 v54, v62;
	v0 =	vadd.f32 v47, v0  }
0x1c2: {  	v44 =	vld [tilespmem:s23+$0x50];
	v2 =	vadd.f32 v37, v2;
	v4 =	vadd.f32 v57, v4  }
0x1c3: {  	v37 =	vld [tilespmem:s23+$0xC0];
	v1 =	vadd.f32 v48, v1;
	v0 =	vadd.f32 v8, v0  }
0x1c4: {  	v36 =	vld [tilespmem:s23+$0x150];
	[tilespmem:$0x1FF10] =	vst v2;
	v5 =	vadd.f32 v56, v18;
	v2 =	vadd.f32 v59, v4  }
0x1c5: {  	v57 =	vld [tilespmem:$0x1FE80];
	v1 =	vadd.f32 v26, v1;
	v0 =	vadd.f32 v10, v0  }
0x1c6: {  	v56 =	vld [tilespmem:s23+$0x170];
	v2 =	vadd.f32 v19, v2;
	v5 =	vadd.f32 v58, v5  }
0x1c7: {  	v46 =	vld [tilespmem:s23+$0x70];
	v1 =	vadd.f32 v12, v1;
	v0 =	vadd.f32 v50, v0  }
0x1c8: {  	v49 =	vld [tilespmem:$0x1FE30];
	v2 =	vadd.f32 v51, v2;
	v3 =	vadd.f32 v63, v5  }
0x1c9: {  	v50 =	vld [tilespmem:$0x1FE40];
	v1 =	vadd.f32 v52, v1;
	v0 =	vadd.f32 v39, v0  }
0x1ca: {  	v2 =	vadd.f32 v40, v2;
	v3 =	vadd.f32 v24, v3;
	v52 =	vld [tilespmem:$0x1FE50]  }
0x1cb: {  	v58 =	vld [tilespmem:$0x1FE90];
	v1 =	vadd.f32 v41, v1;
	v0 =	vadd.f32 v30, v0  }
0x1cc: {  	v54 =	vld [tilespmem:$0x1FE60];
	v2 =	vadd.f32 v29, v2;
	v3 =	vadd.f32 v53, v3  }
0x1cd: {  	v38 =	vld [tilespmem:s23+$0xD0];
	v1 =	vadd.f32 v32, v1;
	v0 =	vadd.f32 v49, v0  }
0x1ce: {  	v47 =	vld [tilespmem:s23+$0xE0];
	v3 =	vadd.f32 v42, v3  }
0x1cf: {  	v48 =	vld [tilespmem:s23+$0xF0];
	[tilespmem:$0x1FF50] =	vst v0;
	v0 =	vadd.f32 v50, v1;
	v1 =	vadd.f32 v52, v2  }
0x1d0: {  	v59 =	vld [tilespmem:s23+$0x1E0];
	v10 =	vadd.f32 v46, v58;
	v3 =	vadd.f32 v31, v3  }
0x1d1: {  	v51 =	vld [tilespmem:s23+$0x160];
	v2 =	vadd.f32 v44, v55;
	[tilespmem:$0x1FF90] =	vst v1;
	v1 =	vadd.f32 v43, v54  }
0x1d2: {  	v26 =	vld [tilespmem:s23+$0x1D0];
	v53 =	vadd.f32 v6, v3;
	v6 =	vadd.f32 v45, v57  }
0x1d3: {  	[tilespmem:$0x1FF30] =	vst v60;
	v60 =	vld [tilespmem:s23+$0x1F0];
	v2 =	vadd.f32 v38, v2;
	v1 =	vadd.f32 v37, v1  }
0x1d4: {  	v62 =	vld [tilespmem:s23+$0x260];
	v61 =	vadd.f32 v48, v10;
	v6 =	vadd.f32 v47, v6  }
0x1d5: {  	s22 =	sadd.s32 $0x8, s22;
	v63 =	vld [tilespmem:s23+$0x270];
	v2 =	vadd.f32 v36, v2;
	v1 =	vadd.f32 v35, v1  }
0x1d6: {  	p0 =	slt.u32 s22, $0x38;
	v39 =	vld [tilespmem:s23+$0x370];
	v3 =	vadd.f32 v56, v61;
	[tilespmem:$0x1FF70] =	vst v0;
	v0 =	vadd.f32 v51, v6  }
.Ltmp0:
0x1d7: {  	v42 =	vld [tilespmem:s23+$0x3F0];
	v2 =	vadd.f32 v26, v2;
	v1 =	vadd.f32 v25, v1;
	(pc) =	sbr.rel @p0 .LBB2_3-.Ltmp0, $4  }
0x1d8: {  	v3 =	vadd.f32 v60, v3;
	v38 =	vld [tilespmem:s23+$0x2F0];
	v0 =	vadd.f32 v59, v0  }
0x1d9: {  	v36 =	vld [tilespmem:s23+$0x360];
	v2 =	vadd.f32 v34, v2;
	v1 =	vadd.f32 v33, v1  }
0x1da: {  	v50 =	vadd.f32 v63, v3;
	v37 =	vld [tilespmem:s23+$0x3E0];
	v49 =	vadd.f32 v62, v0  }
0x1db: {  	[tilespmem:$0x1FFA0] =	vst v53;
	v35 =	vld [tilespmem:s23+$0x2E0];
	s23 =	sadd.s32 $0x800, s23;
	v52 =	vadd.f32 v28, v2;
	v51 =	vadd.f32 v27, v1  }
0x1dc: {  	s22 =	sshll.u32 s21, $0xB;
	p0 =	seq.s32 s21, $0xF  }
0x1dd: {  	s22 =	sshrl.u32 @!p0 s22, $0x2  }
0x1de: {  	v0 =	vld @!p0 [tilespmem:s22+$0x200];
	_ =	sdelay $0x4  }
0x1df: {  	v1 =	vshll.u32 @!p0 v0, $0x1  }
0x1e0: {  	v2 =	vlaneseq.u32 @!p0;
	v0 =	vand.u32 @!p0 $0x7, v0;
	v1 =	vand.u32 @!p0 $0xFFFFFFF0, v1  }
0x1e1: {  	v3 =	vshrl.u32 @!p0 v2, $0x3;
	v0 =	vor.u32 @!p0 v0, v1;
	v1 =	vand.u32 @!p0 $0x7, v2  }
0x1e2: {  	v3 =	vmul.u32 @!p0 $0x8, v3;
	v4 =	vperm.xlane @!p0 v0, v1  }
0x1e3: {  	v2 =	vor.u32 @!p0 $0x8, v2  }
0x1e4: {  	v0 =	vperm.xlane @!p0 v0, v2;
	v4 =	vadd.s32 @!p0 v3, v4;
	_ =	sdelay $0x1  }
0x1e5: {  	v0 =	vadd.s32 @!p0 v3, v0;
	_ =	sdelay $0x1  }
0x1e6: {  	vm1 =	vmmov @!p0 $0xffff;
	s23 =	simm.s32 @!p0 $0x0;
	s24 =	simm.s32 @!p0 $0x2000  }
0x1e7: {  	[tilespmem:s24], [sflag:$0x1] =	stream.indirect_vreg.gather @!p0 [hbm4b:s1+s23], $0x80, v4, vm1, $0xb8;
	[tilespmem:$0x14000] =	vst v63  }
0x1e8: {  	s24 =	simm.s32 @!p0 $0x2800  }
0x1e9: {  	[tilespmem:s24], [sflag:$0x1] =	stream.indirect_vreg.gather @!p0 [hbm4b:s1+s23], $0x80, v0, vm1, $0xb8;
	[tilespmem:$0x14000] =	vst v63  }
0x1ea: {  	v0 =	vld @!p0 [tilespmem:s22+$0x210];
	_ =	sdelay $0x4  }
0x1eb: {  	v4 =	vshll.u32 @!p0 v0, $0x1  }
0x1ec: {  	v0 =	vand.u32 @!p0 $0x7, v0;
	v4 =	vand.u32 @!p0 $0xFFFFFFF0, v4  }
0x1ed: {  	v0 =	vor.u32 @!p0 v0, v4  }
0x1ee: {  	v4 =	vperm.xlane @!p0 v0, v1;
	_ =	sdelay $0x1  }
0x1ef: {  	v0 =	vperm.xlane @!p0 v0, v2;
	v4 =	vadd.s32 @!p0 v3, v4;
	_ =	sdelay $0x1  }
0x1f0: {  	v0 =	vadd.s32 @!p0 v3, v0;
	_ =	sdelay $0x1  }
0x1f1: {  	s24 =	simm.s32 @!p0 $0x3000  }
0x1f2: {  	[tilespmem:s24], [sflag:$0x1] =	stream.indirect_vreg.gather @!p0 [hbm4b:s1+s23], $0x80, v4, vm1, $0xb8;
	[tilespmem:$0x14000] =	vst v63  }
0x1f3: {  	s24 =	simm.s32 @!p0 $0x3800  }
0x1f4: {  	[tilespmem:s24], [sflag:$0x1] =	stream.indirect_vreg.gather @!p0 [hbm4b:s1+s23], $0x80, v0, vm1, $0xb8;
	[tilespmem:$0x14000] =	vst v63  }
0x1f5: {  	v0 =	vld @!p0 [tilespmem:s22+$0x220];
	_ =	sdelay $0x4  }
0x1f6: {  	v4 =	vshll.u32 @!p0 v0, $0x1  }
0x1f7: {  	v0 =	vand.u32 @!p0 $0x7, v0;
	v4 =	vand.u32 @!p0 $0xFFFFFFF0, v4  }
0x1f8: {  	v0 =	vor.u32 @!p0 v0, v4  }
0x1f9: {  	v4 =	vperm.xlane @!p0 v0, v1;
	_ =	sdelay $0x1  }
0x1fa: {  	v0 =	vperm.xlane @!p0 v0, v2;
	v4 =	vadd.s32 @!p0 v3, v4;
	_ =	sdelay $0x1  }
0x1fb: {  	v0 =	vadd.s32 @!p0 v3, v0;
	_ =	sdelay $0x1  }
0x1fc: {  	s24 =	simm.s32 @!p0 $0x4000  }
0x1fd: {  	[tilespmem:s24], [sflag:$0x1] =	stream.indirect_vreg.gather @!p0 [hbm4b:s1+s23], $0x80, v4, vm1, $0xb8;
	[tilespmem:$0x14000] =	vst v63  }
0x1fe: {  	s24 =	simm.s32 @!p0 $0x4800  }
0x1ff: {  	[tilespmem:s24], [sflag:$0x1] =	stream.indirect_vreg.gather @!p0 [hbm4b:s1+s23], $0x80, v0, vm1, $0xb8;
	[tilespmem:$0x14000] =	vst v63  }
0x200: {  	v0 =	vld @!p0 [tilespmem:s22+$0x230];
	_ =	sdelay $0x4  }
0x201: {  	v4 =	vshll.u32 @!p0 v0, $0x1  }
0x202: {  	v0 =	vand.u32 @!p0 $0x7, v0;
	v4 =	vand.u32 @!p0 $0xFFFFFFF0, v4  }
0x203: {  	v0 =	vor.u32 @!p0 v0, v4  }
0x204: {  	v1 =	vperm.xlane @!p0 v0, v1;
	_ =	sdelay $0x1  }
0x205: {  	v0 =	vperm.xlane @!p0 v0, v2;
	v1 =	vadd.s32 @!p0 v3, v1;
	_ =	sdelay $0x1  }
0x206: {  	v0 =	vadd.s32 @!p0 v3, v0;
	_ =	sdelay $0x1  }
0x207: {  	s24 =	simm.s32 @!p0 $0x5000  }
0x208: {  	[tilespmem:s24], [sflag:$0x1] =	stream.indirect_vreg.gather @!p0 [hbm4b:s1+s23], $0x80, v1, vm1, $0xb8;
	[tilespmem:$0x14000] =	vst v63  }
0x209: {  	s24 =	simm.s32 @!p0 $0x5800  }
0x20a: {  	[tilespmem:s24], [sflag:$0x1] =	stream.indirect_vreg.gather @!p0 [hbm4b:s1+s23], $0x80, v0, vm1, $0xb8;
	[tilespmem:$0x14000] =	vst v63  }
0x20b: {  	_ =	swait.ge [sflag:s16], $0x4000  }
0x20c: {  	[sflag:s16] =	ssyncset.done $0x0  }
0x20d: {  	s25 =	simm.s32 $0x6400;
	[sflag:s16] =	ssyncadd.s32 $0xFFFFC000  }
0x20e: {  	v0 =	vld [tilespmem:s25+$0x380];
	_ =	sdelay $0x3  }
0x20f: {  	v2 =	vld [tilespmem:$0x1FEC0]  }
0x210: {  	[tilespmem:$0x1FDB0] =	vst v0;
	v0 =	vld [tilespmem:s25+$0x390]  }
0x211: {  	v27 =	vld [tilespmem:s25+$0xFFFFFF80]  }
0x212: {  	v28 =	vld [tilespmem:s25+$0xFFFFFF90]  }
0x213: {  	v9 =	vld [tilespmem:s25+$0xFFFFFFA0]  }
0x214: {  	v10 =	vld [tilespmem:s25+$0xFFFFFFB0]  }
0x215: {  	[tilespmem:$0x1FDC0] =	vst v0;
	v0 =	vld [tilespmem:s25+$0x3A0]  }
0x216: {  	v47 =	vld [tilespmem:s25+$0xFFFFFFC0]  }
0x217: {  	v48 =	vld [tilespmem:s25+$0xFFFFFFD0]  }
0x218: {  	v45 =	vld [tilespmem:s25+$0xFFFFFFE0]  }
0x219: {  	v46 =	vld [tilespmem:s25+$0xFFFFFFF0]  }
0x21a: {  	[tilespmem:$0x1FDD0] =	vst v0;
	v0 =	vld [tilespmem:s25+$0x3B0]  }
0x21b: {  	v12 =	vld [tilespmem:s25+$0xFFFFFF00]  }
0x21c: {  	v17 =	vld [tilespmem:s25+$0xFFFFFF10]  }
0x21d: {  	v19 =	vld [tilespmem:s25+$0xFFFFFF20]  }
0x21e: {  	v18 =	vld [tilespmem:s25+$0xFFFFFF30]  }
0x21f: {  	[tilespmem:$0x1FDE0] =	vst v0;
	v0 =	vld [tilespmem:s25+$0x3C0]  }
0x220: {  	v59 =	vld [tilespmem:s25+$0xFFFFFF40]  }
0x221: {  	v60 =	vld [tilespmem:s25+$0xFFFFFF50]  }
0x222: {  	v57 =	vld [tilespmem:s25+$0xFFFFFF60]  }
0x223: {  	v58 =	vld [tilespmem:s25+$0xFFFFFF70]  }
0x224: {  	[tilespmem:$0x1FD20] =	vst v0;
	v0 =	vld [tilespmem:s25+$0x3D0]  }
0x225: {  	v62 =	vld [tilespmem:s25+$0x310]  }
0x226: {  	v13 =	vld [tilespmem:s25+$0xFFFFFE80]  }
0x227: {  	v14 =	vld [tilespmem:s25+$0xFFFFFE90]  }
0x228: {  	v15 =	vld [tilespmem:s25+$0xFFFFFEA0]  }
0x229: {  	[tilespmem:$0x1FD30] =	vst v0;
	v0 =	vld [tilespmem:s25+$0x300]  }
0x22a: {  	v16 =	vld [tilespmem:s25+$0xFFFFFEB0]  }
0x22b: {  	v26 =	vld [tilespmem:s25+$0xFFFFFEC0]  }
0x22c: {  	v29 =	vld [tilespmem:s25+$0xFFFFFED0]  }
0x22d: {  	v30 =	vld [tilespmem:s25+$0xFFFFFEE0]  }
0x22e: {  	[tilespmem:$0x1FD80] =	vst v0;
	v0 =	vld [tilespmem:s25+$0x320]  }
0x22f: {  	v31 =	vld [tilespmem:s25+$0xFFFFFEF0]  }
0x230: {  	v43 =	vld [tilespmem:s25+$0x280]  }
0x231: {  	v44 =	vld [tilespmem:s25+$0x290]  }
0x232: {  	v61 =	vld [tilespmem:s25+$0x2A0]  }
0x233: {  	[tilespmem:$0x1FD90] =	vst v0;
	v0 =	vld [tilespmem:s25+$0x330]  }
0x234: {  	v41 =	vld [tilespmem:s25+$0x2B0]  }
0x235: {  	v40 =	vmov v21;
	v21 =	vld [tilespmem:s25+$0xFFFFFE00]  }
0x236: {  	v32 =	vld [tilespmem:s25+$0xFFFFFE10]  }
0x237: {  	v23 =	vld [tilespmem:s25+$0xFFFFFE20]  }
0x238: {  	[tilespmem:$0x1FDA0] =	vst v0;
	v0 =	vld [tilespmem:s25+$0x340]  }
0x239: {  	v24 =	vld [tilespmem:s25+$0xFFFFFE30]  }
0x23a: {  	v25 =	vld [tilespmem:s25+$0xFFFFFE40]  }
0x23b: {  	v6 =	vld [tilespmem:s25+$0xFFFFFE50]  }
0x23c: {  	v63 =	vld [tilespmem:s25+$0xFFFFFE60]  }
0x23d: {  	[tilespmem:$0x1FD40] =	vst v0;
	v0 =	vld [tilespmem:s25+$0x350]  }
0x23e: {  	v20 =	vld [tilespmem:s25+$0xFFFFFE70]  }
0x23f: {  	v38 =	vadd.f32 v38, v50;
	v50 =	vadd.f32 v2, v51;
	v2 =	vld [tilespmem:$0x1FED0]  }
0x240: {  	v55 =	vld [tilespmem:s25+$0x200]  }
0x241: {  	v56 =	vld [tilespmem:s25+$0x210]  }
0x242: {  	[tilespmem:$0x1FD50] =	vst v0;
	v0 =	vld [tilespmem:s25+$0x2C0]  }
0x243: {  	v53 =	vld [tilespmem:s25+$0x220]  }
0x244: {  	v51 =	vadd.f32 v2, v52;
	v2 =	vld [tilespmem:$0x1FEA0]  }
0x245: {  	v54 =	vld [tilespmem:s25+$0x230]  }
0x246: {  	v11 =	vld [tilespmem:s25+$0xFFFFFD80]  }
0x247: {  	[tilespmem:$0x1FE10] =	vst v0;
	v0 =	vld [tilespmem:s25+$0x2D0]  }
0x248: {  	v8 =	vld [tilespmem:s25+$0xFFFFFD90]  }
0x249: {  	v34 =	vadd.f32 v2, v50;
	v2 =	vld [tilespmem:$0x1FEB0]  }
0x24a: {  	v7 =	vld [tilespmem:s25+$0xFFFFFD00]  }
0x24b: {  	v1 =	vld [tilespmem:s25+$0xFFFFFC10]  }
0x24c: {  	[tilespmem:$0x1FE20] =	vst v0;
	v0 =	vld [tilespmem:s25+$0x240]  }
0x24d: {  	v35 =	vadd.f32 v35, v49;
	v49 =	vld [tilespmem:s25+$0xFFFFFC20]  }
0x24e: {  	v50 =	vadd.f32 v2, v51;
	v2 =	vld [tilespmem:$0x1FEE0]  }
0x24f: {  	v5 =	vld [tilespmem:s25+$0xFFFFFD10]  }
0x250: {  	v3 =	vld [tilespmem:s25+$0xFFFFFC90]  }
0x251: {  	[tilespmem:$0x1FDF0] =	vst v0;
	v0 =	vld [tilespmem:s25+$0x250]  }
0x252: {  	v52 =	vld [tilespmem:s25+$0xFFFFFC30]  }
0x253: {  	v1 =	vadd.f32 v1, v22;
	v49 =	vadd.f32 v49, v2;
	v2 =	vld [tilespmem:$0x1FEF0]  }
0x254: {  	v4 =	vld [tilespmem:s25+$0xFFFFFC80]  }
0x255: {  	v38 =	vadd.f32 v39, v38;
	v1 =	vadd.f32 v3, v1;
	v51 =	vld [tilespmem:s25+$0xFFFFFCB0]  }
0x256: {  	[tilespmem:$0x1FE00] =	vst v0;
	v0 =	vld [tilespmem:s25+$0xFFFFFC00]  }
0x257: {  	v33 =	vadd.f32 v42, v38;
	v42 =	vld [tilespmem:s25+$0xFFFFFD30];
	v1 =	vadd.f32 v5, v1  }
0x258: {  	v35 =	vadd.f32 v36, v35;
	v36 =	vld [tilespmem:s25+$0xFFFFFCA0];
	v52 =	vadd.f32 v52, v2  }
0x259: {  	v3 =	vld [tilespmem:s25+$0xFFFFFDB0];
	v1 =	vadd.f32 v8, v1  }
0x25a: {  	v37 =	vadd.f32 v37, v35;
	v35 =	vld [tilespmem:s25+$0xFFFFFD20];
	v52 =	vadd.f32 v51, v52  }
0x25b: {  	v22 =	vld [tilespmem:s25+$0xFFFFFC40];
	v1 =	vadd.f32 v32, v1;
	v0 =	vadd.f32 v0, v40  }
0x25c: {  	v5 =	vld [tilespmem:s25+$0xFFFFFDD0];
	v39 =	vadd.f32 v42, v52  }
0x25d: {  	v1 =	vadd.f32 v14, v1;
	v2 =	vld [tilespmem:s25+$0xFFFFFDA0];
	v0 =	vadd.f32 v4, v0  }
0x25e: {  	v14 =	vld [tilespmem:s25+$0xFFFFFC60];
	v3 =	vadd.f32 v3, v39;
	v40 =	vadd.f32 v36, v49  }
0x25f: {  	v1 =	vadd.f32 v17, v1;
	v17 =	vld [tilespmem:s25+$0xFFFFFDE0];
	v0 =	vadd.f32 v7, v0  }
0x260: {  	v51 =	vld [tilespmem:s25+$0xFFFFFCC0];
	v3 =	vadd.f32 v24, v3;
	v4 =	vadd.f32 v35, v40  }
0x261: {  	v42 =	vld [tilespmem:s25+$0xFFFFFD50];
	v0 =	vadd.f32 v11, v0  }
0x262: {  	v24 =	vld [tilespmem:s25+$0x30];
	v3 =	vadd.f32 v16, v3;
	v2 =	vadd.f32 v2, v4  }
0x263: {  	v16 =	vld [tilespmem:s25+$0xFFFFFD70];
	v0 =	vadd.f32 v21, v0  }
0x264: {  	v52 =	vadd.f32 v18, v3;
	v3 =	vld [tilespmem:$0x1FF10];
	v2 =	vadd.f32 v23, v2  }
0x265: {  	v0 =	vadd.f32 v13, v0;
	v13 =	vld [tilespmem:s25+$0xFFFFFC50]  }
0x266: {  	v18 =	vld [tilespmem:s25+$0xFFFFFDF0];
	v2 =	vadd.f32 v15, v2  }
0x267: {  	v49 =	vld [tilespmem:s25+$0xFFFFFDC0]  }
0x268: {  	v40 =	vld [tilespmem:s25+$0xFFFFFD40];
	v2 =	vadd.f32 v19, v2  }
0x269: {  	v32 =	vadd.f32 v28, v1;
	v23 =	vld [tilespmem:s25+$0x20]  }
0x26a: {  	v1 =	vadd.f32 v9, v2;
	v13 =	vadd.f32 v13, v3;
	v3 =	vld [tilespmem:$0x1FF20]  }
0x26b: {  	v15 =	vld [tilespmem:s25+$0xFFFFFCE0]  }
0x26c: {  	v0 =	vadd.f32 v12, v0;
	v12 =	vld [tilespmem:s25+$0xFFFFFC70];
	[tilespmem:$0x1FD60] =	vst v1;
	v1 =	vadd.f32 v10, v52  }
0x26d: {  	v2 =	vld [tilespmem:$0x1FF00]  }
0x26e: {  	[tilespmem:$0x1FD70] =	vst v1;
	v1 =	vld [tilespmem:s25+$0xFFFFFD60]  }
0x26f: {  	v14 =	vadd.f32 v14, v3;
	v3 =	vld [tilespmem:$0x1FF30]  }
0x270: {  	v21 =	vld [tilespmem:s25+$0xFFFFFCD0]  }
0x271: {  	v38 =	vadd.f32 v27, v0;
	v0 =	vld [tilespmem:s25+$0xFFFFFCF0];
	v14 =	vadd.f32 v15, v14  }
0x272: {  	v19 =	vld [tilespmem:s25+$0x190];
	v2 =	vadd.f32 v22, v2  }
0x273: {  	v22 =	vld [tilespmem:s25+$0x10];
	v1 =	vadd.f32 v1, v14  }
0x274: {  	v2 =	vadd.f32 v51, v2;
	v12 =	vadd.f32 v12, v3;
	v3 =	vld [tilespmem:$0x1FF70]  }
0x275: {  	v52 =	vld [tilespmem:$0x1FD80];
	v13 =	vadd.f32 v21, v13;
	v1 =	vadd.f32 v17, v1  }
0x276: {  	v21 =	vld [tilespmem:s25+$0x110];
	v2 =	vadd.f32 v40, v2;
	v0 =	vadd.f32 v0, v12  }
0x277: {  	v11 =	vadd.f32 v42, v13;
	v51 =	vld [tilespmem:s25+$0x50];
	v1 =	vadd.f32 v63, v1  }
0x278: {  	v15 =	vld [tilespmem:s25+$0x180];
	v2 =	vadd.f32 v49, v2;
	v0 =	vadd.f32 v16, v0  }
0x279: {  	v1 =	vadd.f32 v30, v1;
	v49 =	vadd.f32 v22, v3;
	v3 =	vld [tilespmem:$0x1FF90]  }
0x27a: {  	v2 =	vadd.f32 v25, v2;
	v25 =	vld [tilespmem:s25+$0xA0];
	v0 =	vadd.f32 v18, v0  }
0x27b: {  	v5 =	vadd.f32 v5, v11;
	v17 =	vld [tilespmem:s25+$0x80];
	v1 =	vadd.f32 v57, v1  }
0x27c: {  	v2 =	vadd.f32 v26, v2;
	v0 =	vadd.f32 v20, v0;
	v20 =	vld [tilespmem:s25+$0x0]  }
0x27d: {  	v5 =	vadd.f32 v6, v5;
	v13 =	vadd.f32 v45, v1;
	v1 =	vld [tilespmem:$0x1FF50]  }
0x27e: {  	v2 =	vadd.f32 v59, v2;
	v22 =	vadd.f32 v23, v3;
	v3 =	vld [tilespmem:$0x1FFA0]  }
0x27f: {  	v16 =	vld [tilespmem:s25+$0x100];
	v0 =	vadd.f32 v31, v0  }
0x280: {  	v5 =	vadd.f32 v29, v5;
	v39 =	vadd.f32 v47, v2;
	v2 =	vld [tilespmem:s25+$0xB0]  }
0x281: {  	v18 =	vld [tilespmem:s25+$0x90];
	v0 =	vadd.f32 v58, v0  }
0x282: {  	v5 =	vadd.f32 v60, v5;
	v1 =	vadd.f32 v20, v1;
	v20 =	vld [tilespmem:s25+$0x130]  }
0x283: {  	v14 =	vadd.f32 v46, v0;
	v0 =	vld [tilespmem:s25+$0x120];
	v23 =	vadd.f32 v24, v3  }
0x284: {  	v1 =	vadd.f32 v17, v1;
	v17 =	vld [tilespmem:s25+$0x1B0]  }
0x285: {  	v40 =	vadd.f32 v48, v5;
	v24 =	vld [tilespmem:s25+$0x1A0];
	v2 =	vadd.f32 v2, v23  }
0x286: {  	v57 =	vld [tilespmem:$0x1FDB0];
	v5 =	vadd.f32 v18, v49;
	v18 =	vadd.f32 v25, v22  }
0x287: {  	v22 =	vld [tilespmem:s25+$0x1C0];
	v1 =	vadd.f32 v16, v1;
	v2 =	vadd.f32 v20, v2  }
0x288: {  	v25 =	vld [tilespmem:s25+$0x40];
	v0 =	vadd.f32 v0, v18  }
0x289: {  	v58 =	vld [tilespmem:$0x1FDD0];
	v1 =	vadd.f32 v15, v1;
	v2 =	vadd.f32 v17, v2  }
0x28a: {  	v5 =	vadd.f32 v21, v5;
	v21 =	vld [tilespmem:s25+$0x1D0];
	v0 =	vadd.f32 v24, v0  }
0x28b: {  	v1 =	vadd.f32 v55, v1;
	v2 =	vadd.f32 v54, v2;
	v54 =	vld [tilespmem:$0x1FD90]  }
0x28c: {  	v5 =	vadd.f32 v19, v5;
	v19 =	vld [tilespmem:s25+$0x150];
	v0 =	vadd.f32 v53, v0  }
0x28d: {  	v3 =	vld [tilespmem:s25+$0x60];
	v1 =	vadd.f32 v43, v1  }
0x28e: {  	v23 =	vld [tilespmem:s25+$0xC0];
	v0 =	vadd.f32 v61, v0  }
0x28f: {  	v5 =	vadd.f32 v56, v5;
	v56 =	vld [tilespmem:s25+$0xE0];
	v1 =	vadd.f32 v52, v1  }
0x290: {  	v55 =	vld [tilespmem:$0x1FDA0];
	v0 =	vadd.f32 v54, v0  }
0x291: {  	v18 =	vadd.f32 v57, v1;
	v1 =	vld [tilespmem:$0x1FDC0]  }
0x292: {  	v5 =	vadd.f32 v44, v5;
	v16 =	vadd.f32 v58, v0;
	v0 =	vld [tilespmem:$0x1FDE0]  }
0x293: {  	v20 =	vld [tilespmem:s25+$0x140];
	v2 =	vadd.f32 v41, v2  }
0x294: {  	v5 =	vadd.f32 v62, v5;
	v53 =	vld [tilespmem:s25+$0x70]  }
0x295: {  	v24 =	vld [tilespmem:s25+$0xD0];
	v2 =	vadd.f32 v55, v2  }
0x296: {  	v17 =	vadd.f32 v1, v5;
	v1 =	vld [tilespmem:s25+$0xF0]  }
0x297: {  	v15 =	vadd.f32 v0, v2;
	v0 =	vld [tilespmem:s25+$0x160]  }
0x298: {  	v59 =	vadd.f32 v51, v50;
	v2 =	vadd.f32 v25, v34;
	v25 =	vld [tilespmem:s25+$0x170]  }
0x299: {  	v60 =	vadd.f32 v3, v37;
	v61 =	vld [tilespmem:s25+$0x1E0];
	v3 =	vadd.f32 v53, v33  }
0x29a: {  	v5 =	vadd.f32 v24, v59;
	v2 =	vadd.f32 v23, v2;
	v23 =	vld [tilespmem:s25+$0x1F0]  }
0x29b: {  	v62 =	vld [tilespmem:s25+$0x260];
	v24 =	vadd.f32 v56, v60;
	v1 =	vadd.f32 v1, v3  }
0x29c: {  	v5 =	vadd.f32 v19, v5;
	v3 =	vld [tilespmem:s25+$0x270];
	v2 =	vadd.f32 v20, v2  }
0x29d: {  	v20 =	vadd.f32 v0, v24;
	v1 =	vadd.f32 v25, v1  }
0x29e: {  	v5 =	vadd.f32 v21, v5;
	v2 =	vadd.f32 v22, v2  }
0x29f: {  	v63 =	vld [tilespmem:$0x1FDF0];
	v21 =	vadd.f32 v61, v20;
	v22 =	vadd.f32 v23, v1;
	_ =	sdelay $0x1  }
0x2a0: {  	v25 =	vadd.f32 v62, v21;
	v21 =	vadd.f32 v3, v22;
	v3 =	vld [tilespmem:$0x1FE10];
	_ =	sdelay $0x2  }
0x2a1: {  	v23 =	vadd.f32 v63, v2;
	v2 =	vld [tilespmem:$0x1FE00]  }
0x2a2: {  	v19 =	vld [tilespmem:s25+$0x2F0]  }
0x2a3: {  	v24 =	vadd.f32 v3, v23;
	v3 =	vld [tilespmem:$0x1FE20]  }
0x2a4: {  	v0 =	vld [tilespmem:s25+$0x2E0]  }
0x2a5: {  	v1 =	vld [tilespmem:s25+$0x360]  }
0x2a6: {  	v20 =	vld [tilespmem:s25+$0x370];
	v5 =	vadd.f32 v2, v5  }
0x2a7: {  	v22 =	vld [tilespmem:s25+$0x3F0]  }
0x2a8: {  	s23 =	simm.s32 $0x0;
	s24 =	simm.s32 $0x6C00;
	v37 =	vmov v32;
	v2 =	vld [tilespmem:s25+$0x3E0];
	v23 =	vadd.f32 v3, v5  }
.LBB2_5:
0x2a9: {  	v47 =	vld [tilespmem:s24+$0xFFFFFF80]  }
0x2aa: {  	v48 =	vld [tilespmem:s24+$0xFFFFFF90]  }
0x2ab: {  	v3 =	vld [tilespmem:$0x1FD40]  }
0x2ac: {  	v49 =	vld [tilespmem:s24+$0xFFFFFFA0]  }
0x2ad: {  	v54 =	vld [tilespmem:s24+$0xFFFFFFB0]  }
0x2ae: {  	v59 =	vld [tilespmem:s24+$0xFFFFFF00]  }
0x2af: {  	v61 =	vld [tilespmem:s24+$0xFFFFFF10]  }
0x2b0: {  	v60 =	vld [tilespmem:s24+$0xFFFFFF20]  }
0x2b1: {  	v62 =	vld [tilespmem:s24+$0xFFFFFF30]  }
0x2b2: {  	v43 =	vld [tilespmem:s24+$0xFFFFFF40]  }
0x2b3: {  	v45 =	vld [tilespmem:s24+$0xFFFFFF50]  }
0x2b4: {  	v44 =	vld [tilespmem:s24+$0xFFFFFF60]  }
0x2b5: {  	v46 =	vld [tilespmem:s24+$0xFFFFFF70];
	v0 =	vadd.f32 v0, v25  }
0x2b6: {  	v6 =	vld [tilespmem:s24+$0xFFFFFE90]  }
0x2b7: {  	v26 =	vld [tilespmem:s24+$0xFFFFFEB0];
	v5 =	vadd.f32 v19, v21;
	v0 =	vadd.f32 v1, v0  }
0x2b8: {  	v55 =	vld [tilespmem:s24+$0xFFFFFEC0]  }
0x2b9: {  	v57 =	vld [tilespmem:s24+$0xFFFFFED0];
	v1 =	vadd.f32 v20, v5;
	v0 =	vadd.f32 v2, v0  }
0x2ba: {  	v56 =	vld [tilespmem:s24+$0xFFFFFEE0]  }
0x2bb: {  	v58 =	vld [tilespmem:s24+$0xFFFFFEF0];
	[tilespmem:$0x1FCD0] =	vst v0;
	v0 =	vadd.f32 v22, v1  }
0x2bc: {  	v41 =	vld [tilespmem:s24+$0x290]  }
0x2bd: {  	[tilespmem:$0x1FCE0] =	vst v0;
	v0 =	vld [tilespmem:s24+$0x380]  }
0x2be: {  	v4 =	vld [tilespmem:s24+$0xFFFFFE20]  }
0x2bf: {  	v27 =	vld [tilespmem:s24+$0xFFFFFE30]  }
0x2c0: {  	v63 =	vld [tilespmem:s24+$0xFFFFFE60]  }
0x2c1: {  	v50 =	vld [tilespmem:s24+$0x200]  }
0x2c2: {  	[tilespmem:$0x1FC70] =	vst v0;
	v0 =	vld [tilespmem:s24+$0x390]  }
0x2c3: {  	v52 =	vld [tilespmem:s24+$0x210]  }
0x2c4: {  	v7 =	vld [tilespmem:s24+$0x240]  }
0x2c5: {  	v28 =	vld [tilespmem:s24+$0xFFFFFD80]  }
0x2c6: {  	v29 =	vld [tilespmem:s24+$0xFFFFFD90]  }
0x2c7: {  	[tilespmem:$0x1FC80] =	vst v0;
	v0 =	vld [tilespmem:s24+$0x3A0]  }
0x2c8: {  	v30 =	vld [tilespmem:s24+$0xFFFFFD00]  }
0x2c9: {  	v31 =	vld [tilespmem:s24+$0xFFFFFD10]  }
0x2ca: {  	v32 =	vld [tilespmem:s24+$0xFFFFFC80]  }
0x2cb: {  	v33 =	vld [tilespmem:s24+$0xFFFFFC90]  }
0x2cc: {  	[tilespmem:$0x1FC90] =	vst v0;
	v0 =	vld [tilespmem:s24+$0x3B0]  }
0x2cd: {  	v34 =	vld [tilespmem:s24+$0xFFFFFC00]  }
0x2ce: {  	v9 =	vadd.f32 v3, v24;
	v3 =	vld [tilespmem:$0x1FD50]  }
0x2cf: {  	v8 =	vld [tilespmem:s24+$0xFFFFFC20]  }
0x2d0: {  	v11 =	vld [tilespmem:s24+$0xFFFFFC30]  }
0x2d1: {  	[tilespmem:$0x1FCA0] =	vst v0;
	v0 =	vld [tilespmem:s24+$0x3C0]  }
0x2d2: {  	v12 =	vld [tilespmem:s24+$0xFFFFFCA0]  }
0x2d3: {  	v10 =	vadd.f32 v3, v23;
	v3 =	vld [tilespmem:$0x1FD20]  }
0x2d4: {  	v35 =	vld [tilespmem:s24+$0xFFFFFCB0]  }
0x2d5: {  	v36 =	vld [tilespmem:s24+$0xFFFFFD20]  }
0x2d6: {  	[tilespmem:$0x1FD20] =	vst v0;
	v0 =	vld [tilespmem:s24+$0x3D0]  }
0x2d7: {  	v21 =	vld [tilespmem:s24+$0xFFFFFFD0]  }
0x2d8: {  	v19 =	vld [tilespmem:s24+$0x280];
	v3 =	vadd.f32 v3, v9  }
0x2d9: {  	v24 =	vld [tilespmem:s24+$0xFFFFFFC0]  }
0x2da: {  	[tilespmem:$0x1FCB0] =	vst v3;
	v3 =	vld [tilespmem:$0x1FD30]  }
0x2db: {  	[tilespmem:$0x1FD30] =	vst v0;
	v0 =	vld [tilespmem:s24+$0x300]  }
0x2dc: {  	[tilespmem:$0x1FCF0] =	vst v7;
	v7 =	vld [tilespmem:s24+$0xFFFFFC10]  }
0x2dd: {  	v34 =	vadd.f32 v34, v38;
	v38 =	vld [tilespmem:$0x1FD60]  }
0x2de: {  	v5 =	vld [tilespmem:s24+$0xFFFFFE80]  }
0x2df: {  	v32 =	vadd.f32 v32, v34;
	v34 =	vld [tilespmem:s24+$0xFFFFFD50]  }
0x2e0: {  	[tilespmem:$0x1FC30] =	vst v0;
	v0 =	vld [tilespmem:s24+$0x310]  }
0x2e1: {  	v2 =	vld [tilespmem:s24+$0xFFFFFE70]  }
0x2e2: {  	v30 =	vadd.f32 v30, v32;
	v32 =	vld [tilespmem:s24+$0xFFFFFD40]  }
0x2e3: {  	v22 =	vld [tilespmem:s24+$0xFFFFFFF0]  }
0x2e4: {  	v8 =	vadd.f32 v8, v38;
	v38 =	vld [tilespmem:$0x1FD70]  }
0x2e5: {  	[tilespmem:$0x1FC40] =	vst v0;
	v0 =	vld [tilespmem:s24+$0x320]  }
0x2e6: {  	v1 =	vld [tilespmem:s24+$0xFFFFFE50]  }
0x2e7: {  	v7 =	vadd.f32 v7, v37;
	v37 =	vld [tilespmem:s24+$0xFFFFFD30]  }
0x2e8: {  	v28 =	vadd.f32 v28, v30;
	v30 =	vld [tilespmem:s24+$0xFFFFFCD0]  }
0x2e9: {  	v9 =	vld [tilespmem:s24+$0xFFFFFE00]  }
0x2ea: {  	v7 =	vadd.f32 v33, v7;
	v11 =	vadd.f32 v11, v38;
	[tilespmem:$0x1FC50] =	vst v0;
	v0 =	vld [tilespmem:s24+$0x330]  }
0x2eb: {  	v33 =	vld [tilespmem:s24+$0xFFFFFDB0]  }
0x2ec: {  	v7 =	vadd.f32 v31, v7;
	v31 =	vld [tilespmem:s24+$0xFFFFFDD0];
	v11 =	vadd.f32 v35, v11  }
0x2ed: {  	v38 =	vld [tilespmem:s24+$0xFFFFFDA0]  }
0x2ee: {  	v8 =	vadd.f32 v12, v8;
	v35 =	vld [tilespmem:s24+$0xFFFFFC50];
	v11 =	vadd.f32 v37, v11  }
0x2ef: {  	v9 =	vadd.f32 v9, v28;
	v3 =	vadd.f32 v3, v10;
	[tilespmem:$0x1FC60] =	vst v0;
	v0 =	vld [tilespmem:s24+$0x340]  }
0x2f0: {  	v8 =	vadd.f32 v36, v8;
	v10 =	vld [tilespmem:s24+$0xFFFFFEA0]  }
0x2f1: {  	v11 =	vadd.f32 v33, v11;
	v5 =	vadd.f32 v5, v9;
	[tilespmem:$0x1FCC0] =	vst v3;
	v3 =	vld [tilespmem:s24+$0xFFFFFE10]  }
0x2f2: {  	v36 =	vld [tilespmem:s24+$0xFFFFFD70];
	v7 =	vadd.f32 v29, v7;
	v8 =	vadd.f32 v38, v8  }
0x2f3: {  	v29 =	vld [tilespmem:s24+$0xFFFFFCC0];
	v33 =	vadd.f32 v27, v11;
	v5 =	vadd.f32 v59, v5  }
0x2f4: {  	v4 =	vadd.f32 v4, v8;
	v35 =	vadd.f32 v35, v40;
	[tilespmem:$0x1FD40] =	vst v0;
	v0 =	vld [tilespmem:s24+$0x350]  }
0x2f5: {  	v9 =	vld [tilespmem:s24+$0xFFFFFC70];
	v8 =	vadd.f32 v26, v33;
	v38 =	vadd.f32 v47, v5  }
0x2f6: {  	v4 =	vadd.f32 v10, v4;
	v3 =	vadd.f32 v3, v7;
	v7 =	vld [tilespmem:s24+$0xFFFFFC40]  }
0x2f7: {  	v26 =	vld [tilespmem:s24+$0xFFFFFCF0];
	v5 =	vadd.f32 v30, v35;
	v8 =	vadd.f32 v62, v8  }
0x2f8: {  	v4 =	vadd.f32 v60, v4;
	v3 =	vadd.f32 v6, v3;
	v6 =	vld [tilespmem:s24+$0xFFFFFC60]  }
0x2f9: {  	v5 =	vadd.f32 v34, v5;
	v28 =	vadd.f32 v54, v8;
	[tilespmem:$0x1FD50] =	vst v0;
	v0 =	vld [tilespmem:s24+$0x2C0]  }
0x2fa: {  	v4 =	vadd.f32 v49, v4;
	v3 =	vadd.f32 v61, v3;
	v61 =	vld [tilespmem:s24+$0xFFFFFCE0]  }
0x2fb: {  	v47 =	vld [tilespmem:s24+$0xFFFFFDF0];
	v33 =	vadd.f32 v7, v39;
	v39 =	vadd.f32 v9, v14  }
0x2fc: {  	v5 =	vadd.f32 v31, v5;
	v37 =	vadd.f32 v48, v3;
	v3 =	vld [tilespmem:s24+$0xFFFFFD60]  }
0x2fd: {  	v12 =	vld [tilespmem:s24+$0xFFFFFDC0];
	[tilespmem:$0x1FD60] =	vst v4;
	v6 =	vadd.f32 v6, v13;
	v8 =	vadd.f32 v26, v39  }
0x2fe: {  	v1 =	vadd.f32 v1, v5;
	v4 =	vadd.f32 v29, v33;
	[tilespmem:$0x1FD00] =	vst v0;
	v0 =	vld [tilespmem:s24+$0x2D0]  }
0x2ff: {  	v40 =	vld [tilespmem:s24+$0xFFFFFDE0];
	v6 =	vadd.f32 v61, v6;
	v49 =	vadd.f32 v36, v8  }
0x300: {  	v1 =	vadd.f32 v57, v1;
	v4 =	vadd.f32 v32, v4;
	v61 =	vld [tilespmem:s24+$0x0]  }
0x301: {  	v62 =	vld [tilespmem:s24+$0x10];
	v3 =	vadd.f32 v3, v6;
	v6 =	vadd.f32 v47, v49  }
0x302: {  	v1 =	vadd.f32 v45, v1;
	v4 =	vadd.f32 v12, v4;
	v12 =	vld [tilespmem:s24+$0x80]  }
0x303: {  	v2 =	vadd.f32 v2, v6;
	[tilespmem:$0x1FD10] =	vst v0;
	v0 =	vld [tilespmem:s24+$0xFFFFFE40]  }
0x304: {  	v54 =	vld [tilespmem:s24+$0x100];
	v3 =	vadd.f32 v40, v3;
	v40 =	vadd.f32 v21, v1  }
0x305: {  	v48 =	vld [tilespmem:s24+$0x180];
	v1 =	vadd.f32 v61, v18;
	v2 =	vadd.f32 v58, v2  }
0x306: {  	v32 =	vld [tilespmem:s24+$0x30]  }
0x307: {  	v60 =	vld [tilespmem:s24+$0x90];
	v1 =	vadd.f32 v12, v1;
	v2 =	vadd.f32 v46, v2  }
0x308: {  	v27 =	vld [tilespmem:s24+$0xA0];
	v3 =	vadd.f32 v63, v3;
	v0 =	vadd.f32 v0, v4  }
0x309: {  	v59 =	vld [tilespmem:s24+$0x110];
	v1 =	vadd.f32 v54, v1;
	v14 =	vadd.f32 v22, v2  }
0x30a: {  	v63 =	vld [tilespmem:s24+$0x20];
	v2 =	vadd.f32 v62, v17;
	v0 =	vadd.f32 v55, v0  }
0x30b: {  	v26 =	vld [tilespmem:s24+$0x190];
	v35 =	vadd.f32 v32, v15;
	v1 =	vadd.f32 v48, v1  }
0x30c: {  	v15 =	vld [tilespmem:$0x1FC30];
	v2 =	vadd.f32 v60, v2;
	v0 =	vadd.f32 v43, v0  }
0x30d: {  	v23 =	vld [tilespmem:s24+$0xFFFFFFE0];
	v3 =	vadd.f32 v56, v3;
	v1 =	vadd.f32 v50, v1  }
0x30e: {  	v2 =	vadd.f32 v59, v2;
	v39 =	vadd.f32 v24, v0;
	v0 =	vld [tilespmem:s24+$0x120]  }
0x30f: {  	v33 =	vld [tilespmem:s24+$0xB0];
	v34 =	vadd.f32 v63, v16;
	v1 =	vadd.f32 v19, v1  }
0x310: {  	v36 =	vld [tilespmem:s24+$0x1A0];
	v3 =	vadd.f32 v44, v3;
	v2 =	vadd.f32 v26, v2  }
0x311: {  	v1 =	vadd.f32 v15, v1;
	v15 =	vld [tilespmem:$0x1FC40];
	v4 =	vadd.f32 v27, v34  }
0x312: {  	v51 =	vld [tilespmem:s24+$0x220];
	v2 =	vadd.f32 v52, v2  }
0x313: {  	v13 =	vadd.f32 v23, v3;
	v3 =	vld [tilespmem:s24+$0x130];
	v0 =	vadd.f32 v0, v4  }
0x314: {  	v20 =	vld [tilespmem:s24+$0x2A0];
	v2 =	vadd.f32 v41, v2  }
0x315: {  	v43 =	vld [tilespmem:s24+$0x1B0];
	v0 =	vadd.f32 v36, v0  }
0x316: {  	v5 =	vadd.f32 v33, v35;
	v2 =	vadd.f32 v15, v2;
	v15 =	vld [tilespmem:$0x1FC50]  }
0x317: {  	v53 =	vld [tilespmem:s24+$0x230];
	v0 =	vadd.f32 v51, v0  }
0x318: {  	v3 =	vadd.f32 v3, v5  }
0x319: {  	v42 =	vld [tilespmem:s24+$0x2B0];
	v0 =	vadd.f32 v20, v0  }
0x31a: {  	v3 =	vadd.f32 v43, v3  }
0x31b: {  	v0 =	vadd.f32 v15, v0;
	v15 =	vld [tilespmem:$0x1FC60]  }
0x31c: {  	v3 =	vadd.f32 v53, v3;
	_ =	sdelay $0x1  }
0x31d: {  	v3 =	vadd.f32 v42, v3;
	_ =	sdelay $0x1  }
0x31e: {  	v3 =	vadd.f32 v15, v3;
	v15 =	vld [tilespmem:$0x1FC70];
	_ =	sdelay $0x4  }
0x31f: {  	v18 =	vadd.f32 v15, v1;
	v1 =	vld [tilespmem:$0x1FC80];
	_ =	sdelay $0x1  }
0x320: {  	v25 =	vld [tilespmem:s24+$0x250]  }
0x321: {  	v45 =	vld [tilespmem:s24+$0x1D0]  }
0x322: {  	v47 =	vld [tilespmem:s24+$0x150]  }
0x323: {  	v17 =	vadd.f32 v1, v2;
	v2 =	vld [tilespmem:$0x1FC90]  }
0x324: {  	v49 =	vld [tilespmem:s24+$0xD0]  }
0x325: {  	v21 =	vld [tilespmem:s24+$0xF0]  }
0x326: {  	v12 =	vld [tilespmem:s24+$0x60]  }
0x327: {  	v46 =	vld [tilespmem:s24+$0x140]  }
0x328: {  	v16 =	vadd.f32 v2, v0;
	v0 =	vld [tilespmem:$0x1FCA0]  }
0x329: {  	v19 =	vld [tilespmem:s24+$0x70]  }
0x32a: {  	v55 =	vld [tilespmem:$0x1FCE0]  }
0x32b: {  	v56 =	vld [tilespmem:s24+$0x1F0]  }
0x32c: {  	v52 =	vld [tilespmem:s24+$0x40]  }
0x32d: {  	v15 =	vadd.f32 v0, v3;
	v0 =	vld [tilespmem:$0x1FCB0]  }
0x32e: {  	v3 =	vld [tilespmem:s24+$0x170]  }
0x32f: {  	v48 =	vld [tilespmem:s24+$0xC0];
	v10 =	vadd.f32 v19, v55  }
0x330: {  	v60 =	vld [tilespmem:s24+$0x270]  }
0x331: {  	v58 =	vadd.f32 v21, v10;
	v53 =	vld [tilespmem:s24+$0x50]  }
0x332: {  	v2 =	vld [tilespmem:$0x1FCC0];
	v0 =	vadd.f32 v52, v0  }
0x333: {  	v44 =	vld [tilespmem:s24+$0x1C0];
	v3 =	vadd.f32 v3, v58  }
0x334: {  	v54 =	vld [tilespmem:$0x1FCD0];
	v0 =	vadd.f32 v48, v0  }
0x335: {  	v62 =	vld [tilespmem:$0x1FCF0];
	v3 =	vadd.f32 v56, v3  }
0x336: {  	v20 =	vld [tilespmem:s24+$0xE0];
	v4 =	vadd.f32 v46, v0  }
0x337: {  	v2 =	vadd.f32 v53, v2;
	v21 =	vadd.f32 v60, v3;
	v3 =	vld [tilespmem:$0x1FD00]  }
0x338: {  	v1 =	vld [tilespmem:s24+$0x160];
	v4 =	vadd.f32 v44, v4  }
0x339: {  	v22 =	vld [tilespmem:s24+$0x3F0];
	v9 =	vadd.f32 v12, v54;
	v2 =	vadd.f32 v49, v2  }
0x33a: {  	v12 =	vld [tilespmem:s24+$0x1E0];
	v4 =	vadd.f32 v62, v4  }
0x33b: {  	s23 =	sadd.s32 $0x8, s23;
	v59 =	vld [tilespmem:s24+$0x260];
	v57 =	vadd.f32 v20, v9;
	v2 =	vadd.f32 v47, v2  }
0x33c: {  	p1 =	slt.u32 s23, $0x38;
	v24 =	vadd.f32 v3, v4;
	v3 =	vld [tilespmem:$0x1FD10]  }
.Ltmp1:
0x33d: {  	v19 =	vld [tilespmem:s24+$0x2F0];
	v1 =	vadd.f32 v1, v57;
	v2 =	vadd.f32 v45, v2;
	(pc) =	sbr.rel @p1 .LBB2_5-.Ltmp1, $4  }
0x33e: {  	v20 =	vld [tilespmem:s24+$0x370]  }
0x33f: {  	v61 =	vadd.f32 v12, v1;
	v1 =	vld [tilespmem:s24+$0x360];
	v63 =	vadd.f32 v25, v2  }
0x340: {  	v2 =	vld [tilespmem:s24+$0x3E0]  }
0x341: {  	[tilespmem:$0x1FD70] =	vst v28;
	v25 =	vadd.f32 v59, v61;
	v0 =	vld [tilespmem:s24+$0x2E0];
	s24 =	sadd.s32 $0x800, s24;
	v23 =	vadd.f32 v3, v63  }
0x342: {  	v3 =	vld @!p0 [tilespmem:s22+$0x280];
	_ =	sdelay $0x4  }
0x343: {  	v4 =	vshll.u32 @!p0 v3, $0x1  }
0x344: {  	v5 =	vlaneseq.u32 @!p0;
	v3 =	vand.u32 @!p0 $0x7, v3;
	v4 =	vand.u32 @!p0 $0xFFFFFFF0, v4  }
0x345: {  	v6 =	vshrl.u32 @!p0 v5, $0x3;
	v3 =	vor.u32 @!p0 v3, v4;
	v4 =	vand.u32 @!p0 $0x7, v5  }
0x346: {  	v6 =	vmul.u32 @!p0 $0x8, v6;
	v7 =	vperm.xlane @!p0 v3, v4  }
0x347: {  	v5 =	vor.u32 @!p0 $0x8, v5  }
0x348: {  	v3 =	vperm.xlane @!p0 v3, v5;
	v7 =	vadd.s32 @!p0 v6, v7;
	_ =	sdelay $0x1  }
0x349: {  	v3 =	vadd.s32 @!p0 v6, v3;
	_ =	sdelay $0x1  }
0x34a: {  	s23 =	simm.s32 @!p0 $0x0;
	s24 =	simm.s32 @!p0 $0x6000  }
0x34b: {  	[tilespmem:s24], [sflag:$0x2] =	stream.indirect_vreg.gather @!p0 [hbm4b:s1+s23], $0x80, v7, vm1, $0xb8;
	[tilespmem:$0x14000] =	vst v63  }
0x34c: {  	s24 =	simm.s32 @!p0 $0x6800  }
0x34d: {  	[tilespmem:s24], [sflag:$0x2] =	stream.indirect_vreg.gather @!p0 [hbm4b:s1+s23], $0x80, v3, vm1, $0xb8;
	[tilespmem:$0x14000] =	vst v63  }
0x34e: {  	v3 =	vld @!p0 [tilespmem:s22+$0x290];
	_ =	sdelay $0x4  }
0x34f: {  	v7 =	vshll.u32 @!p0 v3, $0x1  }
0x350: {  	v3 =	vand.u32 @!p0 $0x7, v3;
	v7 =	vand.u32 @!p0 $0xFFFFFFF0, v7  }
0x351: {  	v3 =	vor.u32 @!p0 v3, v7  }
0x352: {  	v7 =	vperm.xlane @!p0 v3, v4;
	_ =	sdelay $0x1  }
0x353: {  	v3 =	vperm.xlane @!p0 v3, v5;
	v7 =	vadd.s32 @!p0 v6, v7;
	_ =	sdelay $0x1  }
0x354: {  	v3 =	vadd.s32 @!p0 v6, v3;
	_ =	sdelay $0x1  }
0x355: {  	s24 =	simm.s32 @!p0 $0x7000  }
0x356: {  	[tilespmem:s24], [sflag:$0x2] =	stream.indirect_vreg.gather @!p0 [hbm4b:s1+s23], $0x80, v7, vm1, $0xb8;
	[tilespmem:$0x14000] =	vst v63  }
0x357: {  	s24 =	simm.s32 @!p0 $0x7800  }
0x358: {  	[tilespmem:s24], [sflag:$0x2] =	stream.indirect_vreg.gather @!p0 [hbm4b:s1+s23], $0x80, v3, vm1, $0xb8;
	[tilespmem:$0x14000] =	vst v63  }
0x359: {  	v3 =	vld @!p0 [tilespmem:s22+$0x2A0];
	_ =	sdelay $0x4  }
0x35a: {  	v7 =	vshll.u32 @!p0 v3, $0x1  }
0x35b: {  	v3 =	vand.u32 @!p0 $0x7, v3;
	v7 =	vand.u32 @!p0 $0xFFFFFFF0, v7  }
0x35c: {  	v3 =	vor.u32 @!p0 v3, v7  }
0x35d: {  	v7 =	vperm.xlane @!p0 v3, v4;
	_ =	sdelay $0x1  }
0x35e: {  	v3 =	vperm.xlane @!p0 v3, v5;
	v7 =	vadd.s32 @!p0 v6, v7;
	_ =	sdelay $0x1  }
0x35f: {  	v3 =	vadd.s32 @!p0 v6, v3;
	_ =	sdelay $0x1  }
0x360: {  	s24 =	simm.s32 @!p0 $0x8000  }
0x361: {  	[tilespmem:s24], [sflag:$0x2] =	stream.indirect_vreg.gather @!p0 [hbm4b:s1+s23], $0x80, v7, vm1, $0xb8;
	[tilespmem:$0x14000] =	vst v63  }
0x362: {  	s24 =	simm.s32 @!p0 $0x8800  }
0x363: {  	[tilespmem:s24], [sflag:$0x2] =	stream.indirect_vreg.gather @!p0 [hbm4b:s1+s23], $0x80, v3, vm1, $0xb8;
	[tilespmem:$0x14000] =	vst v63  }
0x364: {  	v3 =	vld @!p0 [tilespmem:s22+$0x2B0];
	_ =	sdelay $0x4  }
0x365: {  	v7 =	vshll.u32 @!p0 v3, $0x1  }
0x366: {  	v3 =	vand.u32 @!p0 $0x7, v3;
	v7 =	vand.u32 @!p0 $0xFFFFFFF0, v7  }
0x367: {  	v3 =	vor.u32 @!p0 v3, v7  }
0x368: {  	v4 =	vperm.xlane @!p0 v3, v4;
	_ =	sdelay $0x1  }
0x369: {  	v3 =	vperm.xlane @!p0 v3, v5;
	v4 =	vadd.s32 @!p0 v6, v4;
	_ =	sdelay $0x1  }
0x36a: {  	v3 =	vadd.s32 @!p0 v6, v3;
	_ =	sdelay $0x1  }
0x36b: {  	s24 =	simm.s32 @!p0 $0x9000  }
0x36c: {  	[tilespmem:s24], [sflag:$0x2] =	stream.indirect_vreg.gather @!p0 [hbm4b:s1+s23], $0x80, v4, vm1, $0xb8;
	[tilespmem:$0x14000] =	vst v63  }
0x36d: {  	s24 =	simm.s32 @!p0 $0x9800  }
0x36e: {  	[tilespmem:s24], [sflag:$0x2] =	stream.indirect_vreg.gather @!p0 [hbm4b:s1+s23], $0x80, v3, vm1, $0xb8;
	[tilespmem:$0x14000] =	vst v63  }
0x36f: {  	s25 =	sshll.u32 s21, $0x8;
	v43 =	vld [tilespmem:$0x1FD60];
	s24 =	sshll.u32 s21, $0x9  }
0x370: {  	v44 =	vld [tilespmem:$0x1FD70];
	s23 =	sand.u32 $0x1800, s24;
	s24 =	sand.u32 $0x300, s25  }
0x371: {  	s23 =	sor.u32 s24, s23  }
0x372: {  	[tilespmem:s23+$0x12000] =	vst v38  }
0x373: {  	[tilespmem:s23+$0x12010] =	vst v37  }
0x374: {  	[tilespmem:s23+$0x12020] =	vst v43  }
0x375: {  	v47 =	vld [tilespmem:$0x1FD50];
	[tilespmem:s23+$0x12030] =	vst v44  }
0x376: {  	[tilespmem:s23+$0x12040] =	vst v39  }
0x377: {  	v50 =	vld [tilespmem:$0x1FD30];
	[tilespmem:s23+$0x12050] =	vst v40  }
0x378: {  	v45 =	vld [tilespmem:$0x1FD40];
	[tilespmem:s23+$0x12060] =	vst v13  }
0x379: {  	v0 =	vadd.f32 v0, v25;
	[tilespmem:s23+$0x12070] =	vst v14  }
0x37a: {  	v46 =	vadd.f32 v19, v21;
	v48 =	vld [tilespmem:$0x1FD20];
	v5 =	vadd.f32 v47, v23;
	[tilespmem:s23+$0x12400] =	vst v18  }
0x37b: {  	v0 =	vadd.f32 v1, v0;
	[tilespmem:s23+$0x12410] =	vst v17  }
0x37c: {  	v49 =	vadd.f32 v20, v46;
	v4 =	vadd.f32 v50, v5;
	[tilespmem:s23+$0x12420] =	vst v16  }
0x37d: {  	v0 =	vadd.f32 v2, v0;
	v3 =	vadd.f32 v45, v24;
	[tilespmem:s23+$0x12430] =	vst v15  }
0x37e: {  	v51 =	vadd.f32 v22, v49;
	[tilespmem:s23+$0x12450] =	vst v4  }
0x37f: {  	v1 =	vadd.f32 v48, v3;
	[tilespmem:s23+$0x12460] =	vst v0  }
0x380: {  	[tilespmem:s23+$0x12470] =	vst v51  }
0x381: {  	[tilespmem:s23+$0x12440] =	vst v1  }
0x382: {  	_ =	swait.ge [sflag:s17], $0x4000  }
0x383: {  	[sflag:s17] =	ssyncset.done $0x0  }
0x384: {  	s25 =	simm.s32 $0xA400;
	[sflag:s17] =	ssyncadd.s32 $0xFFFFC000  }
0x385: {  	v12 =	vld [tilespmem:s25+$0xFFFFFF80]  }
0x386: {  	v13 =	vld [tilespmem:s25+$0xFFFFFF90]  }
0x387: {  	v14 =	vld [tilespmem:s25+$0xFFFFFFA0]  }
0x388: {  	v15 =	vld [tilespmem:s25+$0xFFFFFFB0]  }
0x389: {  	v16 =	vld [tilespmem:s25+$0xFFFFFFC0]  }
0x38a: {  	v17 =	vld [tilespmem:s25+$0xFFFFFFD0]  }
0x38b: {  	v22 =	vld [tilespmem:s25+$0xFFFFFFE0]  }
0x38c: {  	v18 =	vld [tilespmem:s25+$0xFFFFFFF0]  }
0x38d: {  	v52 =	vld [tilespmem:s25+$0x380]  }
0x38e: {  	v53 =	vld [tilespmem:s25+$0x390]  }
0x38f: {  	v54 =	vld [tilespmem:s25+$0x3A0]  }
0x390: {  	v26 =	vld [tilespmem:s25+$0x3B0]  }
0x391: {  	v55 =	vld [tilespmem:s25+$0x3C0]  }
0x392: {  	v56 =	vld [tilespmem:s25+$0x3D0]  }
0x393: {  	v37 =	vld [tilespmem:s25+$0xFFFFFF00]  }
0x394: {  	v38 =	vld [tilespmem:s25+$0xFFFFFF10]  }
0x395: {  	v39 =	vld [tilespmem:s25+$0xFFFFFF20]  }
0x396: {  	v40 =	vld [tilespmem:s25+$0xFFFFFF30]  }
0x397: {  	v35 =	vld [tilespmem:s25+$0xFFFFFF40]  }
0x398: {  	v36 =	vld [tilespmem:s25+$0xFFFFFF50]  }
0x399: {  	v33 =	vld [tilespmem:s25+$0xFFFFFF60]  }
0x39a: {  	v34 =	vld [tilespmem:s25+$0xFFFFFF70]  }
0x39b: {  	v7 =	vld [tilespmem:s25+$0x300]  }
0x39c: {  	v8 =	vld [tilespmem:s25+$0x310]  }
0x39d: {  	v3 =	vld [tilespmem:s25+$0x320]  }
0x39e: {  	v4 =	vld [tilespmem:s25+$0x330]  }
0x39f: {  	v57 =	vld [tilespmem:s25+$0x340]  }
0x3a0: {  	v58 =	vld [tilespmem:s25+$0x350]  }
0x3a1: {  	v41 =	vld [tilespmem:s25+$0xFFFFFE80]  }
0x3a2: {  	v42 =	vld [tilespmem:s25+$0xFFFFFE90]  }
0x3a3: {  	v43 =	vld [tilespmem:s25+$0xFFFFFEA0]  }
0x3a4: {  	v44 =	vld [tilespmem:s25+$0xFFFFFEB0]  }
0x3a5: {  	v45 =	vld [tilespmem:s25+$0xFFFFFEC0]  }
0x3a6: {  	v46 =	vld [tilespmem:s25+$0xFFFFFED0]  }
0x3a7: {  	v47 =	vld [tilespmem:s25+$0xFFFFFEE0]  }
0x3a8: {  	v48 =	vld [tilespmem:s25+$0xFFFFFEF0]  }
0x3a9: {  	v29 =	vld [tilespmem:s25+$0x280]  }
0x3aa: {  	v30 =	vld [tilespmem:s25+$0x290]  }
0x3ab: {  	v27 =	vld [tilespmem:s25+$0x2A0]  }
0x3ac: {  	v28 =	vld [tilespmem:s25+$0x2B0]  }
0x3ad: {  	v25 =	vld [tilespmem:s25+$0x2C0]  }
0x3ae: {  	v24 =	vld [tilespmem:s25+$0x2D0]  }
0x3af: {  	v49 =	vld [tilespmem:s25+$0xFFFFFE00]  }
0x3b0: {  	v50 =	vld [tilespmem:s25+$0xFFFFFE10]  }
0x3b1: {  	v51 =	vld [tilespmem:s25+$0xFFFFFE20]  }
0x3b2: {  	v19 =	vld [tilespmem:s25+$0x200]  }
0x3b3: {  	v32 =	vld [tilespmem:s25+$0x210]  }
0x3b4: {  	v21 =	vld [tilespmem:s25+$0x220]  }
0x3b5: {  	v20 =	vld [tilespmem:s25+$0x230]  }
0x3b6: {  	v59 =	vld [tilespmem:s25+$0x240]  }
0x3b7: {  	v60 =	vld [tilespmem:s25+$0x250]  }
0x3b8: {  	v61 =	vld [tilespmem:s25+$0xFFFFFC80]  }
0x3b9: {  	v62 =	vld [tilespmem:s25+$0xFFFFFC90]  }
0x3ba: {  	v63 =	vld [tilespmem:s25+$0xFFFFFC00]  }
0x3bb: {  	v0 =	vld [tilespmem:s25+$0xFFFFFC10]  }
0x3bc: {  	v1 =	vld [tilespmem:s25+$0xFFFFFC20]  }
0x3bd: {  	v2 =	vld [tilespmem:s25+$0xFFFFFC30]  }
0x3be: {  	v5 =	vld [tilespmem:s25+$0xFFFFFCA0]  }
0x3bf: {  	v6 =	vld [tilespmem:s25+$0xFFFFFCB0]  }
0x3c0: {  	v10 =	vld [tilespmem:s25+$0xFFFFFD20]  }
0x3c1: {  	v9 =	vld [tilespmem:s25+$0xFFFFFD30]  }
0x3c2: {  	v11 =	vld [tilespmem:s25+$0xFFFFFDA0]  }
0x3c3: {  	v23 =	vld [tilespmem:s25+$0xFFFFFD40]  }
0x3c4: {  	[tilespmem:$0x1FBA0] =	vst v52;
	v52 =	vld [tilespmem:s25+$0xFFFFFE30]  }
0x3c5: {  	[tilespmem:$0x1FBC0] =	vst v53;
	v53 =	vld [tilespmem:s25+$0xFFFFFE40]  }
0x3c6: {  	[tilespmem:$0x1FBE0] =	vst v54;
	v54 =	vld [tilespmem:s25+$0xFFFFFE50]  }
0x3c7: {  	[tilespmem:$0x1FB00] =	vst v55;
	v55 =	vld [tilespmem:s25+$0xFFFFFE60]  }
0x3c8: {  	[tilespmem:$0x1FB10] =	vst v56;
	v56 =	vld [tilespmem:s25+$0xFFFFFE70]  }
0x3c9: {  	[tilespmem:$0x1FB20] =	vst v57;
	v57 =	vld [tilespmem:s25+$0xFFFFFD80]  }
0x3ca: {  	v31 =	vimm.f32 $0.0e+00;
	[tilespmem:$0x1FB30] =	vst v58;
	v58 =	vld [tilespmem:s25+$0xFFFFFD90]  }
0x3cb: {  	[tilespmem:$0x1FC10] =	vst v59;
	v59 =	vld [tilespmem:s25+$0xFFFFFD00];
	v63 =	vadd.f32 v63, v31;
	v0 =	vadd.f32 v0, v31  }
0x3cc: {  	[tilespmem:$0x1FC20] =	vst v60;
	v60 =	vld [tilespmem:s25+$0xFFFFFD10];
	v1 =	vadd.f32 v1, v31;
	v2 =	vadd.f32 v2, v31  }
0x3cd: {  	v61 =	vadd.f32 v61, v63;
	v0 =	vadd.f32 v62, v0;
	v62 =	vld [tilespmem:s25+$0xFFFFFDB0]  }
0x3ce: {  	v1 =	vadd.f32 v5, v1;
	v2 =	vadd.f32 v6, v2;
	v5 =	vld [tilespmem:s25+$0xFFFFFDC0]  }
0x3cf: {  	v63 =	vld [tilespmem:s25+$0xFFFFFC50]  }
0x3d0: {  	v2 =	vadd.f32 v9, v2;
	v9 =	vld [tilespmem:s25+$0xFFFFFD50];
	v61 =	vadd.f32 v59, v61  }
0x3d1: {  	v1 =	vadd.f32 v10, v1;
	v59 =	vld [tilespmem:s25+$0xFFFFFDD0]  }
0x3d2: {  	v0 =	vadd.f32 v60, v0;
	v6 =	vadd.f32 v57, v61;
	v57 =	vld [tilespmem:s25+$0xFFFFFCC0]  }
0x3d3: {  	v1 =	vadd.f32 v11, v1;
	v2 =	vadd.f32 v62, v2;
	v62 =	vld [tilespmem:s25+$0xFFFFFC40]  }
0x3d4: {  	v0 =	vadd.f32 v58, v0;
	v58 =	vld [tilespmem:s25+$0xFFFFFD60]  }
0x3d5: {  	v1 =	vadd.f32 v51, v1;
	v51 =	vld [tilespmem:s25+$0xFFFFFCE0]  }
0x3d6: {  	v6 =	vadd.f32 v49, v6;
	v49 =	vld [tilespmem:s25+$0xFFFFFCD0]  }
0x3d7: {  	v2 =	vadd.f32 v52, v2;
	v52 =	vld [tilespmem:s25+$0xFFFFFCF0]  }
0x3d8: {  	v0 =	vadd.f32 v50, v0;
	v50 =	vld [tilespmem:s25+$0x100]  }
0x3d9: {  	v1 =	vadd.f32 v43, v1;
	v43 =	vld [tilespmem:s25+$0x50];
	v6 =	vadd.f32 v41, v6  }
0x3da: {  	v0 =	vadd.f32 v42, v0;
	v2 =	vadd.f32 v44, v2;
	v42 =	vld [tilespmem:s25+$0xFFFFFC60]  }
0x3db: {  	v44 =	vld [tilespmem:s25+$0xFFFFFC70];
	v1 =	vadd.f32 v39, v1;
	v61 =	vadd.f32 v62, v31  }
0x3dc: {  	v41 =	vld [tilespmem:s25+$0xD0];
	v62 =	vadd.f32 v63, v31;
	v6 =	vadd.f32 v37, v6  }
0x3dd: {  	v63 =	vld [tilespmem:s25+$0xFFFFFD70];
	v0 =	vadd.f32 v38, v0;
	v2 =	vadd.f32 v40, v2  }
0x3de: {  	v39 =	vld [tilespmem:s25+$0x150];
	v1 =	vadd.f32 v14, v1;
	v10 =	vadd.f32 v12, v6  }
0x3df: {  	v40 =	vld [tilespmem:s25+$0xC0];
	v13 =	vadd.f32 v13, v0;
	v60 =	vadd.f32 v15, v2  }
0x3e0: {  	v15 =	vld [tilespmem:s25+$0xFFFFFDE0];
	v2 =	vadd.f32 v49, v62;
	v14 =	vadd.f32 v42, v31  }
0x3e1: {  	v49 =	vld [tilespmem:s25+$0x190];
	[tilespmem:$0x1FB40] =	vst v1;
	v37 =	vadd.f32 v44, v31;
	v1 =	vadd.f32 v57, v61  }
0x3e2: {  	v44 =	vld [tilespmem:s25+$0xFFFFFDF0];
	v2 =	vadd.f32 v9, v2;
	v38 =	vadd.f32 v51, v14  }
0x3e3: {  	v57 =	vld [tilespmem:s25+$0x30];
	v6 =	vadd.f32 v52, v37;
	v1 =	vadd.f32 v23, v1  }
0x3e4: {  	v42 =	vld [tilespmem:s25+$0x40];
	v2 =	vadd.f32 v59, v2;
	v0 =	vadd.f32 v58, v38  }
0x3e5: {  	[tilespmem:$0x1FB50] =	vst v60;
	v60 =	vld [tilespmem:s25+$0x120];
	v6 =	vadd.f32 v63, v6;
	v1 =	vadd.f32 v5, v1  }
0x3e6: {  	v37 =	vld [tilespmem:s25+$0x180];
	v2 =	vadd.f32 v54, v2;
	v0 =	vadd.f32 v15, v0  }
0x3e7: {  	v54 =	vld [tilespmem:s25+$0x0];
	v6 =	vadd.f32 v44, v6;
	v1 =	vadd.f32 v53, v1  }
0x3e8: {  	v52 =	vld [tilespmem:s25+$0x80];
	v2 =	vadd.f32 v46, v2;
	v0 =	vadd.f32 v55, v0  }
0x3e9: {  	v6 =	vadd.f32 v56, v6;
	v1 =	vadd.f32 v45, v1;
	v55 =	vld [tilespmem:s25+$0x10]  }
0x3ea: {  	v56 =	vld [tilespmem:s25+$0x20];
	v2 =	vadd.f32 v36, v2;
	v0 =	vadd.f32 v47, v0  }
0x3eb: {  	v44 =	vld [tilespmem:s25+$0x60];
	v6 =	vadd.f32 v48, v6;
	v1 =	vadd.f32 v35, v1  }
0x3ec: {  	v59 =	vld [tilespmem:s25+$0xB0];
	v62 =	vadd.f32 v54, v31;
	v35 =	vadd.f32 v57, v31  }
0x3ed: {  	v53 =	vld [tilespmem:s25+$0x90];
	v2 =	vadd.f32 v17, v2;
	v0 =	vadd.f32 v33, v0  }
0x3ee: {  	v58 =	vld [tilespmem:s25+$0xA0];
	v6 =	vadd.f32 v34, v6;
	v1 =	vadd.f32 v16, v1  }
0x3ef: {  	v51 =	vld [tilespmem:s25+$0x110];
	v63 =	vadd.f32 v55, v31;
	v12 =	vadd.f32 v56, v31  }
0x3f0: {  	v55 =	vadd.f32 v44, v31;
	v0 =	vadd.f32 v22, v0;
	v22 =	vld [tilespmem:s25+$0x130]  }
0x3f1: {  	v14 =	vld [tilespmem:s25+$0x1A0];
	[tilespmem:$0x1FB60] =	vst v1;
	v61 =	vadd.f32 v18, v6;
	v1 =	vadd.f32 v59, v35  }
0x3f2: {  	v15 =	vld [tilespmem:s25+$0x1B0];
	v6 =	vadd.f32 v53, v63;
	[tilespmem:$0x1FB80] =	vst v0;
	v0 =	vadd.f32 v52, v62  }
0x3f3: {  	v46 =	vld [tilespmem:s25+$0xE0];
	v33 =	vadd.f32 v58, v12;
	v53 =	vadd.f32 v43, v31  }
0x3f4: {  	v45 =	vld [tilespmem:s25+$0x70];
	v52 =	vadd.f32 v42, v31;
	v0 =	vadd.f32 v50, v0  }
0x3f5: {  	v36 =	vld [tilespmem:s25+$0x360];
	v5 =	vadd.f32 v51, v6;
	v1 =	vadd.f32 v22, v1  }
0x3f6: {  	v47 =	vld [tilespmem:$0x1FBA0];
	[tilespmem:$0x1FB70] =	vst v2;
	v2 =	vadd.f32 v60, v33;
	v0 =	vadd.f32 v37, v0  }
0x3f7: {  	v48 =	vld [tilespmem:$0x1FBC0];
	v5 =	vadd.f32 v49, v5;
	v1 =	vadd.f32 v15, v1  }
0x3f8: {  	v54 =	vld [tilespmem:s25+$0x170];
	v2 =	vadd.f32 v14, v2;
	v0 =	vadd.f32 v19, v0  }
0x3f9: {  	v57 =	vld [tilespmem:s25+$0x1F0];
	v5 =	vadd.f32 v32, v5;
	v1 =	vadd.f32 v20, v1  }
0x3fa: {  	v17 =	vld [tilespmem:s25+$0x1D0];
	v2 =	vadd.f32 v21, v2;
	v0 =	vadd.f32 v29, v0  }
0x3fb: {  	v16 =	vld [tilespmem:s25+$0x1C0];
	v21 =	vmov v10;
	v10 =	vadd.f32 v41, v53;
	v1 =	vadd.f32 v28, v1  }
0x3fc: {  	v18 =	vld [tilespmem:s25+$0x140];
	v5 =	vadd.f32 v30, v5;
	v0 =	vadd.f32 v7, v0  }
0x3fd: {  	v50 =	vld [tilespmem:$0x1FBE0];
	v2 =	vadd.f32 v27, v2;
	v1 =	vadd.f32 v4, v1  }
0x3fe: {  	v49 =	vld [tilespmem:s25+$0xF0];
	v59 =	vadd.f32 v39, v10;
	v0 =	vadd.f32 v47, v0  }
0x3ff: {  	v51 =	vld [tilespmem:s25+$0x160];
	v8 =	vadd.f32 v8, v5;
	v1 =	vadd.f32 v26, v1  }
0x400: {  	v56 =	vld [tilespmem:s25+$0x1E0];
	v2 =	vadd.f32 v3, v2;
	v7 =	vadd.f32 v45, v31;
	[tilespmem:$0x1FBB0] =	vst v0  }
0x401: {  	v63 =	vld [tilespmem:$0x1FC20];
	v0 =	vadd.f32 v48, v8;
	[tilespmem:$0x1FC00] =	vst v1;
	v1 =	vadd.f32 v40, v52  }
0x402: {  	[tilespmem:$0x1FB90] =	vst v61;
	v62 =	vld [tilespmem:$0x1FC10];
	v3 =	vadd.f32 v46, v55;
	v2 =	vadd.f32 v50, v2  }
0x403: {  	v58 =	vld [tilespmem:s25+$0x260];
	[tilespmem:$0x1FBD0] =	vst v0;
	v0 =	vadd.f32 v49, v7;
	v1 =	vadd.f32 v18, v1  }
0x404: {  	v60 =	vld [tilespmem:s25+$0x270];
	v61 =	vadd.f32 v17, v59;
	[tilespmem:$0x1FBF0] =	vst v2;
	v2 =	vadd.f32 v51, v3  }
0x405: {  	v35 =	vld [tilespmem:s25+$0x2E0];
	v0 =	vadd.f32 v54, v0;
	v1 =	vadd.f32 v16, v1  }
0x406: {  	v43 =	vld [tilespmem:s25+$0x370];
	v3 =	vadd.f32 v63, v61;
	v2 =	vadd.f32 v56, v2  }
0x407: {  	v42 =	vld [tilespmem:s25+$0x2F0];
	v0 =	vadd.f32 v57, v0;
	v1 =	vadd.f32 v62, v1  }
0x408: {  	v37 =	vld [tilespmem:s25+$0x3E0];
	v56 =	vadd.f32 v24, v3;
	v53 =	vadd.f32 v58, v2  }
0x409: {  	s24 =	simm.s32 $0x0;
	s23 =	sor.u32 $0x12000, s23;
	v22 =	vmov v13;
	v46 =	vld [tilespmem:s25+$0x3F0];
	s25 =	simm.s32 $0xAC00;
	v54 =	vadd.f32 v60, v0;
	v55 =	vadd.f32 v25, v1  }
.LBB2_7:
0x40a: {  	v47 =	vld [tilespmem:s25+$0xFFFFFF80]  }
0x40b: {  	v48 =	vld [tilespmem:s25+$0xFFFFFF90]  }
0x40c: {  	v2 =	vld [tilespmem:$0x1FB20]  }
0x40d: {  	v3 =	vld [tilespmem:$0x1FB30]  }
0x40e: {  	v49 =	vld [tilespmem:s25+$0xFFFFFFA0]  }
0x40f: {  	v12 =	vld [tilespmem:$0x1FB00]  }
0x410: {  	v13 =	vld [tilespmem:$0x1FB10]  }
0x411: {  	v38 =	vld [tilespmem:s25+$0xFFFFFFF0]  }
0x412: {  	v15 =	vld [tilespmem:s25+$0x380]  }
0x413: {  	v16 =	vld [tilespmem:s25+$0x390]  }
0x414: {  	v17 =	vld [tilespmem:s25+$0x3A0]  }
0x415: {  	v18 =	vld [tilespmem:s25+$0x3C0]  }
0x416: {  	v19 =	vld [tilespmem:s25+$0x3D0]  }
0x417: {  	v59 =	vld [tilespmem:s25+$0xFFFFFF00]  }
0x418: {  	v61 =	vld [tilespmem:s25+$0xFFFFFF10]  }
0x419: {  	v60 =	vld [tilespmem:s25+$0xFFFFFF20]  }
0x41a: {  	v62 =	vld [tilespmem:s25+$0xFFFFFF30]  }
0x41b: {  	v45 =	vld [tilespmem:s25+$0xFFFFFF50]  }
0x41c: {  	v44 =	vld [tilespmem:s25+$0xFFFFFF60]  }
0x41d: {  	v30 =	vld [tilespmem:s25+$0x300]  }
0x41e: {  	v32 =	vld [tilespmem:s25+$0x310]  }
0x41f: {  	v29 =	vld [tilespmem:s25+$0x320]  }
0x420: {  	v31 =	vld [tilespmem:s25+$0x330]  }
0x421: {  	v24 =	vld [tilespmem:s25+$0x340]  }
0x422: {  	v25 =	vld [tilespmem:s25+$0x350]  }
0x423: {  	v4 =	vld [tilespmem:s25+$0xFFFFFE90]  }
0x424: {  	v7 =	vld [tilespmem:s25+$0xFFFFFEA0]  }
0x425: {  	v8 =	vld [tilespmem:s25+$0xFFFFFEB0]  }
0x426: {  	v57 =	vld [tilespmem:s25+$0xFFFFFED0]  }
0x427: {  	v58 =	vld [tilespmem:s25+$0xFFFFFEF0]  }
0x428: {  	v39 =	vld [tilespmem:s25+$0x280]  }
0x429: {  	v41 =	vld [tilespmem:s25+$0x290]  }
0x42a: {  	v40 =	vld [tilespmem:s25+$0x2A0]  }
0x42b: {  	v27 =	vld [tilespmem:s25+$0x2C0]  }
0x42c: {  	v28 =	vld [tilespmem:s25+$0x2D0]  }
0x42d: {  	v11 =	vld [tilespmem:s25+$0xFFFFFE00]  }
0x42e: {  	v23 =	vld [tilespmem:s25+$0xFFFFFE20]  }
0x42f: {  	v63 =	vld [tilespmem:s25+$0xFFFFFE60]  }
0x430: {  	v50 =	vld [tilespmem:s25+$0x200]  }
0x431: {  	v52 =	vld [tilespmem:s25+$0x210]  }
0x432: {  	v51 =	vld [tilespmem:s25+$0x220]  }
0x433: {  	v33 =	vld [tilespmem:s25+$0x240]  }
0x434: {  	v34 =	vld [tilespmem:s25+$0x250]  }
0x435: {  	v9 =	vld [tilespmem:s25+$0xFFFFFD90]  }
0x436: {  	v10 =	vld [tilespmem:s25+$0xFFFFFD00]  }
0x437: {  	v26 =	vld [tilespmem:s25+$0xFFFFFD10]  }
0x438: {  	v5 =	vld [tilespmem:s25+$0xFFFFFCB0]  }
0x439: {  	v20 =	vld [tilespmem:s25+$0xFFFFFD20]  }
0x43a: {  	v1 =	vadd.f32 v42, v54;
	v54 =	vld [tilespmem:s25+$0xFFFFFFB0]  }
0x43b: {  	v0 =	vadd.f32 v35, v53;
	v35 =	vld [tilespmem:s25+$0xFFFFFFC0]  }
0x43c: {  	v42 =	vld [tilespmem:s25+$0x2B0]  }
0x43d: {  	v53 =	vld [tilespmem:s25+$0x230]  }
0x43e: {  	v6 =	vadd.f32 v3, v56;
	v3 =	vld [tilespmem:s25+$0xFFFFFE80]  }
0x43f: {  	v2 =	vadd.f32 v2, v55;
	v55 =	vld [tilespmem:s25+$0xFFFFFEC0]  }
0x440: {  	v56 =	vld [tilespmem:s25+$0xFFFFFEE0]  }
0x441: {  	[tilespmem:$0x1FB20] =	vst v24;
	v24 =	vld [tilespmem:s25+$0xFFFFFE30]  }
0x442: {  	[tilespmem:$0x1FB30] =	vst v25;
	v25 =	vld [tilespmem:s25+$0xFFFFFD80]  }
0x443: {  	[tilespmem:$0x1FA90] =	vst v15;
	v15 =	vld [tilespmem:s25+$0xFFFFFC00]  }
0x444: {  	[tilespmem:$0x1FAA0] =	vst v16;
	v16 =	vld [tilespmem:s25+$0xFFFFFC10]  }
0x445: {  	[tilespmem:$0x1FAB0] =	vst v17;
	v17 =	vld [tilespmem:s25+$0xFFFFFC20]  }
0x446: {  	[tilespmem:$0x1FB00] =	vst v18;
	v18 =	vld [tilespmem:s25+$0xFFFFFC30]  }
0x447: {  	[tilespmem:$0x1FB10] =	vst v19;
	v19 =	vld [tilespmem:s25+$0xFFFFFCA0]  }
0x448: {  	v0 =	vadd.f32 v36, v0;
	v36 =	vld [tilespmem:s25+$0xFFFFFFE0]  }
0x449: {  	v1 =	vadd.f32 v43, v1;
	v43 =	vld [tilespmem:s25+$0xFFFFFF40]  }
0x44a: {  	v2 =	vadd.f32 v12, v2;
	v12 =	vld [tilespmem:s25+$0xFFFFFE10]  }
0x44b: {  	v0 =	vadd.f32 v37, v0;
	v37 =	vld [tilespmem:s25+$0xFFFFFFD0]  }
0x44c: {  	v14 =	vadd.f32 v46, v1;
	v46 =	vld [tilespmem:s25+$0xFFFFFF70]  }
0x44d: {  	v1 =	vld [tilespmem:s25+$0xFFFFFE50]  }
0x44e: {  	[tilespmem:$0x1FAC0] =	vst v2;
	v2 =	vadd.f32 v13, v6;
	v6 =	vld [tilespmem:s25+$0x3B0]  }
0x44f: {  	v13 =	vld [tilespmem:s25+$0xFFFFFC80]  }
0x450: {  	[tilespmem:$0x1FAE0] =	vst v0;
	v0 =	vld [tilespmem:s25+$0xFFFFFE40]  }
0x451: {  	v16 =	vadd.f32 v16, v22;
	v22 =	vld [tilespmem:$0x1FB40]  }
0x452: {  	[tilespmem:$0x1FAF0] =	vst v14;
	v14 =	vld [tilespmem:s25+$0xFFFFFC90]  }
0x453: {  	v15 =	vadd.f32 v15, v21;
	v21 =	vld [tilespmem:s25+$0xFFFFFD30]  }
0x454: {  	[tilespmem:$0x1FAD0] =	vst v2;
	v2 =	vld [tilespmem:s25+$0xFFFFFE70]  }
0x455: {  	v13 =	vadd.f32 v13, v15;
	v15 =	vld [tilespmem:s25+$0xFFFFFDB0]  }
0x456: {  	v17 =	vadd.f32 v17, v22;
	v22 =	vld [tilespmem:$0x1FB50]  }
0x457: {  	v14 =	vadd.f32 v14, v16;
	v10 =	vadd.f32 v10, v13;
	v13 =	vld [tilespmem:s25+$0xFFFFFCC0]  }
0x458: {  	v16 =	vadd.f32 v19, v17;
	v17 =	vld [tilespmem:s25+$0xFFFFFDC0]  }
0x459: {  	v26 =	vadd.f32 v26, v14;
	v14 =	vld [tilespmem:s25+$0xFFFFFDD0]  }
0x45a: {  	v19 =	vld [tilespmem:s25+$0xFFFFFD50]  }
0x45b: {  	v10 =	vadd.f32 v25, v10;
	v25 =	vld [tilespmem:s25+$0xFFFFFCE0]  }
0x45c: {  	v9 =	vadd.f32 v9, v26;
	v18 =	vadd.f32 v18, v22;
	v22 =	vld [tilespmem:s25+$0xFFFFFDA0]  }
0x45d: {  	v10 =	vadd.f32 v11, v10;
	v11 =	vld [tilespmem:s25+$0xFFFFFC40]  }
0x45e: {  	v9 =	vadd.f32 v12, v9;
	v12 =	vld [tilespmem:s25+$0x190]  }
0x45f: {  	v5 =	vadd.f32 v5, v18;
	v18 =	vld [tilespmem:s25+$0xFFFFFD40]  }
0x460: {  	v3 =	vadd.f32 v3, v10;
	v10 =	vld [tilespmem:s25+$0x180]  }
0x461: {  	v16 =	vadd.f32 v20, v16;
	v4 =	vadd.f32 v4, v9;
	v9 =	vld [tilespmem:s25+$0xFFFFFC60]  }
0x462: {  	v5 =	vadd.f32 v21, v5;
	v3 =	vadd.f32 v59, v3;
	v59 =	vld [tilespmem:$0x1FB70]  }
0x463: {  	v4 =	vadd.f32 v61, v4;
	v61 =	vld [tilespmem:$0x1FB80]  }
0x464: {  	v16 =	vadd.f32 v22, v16;
	v5 =	vadd.f32 v15, v5;
	v15 =	vld [tilespmem:s25+$0xFFFFFCD0]  }
0x465: {  	v21 =	vadd.f32 v47, v3;
	v47 =	vld [tilespmem:s25+$0xFFFFFD60]  }
0x466: {  	v26 =	vadd.f32 v23, v16;
	v16 =	vld [tilespmem:s25+$0xFFFFFC50]  }
0x467: {  	v5 =	vadd.f32 v24, v5;
	v24 =	vld [tilespmem:s25+$0xFFFFFC70]  }
0x468: {  	v7 =	vadd.f32 v7, v26;
	v26 =	vld [tilespmem:s25+$0xFFFFFCF0]  }
0x469: {  	v5 =	vadd.f32 v8, v5;
	v9 =	vadd.f32 v9, v61;
	v61 =	vld [tilespmem:$0x1FBB0]  }
0x46a: {  	v7 =	vadd.f32 v60, v7;
	v60 =	vld [tilespmem:s25+$0xFFFFFD70]  }
0x46b: {  	v5 =	vadd.f32 v62, v5;
	v62 =	vld [tilespmem:$0x1FB90]  }
0x46c: {  	v22 =	vadd.f32 v48, v4;
	v9 =	vadd.f32 v25, v9;
	v25 =	vld [tilespmem:s25+$0x80]  }
0x46d: {  	v48 =	vadd.f32 v49, v7;
	v49 =	vadd.f32 v54, v5;
	v54 =	vld [tilespmem:$0x1FB60]  }
0x46e: {  	v5 =	vadd.f32 v16, v59;
	v16 =	vld [tilespmem:s25+$0xFFFFFDE0]  }
0x46f: {  	v3 =	vadd.f32 v47, v9;
	v9 =	vld [tilespmem:s25+$0x110]  }
0x470: {  	v47 =	vld [tilespmem:s25+$0x0]  }
0x471: {  	[tilespmem:$0x1FB40] =	vst v48;
	v48 =	vld [tilespmem:s25+$0x10]  }
0x472: {  	[tilespmem:$0x1FB50] =	vst v49;
	v49 =	vld [tilespmem:s25+$0x20]  }
0x473: {  	v5 =	vadd.f32 v15, v5;
	v8 =	vadd.f32 v24, v62;
	v24 =	vld [tilespmem:s25+$0xFFFFFDF0]  }
0x474: {  	v62 =	vld [tilespmem:$0x1FBD0]  }
0x475: {  	v5 =	vadd.f32 v19, v5;
	v19 =	vld [tilespmem:s25+$0x1A0]  }
0x476: {  	v8 =	vadd.f32 v26, v8;
	v3 =	vadd.f32 v16, v3;
	v26 =	vld [tilespmem:s25+$0x90]  }
0x477: {  	v4 =	vadd.f32 v11, v54;
	v54 =	vld [tilespmem:s25+$0x30]  }
0x478: {  	v7 =	vadd.f32 v60, v8;
	v8 =	vld [tilespmem:s25+$0x100];
	v3 =	vadd.f32 v63, v3  }
0x479: {  	v5 =	vadd.f32 v14, v5;
	v4 =	vadd.f32 v13, v4;
	v63 =	vld [tilespmem:s25+$0x130]  }
0x47a: {  	v3 =	vadd.f32 v56, v3;
	v56 =	vld [tilespmem:s25+$0xB0]  }
0x47b: {  	v1 =	vadd.f32 v1, v5;
	v4 =	vadd.f32 v18, v4;
	v18 =	vld [tilespmem:$0x1FC00]  }
0x47c: {  	v7 =	vadd.f32 v24, v7;
	v24 =	vld [tilespmem:s25+$0x1B0]  }
0x47d: {  	v1 =	vadd.f32 v57, v1;
	v4 =	vadd.f32 v17, v4;
	v17 =	vld [tilespmem:$0x1FBF0]  }
0x47e: {  	v2 =	vadd.f32 v2, v7;
	v3 =	vadd.f32 v44, v3;
	v44 =	vld [tilespmem:s25+$0x50]  }
0x47f: {  	v1 =	vadd.f32 v45, v1;
	v45 =	vld [tilespmem:s25+$0x60];
	v0 =	vadd.f32 v0, v4  }
0x480: {  	v2 =	vadd.f32 v58, v2;
	v58 =	vld [tilespmem:s25+$0x120];
	v59 =	vadd.f32 v36, v3  }
0x481: {  	v57 =	vadd.f32 v37, v1;
	v0 =	vadd.f32 v55, v0;
	v55 =	vld [tilespmem:s25+$0xA0]  }
0x482: {  	v36 =	vld [tilespmem:s25+$0x150];
	v1 =	vadd.f32 v47, v61;
	v5 =	vadd.f32 v54, v18  }
0x483: {  	v37 =	vld [tilespmem:s25+$0xC0];
	v2 =	vadd.f32 v46, v2;
	v4 =	vadd.f32 v49, v17  }
0x484: {  	v47 =	vld [tilespmem:s25+$0xE0];
	v1 =	vadd.f32 v25, v1;
	v0 =	vadd.f32 v43, v0  }
0x485: {  	v54 =	vld [tilespmem:$0x1FAC0];
	v60 =	vadd.f32 v38, v2;
	v2 =	vadd.f32 v48, v62  }
0x486: {  	v46 =	vld [tilespmem:s25+$0x70];
	v0 =	vadd.f32 v35, v0;
	v4 =	vadd.f32 v55, v4  }
0x487: {  	[tilespmem:$0x1FB80] =	vst v59;
	v59 =	vld [tilespmem:s25+$0x1E0];
	v1 =	vadd.f32 v8, v1;
	v2 =	vadd.f32 v26, v2  }
0x488: {  	v5 =	vadd.f32 v56, v5;
	v25 =	vld [tilespmem:s25+$0x1C0];
	[tilespmem:$0x1FB60] =	vst v0;
	v0 =	vadd.f32 v58, v4  }
0x489: {  	v49 =	vld [tilespmem:$0x1FA90];
	v1 =	vadd.f32 v10, v1;
	v2 =	vadd.f32 v9, v2  }
0x48a: {  	v56 =	vld [tilespmem:s25+$0x170];
	v3 =	vadd.f32 v63, v5;
	v0 =	vadd.f32 v19, v0  }
0x48b: {  	v43 =	vld [tilespmem:s25+$0x40];
	v1 =	vadd.f32 v50, v1;
	v2 =	vadd.f32 v12, v2  }
0x48c: {  	v3 =	vadd.f32 v24, v3;
	v50 =	vld [tilespmem:$0x1FAA0];
	v0 =	vadd.f32 v51, v0  }
0x48d: {  	v1 =	vadd.f32 v39, v1;
	v2 =	vadd.f32 v52, v2;
	v52 =	vld [tilespmem:$0x1FAB0]  }
0x48e: {  	v3 =	vadd.f32 v53, v3;
	v58 =	vld [tilespmem:$0x1FAF0];
	v0 =	vadd.f32 v40, v0  }
0x48f: {  	v55 =	vld [tilespmem:$0x1FAD0];
	v1 =	vadd.f32 v30, v1;
	v2 =	vadd.f32 v41, v2  }
0x490: {  	[tilespmem:$0x1FB70] =	vst v57;
	v57 =	vld [tilespmem:$0x1FAE0];
	v3 =	vadd.f32 v42, v3;
	v0 =	vadd.f32 v29, v0  }
0x491: {  	v38 =	vld [tilespmem:s25+$0xD0];
	v1 =	vadd.f32 v49, v1;
	v2 =	vadd.f32 v32, v2  }
0x492: {  	v48 =	vld [tilespmem:s25+$0xF0];
	v3 =	vadd.f32 v31, v3;
	v0 =	vadd.f32 v52, v0  }
0x493: {  	v35 =	vld [tilespmem:s25+$0x140];
	v10 =	vadd.f32 v46, v58;
	[tilespmem:$0x1FBB0] =	vst v1;
	v1 =	vadd.f32 v50, v2  }
0x494: {  	v51 =	vld [tilespmem:s25+$0x160];
	v2 =	vadd.f32 v44, v55;
	[tilespmem:$0x1FBF0] =	vst v0;
	v0 =	vadd.f32 v43, v54  }
0x495: {  	v26 =	vld [tilespmem:s25+$0x1D0];
	v53 =	vadd.f32 v6, v3;
	v6 =	vadd.f32 v45, v57  }
0x496: {  	[tilespmem:$0x1FB90] =	vst v60;
	v60 =	vld [tilespmem:s25+$0x1F0];
	v2 =	vadd.f32 v38, v2;
	v0 =	vadd.f32 v37, v0  }
0x497: {  	v62 =	vld [tilespmem:s25+$0x260];
	v61 =	vadd.f32 v48, v10;
	v6 =	vadd.f32 v47, v6  }
0x498: {  	s24 =	sadd.s32 $0x8, s24;
	v63 =	vld [tilespmem:s25+$0x270];
	v2 =	vadd.f32 v36, v2;
	v0 =	vadd.f32 v35, v0  }
0x499: {  	p1 =	slt.u32 s24, $0x38;
	v42 =	vld [tilespmem:s25+$0x2F0];
	v3 =	vadd.f32 v56, v61;
	[tilespmem:$0x1FBD0] =	vst v1;
	v1 =	vadd.f32 v51, v6  }
.Ltmp2:
0x49a: {  	v46 =	vld [tilespmem:s25+$0x3F0];
	v2 =	vadd.f32 v26, v2;
	v0 =	vadd.f32 v25, v0;
	(pc) =	sbr.rel @p1 .LBB2_7-.Ltmp2, $4  }
0x49b: {  	v3 =	vadd.f32 v60, v3;
	v43 =	vld [tilespmem:s25+$0x370];
	v1 =	vadd.f32 v59, v1  }
0x49c: {  	v36 =	vld [tilespmem:s25+$0x360];
	v2 =	vadd.f32 v34, v2;
	v0 =	vadd.f32 v33, v0  }
0x49d: {  	[tilespmem:$0x1FC00] =	vst v53;
	v54 =	vadd.f32 v63, v3;
	v37 =	vld [tilespmem:s25+$0x3E0];
	v53 =	vadd.f32 v62, v1  }
0x49e: {  	v35 =	vld [tilespmem:s25+$0x2E0];
	s25 =	sadd.s32 $0x800, s25;
	v56 =	vadd.f32 v28, v2;
	v55 =	vadd.f32 v27, v0  }
0x49f: {  	v0 =	vld @!p0 [tilespmem:s22+$0x300];
	_ =	sdelay $0x4  }
0x4a0: {  	v1 =	vshll.u32 @!p0 v0, $0x1  }
0x4a1: {  	v2 =	vlaneseq.u32 @!p0;
	v0 =	vand.u32 @!p0 $0x7, v0;
	v1 =	vand.u32 @!p0 $0xFFFFFFF0, v1  }
0x4a2: {  	v3 =	vshrl.u32 @!p0 v2, $0x3;
	v0 =	vor.u32 @!p0 v0, v1;
	v1 =	vand.u32 @!p0 $0x7, v2  }
0x4a3: {  	v3 =	vmul.u32 @!p0 $0x8, v3;
	v4 =	vperm.xlane @!p0 v0, v1  }
0x4a4: {  	v2 =	vor.u32 @!p0 $0x8, v2  }
0x4a5: {  	v0 =	vperm.xlane @!p0 v0, v2;
	v4 =	vadd.s32 @!p0 v3, v4;
	_ =	sdelay $0x1  }
0x4a6: {  	v0 =	vadd.s32 @!p0 v3, v0;
	_ =	sdelay $0x1  }
0x4a7: {  	s24 =	simm.s32 @!p0 $0x0;
	s25 =	simm.s32 @!p0 $0xA000  }
0x4a8: {  	[tilespmem:s25], [sflag:$0x3] =	stream.indirect_vreg.gather @!p0 [hbm4b:s1+s24], $0x80, v4, vm1, $0xb8;
	[tilespmem:$0x14000] =	vst v63  }
0x4a9: {  	s25 =	simm.s32 @!p0 $0xA800  }
0x4aa: {  	[tilespmem:s25], [sflag:$0x3] =	stream.indirect_vreg.gather @!p0 [hbm4b:s1+s24], $0x80, v0, vm1, $0xb8;
	[tilespmem:$0x14000] =	vst v63  }
0x4ab: {  	v0 =	vld @!p0 [tilespmem:s22+$0x310];
	_ =	sdelay $0x4  }
0x4ac: {  	v4 =	vshll.u32 @!p0 v0, $0x1  }
0x4ad: {  	v0 =	vand.u32 @!p0 $0x7, v0;
	v4 =	vand.u32 @!p0 $0xFFFFFFF0, v4  }
0x4ae: {  	v0 =	vor.u32 @!p0 v0, v4  }
0x4af: {  	v4 =	vperm.xlane @!p0 v0, v1;
	_ =	sdelay $0x1  }
0x4b0: {  	v0 =	vperm.xlane @!p0 v0, v2;
	v4 =	vadd.s32 @!p0 v3, v4;
	_ =	sdelay $0x1  }
0x4b1: {  	v0 =	vadd.s32 @!p0 v3, v0;
	_ =	sdelay $0x1  }
0x4b2: {  	s25 =	simm.s32 @!p0 $0xB000  }
0x4b3: {  	[tilespmem:s25], [sflag:$0x3] =	stream.indirect_vreg.gather @!p0 [hbm4b:s1+s24], $0x80, v4, vm1, $0xb8;
	[tilespmem:$0x14000] =	vst v63  }
0x4b4: {  	s25 =	simm.s32 @!p0 $0xB800  }
0x4b5: {  	[tilespmem:s25], [sflag:$0x3] =	stream.indirect_vreg.gather @!p0 [hbm4b:s1+s24], $0x80, v0, vm1, $0xb8;
	[tilespmem:$0x14000] =	vst v63  }
0x4b6: {  	v0 =	vld @!p0 [tilespmem:s22+$0x320];
	_ =	sdelay $0x4  }
0x4b7: {  	v4 =	vshll.u32 @!p0 v0, $0x1  }
0x4b8: {  	v0 =	vand.u32 @!p0 $0x7, v0;
	v4 =	vand.u32 @!p0 $0xFFFFFFF0, v4  }
0x4b9: {  	v0 =	vor.u32 @!p0 v0, v4  }
0x4ba: {  	v4 =	vperm.xlane @!p0 v0, v1;
	_ =	sdelay $0x1  }
0x4bb: {  	v0 =	vperm.xlane @!p0 v0, v2;
	v4 =	vadd.s32 @!p0 v3, v4;
	_ =	sdelay $0x1  }
0x4bc: {  	v0 =	vadd.s32 @!p0 v3, v0;
	_ =	sdelay $0x1  }
0x4bd: {  	s25 =	simm.s32 @!p0 $0xC000  }
0x4be: {  	[tilespmem:s25], [sflag:$0x3] =	stream.indirect_vreg.gather @!p0 [hbm4b:s1+s24], $0x80, v4, vm1, $0xb8;
	[tilespmem:$0x14000] =	vst v63  }
0x4bf: {  	s25 =	simm.s32 @!p0 $0xC800  }
0x4c0: {  	[tilespmem:s25], [sflag:$0x3] =	stream.indirect_vreg.gather @!p0 [hbm4b:s1+s24], $0x80, v0, vm1, $0xb8;
	[tilespmem:$0x14000] =	vst v63  }
0x4c1: {  	v0 =	vld @!p0 [tilespmem:s22+$0x330];
	_ =	sdelay $0x4  }
0x4c2: {  	v4 =	vshll.u32 @!p0 v0, $0x1  }
0x4c3: {  	v0 =	vand.u32 @!p0 $0x7, v0;
	v4 =	vand.u32 @!p0 $0xFFFFFFF0, v4  }
0x4c4: {  	v0 =	vor.u32 @!p0 v0, v4  }
0x4c5: {  	v1 =	vperm.xlane @!p0 v0, v1;
	_ =	sdelay $0x1  }
0x4c6: {  	v0 =	vperm.xlane @!p0 v0, v2;
	v1 =	vadd.s32 @!p0 v3, v1;
	_ =	sdelay $0x1  }
0x4c7: {  	v0 =	vadd.s32 @!p0 v3, v0;
	_ =	sdelay $0x1  }
0x4c8: {  	s25 =	simm.s32 @!p0 $0xD000  }
0x4c9: {  	[tilespmem:s25], [sflag:$0x3] =	stream.indirect_vreg.gather @!p0 [hbm4b:s1+s24], $0x80, v1, vm1, $0xb8;
	[tilespmem:$0x14000] =	vst v63  }
0x4ca: {  	s25 =	simm.s32 @!p0 $0xD800  }
0x4cb: {  	[tilespmem:s25], [sflag:$0x3] =	stream.indirect_vreg.gather @!p0 [hbm4b:s1+s24], $0x80, v0, vm1, $0xb8;
	[tilespmem:$0x14000] =	vst v63  }
0x4cc: {  	_ =	swait.ge [sflag:s18], $0x4000  }
0x4cd: {  	[sflag:s18] =	ssyncset.done $0x0  }
0x4ce: {  	s25 =	simm.s32 $0xE400;
	[sflag:s18] =	ssyncadd.s32 $0xFFFFC000  }
0x4cf: {  	v0 =	vld [tilespmem:s25+$0x380];
	_ =	sdelay $0x4  }
0x4d0: {  	[tilespmem:$0x1FA10] =	vst v0;
	v0 =	vld [tilespmem:s25+$0x390];
	_ =	sdelay $0x4  }
0x4d1: {  	[tilespmem:$0x1FA20] =	vst v0;
	v0 =	vld [tilespmem:s25+$0x3A0];
	_ =	sdelay $0x3  }
0x4d2: {  	v2 =	vld [tilespmem:$0x1FB20]  }
0x4d3: {  	[tilespmem:$0x1FA30] =	vst v0;
	v0 =	vld [tilespmem:s25+$0x3B0]  }
0x4d4: {  	v27 =	vld [tilespmem:s25+$0xFFFFFF80]  }
0x4d5: {  	v28 =	vld [tilespmem:s25+$0xFFFFFF90]  }
0x4d6: {  	v9 =	vld [tilespmem:s25+$0xFFFFFFA0]  }
0x4d7: {  	v10 =	vld [tilespmem:s25+$0xFFFFFFB0]  }
0x4d8: {  	[tilespmem:$0x1FA40] =	vst v0;
	v0 =	vld [tilespmem:s25+$0x3C0]  }
0x4d9: {  	v47 =	vld [tilespmem:s25+$0xFFFFFFC0]  }
0x4da: {  	v48 =	vld [tilespmem:s25+$0xFFFFFFD0]  }
0x4db: {  	v44 =	vld [tilespmem:s25+$0xFFFFFFE0]  }
0x4dc: {  	v45 =	vld [tilespmem:s25+$0xFFFFFFF0]  }
0x4dd: {  	[tilespmem:$0x1F990] =	vst v0;
	v0 =	vld [tilespmem:s25+$0x3D0]  }
0x4de: {  	v12 =	vld [tilespmem:s25+$0xFFFFFF00]  }
0x4df: {  	v17 =	vld [tilespmem:s25+$0xFFFFFF10]  }
0x4e0: {  	v19 =	vld [tilespmem:s25+$0xFFFFFF20]  }
0x4e1: {  	v18 =	vld [tilespmem:s25+$0xFFFFFF30]  }
0x4e2: {  	[tilespmem:$0x1F9A0] =	vst v0;
	v0 =	vld [tilespmem:s25+$0x300]  }
0x4e3: {  	v59 =	vld [tilespmem:s25+$0xFFFFFF40]  }
0x4e4: {  	v60 =	vld [tilespmem:s25+$0xFFFFFF50]  }
0x4e5: {  	v57 =	vld [tilespmem:s25+$0xFFFFFF60]  }
0x4e6: {  	v58 =	vld [tilespmem:s25+$0xFFFFFF70]  }
0x4e7: {  	[tilespmem:$0x1F9D0] =	vst v0;
	v0 =	vld [tilespmem:s25+$0x310]  }
0x4e8: {  	v13 =	vld [tilespmem:s25+$0xFFFFFE80]  }
0x4e9: {  	v14 =	vld [tilespmem:s25+$0xFFFFFE90]  }
0x4ea: {  	v15 =	vld [tilespmem:s25+$0xFFFFFEA0]  }
0x4eb: {  	v16 =	vld [tilespmem:s25+$0xFFFFFEB0]  }
0x4ec: {  	[tilespmem:$0x1F9E0] =	vst v0;
	v0 =	vld [tilespmem:s25+$0x320]  }
0x4ed: {  	v26 =	vld [tilespmem:s25+$0xFFFFFEC0]  }
0x4ee: {  	v29 =	vld [tilespmem:s25+$0xFFFFFED0]  }
0x4ef: {  	v30 =	vld [tilespmem:s25+$0xFFFFFEE0]  }
0x4f0: {  	v31 =	vld [tilespmem:s25+$0xFFFFFEF0]  }
0x4f1: {  	[tilespmem:$0x1F9F0] =	vst v0;
	v0 =	vld [tilespmem:s25+$0x330]  }
0x4f2: {  	v38 =	vld [tilespmem:s25+$0x280]  }
0x4f3: {  	v34 =	vld [tilespmem:s25+$0x290]  }
0x4f4: {  	v62 =	vld [tilespmem:s25+$0x2A0]  }
0x4f5: {  	v61 =	vld [tilespmem:s25+$0x2B0]  }
0x4f6: {  	[tilespmem:$0x1FA00] =	vst v0;
	v0 =	vld [tilespmem:s25+$0x340]  }
0x4f7: {  	v32 =	vmov v21;
	v21 =	vld [tilespmem:s25+$0xFFFFFE00]  }
0x4f8: {  	v39 =	vmov v22;
	v22 =	vld [tilespmem:s25+$0xFFFFFE10]  }
0x4f9: {  	v23 =	vld [tilespmem:s25+$0xFFFFFE20]  }
0x4fa: {  	v24 =	vld [tilespmem:s25+$0xFFFFFE30]  }
0x4fb: {  	[tilespmem:$0x1F9B0] =	vst v0;
	v0 =	vld [tilespmem:s25+$0x350]  }
0x4fc: {  	v25 =	vld [tilespmem:s25+$0xFFFFFE40]  }
0x4fd: {  	v6 =	vld [tilespmem:s25+$0xFFFFFE50]  }
0x4fe: {  	v63 =	vld [tilespmem:s25+$0xFFFFFE60]  }
0x4ff: {  	v20 =	vld [tilespmem:s25+$0xFFFFFE70]  }
0x500: {  	[tilespmem:$0x1F9C0] =	vst v0;
	v0 =	vld [tilespmem:s25+$0x2C0]  }
0x501: {  	v42 =	vadd.f32 v42, v54;
	v54 =	vadd.f32 v2, v55;
	v2 =	vld [tilespmem:$0x1FB30]  }
0x502: {  	v51 =	vld [tilespmem:s25+$0x200]  }
0x503: {  	v52 =	vld [tilespmem:s25+$0x210]  }
0x504: {  	v49 =	vld [tilespmem:s25+$0x220]  }
0x505: {  	[tilespmem:$0x1FA70] =	vst v0;
	v0 =	vld [tilespmem:s25+$0x2D0]  }
0x506: {  	v55 =	vadd.f32 v2, v56;
	v2 =	vld [tilespmem:$0x1FB00]  }
0x507: {  	v50 =	vld [tilespmem:s25+$0x230]  }
0x508: {  	v11 =	vld [tilespmem:s25+$0xFFFFFD80]  }
0x509: {  	v8 =	vld [tilespmem:s25+$0xFFFFFD90]  }
0x50a: {  	[tilespmem:$0x1FA80] =	vst v0;
	v0 =	vld [tilespmem:s25+$0x240]  }
0x50b: {  	v42 =	vadd.f32 v43, v42;
	v43 =	vadd.f32 v2, v54;
	v2 =	vld [tilespmem:$0x1FB10]  }
0x50c: {  	v3 =	vld [tilespmem:s25+$0xFFFFFC90]  }
0x50d: {  	v1 =	vld [tilespmem:s25+$0xFFFFFC10]  }
0x50e: {  	v35 =	vadd.f32 v35, v53;
	v53 =	vld [tilespmem:s25+$0xFFFFFC20]  }
0x50f: {  	[tilespmem:$0x1FA50] =	vst v0;
	v0 =	vld [tilespmem:s25+$0x250]  }
0x510: {  	v54 =	vadd.f32 v2, v55;
	v2 =	vld [tilespmem:$0x1FB40]  }
0x511: {  	v7 =	vld [tilespmem:s25+$0xFFFFFD00]  }
0x512: {  	v5 =	vld [tilespmem:s25+$0xFFFFFD10]  }
0x513: {  	v1 =	vadd.f32 v1, v39;
	v56 =	vld [tilespmem:s25+$0xFFFFFC30]  }
0x514: {  	[tilespmem:$0x1FA60] =	vst v0;
	v0 =	vld [tilespmem:s25+$0xFFFFFC00]  }
0x515: {  	v1 =	vadd.f32 v3, v1;
	v53 =	vadd.f32 v53, v2;
	v2 =	vld [tilespmem:$0x1FB50]  }
0x516: {  	v4 =	vld [tilespmem:s25+$0xFFFFFC80]  }
0x517: {  	v1 =	vadd.f32 v5, v1;
	v55 =	vld [tilespmem:s25+$0xFFFFFCB0]  }
0x518: {  	v35 =	vadd.f32 v36, v35;
	v36 =	vld [tilespmem:s25+$0xFFFFFCA0]  }
0x519: {  	v1 =	vadd.f32 v8, v1;
	v0 =	vadd.f32 v0, v32;
	v32 =	vld [tilespmem:s25+$0xFFFFFD30]  }
0x51a: {  	v33 =	vadd.f32 v37, v35;
	v35 =	vld [tilespmem:s25+$0xFFFFFD20];
	v56 =	vadd.f32 v56, v2  }
0x51b: {  	v3 =	vld [tilespmem:s25+$0xFFFFFDB0];
	v1 =	vadd.f32 v22, v1  }
0x51c: {  	v40 =	vadd.f32 v46, v42;
	v5 =	vld [tilespmem:s25+$0xFFFFFDD0];
	v42 =	vadd.f32 v55, v56  }
0x51d: {  	v1 =	vadd.f32 v14, v1;
	v2 =	vld [tilespmem:s25+$0xFFFFFDA0];
	v0 =	vadd.f32 v4, v0  }
0x51e: {  	v22 =	vld [tilespmem:s25+$0xFFFFFC40];
	v41 =	vadd.f32 v36, v53;
	v46 =	vadd.f32 v32, v42  }
0x51f: {  	v14 =	vld [tilespmem:s25+$0xFFFFFC60];
	v1 =	vadd.f32 v17, v1;
	v0 =	vadd.f32 v7, v0  }
0x520: {  	v17 =	vld [tilespmem:s25+$0xFFFFFDE0];
	v4 =	vadd.f32 v35, v41;
	v3 =	vadd.f32 v3, v46  }
0x521: {  	v53 =	vld [tilespmem:s25+$0xFFFFFDC0];
	v0 =	vadd.f32 v11, v0  }
0x522: {  	v55 =	vld [tilespmem:s25+$0xFFFFFD50];
	v2 =	vadd.f32 v2, v4;
	v3 =	vadd.f32 v24, v3  }
0x523: {  	v56 =	vld [tilespmem:s25+$0xFFFFFCC0];
	v0 =	vadd.f32 v21, v0  }
0x524: {  	v32 =	vld [tilespmem:s25+$0xFFFFFD40];
	v2 =	vadd.f32 v23, v2;
	v3 =	vadd.f32 v16, v3  }
0x525: {  	v0 =	vadd.f32 v13, v0;
	v13 =	vld [tilespmem:s25+$0xFFFFFC50]  }
0x526: {  	v2 =	vadd.f32 v15, v2;
	v42 =	vadd.f32 v18, v3;
	v3 =	vld [tilespmem:$0x1FB70]  }
0x527: {  	v23 =	vld [tilespmem:s25+$0x20]  }
0x528: {  	v21 =	vld [tilespmem:s25+$0xFFFFFCD0];
	v2 =	vadd.f32 v19, v2  }
0x529: {  	v46 =	vadd.f32 v28, v1;
	v1 =	vld [tilespmem:s25+$0xFFFFFD60]  }
0x52a: {  	v35 =	vadd.f32 v9, v2;
	v2 =	vld [tilespmem:$0x1FB60]  }
0x52b: {  	v13 =	vadd.f32 v13, v3;
	v3 =	vld [tilespmem:$0x1FB80]  }
0x52c: {  	v15 =	vld [tilespmem:s25+$0xFFFFFCE0]  }
0x52d: {  	v24 =	vld [tilespmem:s25+$0x30];
	v13 =	vadd.f32 v21, v13  }
0x52e: {  	v19 =	vld [tilespmem:s25+$0x190]  }
0x52f: {  	v0 =	vadd.f32 v12, v0;
	v12 =	vld [tilespmem:s25+$0xFFFFFC70];
	v11 =	vadd.f32 v55, v13  }
0x530: {  	v2 =	vadd.f32 v22, v2;
	v14 =	vadd.f32 v14, v3;
	v3 =	vld [tilespmem:$0x1FB90]  }
0x531: {  	v16 =	vld [tilespmem:s25+$0xFFFFFD70];
	v37 =	vadd.f32 v27, v0;
	v5 =	vadd.f32 v5, v11  }
0x532: {  	v0 =	vld [tilespmem:s25+$0xFFFFFCF0];
	v2 =	vadd.f32 v56, v2;
	v14 =	vadd.f32 v15, v14  }
0x533: {  	v18 =	vld [tilespmem:s25+$0xFFFFFDF0];
	v5 =	vadd.f32 v6, v5  }
0x534: {  	v22 =	vld [tilespmem:s25+$0x10];
	v2 =	vadd.f32 v32, v2;
	v1 =	vadd.f32 v1, v14  }
0x535: {  	v12 =	vadd.f32 v12, v3;
	v5 =	vadd.f32 v29, v5;
	v3 =	vld [tilespmem:$0x1FBD0]  }
0x536: {  	v56 =	vld [tilespmem:s25+$0xE0];
	v2 =	vadd.f32 v53, v2;
	v1 =	vadd.f32 v17, v1  }
0x537: {  	v21 =	vld [tilespmem:s25+$0x110];
	v0 =	vadd.f32 v0, v12;
	v5 =	vadd.f32 v60, v5  }
0x538: {  	v55 =	vld [tilespmem:$0x1FA00];
	v2 =	vadd.f32 v25, v2;
	v1 =	vadd.f32 v63, v1  }
0x539: {  	v53 =	vld [tilespmem:$0x1F9F0];
	v0 =	vadd.f32 v16, v0;
	v41 =	vadd.f32 v48, v5  }
0x53a: {  	v1 =	vadd.f32 v30, v1;
	v48 =	vadd.f32 v22, v3;
	v3 =	vld [tilespmem:$0x1FBF0]  }
0x53b: {  	v25 =	vld [tilespmem:s25+$0xA0];
	v0 =	vadd.f32 v18, v0  }
0x53c: {  	v2 =	vadd.f32 v26, v2;
	v17 =	vld [tilespmem:s25+$0x80];
	v1 =	vadd.f32 v57, v1  }
0x53d: {  	v0 =	vadd.f32 v20, v0;
	v20 =	vld [tilespmem:s25+$0x0]  }
0x53e: {  	v2 =	vadd.f32 v59, v2;
	v13 =	vadd.f32 v44, v1;
	v1 =	vld [tilespmem:$0x1FBB0]  }
0x53f: {  	v39 =	vadd.f32 v10, v42;
	v22 =	vadd.f32 v23, v3;
	v3 =	vld [tilespmem:$0x1FC00]  }
0x540: {  	v42 =	vadd.f32 v47, v2;
	v2 =	vld [tilespmem:s25+$0xB0];
	v0 =	vadd.f32 v31, v0  }
0x541: {  	v16 =	vld [tilespmem:s25+$0x100]  }
0x542: {  	v18 =	vld [tilespmem:s25+$0x90];
	v0 =	vadd.f32 v58, v0  }
0x543: {  	v1 =	vadd.f32 v20, v1;
	v20 =	vld [tilespmem:s25+$0x130]  }
0x544: {  	v14 =	vadd.f32 v45, v0;
	v0 =	vld [tilespmem:s25+$0x120];
	v23 =	vadd.f32 v24, v3  }
0x545: {  	v1 =	vadd.f32 v17, v1;
	v17 =	vld [tilespmem:s25+$0x1B0]  }
0x546: {  	v15 =	vld [tilespmem:s25+$0x180];
	v2 =	vadd.f32 v2, v23  }
0x547: {  	v5 =	vadd.f32 v18, v48;
	v24 =	vld [tilespmem:s25+$0x1A0]  }
0x548: {  	v57 =	vld [tilespmem:$0x1FA10];
	v18 =	vadd.f32 v25, v22;
	v2 =	vadd.f32 v20, v2  }
0x549: {  	v22 =	vld [tilespmem:s25+$0x1C0];
	v1 =	vadd.f32 v16, v1  }
0x54a: {  	v25 =	vld [tilespmem:s25+$0x40];
	v0 =	vadd.f32 v0, v18;
	v2 =	vadd.f32 v17, v2  }
0x54b: {  	v58 =	vld [tilespmem:$0x1FA30];
	v5 =	vadd.f32 v21, v5;
	v1 =	vadd.f32 v15, v1  }
0x54c: {  	v0 =	vadd.f32 v24, v0;
	v2 =	vadd.f32 v50, v2;
	v50 =	vld [tilespmem:$0x1F9D0]  }
0x54d: {  	v21 =	vld [tilespmem:s25+$0x1D0];
	v1 =	vadd.f32 v51, v1  }
0x54e: {  	v5 =	vadd.f32 v19, v5;
	v19 =	vld [tilespmem:s25+$0x150];
	v0 =	vadd.f32 v49, v0  }
0x54f: {  	v3 =	vld [tilespmem:s25+$0x60];
	v1 =	vadd.f32 v38, v1  }
0x550: {  	v23 =	vld [tilespmem:s25+$0xC0];
	v0 =	vadd.f32 v62, v0  }
0x551: {  	v51 =	vld [tilespmem:$0x1F9E0];
	v1 =	vadd.f32 v50, v1  }
0x552: {  	v5 =	vadd.f32 v52, v5;
	v52 =	vld [tilespmem:s25+$0x70];
	v0 =	vadd.f32 v53, v0  }
0x553: {  	v18 =	vadd.f32 v57, v1;
	v1 =	vld [tilespmem:$0x1FA20]  }
0x554: {  	v5 =	vadd.f32 v34, v5;
	v16 =	vadd.f32 v58, v0;
	v0 =	vld [tilespmem:$0x1FA40]  }
0x555: {  	v49 =	vld [tilespmem:s25+$0x50];
	v2 =	vadd.f32 v61, v2  }
0x556: {  	v20 =	vld [tilespmem:s25+$0x140];
	v5 =	vadd.f32 v51, v5  }
0x557: {  	v24 =	vld [tilespmem:s25+$0xD0];
	v2 =	vadd.f32 v55, v2  }
0x558: {  	v17 =	vadd.f32 v1, v5;
	v1 =	vld [tilespmem:s25+$0xF0]  }
0x559: {  	v15 =	vadd.f32 v0, v2;
	v0 =	vld [tilespmem:s25+$0x160]  }
0x55a: {  	v59 =	vadd.f32 v49, v54;
	v2 =	vadd.f32 v25, v43;
	v25 =	vld [tilespmem:s25+$0x170]  }
0x55b: {  	v60 =	vadd.f32 v3, v33;
	v3 =	vadd.f32 v52, v40;
	v61 =	vld [tilespmem:s25+$0x1E0]  }
0x55c: {  	v5 =	vadd.f32 v24, v59;
	v2 =	vadd.f32 v23, v2;
	v23 =	vld [tilespmem:s25+$0x1F0]  }
0x55d: {  	v62 =	vld [tilespmem:s25+$0x260];
	v24 =	vadd.f32 v56, v60;
	v1 =	vadd.f32 v1, v3  }
0x55e: {  	v5 =	vadd.f32 v19, v5;
	v2 =	vadd.f32 v20, v2;
	v3 =	vld [tilespmem:s25+$0x270]  }
0x55f: {  	v20 =	vadd.f32 v0, v24;
	v1 =	vadd.f32 v25, v1  }
0x560: {  	v5 =	vadd.f32 v21, v5;
	v2 =	vadd.f32 v22, v2  }
0x561: {  	v63 =	vld [tilespmem:$0x1FA50];
	v21 =	vadd.f32 v61, v20;
	v22 =	vadd.f32 v23, v1;
	_ =	sdelay $0x1  }
0x562: {  	v25 =	vadd.f32 v62, v21;
	v21 =	vadd.f32 v3, v22;
	v3 =	vld [tilespmem:$0x1FA70];
	_ =	sdelay $0x2  }
0x563: {  	v23 =	vadd.f32 v63, v2;
	v2 =	vld [tilespmem:$0x1FA60]  }
0x564: {  	v19 =	vld [tilespmem:s25+$0x2F0]  }
0x565: {  	v24 =	vadd.f32 v3, v23;
	v3 =	vld [tilespmem:$0x1FA80]  }
0x566: {  	v0 =	vld [tilespmem:s25+$0x2E0]  }
0x567: {  	v20 =	vld [tilespmem:s25+$0x370]  }
0x568: {  	v1 =	vld [tilespmem:s25+$0x360];
	v5 =	vadd.f32 v2, v5  }
0x569: {  	v22 =	vld [tilespmem:s25+$0x3F0]  }
0x56a: {  	s24 =	simm.s32 $0x0;
	v38 =	vmov v46;
	v2 =	vld [tilespmem:s25+$0x3E0];
	s25 =	simm.s32 $0xEC00;
	v23 =	vadd.f32 v3, v5  }
.LBB2_9:
0x56b: {  	v47 =	vld [tilespmem:s25+$0xFFFFFF80]  }
0x56c: {  	v48 =	vld [tilespmem:s25+$0xFFFFFF90]  }
0x56d: {  	v3 =	vld [tilespmem:$0x1F9B0]  }
0x56e: {  	v49 =	vld [tilespmem:s25+$0xFFFFFFA0]  }
0x56f: {  	v54 =	vld [tilespmem:s25+$0xFFFFFFB0]  }
0x570: {  	v59 =	vld [tilespmem:s25+$0xFFFFFF00]  }
0x571: {  	v61 =	vld [tilespmem:s25+$0xFFFFFF10]  }
0x572: {  	v60 =	vld [tilespmem:s25+$0xFFFFFF20]  }
0x573: {  	v62 =	vld [tilespmem:s25+$0xFFFFFF30]  }
0x574: {  	v43 =	vld [tilespmem:s25+$0xFFFFFF40]  }
0x575: {  	v45 =	vld [tilespmem:s25+$0xFFFFFF50]  }
0x576: {  	v44 =	vld [tilespmem:s25+$0xFFFFFF60]  }
0x577: {  	v46 =	vld [tilespmem:s25+$0xFFFFFF70];
	v0 =	vadd.f32 v0, v25  }
0x578: {  	v6 =	vld [tilespmem:s25+$0xFFFFFE90]  }
0x579: {  	v26 =	vld [tilespmem:s25+$0xFFFFFEB0];
	v5 =	vadd.f32 v19, v21;
	v0 =	vadd.f32 v1, v0  }
0x57a: {  	v55 =	vld [tilespmem:s25+$0xFFFFFEC0]  }
0x57b: {  	v57 =	vld [tilespmem:s25+$0xFFFFFED0];
	v1 =	vadd.f32 v20, v5;
	v0 =	vadd.f32 v2, v0  }
0x57c: {  	v56 =	vld [tilespmem:s25+$0xFFFFFEE0]  }
0x57d: {  	v58 =	vld [tilespmem:s25+$0xFFFFFEF0];
	[tilespmem:$0x1F930] =	vst v0;
	v0 =	vadd.f32 v22, v1  }
0x57e: {  	v4 =	vld [tilespmem:s25+$0xFFFFFE20]  }
0x57f: {  	[tilespmem:$0x1F940] =	vst v0;
	v0 =	vld [tilespmem:s25+$0x380]  }
0x580: {  	v27 =	vld [tilespmem:s25+$0xFFFFFE30]  }
0x581: {  	v63 =	vld [tilespmem:s25+$0xFFFFFE60]  }
0x582: {  	v50 =	vld [tilespmem:s25+$0x200]  }
0x583: {  	v52 =	vld [tilespmem:s25+$0x210]  }
0x584: {  	[tilespmem:$0x1F8D0] =	vst v0;
	v0 =	vld [tilespmem:s25+$0x390]  }
0x585: {  	v7 =	vld [tilespmem:s25+$0x240]  }
0x586: {  	v36 =	vld [tilespmem:s25+$0x250]  }
0x587: {  	v28 =	vld [tilespmem:s25+$0xFFFFFD80]  }
0x588: {  	v29 =	vld [tilespmem:s25+$0xFFFFFD90]  }
0x589: {  	[tilespmem:$0x1F8E0] =	vst v0;
	v0 =	vld [tilespmem:s25+$0x3A0]  }
0x58a: {  	v30 =	vld [tilespmem:s25+$0xFFFFFD00]  }
0x58b: {  	v31 =	vld [tilespmem:s25+$0xFFFFFD10]  }
0x58c: {  	v32 =	vld [tilespmem:s25+$0xFFFFFC80]  }
0x58d: {  	v33 =	vld [tilespmem:s25+$0xFFFFFC90]  }
0x58e: {  	[tilespmem:$0x1F8F0] =	vst v0;
	v0 =	vld [tilespmem:s25+$0x3B0]  }
0x58f: {  	v34 =	vld [tilespmem:s25+$0xFFFFFC00]  }
0x590: {  	v9 =	vadd.f32 v3, v24;
	v3 =	vld [tilespmem:$0x1F9C0]  }
0x591: {  	v40 =	vmov v39;
	v39 =	vmov v35;
	v35 =	vld [tilespmem:s25+$0xFFFFFC10]  }
0x592: {  	v8 =	vld [tilespmem:s25+$0xFFFFFC30]  }
0x593: {  	[tilespmem:$0x1F900] =	vst v0;
	v0 =	vld [tilespmem:s25+$0x3C0]  }
0x594: {  	v11 =	vld [tilespmem:s25+$0xFFFFFCA0]  }
0x595: {  	v10 =	vadd.f32 v3, v23;
	v3 =	vld [tilespmem:$0x1F990]  }
0x596: {  	v12 =	vld [tilespmem:s25+$0xFFFFFCB0]  }
0x597: {  	v25 =	vld [tilespmem:s25+$0xFFFFFFE0]  }
0x598: {  	[tilespmem:$0x1F990] =	vst v0;
	v0 =	vld [tilespmem:s25+$0x3D0]  }
0x599: {  	v21 =	vld [tilespmem:s25+$0x280]  }
0x59a: {  	v24 =	vld [tilespmem:s25+$0xFFFFFFF0];
	v3 =	vadd.f32 v3, v9  }
0x59b: {  	[tilespmem:$0x1F950] =	vst v7;
	v7 =	vld [tilespmem:s25+$0xFFFFFC20]  }
0x59c: {  	[tilespmem:$0x1F910] =	vst v3;
	v3 =	vld [tilespmem:$0x1F9A0]  }
0x59d: {  	[tilespmem:$0x1F9A0] =	vst v0;
	v0 =	vld [tilespmem:s25+$0x300]  }
0x59e: {  	[tilespmem:$0x1F960] =	vst v36;
	v36 =	vld [tilespmem:s25+$0xFFFFFD20]  }
0x59f: {  	v34 =	vadd.f32 v34, v37;
	v37 =	vld [tilespmem:s25+$0xFFFFFD30]  }
0x5a0: {  	v35 =	vadd.f32 v35, v38;
	v38 =	vld [tilespmem:s25+$0xFFFFFDA0]  }
0x5a1: {  	v5 =	vld [tilespmem:s25+$0xFFFFFE80]  }
0x5a2: {  	[tilespmem:$0x1F890] =	vst v0;
	v0 =	vld [tilespmem:s25+$0x310]  }
0x5a3: {  	v32 =	vadd.f32 v32, v34;
	v33 =	vadd.f32 v33, v35;
	v34 =	vld [tilespmem:s25+$0xFFFFFDB0]  }
0x5a4: {  	v8 =	vadd.f32 v8, v40;
	v2 =	vld [tilespmem:s25+$0xFFFFFE70]  }
0x5a5: {  	v40 =	vadd.f32 v31, v33;
	v31 =	vld [tilespmem:s25+$0xFFFFFDD0]  }
0x5a6: {  	v8 =	vadd.f32 v12, v8;
	v12 =	vadd.f32 v30, v32;
	v32 =	vld [tilespmem:s25+$0xFFFFFD40]  }
0x5a7: {  	[tilespmem:$0x1F8A0] =	vst v0;
	v0 =	vld [tilespmem:s25+$0x320]  }
0x5a8: {  	v33 =	vld [tilespmem:s25+$0xFFFFFD50]  }
0x5a9: {  	v30 =	vld [tilespmem:s25+$0xFFFFFCD0]  }
0x5aa: {  	v23 =	vld [tilespmem:s25+$0xFFFFFFD0]  }
0x5ab: {  	v1 =	vld [tilespmem:s25+$0xFFFFFE50]  }
0x5ac: {  	v8 =	vadd.f32 v37, v8;
	v3 =	vadd.f32 v3, v10;
	[tilespmem:$0x1F8B0] =	vst v0;
	v0 =	vld [tilespmem:s25+$0x330]  }
0x5ad: {  	v9 =	vld [tilespmem:s25+$0xFFFFFE00]  }
0x5ae: {  	v7 =	vadd.f32 v7, v39;
	v8 =	vadd.f32 v34, v8;
	[tilespmem:$0x1F920] =	vst v3;
	v3 =	vld [tilespmem:s25+$0xFFFFFFC0]  }
0x5af: {  	v12 =	vadd.f32 v28, v12;
	v39 =	vadd.f32 v29, v40;
	v29 =	vld [tilespmem:s25+$0xFFFFFCC0]  }
0x5b0: {  	v7 =	vadd.f32 v11, v7;
	v40 =	vadd.f32 v27, v8;
	v8 =	vld [tilespmem:s25+$0xFFFFFC50]  }
0x5b1: {  	[tilespmem:$0x1F8C0] =	vst v0;
	v0 =	vld [tilespmem:s25+$0x340]  }
0x5b2: {  	v7 =	vadd.f32 v36, v7;
	v9 =	vadd.f32 v9, v12;
	v12 =	vld [tilespmem:s25+$0xFFFFFC40]  }
0x5b3: {  	[tilespmem:$0x1F880] =	vst v3;
	v3 =	vld [tilespmem:s25+$0xFFFFFE10]  }
0x5b4: {  	v7 =	vadd.f32 v38, v7;
	v10 =	vld [tilespmem:s25+$0xFFFFFEA0]  }
0x5b5: {  	v5 =	vadd.f32 v5, v9;
	v9 =	vld [tilespmem:s25+$0xFFFFFC70]  }
0x5b6: {  	v4 =	vadd.f32 v4, v7;
	v7 =	vadd.f32 v26, v40;
	[tilespmem:$0x1F9B0] =	vst v0;
	v0 =	vld [tilespmem:s25+$0x350]  }
0x5b7: {  	v28 =	vld [tilespmem:s25+$0xFFFFFCE0];
	v40 =	vadd.f32 v8, v41;
	v5 =	vadd.f32 v59, v5  }
0x5b8: {  	v26 =	vld [tilespmem:s25+$0xFFFFFCF0];
	v7 =	vadd.f32 v62, v7;
	v3 =	vadd.f32 v3, v39  }
0x5b9: {  	v11 =	vld [tilespmem:s25+$0xFFFFFDC0];
	v36 =	vadd.f32 v12, v42;
	v37 =	vadd.f32 v47, v5  }
0x5ba: {  	v5 =	vadd.f32 v30, v40;
	v3 =	vadd.f32 v6, v3;
	v6 =	vld [tilespmem:s25+$0xFFFFFC60]  }
0x5bb: {  	v4 =	vadd.f32 v10, v4;
	v42 =	vadd.f32 v9, v14;
	[tilespmem:$0x1F9C0] =	vst v0;
	v0 =	vld [tilespmem:s25+$0x2C0]  }
0x5bc: {  	v41 =	vld [tilespmem:s25+$0xFFFFFD70];
	v5 =	vadd.f32 v33, v5;
	v3 =	vadd.f32 v61, v3  }
0x5bd: {  	v12 =	vld [tilespmem:s25+$0xFFFFFDF0];
	v4 =	vadd.f32 v60, v4;
	v8 =	vadd.f32 v26, v42  }
0x5be: {  	v5 =	vadd.f32 v31, v5;
	v38 =	vadd.f32 v48, v3;
	v3 =	vld [tilespmem:s25+$0xFFFFFD60]  }
0x5bf: {  	v47 =	vld [tilespmem:s25+$0xFFFFFDE0];
	v35 =	vadd.f32 v49, v4;
	v6 =	vadd.f32 v6, v13  }
0x5c0: {  	v4 =	vadd.f32 v29, v36;
	v1 =	vadd.f32 v1, v5;
	[tilespmem:$0x1F970] =	vst v0;
	v0 =	vld [tilespmem:s25+$0x2D0]  }
0x5c1: {  	v62 =	vld [tilespmem:s25+$0x0];
	v49 =	vadd.f32 v41, v8;
	v6 =	vadd.f32 v28, v6  }
0x5c2: {  	v27 =	vld [tilespmem:s25+$0xA0];
	v4 =	vadd.f32 v32, v4;
	v1 =	vadd.f32 v57, v1  }
0x5c3: {  	v60 =	vld [tilespmem:s25+$0x80];
	v3 =	vadd.f32 v3, v6;
	v6 =	vadd.f32 v12, v49  }
0x5c4: {  	v39 =	vadd.f32 v54, v7;
	v54 =	vld [tilespmem:s25+$0x100];
	v1 =	vadd.f32 v45, v1  }
0x5c5: {  	v3 =	vadd.f32 v47, v3;
	v2 =	vadd.f32 v2, v6;
	[tilespmem:$0x1F980] =	vst v0;
	v0 =	vld [tilespmem:s25+$0xFFFFFE40]  }
0x5c6: {  	v41 =	vadd.f32 v23, v1;
	v1 =	vadd.f32 v62, v18;
	v48 =	vld [tilespmem:s25+$0x180]  }
0x5c7: {  	v3 =	vadd.f32 v63, v3;
	v63 =	vld [tilespmem:s25+$0x10];
	v2 =	vadd.f32 v58, v2  }
0x5c8: {  	v4 =	vadd.f32 v11, v4;
	v12 =	vld [tilespmem:s25+$0x30]  }
0x5c9: {  	v61 =	vld [tilespmem:s25+$0x90];
	v1 =	vadd.f32 v60, v1;
	v2 =	vadd.f32 v46, v2  }
0x5ca: {  	v59 =	vld [tilespmem:s25+$0x110];
	v0 =	vadd.f32 v0, v4  }
0x5cb: {  	v13 =	vld [tilespmem:$0x1F880];
	v1 =	vadd.f32 v54, v1;
	v14 =	vadd.f32 v24, v2  }
0x5cc: {  	v32 =	vld [tilespmem:s25+$0x20];
	v2 =	vadd.f32 v63, v17;
	v0 =	vadd.f32 v55, v0  }
0x5cd: {  	v26 =	vld [tilespmem:s25+$0x190];
	v1 =	vadd.f32 v48, v1;
	v36 =	vadd.f32 v12, v15  }
0x5ce: {  	v15 =	vld [tilespmem:$0x1F890];
	v2 =	vadd.f32 v61, v2;
	v0 =	vadd.f32 v43, v0  }
0x5cf: {  	v19 =	vld [tilespmem:s25+$0x290];
	v1 =	vadd.f32 v50, v1;
	v3 =	vadd.f32 v56, v3  }
0x5d0: {  	v2 =	vadd.f32 v59, v2;
	v42 =	vadd.f32 v13, v0;
	v0 =	vld [tilespmem:s25+$0x120]  }
0x5d1: {  	v40 =	vld [tilespmem:s25+$0x1A0];
	v34 =	vadd.f32 v32, v16;
	v1 =	vadd.f32 v21, v1  }
0x5d2: {  	v33 =	vld [tilespmem:s25+$0xB0];
	v3 =	vadd.f32 v44, v3;
	v2 =	vadd.f32 v26, v2  }
0x5d3: {  	v1 =	vadd.f32 v15, v1;
	v15 =	vld [tilespmem:$0x1F8A0];
	v4 =	vadd.f32 v27, v34  }
0x5d4: {  	v51 =	vld [tilespmem:s25+$0x220];
	v2 =	vadd.f32 v52, v2  }
0x5d5: {  	v13 =	vadd.f32 v25, v3;
	v3 =	vld [tilespmem:s25+$0x130];
	v0 =	vadd.f32 v0, v4  }
0x5d6: {  	v22 =	vld [tilespmem:s25+$0x2A0];
	v2 =	vadd.f32 v19, v2  }
0x5d7: {  	v43 =	vld [tilespmem:s25+$0x1B0];
	v0 =	vadd.f32 v40, v0  }
0x5d8: {  	v5 =	vadd.f32 v33, v36;
	v2 =	vadd.f32 v15, v2;
	v15 =	vld [tilespmem:$0x1F8B0]  }
0x5d9: {  	v53 =	vld [tilespmem:s25+$0x230];
	v0 =	vadd.f32 v51, v0  }
0x5da: {  	v3 =	vadd.f32 v3, v5  }
0x5db: {  	v20 =	vld [tilespmem:s25+$0x2B0];
	v0 =	vadd.f32 v22, v0  }
0x5dc: {  	v3 =	vadd.f32 v43, v3  }
0x5dd: {  	v0 =	vadd.f32 v15, v0;
	v15 =	vld [tilespmem:$0x1F8C0]  }
0x5de: {  	v3 =	vadd.f32 v53, v3;
	_ =	sdelay $0x1  }
0x5df: {  	v3 =	vadd.f32 v20, v3;
	_ =	sdelay $0x1  }
0x5e0: {  	v3 =	vadd.f32 v15, v3;
	v15 =	vld [tilespmem:$0x1F8D0];
	_ =	sdelay $0x4  }
0x5e1: {  	v18 =	vadd.f32 v15, v1;
	v1 =	vld [tilespmem:$0x1F8E0];
	_ =	sdelay $0x1  }
0x5e2: {  	v45 =	vld [tilespmem:s25+$0x1D0]  }
0x5e3: {  	v62 =	vld [tilespmem:$0x1F950]  }
0x5e4: {  	v60 =	vld [tilespmem:s25+$0x270]  }
0x5e5: {  	v17 =	vadd.f32 v1, v2;
	v2 =	vld [tilespmem:$0x1F8F0]  }
0x5e6: {  	v54 =	vld [tilespmem:$0x1F930]  }
0x5e7: {  	v48 =	vld [tilespmem:s25+$0xC0]  }
0x5e8: {  	v49 =	vld [tilespmem:s25+$0xD0]  }
0x5e9: {  	v47 =	vld [tilespmem:s25+$0x150]  }
0x5ea: {  	v16 =	vadd.f32 v2, v0;
	v0 =	vld [tilespmem:$0x1F900]  }
0x5eb: {  	v19 =	vld [tilespmem:s25+$0x70]  }
0x5ec: {  	v55 =	vld [tilespmem:$0x1F940]  }
0x5ed: {  	v21 =	vld [tilespmem:s25+$0xF0]  }
0x5ee: {  	v52 =	vld [tilespmem:s25+$0x40]  }
0x5ef: {  	v15 =	vadd.f32 v0, v3;
	v0 =	vld [tilespmem:$0x1F910]  }
0x5f0: {  	v3 =	vld [tilespmem:s25+$0x170]  }
0x5f1: {  	v46 =	vld [tilespmem:s25+$0x140];
	v10 =	vadd.f32 v19, v55  }
0x5f2: {  	v56 =	vld [tilespmem:s25+$0x1F0]  }
0x5f3: {  	v58 =	vadd.f32 v21, v10;
	v53 =	vld [tilespmem:s25+$0x50]  }
0x5f4: {  	v2 =	vld [tilespmem:$0x1F920];
	v0 =	vadd.f32 v52, v0  }
0x5f5: {  	v44 =	vld [tilespmem:s25+$0x1C0];
	v3 =	vadd.f32 v3, v58  }
0x5f6: {  	v12 =	vld [tilespmem:s25+$0x60];
	v0 =	vadd.f32 v48, v0  }
0x5f7: {  	v63 =	vld [tilespmem:$0x1F960];
	v3 =	vadd.f32 v56, v3  }
0x5f8: {  	v20 =	vld [tilespmem:s25+$0xE0];
	v4 =	vadd.f32 v46, v0  }
0x5f9: {  	v2 =	vadd.f32 v53, v2;
	v21 =	vadd.f32 v60, v3;
	v3 =	vld [tilespmem:$0x1F970]  }
0x5fa: {  	v1 =	vld [tilespmem:s25+$0x160];
	v4 =	vadd.f32 v44, v4  }
0x5fb: {  	v9 =	vadd.f32 v12, v54;
	v12 =	vld [tilespmem:s25+$0x1E0];
	v2 =	vadd.f32 v49, v2  }
0x5fc: {  	v59 =	vld [tilespmem:s25+$0x260];
	v4 =	vadd.f32 v62, v4  }
0x5fd: {  	s24 =	sadd.s32 $0x8, s24;
	v19 =	vld [tilespmem:s25+$0x2F0];
	v57 =	vadd.f32 v20, v9;
	v2 =	vadd.f32 v47, v2  }
0x5fe: {  	p1 =	slt.u32 s24, $0x38;
	v24 =	vadd.f32 v3, v4;
	v3 =	vld [tilespmem:$0x1F980]  }
.Ltmp3:
0x5ff: {  	v22 =	vld [tilespmem:s25+$0x3F0];
	v1 =	vadd.f32 v1, v57;
	v2 =	vadd.f32 v45, v2;
	(pc) =	sbr.rel @p1 .LBB2_9-.Ltmp3, $4  }
0x600: {  	v20 =	vld [tilespmem:s25+$0x370]  }
0x601: {  	v61 =	vadd.f32 v12, v1;
	v1 =	vld [tilespmem:s25+$0x360];
	v6 =	vadd.f32 v63, v2  }
0x602: {  	v2 =	vld [tilespmem:s25+$0x3E0]  }
0x603: {  	v25 =	vadd.f32 v59, v61;
	v0 =	vld [tilespmem:s25+$0x2E0];
	s25 =	sadd.s32 $0x800, s25;
	v23 =	vadd.f32 v3, v6  }
0x604: {  	v3 =	vld @!p0 [tilespmem:s22+$0x380];
	_ =	sdelay $0x4  }
0x605: {  	v4 =	vshll.u32 @!p0 v3, $0x1  }
0x606: {  	v5 =	vlaneseq.u32 @!p0;
	v3 =	vand.u32 @!p0 $0x7, v3;
	v4 =	vand.u32 @!p0 $0xFFFFFFF0, v4  }
0x607: {  	v6 =	vshrl.u32 @!p0 v5, $0x3;
	v3 =	vor.u32 @!p0 v3, v4;
	v4 =	vand.u32 @!p0 $0x7, v5  }
0x608: {  	v6 =	vmul.u32 @!p0 $0x8, v6;
	v7 =	vperm.xlane @!p0 v3, v4  }
0x609: {  	v5 =	vor.u32 @!p0 $0x8, v5  }
0x60a: {  	v3 =	vperm.xlane @!p0 v3, v5;
	v7 =	vadd.s32 @!p0 v6, v7;
	_ =	sdelay $0x1  }
0x60b: {  	v3 =	vadd.s32 @!p0 v6, v3;
	_ =	sdelay $0x1  }
0x60c: {  	s24 =	simm.s32 @!p0 $0x0;
	s25 =	simm.s32 @!p0 $0xE000  }
0x60d: {  	[tilespmem:s25], [sflag:$0x4] =	stream.indirect_vreg.gather @!p0 [hbm4b:s1+s24], $0x80, v7, vm1, $0xb8;
	[tilespmem:$0x14000] =	vst v63  }
0x60e: {  	s25 =	simm.s32 @!p0 $0xE800  }
0x60f: {  	[tilespmem:s25], [sflag:$0x4] =	stream.indirect_vreg.gather @!p0 [hbm4b:s1+s24], $0x80, v3, vm1, $0xb8;
	[tilespmem:$0x14000] =	vst v63  }
0x610: {  	v3 =	vld @!p0 [tilespmem:s22+$0x390];
	_ =	sdelay $0x4  }
0x611: {  	v7 =	vshll.u32 @!p0 v3, $0x1  }
0x612: {  	v3 =	vand.u32 @!p0 $0x7, v3;
	v7 =	vand.u32 @!p0 $0xFFFFFFF0, v7  }
0x613: {  	v3 =	vor.u32 @!p0 v3, v7  }
0x614: {  	v7 =	vperm.xlane @!p0 v3, v4;
	_ =	sdelay $0x1  }
0x615: {  	v3 =	vperm.xlane @!p0 v3, v5;
	v7 =	vadd.s32 @!p0 v6, v7;
	_ =	sdelay $0x1  }
0x616: {  	v3 =	vadd.s32 @!p0 v6, v3;
	_ =	sdelay $0x1  }
0x617: {  	s25 =	simm.s32 @!p0 $0xF000  }
0x618: {  	[tilespmem:s25], [sflag:$0x4] =	stream.indirect_vreg.gather @!p0 [hbm4b:s1+s24], $0x80, v7, vm1, $0xb8;
	[tilespmem:$0x14000] =	vst v63  }
0x619: {  	s25 =	simm.s32 @!p0 $0xF800  }
0x61a: {  	[tilespmem:s25], [sflag:$0x4] =	stream.indirect_vreg.gather @!p0 [hbm4b:s1+s24], $0x80, v3, vm1, $0xb8;
	[tilespmem:$0x14000] =	vst v63  }
0x61b: {  	v3 =	vld @!p0 [tilespmem:s22+$0x3A0];
	_ =	sdelay $0x4  }
0x61c: {  	v7 =	vshll.u32 @!p0 v3, $0x1  }
0x61d: {  	v3 =	vand.u32 @!p0 $0x7, v3;
	v7 =	vand.u32 @!p0 $0xFFFFFFF0, v7  }
0x61e: {  	v3 =	vor.u32 @!p0 v3, v7  }
0x61f: {  	v7 =	vperm.xlane @!p0 v3, v4;
	_ =	sdelay $0x1  }
0x620: {  	v3 =	vperm.xlane @!p0 v3, v5;
	v7 =	vadd.s32 @!p0 v6, v7;
	_ =	sdelay $0x1  }
0x621: {  	v3 =	vadd.s32 @!p0 v6, v3;
	_ =	sdelay $0x1  }
0x622: {  	s25 =	simm.s32 @!p0 $0x10000  }
0x623: {  	[tilespmem:s25], [sflag:$0x4] =	stream.indirect_vreg.gather @!p0 [hbm4b:s1+s24], $0x80, v7, vm1, $0xb8;
	[tilespmem:$0x14000] =	vst v63  }
0x624: {  	s25 =	simm.s32 @!p0 $0x10800  }
0x625: {  	[tilespmem:s25], [sflag:$0x4] =	stream.indirect_vreg.gather @!p0 [hbm4b:s1+s24], $0x80, v3, vm1, $0xb8;
	[tilespmem:$0x14000] =	vst v63  }
0x626: {  	v3 =	vld @!p0 [tilespmem:s22+$0x3B0];
	_ =	sdelay $0x4  }
0x627: {  	v7 =	vshll.u32 @!p0 v3, $0x1  }
0x628: {  	v3 =	vand.u32 @!p0 $0x7, v3;
	v7 =	vand.u32 @!p0 $0xFFFFFFF0, v7  }
0x629: {  	v3 =	vor.u32 @!p0 v3, v7  }
0x62a: {  	v4 =	vperm.xlane @!p0 v3, v4;
	_ =	sdelay $0x1  }
0x62b: {  	v3 =	vperm.xlane @!p0 v3, v5;
	v4 =	vadd.s32 @!p0 v6, v4;
	_ =	sdelay $0x1  }
0x62c: {  	v3 =	vadd.s32 @!p0 v6, v3;
	_ =	sdelay $0x1  }
0x62d: {  	s22 =	simm.s32 @!p0 $0x11000  }
0x62e: {  	[tilespmem:s22], [sflag:$0x4] =	stream.indirect_vreg.gather @!p0 [hbm4b:s1+s24], $0x80, v4, vm1, $0xb8;
	[tilespmem:$0x14000] =	vst v63  }
0x62f: {  	s22 =	simm.s32 @!p0 $0x11800  }
0x630: {  	[tilespmem:s22], [sflag:$0x4] =	stream.indirect_vreg.gather @!p0 [hbm4b:s1+s24], $0x80, v3, vm1, $0xb8;
	[tilespmem:$0x14000] =	vst v63  }
0x631: {  	[tilespmem:s23+$0x80] =	vst v37  }
0x632: {  	[tilespmem:s23+$0x90] =	vst v38  }
0x633: {  	[tilespmem:s23+$0xA0] =	vst v35  }
0x634: {  	v59 =	vld [tilespmem:$0x1F9C0];
	[tilespmem:s23+$0xB0] =	vst v39  }
0x635: {  	[tilespmem:s23+$0xC0] =	vst v42  }
0x636: {  	v62 =	vld [tilespmem:$0x1F9A0];
	[tilespmem:s23+$0xD0] =	vst v41  }
0x637: {  	v57 =	vld [tilespmem:$0x1F9B0];
	[tilespmem:s23+$0xE0] =	vst v13  }
0x638: {  	v0 =	vadd.f32 v0, v25;
	[tilespmem:s23+$0xF0] =	vst v14  }
0x639: {  	v58 =	vadd.f32 v19, v21;
	v60 =	vld [tilespmem:$0x1F990];
	v5 =	vadd.f32 v59, v23;
	[tilespmem:s23+$0x480] =	vst v18  }
0x63a: {  	s21 =	sadd.s32 $0x1, s21;
	v0 =	vadd.f32 v1, v0;
	[tilespmem:s23+$0x490] =	vst v17  }
0x63b: {  	v61 =	vadd.f32 v20, v58;
	v4 =	vadd.f32 v62, v5;
	p0 =	sne.s32 s21, $0x10;
	[tilespmem:s23+$0x4A0] =	vst v16  }
.Ltmp4:
0x63c: {  	v0 =	vadd.f32 v2, v0;
	v3 =	vadd.f32 v57, v24;
	[tilespmem:s23+$0x4B0] =	vst v15;
	(pc) =	sbr.rel @p0 .LBB2_2-.Ltmp4, $4  }
0x63d: {  	v63 =	vadd.f32 v22, v61;
	[tilespmem:s23+$0x4D0] =	vst v4  }
0x63e: {  	[tilespmem:s23+$0x4E0] =	vst v0;
	v1 =	vadd.f32 v60, v3  }
0x63f: {  	[tilespmem:s23+$0x4F0] =	vst v63  }
0x640: {  	[tilespmem:s23+$0x4C0] =	vst v1  }
0x641: {  	s20 =	sadd.s32 $0x1, s20  }
0x642: {  	p0 =	sne.s32 s20, s6  }
.Ltmp5:
0x643: {  	_ = 	snop;
	(pc) =	sbr.rel @p0 .LBB2_1-.Ltmp5, $4  }
0x644: {  	[hbm4b:s5+s3] =	stream.linear.scatter [tilespmem:s19], [sflag:$0x5], $0x2000, $0x38;
	[tilespmem:$0x14000] =	vst v63  }
0x645: {  	_ =	swait.ge [sflag:s7], $0x2000  }
0x646: {  	[sflag:s7] =	ssyncset.done $0x0  }
0x647: {  	[sflag:s7] =	ssyncadd.s32 $0xFFFFE000  }
0x648: {  	_ =	sfence.sel $0x180000  }
0x649: {  	[bflag:$0x0] =	sbarrier.arrive $0xFFFF  }
0x64a: {  	_ =	strace $0x90000047  }
0x64b: {  	s0 =	stileid.u32;
	[bflag:$0x2] =	sbarrier.arrive $0xFFFF  }
0x64c: {  	p0 =	sne.s32 s0, $0x0;
	s0 =	rddreg [dreg:$0x3]  }
0x64d: {  	s0 =	sadd.s32 @!p0 $0x100000, s0  }
0x64e: {  	[sflag:s0] =	ssyncadd.tile.s32 @!p0 $0x1;
	_ =	shalt  }
.Lfunc_end2:
_tile_overlayer_lowered:
.L_overlay_start_2:
0x64f: {  	(tag) =	ssettag $0x2  }
0x650: {  	s0 =	rddreg [dreg:$0x0];
	s2 =	stileid.u32  }
0x651: {  	s1 =	rddreg [dreg:$0x1];
	p0 =	sne.s32 s2, $0x0  }
0x652: {  	s3 =	rddreg [dreg:$0x2];
	[bflag:$0x3] =	sbarrier.arrive $0xFFFF;
	s2 =	simm.s32 @!p0 $0x1C05  }
0x653: {  	[timem:s3], [sflag:s2] =	dma.local @!p0 [hbm:s0], s1  }
0x654: {  	s0 =	simm.s32 @!p0 $0x5  }
0x655: {  	_ =	swait.ge @!p0 [sflag:s0], s1  }
0x656: {  	s1 =	ssub.s32 @!p0 $0x0, s1;
	[sflag:s0] =	ssyncset.done @!p0 $0x0  }
0x657: {  	[sflag:s0] =	ssyncadd.s32 @!p0 s1  }
0x658: {  	[bflag:$0x3] =	sbarrier.arrive $0xFFFF  }
0x659: {  	_ =	shalt  }

</sc_bundles>
